<compile_context>
chip_gen: v7x
topology: tpu7x:2x2x1
jax: 0.10.2.dev20260603
libtpu: 0.0.44.dev20260713+nightly
codegen_flags: <defaults>
</compile_context>

<pallas_src>
import jax
import jax.numpy as jnp
from jax import lax
from jax.experimental import pallas as pl
from jax.experimental.pallas import tpu as pltpu
from jax.experimental.pallas import tpu_sc as plsc

N = 10000
D = 128
E = 320000
NC = 2
NS = 16
CHUNK = 80
EDGES_PER_W = E // (NC * NS)
STEPS = EDGES_PER_W // CHUNK
ROWS_PER_S = 624
ROWS_LAST = N - (NS - 1) * ROWS_PER_S
NBUF = 4
SEGS = 5
SEG_STEPS = STEPS // SEGS

ROWS_TC = 5000
GRID_TC = N // ROWS_TC

_MESH = plsc.VectorSubcoreMesh(core_axis_name="c", subcore_axis_name="s")



def _deg_body(dst3_hbm, ones_hbm, zeros_hbm, out_hbm, didx_v, ones_v, acc_sh,
              ssem):
    c = lax.axis_index("c")
    s = lax.axis_index("s")

    @pl.when(s == 0)
    def _():
        pltpu.sync_copy(zeros_hbm, acc_sh)
    pltpu.sync_copy(dst3_hbm.at[c * NS + s], didx_v)
    pltpu.sync_copy(ones_hbm, ones_v)
    plsc.subcore_barrier()

    @pl.loop(0, STEPS // NBUF)
    def _(j):
        i0 = j * NBUF
        adds = []
        for b in range(NBUF):
            adds.append(pltpu.async_copy(
                ones_v, acc_sh.at[didx_v.at[i0 + b]], ssem.at[b], add=True))
        for b in range(NBUF):
            adds[b].wait()

    for i in range((STEPS // NBUF) * NBUF, STEPS):
        pltpu.sync_copy(ones_v, acc_sh.at[didx_v.at[i]], add=True)

    plsc.subcore_barrier()

    @pl.when(s == 0)
    def _():
        pltpu.sync_copy(acc_sh, out_hbm.at[c])


def _deg_call(dst3, ones_c, zeros_n):
    f = pl.kernel(
        _deg_body,
        out_type=jax.ShapeDtypeStruct((NC, N), jnp.float32),
        mesh=_MESH,
        scratch_types=[
            pltpu.VMEM((STEPS, CHUNK), jnp.int32),
            pltpu.VMEM((CHUNK,), jnp.float32),
            pltpu.VMEM_SHARED((N,), jnp.float32),
            pltpu.SemaphoreType.DMA((NBUF,)),
        ],
    )
    return f(dst3, ones_c, zeros_n)


def _conv_body(y_hbm, src_hbm, dst_hbm, zrows_hbm, out_hbm,
               sidx_v, didx_v, rows_v, acc_sh, gsem, ssem, zsem):
    c = lax.axis_index("c")
    s = lax.axis_index("s")

    @pl.when(s < NS - 1)
    def _():
        pltpu.async_copy(zrows_hbm.at[pl.ds(0, ROWS_PER_S)],
                         acc_sh.at[pl.ds(s * ROWS_PER_S, ROWS_PER_S)], zsem)

    @pl.when(s == NS - 1)
    def _():
        pltpu.async_copy(zrows_hbm,
                         acc_sh.at[pl.ds((NS - 1) * ROWS_PER_S, ROWS_LAST)],
                         zsem)

    w = c * NS + s

    @pl.loop(0, SEGS)
    def _(g):
        pltpu.sync_copy(src_hbm.at[w, g], sidx_v)
        pltpu.sync_copy(dst_hbm.at[w, g], didx_v)

        @pl.when(g == 0)
        def _():
            @pl.when(s < NS - 1)
            def _():
                pltpu.make_async_copy(
                    zrows_hbm.at[pl.ds(0, ROWS_PER_S)],
                    acc_sh.at[pl.ds(s * ROWS_PER_S, ROWS_PER_S)], zsem).wait()

            @pl.when(s == NS - 1)
            def _():
                pltpu.make_async_copy(
                    zrows_hbm,
                    acc_sh.at[pl.ds((NS - 1) * ROWS_PER_S, ROWS_LAST)],
                    zsem).wait()
            plsc.subcore_barrier()

        @pl.loop(0, SEG_STEPS // NBUF)
        def _(j):
            i0 = j * NBUF
            gathers = []
            for b in range(NBUF):
                @pl.when(j > 0)
                def _(b=b):
                    pltpu.make_async_copy(
                        rows_v.at[b], acc_sh.at[didx_v.at[0]],
                        ssem.at[b]).wait()
                gathers.append(pltpu.async_copy(
                    y_hbm.at[sidx_v.at[i0 + b]], rows_v.at[b], gsem.at[b]))
            for b in range(NBUF):
                gathers[b].wait()
                pltpu.async_copy(
                    rows_v.at[b], acc_sh.at[didx_v.at[i0 + b]], ssem.at[b],
                    add=True)

        ti = (SEG_STEPS // NBUF) * NBUF
        pltpu.make_async_copy(
            rows_v.at[0], acc_sh.at[didx_v.at[0]], ssem.at[0]).wait()
        tg = pltpu.async_copy(y_hbm.at[sidx_v.at[ti]], rows_v.at[0], gsem.at[0])
        for b in range(1, NBUF):
            pltpu.make_async_copy(
                rows_v.at[b], acc_sh.at[didx_v.at[0]], ssem.at[b]).wait()
        tg.wait()
        pltpu.sync_copy(rows_v.at[0], acc_sh.at[didx_v.at[ti]], add=True)

    plsc.subcore_barrier()

    @pl.when(s < NS - 1)
    def _():
        pltpu.sync_copy(acc_sh.at[pl.ds(s * ROWS_PER_S, ROWS_PER_S)],
                        out_hbm.at[c, pl.ds(s * ROWS_PER_S, ROWS_PER_S)])

    @pl.when(s == NS - 1)
    def _():
        pltpu.sync_copy(acc_sh.at[pl.ds((NS - 1) * ROWS_PER_S, ROWS_LAST)],
                        out_hbm.at[c, pl.ds((NS - 1) * ROWS_PER_S, ROWS_LAST)])


def _conv_call(y, src3, dst3, zrows):
    f = pl.kernel(
        _conv_body,
        out_type=jax.ShapeDtypeStruct((NC, N, D), jnp.float32),
        mesh=_MESH,
        scratch_types=[
            pltpu.VMEM((SEG_STEPS, CHUNK), jnp.int32),
            pltpu.VMEM((SEG_STEPS, CHUNK), jnp.int32),
            pltpu.VMEM((NBUF, CHUNK, D), jnp.float32),
            pltpu.VMEM_SHARED((N, D), jnp.float32),
            pltpu.SemaphoreType.DMA((NBUF,)),
            pltpu.SemaphoreType.DMA((NBUF,)),
            pltpu.SemaphoreType.DMA,
        ],
    )
    return f(y, src3, dst3, zrows)



def _scale_body(x_ref, w_ref, d0_ref, d1_ref, y_ref, dinv_ref):
    dinv = lax.rsqrt(d0_ref[0] + d1_ref[0] + 1.0)
    xw = jnp.dot(x_ref[...], w_ref[...],
                 preferred_element_type=jnp.float32)
    y_ref[...] = xw * dinv
    dinv_ref[...] = dinv


def _scale_call(x, w1, deg3):
    return pl.pallas_call(
        _scale_body,
        grid=(GRID_TC,),
        in_specs=[
            pl.BlockSpec((ROWS_TC, D), lambda i: (i, 0)),
            pl.BlockSpec((D, D), lambda i: (0, 0)),
            pl.BlockSpec((1, ROWS_TC, 1), lambda i: (0, i, 0)),
            pl.BlockSpec((1, ROWS_TC, 1), lambda i: (1, i, 0)),
        ],
        out_specs=[
            pl.BlockSpec((ROWS_TC, D), lambda i: (i, 0)),
            pl.BlockSpec((ROWS_TC, 1), lambda i: (i, 0)),
        ],
        out_shape=[
            jax.ShapeDtypeStruct((N, D), jnp.float32),
            jax.ShapeDtypeStruct((N, 1), jnp.float32),
        ],
    )(x, w1, deg3, deg3)


def _mid_body(p0_ref, p1_ref, y1_ref, dinv_ref, b1_ref, mask_ref,
              wd1_ref, bd1_ref, w2_ref, y2_ref):
    dinv = dinv_ref[...]
    h = jnp.maximum((p0_ref[0] + p1_ref[0] + y1_ref[...]) * dinv
                    + b1_ref[...], 0.0)
    hw = lax.dot_general(h, wd1_ref[...], (((1,), (1,)), ((), ())),
                         preferred_element_type=jnp.float32)
    hd = jnp.where(mask_ref[...] > 0, hw + bd1_ref[...], h)
    y2_ref[...] = jnp.dot(hd, w2_ref[...],
                          preferred_element_type=jnp.float32) * dinv


def _mid_call(p, y1, dinv, b1, maskf, wd1, bd1, w2):
    return pl.pallas_call(
        _mid_body,
        grid=(GRID_TC,),
        in_specs=[
            pl.BlockSpec((1, ROWS_TC, D), lambda i: (0, i, 0)),
            pl.BlockSpec((1, ROWS_TC, D), lambda i: (1, i, 0)),
            pl.BlockSpec((ROWS_TC, D), lambda i: (i, 0)),
            pl.BlockSpec((ROWS_TC, 1), lambda i: (i, 0)),
            pl.BlockSpec((1, D), lambda i: (0, 0)),
            pl.BlockSpec((ROWS_TC, 1), lambda i: (i, 0)),
            pl.BlockSpec((D, D), lambda i: (0, 0)),
            pl.BlockSpec((1, D), lambda i: (0, 0)),
            pl.BlockSpec((D, D), lambda i: (0, 0)),
        ],
        out_specs=pl.BlockSpec((ROWS_TC, D), lambda i: (i, 0)),
        out_shape=jax.ShapeDtypeStruct((N, D), jnp.float32),
    )(p, p, y1, dinv, b1, maskf, wd1, bd1, w2)


def _final_body(q0_ref, q1_ref, y2_ref, dinv_ref, b2_ref, mask_ref,
                wd2_ref, bd2_ref, out_ref):
    o = (q0_ref[0] + q1_ref[0] + y2_ref[...]) * dinv_ref[...] + b2_ref[...]
    ow = lax.dot_general(o, wd2_ref[...], (((1,), (1,)), ((), ())),
                         preferred_element_type=jnp.float32)
    out_ref[...] = jnp.where(mask_ref[...] > 0, ow + bd2_ref[...], o)


def _final_call(q, y2, dinv, b2, maskf, wd2, bd2):
    return pl.pallas_call(
        _final_body,
        grid=(GRID_TC,),
        in_specs=[
            pl.BlockSpec((1, ROWS_TC, D), lambda i: (0, i, 0)),
            pl.BlockSpec((1, ROWS_TC, D), lambda i: (1, i, 0)),
            pl.BlockSpec((ROWS_TC, D), lambda i: (i, 0)),
            pl.BlockSpec((ROWS_TC, 1), lambda i: (i, 0)),
            pl.BlockSpec((1, D), lambda i: (0, 0)),
            pl.BlockSpec((ROWS_TC, 1), lambda i: (i, 0)),
            pl.BlockSpec((D, D), lambda i: (0, 0)),
            pl.BlockSpec((1, D), lambda i: (0, 0)),
        ],
        out_specs=pl.BlockSpec((ROWS_TC, D), lambda i: (i, 0)),
        out_shape=jax.ShapeDtypeStruct((N, D), jnp.float32),
    )(q, q, y2, dinv, b2, maskf, wd2, bd2)



def kernel(x, edge_index, affected_mask, W1, b1, W2, b2, Wd1, bd1, Wd2, bd2):
    src = edge_index[0]
    dst = edge_index[1]
    src4 = src.reshape(NC * NS, SEGS, SEG_STEPS, CHUNK)
    dst4 = dst.reshape(NC * NS, SEGS, SEG_STEPS, CHUNK)
    dst3 = dst.reshape(NC * NS, STEPS, CHUNK)
    maskf = affected_mask.astype(jnp.float32).reshape(N, 1)
    zeros_n = jnp.zeros((N,), jnp.float32)
    zrows = jnp.zeros((ROWS_LAST, D), jnp.float32)
    ones_c = jnp.ones((CHUNK,), jnp.float32)
    b1r = b1.reshape(1, D)
    b2r = b2.reshape(1, D)
    bd1r = bd1.reshape(1, D)
    bd2r = bd2.reshape(1, D)

    degp = _deg_call(dst3, ones_c, zeros_n)
    y1, dinv = _scale_call(x, W1, degp.reshape(NC, N, 1))
    p = _conv_call(y1, src4, dst4, zrows)
    y2 = _mid_call(p, y1, dinv, b1r, maskf, Wd1, bd1r, W2)
    q = _conv_call(y2, src4, dst4, zrows)
    return _final_call(q, y2, dinv, b2r, maskf, Wd2, bd2r)

# --- scband reference (transcript-rebuilt; emitter-appended) ---
"""Pipeline reference for scband-gnndelete-model-89670327206041 (READ-ONLY COPY).

The authoritative reference and input builder live on the scoring server;
editing this copy changes nothing except your own understanding.
"""

import jax, jax.numpy as jnp
import numpy as np

N = 10000
E = 320000
D = 128


def setup_inputs(seed: int = 0) -> dict:
    key = jax.random.key(seed)
    ks = jax.random.split(key, 6)
    x = jax.random.normal(ks[0], (N, D), dtype=jnp.float32)
    edge_index = jax.random.randint(ks[1], (2, E), 0, N, dtype=jnp.int32)
    affected_mask = jax.random.randint(ks[2], (N,), 0, 2, dtype=jnp.int32) > 0
    W1 = jax.random.normal(ks[3], (D, D), dtype=jnp.float32) * (1.0 / np.sqrt(D))
    b1 = jnp.zeros((D,), dtype=jnp.float32)
    W2 = jax.random.normal(ks[4], (D, D), dtype=jnp.float32) * (1.0 / np.sqrt(D))
    b2 = jnp.zeros((D,), dtype=jnp.float32)
    # deletion operators initialized to identity per nn.init.eye_ / zeros_
    Wd1 = jnp.eye(D, dtype=jnp.float32)
    bd1 = jnp.zeros((D,), dtype=jnp.float32)
    Wd2 = jnp.eye(D, dtype=jnp.float32)
    bd2 = jnp.zeros((D,), dtype=jnp.float32)
    return {"x": x, "edge_index": edge_index, "affected_mask": affected_mask,
            "W1": W1, "b1": b1, "W2": W2, "b2": b2,
            "Wd1": Wd1, "bd1": bd1, "Wd2": Wd2, "bd2": bd2}


def gcn_conv(x, edge_index, W, b, n):
    # GCNConv with symmetric normalization and self-loops (edge_weight=None)
    src = edge_index[0]
    dst = edge_index[1]
    loop = jnp.arange(n, dtype=src.dtype)
    src = jnp.concatenate([src, loop])
    dst = jnp.concatenate([dst, loop])
    ones = jnp.ones(src.shape, dtype=x.dtype)
    deg = jax.ops.segment_sum(ones, dst, num_segments=n)
    dinv = jnp.where(deg > 0, 1.0 / jnp.sqrt(deg), 0.0)
    norm = dinv[src] * dinv[dst]
    xw = x @ W
    msg = xw[src] * norm[:, None]
    out = jax.ops.segment_sum(msg, dst, num_segments=n)
    return out + b


def reference(x, edge_index, affected_mask, W1, b1, W2, b2, Wd1, bd1, Wd2, bd2):
    n = x.shape[0]
    h = jax.nn.relu(gcn_conv(x, edge_index, W1, b1, n))
    # dropout is identity in eval mode
    h_del = jnp.where(affected_mask[:, None], h @ Wd1.T + bd1, h)
    out = gcn_conv(h_del, edge_index, W2, b2, n)
    out_del = jnp.where(affected_mask[:, None], out @ Wd2.T + bd2, out)
    return out_del

if __name__ == "__main__":
    import jax
    _d = setup_inputs()
    print(jax.jit(kernel)(*tuple(_d.values())))

</pallas_src>

<mosaic_0001>
#map = affine_map<(d0, d1) -> (0, 0, 0)>
#map1 = affine_map<(d0, d1) -> (0)>
#map2 = affine_map<(d0, d1) -> (0, 0)>
module attributes {stable_mosaic.version = 14 : i64} {
  func.func @_deg_body(%arg0: i32, %arg1: i32, %arg2: memref<32x125x80xi32, #tpu.memory_space<hbm>>, %arg3: memref<80xf32, #tpu.memory_space<hbm>>, %arg4: memref<10000xf32, #tpu.memory_space<hbm>>, %arg5: memref<2x10000xf32, #tpu.memory_space<hbm>>, %arg6: memref<125x80xi32, #tpu.memory_space<vmem>>, %arg7: memref<80xf32, #tpu.memory_space<vmem>>, %arg8: memref<10000xf32, #tpu.memory_space<vmem_shared>>, %arg9: memref<4x!tpu.dma_semaphore, #tpu.memory_space<semaphore_mem>>) attributes {dimension_semantics = [#tpu.dimension_semantics<core_parallel>, #tpu.dimension_semantics<subcore_parallel>], iteration_bounds = array<i64: 2, 16>, scalar_prefetch = 0 : i64, scratch_operands = 4 : i64, tpu.core_type = #tpu.core_type<sc_vector_subcore>, window_params = [{transform_indices = #map}, {transform_indices = #map1}, {transform_indices = #map1}, {transform_indices = #map2}]} {
    %eq3A = arith.constant 0 : i32
    %eq3A_0 = arith.cmpi eq, %arg1, %eq3A : i32
    %convert_element_type3A = arith.extui %eq3A_0 : i1 to i32
    %cond3A = arith.constant 0 : i32
    %cond3A_1 = arith.cmpi ne, %convert_element_type3A, %cond3A : i32
    scf.if %cond3A_1 {
      "tpu.region"() ({
        %run_scoped3A_13 = tpu.sem_alloc : memref<!tpu.dma_semaphore, #tpu.memory_space<semaphore_mem>>
        tpu.enqueue_dma source(%arg4 : memref<10000xf32, #tpu.memory_space<hbm>>) target(%arg8 : memref<10000xf32, #tpu.memory_space<vmem_shared>>) target_semaphore(%run_scoped3A_13 : memref<!tpu.dma_semaphore, #tpu.memory_space<semaphore_mem>>)
        tpu.wait_dma2 semaphore(%run_scoped3A_13 : memref<!tpu.dma_semaphore, #tpu.memory_space<semaphore_mem>>) src(%arg4 : memref<10000xf32, #tpu.memory_space<hbm>>) dst(%arg8 : memref<10000xf32, #tpu.memory_space<vmem_shared>>)
        tpu.yield
      }) : () -> ()
    } else {
    }
    %mul3A = arith.constant 16 : i32
    %mul3A_2 = arith.muli %arg0, %mul3A : i32
    %add3A = arith.addi %mul3A_2, %arg1 : i32
    "tpu.region"() ({
      %run_scoped3A_13 = tpu.sem_alloc : memref<!tpu.dma_semaphore, #tpu.memory_space<semaphore_mem>>
      %dma_start3A = arith.constant 0 : i32
      %dma_start3A_14 = arith.constant 0 : i32
      %dma_start3A_15 = tpu.memref_slice %arg2[%add3A, %dma_start3A, %dma_start3A_14] : memref<32x125x80xi32, #tpu.memory_space<hbm>> -> memref<1x125x80xi32, #tpu.memory_space<hbm>>
      %dma_start3A_16 = tpu.memref_squeeze %dma_start3A_15 : memref<1x125x80xi32, #tpu.memory_space<hbm>> -> memref<125x80xi32, #tpu.memory_space<hbm>>
      %dma_start3A_17 = arith.constant 0 : i32
      %dma_start3A_18 = arith.constant 0 : i32
      %dma_start3A_19 = tpu.memref_slice %arg2[%add3A, %dma_start3A_17, %dma_start3A_18] : memref<32x125x80xi32, #tpu.memory_space<hbm>> -> memref<1x125x80xi32, #tpu.memory_space<hbm>>
      %dma_start3A_20 = tpu.memref_squeeze %dma_start3A_19 : memref<1x125x80xi32, #tpu.memory_space<hbm>> -> memref<125x80xi32, #tpu.memory_space<hbm>>
      tpu.enqueue_dma source(%dma_start3A_20 : memref<125x80xi32, #tpu.memory_space<hbm>>) target(%arg6 : memref<125x80xi32, #tpu.memory_space<vmem>>) target_semaphore(%run_scoped3A_13 : memref<!tpu.dma_semaphore, #tpu.memory_space<semaphore_mem>>)
      %dma_wait3A = arith.constant 0 : i32
      %dma_wait3A_21 = arith.constant 0 : i32
      %dma_wait3A_22 = tpu.memref_slice %arg2[%add3A, %dma_wait3A, %dma_wait3A_21] : memref<32x125x80xi32, #tpu.memory_space<hbm>> -> memref<1x125x80xi32, #tpu.memory_space<hbm>>
      %dma_wait3A_23 = tpu.memref_squeeze %dma_wait3A_22 : memref<1x125x80xi32, #tpu.memory_space<hbm>> -> memref<125x80xi32, #tpu.memory_space<hbm>>
      %dma_wait3A_24 = arith.constant 0 : i32
      %dma_wait3A_25 = arith.constant 0 : i32
      %dma_wait3A_26 = tpu.memref_slice %arg2[%add3A, %dma_wait3A_24, %dma_wait3A_25] : memref<32x125x80xi32, #tpu.memory_space<hbm>> -> memref<1x125x80xi32, #tpu.memory_space<hbm>>
      %dma_wait3A_27 = tpu.memref_squeeze %dma_wait3A_26 : memref<1x125x80xi32, #tpu.memory_space<hbm>> -> memref<125x80xi32, #tpu.memory_space<hbm>>
      tpu.wait_dma2 semaphore(%run_scoped3A_13 : memref<!tpu.dma_semaphore, #tpu.memory_space<semaphore_mem>>) src(%dma_wait3A_27 : memref<125x80xi32, #tpu.memory_space<hbm>>) dst(%arg6 : memref<125x80xi32, #tpu.memory_space<vmem>>)
      tpu.yield
    }) : () -> ()
    "tpu.region"() ({
      %run_scoped3A_13 = tpu.sem_alloc : memref<!tpu.dma_semaphore, #tpu.memory_space<semaphore_mem>>
      tpu.enqueue_dma source(%arg3 : memref<80xf32, #tpu.memory_space<hbm>>) target(%arg7 : memref<80xf32, #tpu.memory_space<vmem>>) target_semaphore(%run_scoped3A_13 : memref<!tpu.dma_semaphore, #tpu.memory_space<semaphore_mem>>)
      tpu.wait_dma2 semaphore(%run_scoped3A_13 : memref<!tpu.dma_semaphore, #tpu.memory_space<semaphore_mem>>) src(%arg3 : memref<80xf32, #tpu.memory_space<hbm>>) dst(%arg7 : memref<80xf32, #tpu.memory_space<vmem>>)
      tpu.yield
    }) : () -> ()
    %barrier3A = arith.constant 0 : index
    tpu.barrier barrier_id(%barrier3A)
    %scan3A = arith.constant 0 : i32
    %scan3A_3 = arith.constant 31 : i32
    %scan3A_4 = arith.addi %scan3A, %scan3A_3 : i32
    %scan3A_5 = arith.constant 1 : i32
    scf.for %scan3A_13 = %scan3A to %scan3A_4 step %scan3A_5  : i32 {
      %mul3A_14 = arith.constant 1 : i32
      %mul3A_15 = arith.muli %scan3A_13, %mul3A_14 : i32
      %add3A_16 = arith.constant 0 : i32
      %add3A_17 = arith.addi %add3A_16, %mul3A_15 : i32
      %mul3A_18 = arith.constant 4 : i32
      %mul3A_19 = arith.muli %add3A_17, %mul3A_18 : i32
      %add3A_20 = arith.constant 0 : i32
      %add3A_21 = arith.addi %mul3A_19, %add3A_20 : i32
      %dma_start3A = arith.constant 0 : i32
      %dma_start3A_22 = arith.constant 0 : i32
      %dma_start3A_23 = tpu.memref_slice %arg6[%add3A_21, %dma_start3A_22] : memref<125x80xi32, #tpu.memory_space<vmem>> -> memref<1x80xi32, #tpu.memory_space<vmem>>
      %dma_start3A_24 = tpu.memref_squeeze %dma_start3A_23 : memref<1x80xi32, #tpu.memory_space<vmem>> -> memref<80xi32, #tpu.memory_space<vmem>>
      %dma_start3A_25 = arith.constant 0 : i32
      %dma_start3A_26 = tpu.memref_slice %arg8[%dma_start3A_25] : memref<10000xf32, #tpu.memory_space<vmem_shared>> -> memref<10000xf32, #tpu.memory_space<vmem_shared>>
      %dma_start3A_27 = tpu.memref_slice %arg9[%dma_start3A] : memref<4x!tpu.dma_semaphore, #tpu.memory_space<semaphore_mem>> -> memref<1x!tpu.dma_semaphore, #tpu.memory_space<semaphore_mem>>
      %dma_start3A_28 = tpu.memref_squeeze %dma_start3A_27 : memref<1x!tpu.dma_semaphore, #tpu.memory_space<semaphore_mem>> -> memref<!tpu.dma_semaphore, #tpu.memory_space<semaphore_mem>>
      tpu.enqueue_indirect_dma source(%arg7 : memref<80xf32, #tpu.memory_space<vmem>>) target(%dma_start3A_26 : memref<10000xf32, #tpu.memory_space<vmem_shared>>) offsets(%dma_start3A_24 : memref<80xi32, #tpu.memory_space<vmem>>) semaphore(%dma_start3A_28 : memref<!tpu.dma_semaphore, #tpu.memory_space<semaphore_mem>>) {add = true}
      %add3A_29 = arith.constant 1 : i32
      %add3A_30 = arith.addi %mul3A_19, %add3A_29 : i32
      %dma_start3A_31 = arith.constant 1 : i32
      %dma_start3A_32 = arith.constant 0 : i32
      %dma_start3A_33 = tpu.memref_slice %arg6[%add3A_30, %dma_start3A_32] : memref<125x80xi32, #tpu.memory_space<vmem>> -> memref<1x80xi32, #tpu.memory_space<vmem>>
      %dma_start3A_34 = tpu.memref_squeeze %dma_start3A_33 : memref<1x80xi32, #tpu.memory_space<vmem>> -> memref<80xi32, #tpu.memory_space<vmem>>
      %dma_start3A_35 = arith.constant 0 : i32
      %dma_start3A_36 = tpu.memref_slice %arg8[%dma_start3A_35] : memref<10000xf32, #tpu.memory_space<vmem_shared>> -> memref<10000xf32, #tpu.memory_space<vmem_shared>>
      %dma_start3A_37 = tpu.memref_slice %arg9[%dma_start3A_31] : memref<4x!tpu.dma_semaphore, #tpu.memory_space<semaphore_mem>> -> memref<1x!tpu.dma_semaphore, #tpu.memory_space<semaphore_mem>>
      %dma_start3A_38 = tpu.memref_squeeze %dma_start3A_37 : memref<1x!tpu.dma_semaphore, #tpu.memory_space<semaphore_mem>> -> memref<!tpu.dma_semaphore, #tpu.memory_space<semaphore_mem>>
      tpu.enqueue_indirect_dma source(%arg7 : memref<80xf32, #tpu.memory_space<vmem>>) target(%dma_start3A_36 : memref<10000xf32, #tpu.memory_space<vmem_shared>>) offsets(%dma_start3A_34 : memref<80xi32, #tpu.memory_space<vmem>>) semaphore(%dma_start3A_38 : memref<!tpu.dma_semaphore, #tpu.memory_space<semaphore_mem>>) {add = true}
      %add3A_39 = arith.constant 2 : i32
      %add3A_40 = arith.addi %mul3A_19, %add3A_39 : i32
      %dma_start3A_41 = arith.constant 2 : i32
      %dma_start3A_42 = arith.constant 0 : i32
      %dma_start3A_43 = tpu.memref_slice %arg6[%add3A_40, %dma_start3A_42] : memref<125x80xi32, #tpu.memory_space<vmem>> -> memref<1x80xi32, #tpu.memory_space<vmem>>
      %dma_start3A_44 = tpu.memref_squeeze %dma_start3A_43 : memref<1x80xi32, #tpu.memory_space<vmem>> -> memref<80xi32, #tpu.memory_space<vmem>>
      %dma_start3A_45 = arith.constant 0 : i32
      %dma_start3A_46 = tpu.memref_slice %arg8[%dma_start3A_45] : memref<10000xf32, #tpu.memory_space<vmem_shared>> -> memref<10000xf32, #tpu.memory_space<vmem_shared>>
      %dma_start3A_47 = tpu.memref_slice %arg9[%dma_start3A_41] : memref<4x!tpu.dma_semaphore, #tpu.memory_space<semaphore_mem>> -> memref<1x!tpu.dma_semaphore, #tpu.memory_space<semaphore_mem>>
      %dma_start3A_48 = tpu.memref_squeeze %dma_start3A_47 : memref<1x!tpu.dma_semaphore, #tpu.memory_space<semaphore_mem>> -> memref<!tpu.dma_semaphore, #tpu.memory_space<semaphore_mem>>
      tpu.enqueue_indirect_dma source(%arg7 : memref<80xf32, #tpu.memory_space<vmem>>) target(%dma_start3A_46 : memref<10000xf32, #tpu.memory_space<vmem_shared>>) offsets(%dma_start3A_44 : memref<80xi32, #tpu.memory_space<vmem>>) semaphore(%dma_start3A_48 : memref<!tpu.dma_semaphore, #tpu.memory_space<semaphore_mem>>) {add = true}
      %add3A_49 = arith.constant 3 : i32
      %add3A_50 = arith.addi %mul3A_19, %add3A_49 : i32
      %dma_start3A_51 = arith.constant 3 : i32
      %dma_start3A_52 = arith.constant 0 : i32
      %dma_start3A_53 = tpu.memref_slice %arg6[%add3A_50, %dma_start3A_52] : memref<125x80xi32, #tpu.memory_space<vmem>> -> memref<1x80xi32, #tpu.memory_space<vmem>>
      %dma_start3A_54 = tpu.memref_squeeze %dma_start3A_53 : memref<1x80xi32, #tpu.memory_space<vmem>> -> memref<80xi32, #tpu.memory_space<vmem>>
      %dma_start3A_55 = arith.constant 0 : i32
      %dma_start3A_56 = tpu.memref_slice %arg8[%dma_start3A_55] : memref<10000xf32, #tpu.memory_space<vmem_shared>> -> memref<10000xf32, #tpu.memory_space<vmem_shared>>
      %dma_start3A_57 = tpu.memref_slice %arg9[%dma_start3A_51] : memref<4x!tpu.dma_semaphore, #tpu.memory_space<semaphore_mem>> -> memref<1x!tpu.dma_semaphore, #tpu.memory_space<semaphore_mem>>
      %dma_start3A_58 = tpu.memref_squeeze %dma_start3A_57 : memref<1x!tpu.dma_semaphore, #tpu.memory_space<semaphore_mem>> -> memref<!tpu.dma_semaphore, #tpu.memory_space<semaphore_mem>>
      tpu.enqueue_indirect_dma source(%arg7 : memref<80xf32, #tpu.memory_space<vmem>>) target(%dma_start3A_56 : memref<10000xf32, #tpu.memory_space<vmem_shared>>) offsets(%dma_start3A_54 : memref<80xi32, #tpu.memory_space<vmem>>) semaphore(%dma_start3A_58 : memref<!tpu.dma_semaphore, #tpu.memory_space<semaphore_mem>>) {add = true}
      %dma_wait3A = arith.constant 0 : i32
      %dma_wait3A_59 = arith.constant 0 : i32
      %dma_wait3A_60 = tpu.memref_slice %arg6[%add3A_21, %dma_wait3A_59] : memref<125x80xi32, #tpu.memory_space<vmem>> -> memref<1x80xi32, #tpu.memory_space<vmem>>
      %dma_wait3A_61 = tpu.memref_squeeze %dma_wait3A_60 : memref<1x80xi32, #tpu.memory_space<vmem>> -> memref<80xi32, #tpu.memory_space<vmem>>
      %dma_wait3A_62 = arith.constant 0 : i32
      %dma_wait3A_63 = tpu.memref_slice %arg8[%dma_wait3A_62] : memref<10000xf32, #tpu.memory_space<vmem_shared>> -> memref<10000xf32, #tpu.memory_space<vmem_shared>>
      %dma_wait3A_64 = tpu.memref_slice %arg9[%dma_wait3A] : memref<4x!tpu.dma_semaphore, #tpu.memory_space<semaphore_mem>> -> memref<1x!tpu.dma_semaphore, #tpu.memory_space<semaphore_mem>>
      %dma_wait3A_65 = tpu.memref_squeeze %dma_wait3A_64 : memref<1x!tpu.dma_semaphore, #tpu.memory_space<semaphore_mem>> -> memref<!tpu.dma_semaphore, #tpu.memory_space<semaphore_mem>>
      tpu.wait_indirect_dma semaphore(%dma_wait3A_65 : memref<!tpu.dma_semaphore, #tpu.memory_space<semaphore_mem>>) src(%arg7 : memref<80xf32, #tpu.memory_space<vmem>>) dst(%dma_wait3A_63 : memref<10000xf32, #tpu.memory_space<vmem_shared>>)
      %dma_wait3A_66 = arith.constant 1 : i32
      %dma_wait3A_67 = arith.constant 0 : i32
      %dma_wait3A_68 = tpu.memref_slice %arg6[%add3A_30, %dma_wait3A_67] : memref<125x80xi32, #tpu.memory_space<vmem>> -> memref<1x80xi32, #tpu.memory_space<vmem>>
      %dma_wait3A_69 = tpu.memref_squeeze %dma_wait3A_68 : memref<1x80xi32, #tpu.memory_space<vmem>> -> memref<80xi32, #tpu.memory_space<vmem>>
      %dma_wait3A_70 = arith.constant 0 : i32
      %dma_wait3A_71 = tpu.memref_slice %arg8[%dma_wait3A_70] : memref<10000xf32, #tpu.memory_space<vmem_shared>> -> memref<10000xf32, #tpu.memory_space<vmem_shared>>
      %dma_wait3A_72 = tpu.memref_slice %arg9[%dma_wait3A_66] : memref<4x!tpu.dma_semaphore, #tpu.memory_space<semaphore_mem>> -> memref<1x!tpu.dma_semaphore, #tpu.memory_space<semaphore_mem>>
      %dma_wait3A_73 = tpu.memref_squeeze %dma_wait3A_72 : memref<1x!tpu.dma_semaphore, #tpu.memory_space<semaphore_mem>> -> memref<!tpu.dma_semaphore, #tpu.memory_space<semaphore_mem>>
      tpu.wait_indirect_dma semaphore(%dma_wait3A_73 : memref<!tpu.dma_semaphore, #tpu.memory_space<semaphore_mem>>) src(%arg7 : memref<80xf32, #tpu.memory_space<vmem>>) dst(%dma_wait3A_71 : memref<10000xf32, #tpu.memory_space<vmem_shared>>)
      %dma_wait3A_74 = arith.constant 2 : i32
      %dma_wait3A_75 = arith.constant 0 : i32
      %dma_wait3A_76 = tpu.memref_slice %arg6[%add3A_40, %dma_wait3A_75] : memref<125x80xi32, #tpu.memory_space<vmem>> -> memref<1x80xi32, #tpu.memory_space<vmem>>
      %dma_wait3A_77 = tpu.memref_squeeze %dma_wait3A_76 : memref<1x80xi32, #tpu.memory_space<vmem>> -> memref<80xi32, #tpu.memory_space<vmem>>
      %dma_wait3A_78 = arith.constant 0 : i32
      %dma_wait3A_79 = tpu.memref_slice %arg8[%dma_wait3A_78] : memref<10000xf32, #tpu.memory_space<vmem_shared>> -> memref<10000xf32, #tpu.memory_space<vmem_shared>>
      %dma_wait3A_80 = tpu.memref_slice %arg9[%dma_wait3A_74] : memref<4x!tpu.dma_semaphore, #tpu.memory_space<semaphore_mem>> -> memref<1x!tpu.dma_semaphore, #tpu.memory_space<semaphore_mem>>
      %dma_wait3A_81 = tpu.memref_squeeze %dma_wait3A_80 : memref<1x!tpu.dma_semaphore, #tpu.memory_space<semaphore_mem>> -> memref<!tpu.dma_semaphore, #tpu.memory_space<semaphore_mem>>
      tpu.wait_indirect_dma semaphore(%dma_wait3A_81 : memref<!tpu.dma_semaphore, #tpu.memory_space<semaphore_mem>>) src(%arg7 : memref<80xf32, #tpu.memory_space<vmem>>) dst(%dma_wait3A_79 : memref<10000xf32, #tpu.memory_space<vmem_shared>>)
      %dma_wait3A_82 = arith.constant 3 : i32
      %dma_wait3A_83 = arith.constant 0 : i32
      %dma_wait3A_84 = tpu.memref_slice %arg6[%add3A_50, %dma_wait3A_83] : memref<125x80xi32, #tpu.memory_space<vmem>> -> memref<1x80xi32, #tpu.memory_space<vmem>>
      %dma_wait3A_85 = tpu.memref_squeeze %dma_wait3A_84 : memref<1x80xi32, #tpu.memory_space<vmem>> -> memref<80xi32, #tpu.memory_space<vmem>>
      %dma_wait3A_86 = arith.constant 0 : i32
      %dma_wait3A_87 = tpu.memref_slice %arg8[%dma_wait3A_86] : memref<10000xf32, #tpu.memory_space<vmem_shared>> -> memref<10000xf32, #tpu.memory_space<vmem_shared>>
      %dma_wait3A_88 = tpu.memref_slice %arg9[%dma_wait3A_82] : memref<4x!tpu.dma_semaphore, #tpu.memory_space<semaphore_mem>> -> memref<1x!tpu.dma_semaphore, #tpu.memory_space<semaphore_mem>>
      %dma_wait3A_89 = tpu.memref_squeeze %dma_wait3A_88 : memref<1x!tpu.dma_semaphore, #tpu.memory_space<semaphore_mem>> -> memref<!tpu.dma_semaphore, #tpu.memory_space<semaphore_mem>>
      tpu.wait_indirect_dma semaphore(%dma_wait3A_89 : memref<!tpu.dma_semaphore, #tpu.memory_space<semaphore_mem>>) src(%arg7 : memref<80xf32, #tpu.memory_space<vmem>>) dst(%dma_wait3A_87 : memref<10000xf32, #tpu.memory_space<vmem_shared>>)
    }
    %scan3A_6 = arith.constant 31 : i32
    %run_scoped3A = arith.constant 124 : i32
    "tpu.region"() ({
      %run_scoped3A_13 = tpu.sem_alloc : memref<!tpu.dma_semaphore, #tpu.memory_space<semaphore_mem>>
      %dma_start3A = arith.constant 0 : i32
      %dma_start3A_14 = tpu.memref_slice %arg6[%run_scoped3A, %dma_start3A] : memref<125x80xi32, #tpu.memory_space<vmem>> -> memref<1x80xi32, #tpu.memory_space<vmem>>
      %dma_start3A_15 = tpu.memref_squeeze %dma_start3A_14 : memref<1x80xi32, #tpu.memory_space<vmem>> -> memref<80xi32, #tpu.memory_space<vmem>>
      %dma_start3A_16 = arith.constant 0 : i32
      %dma_start3A_17 = tpu.memref_slice %arg8[%dma_start3A_16] : memref<10000xf32, #tpu.memory_space<vmem_shared>> -> memref<10000xf32, #tpu.memory_space<vmem_shared>>
      tpu.enqueue_indirect_dma source(%arg7 : memref<80xf32, #tpu.memory_space<vmem>>) target(%dma_start3A_17 : memref<10000xf32, #tpu.memory_space<vmem_shared>>) offsets(%dma_start3A_15 : memref<80xi32, #tpu.memory_space<vmem>>) semaphore(%run_scoped3A_13 : memref<!tpu.dma_semaphore, #tpu.memory_space<semaphore_mem>>) {add = true}
      %dma_wait3A = arith.constant 0 : i32
      %dma_wait3A_18 = tpu.memref_slice %arg6[%run_scoped3A, %dma_wait3A] : memref<125x80xi32, #tpu.memory_space<vmem>> -> memref<1x80xi32, #tpu.memory_space<vmem>>
      %dma_wait3A_19 = tpu.memref_squeeze %dma_wait3A_18 : memref<1x80xi32, #tpu.memory_space<vmem>> -> memref<80xi32, #tpu.memory_space<vmem>>
      %dma_wait3A_20 = arith.constant 0 : i32
      %dma_wait3A_21 = tpu.memref_slice %arg8[%dma_wait3A_20] : memref<10000xf32, #tpu.memory_space<vmem_shared>> -> memref<10000xf32, #tpu.memory_space<vmem_shared>>
      tpu.wait_indirect_dma semaphore(%run_scoped3A_13 : memref<!tpu.dma_semaphore, #tpu.memory_space<semaphore_mem>>) src(%arg7 : memref<80xf32, #tpu.memory_space<vmem>>) dst(%dma_wait3A_21 : memref<10000xf32, #tpu.memory_space<vmem_shared>>)
      tpu.yield
    }) : () -> ()
    %barrier3A_7 = arith.constant 0 : index
    tpu.barrier barrier_id(%barrier3A_7)
    %eq3A_8 = arith.constant 0 : i32
    %eq3A_9 = arith.cmpi eq, %arg1, %eq3A_8 : i32
    %convert_element_type3A_10 = arith.extui %eq3A_9 : i1 to i32
    %cond3A_11 = arith.constant 0 : i32
    %cond3A_12 = arith.cmpi ne, %convert_element_type3A_10, %cond3A_11 : i32
    scf.if %cond3A_12 {
      "tpu.region"() ({
        %run_scoped3A_13 = tpu.sem_alloc : memref<!tpu.dma_semaphore, #tpu.memory_space<semaphore_mem>>
        %dma_start3A = arith.constant 0 : i32
        %dma_start3A_14 = tpu.memref_slice %arg5[%arg0, %dma_start3A] : memref<2x10000xf32, #tpu.memory_space<hbm>> -> memref<1x10000xf32, #tpu.memory_space<hbm>>
        %dma_start3A_15 = tpu.memref_squeeze %dma_start3A_14 : memref<1x10000xf32, #tpu.memory_space<hbm>> -> memref<10000xf32, #tpu.memory_space<hbm>>
        tpu.enqueue_dma source(%arg8 : memref<10000xf32, #tpu.memory_space<vmem_shared>>) target(%dma_start3A_15 : memref<10000xf32, #tpu.memory_space<hbm>>) target_semaphore(%run_scoped3A_13 : memref<!tpu.dma_semaphore, #tpu.memory_space<semaphore_mem>>)
        %dma_wait3A = arith.constant 0 : i32
        %dma_wait3A_16 = tpu.memref_slice %arg5[%arg0, %dma_wait3A] : memref<2x10000xf32, #tpu.memory_space<hbm>> -> memref<1x10000xf32, #tpu.memory_space<hbm>>
        %dma_wait3A_17 = tpu.memref_squeeze %dma_wait3A_16 : memref<1x10000xf32, #tpu.memory_space<hbm>> -> memref<10000xf32, #tpu.memory_space<hbm>>
        tpu.wait_dma2 semaphore(%run_scoped3A_13 : memref<!tpu.dma_semaphore, #tpu.memory_space<semaphore_mem>>) src(%arg8 : memref<10000xf32, #tpu.memory_space<vmem_shared>>) dst(%dma_wait3A_17 : memref<10000xf32, #tpu.memory_space<hbm>>)
        tpu.yield
      }) : () -> ()
    } else {
    }
    return
  }
}

#map = affine_map<(d0, d1) -> (0, 0)>
#map1 = affine_map<(d0, d1) -> (0, 0, 0, 0)>
#map2 = affine_map<(d0, d1) -> (0, 0, 0)>
module attributes {stable_mosaic.version = 14 : i64} {
  func.func @_conv_body(%arg0: i32, %arg1: i32, %arg2: memref<10000x128xf32, #tpu.memory_space<hbm>>, %arg3: memref<32x5x25x80xi32, #tpu.memory_space<hbm>>, %arg4: memref<32x5x25x80xi32, #tpu.memory_space<hbm>>, %arg5: memref<640x128xf32, #tpu.memory_space<hbm>>, %arg6: memref<2x10000x128xf32, #tpu.memory_space<hbm>>, %arg7: memref<25x80xi32, #tpu.memory_space<vmem>>, %arg8: memref<25x80xi32, #tpu.memory_space<vmem>>, %arg9: memref<4x80x128xf32, #tpu.memory_space<vmem>>, %arg10: memref<10000x128xf32, #tpu.memory_space<vmem_shared>>, %arg11: memref<4x!tpu.dma_semaphore, #tpu.memory_space<semaphore_mem>>, %arg12: memref<4x!tpu.dma_semaphore, #tpu.memory_space<semaphore_mem>>, %arg13: memref<!tpu.dma_semaphore, #tpu.memory_space<semaphore_mem>>) attributes {dimension_semantics = [#tpu.dimension_semantics<core_parallel>, #tpu.dimension_semantics<subcore_parallel>], iteration_bounds = array<i64: 2, 16>, scalar_prefetch = 0 : i64, scratch_operands = 7 : i64, tpu.core_type = #tpu.core_type<sc_vector_subcore>, window_params = [{transform_indices = #map}, {transform_indices = #map1}, {transform_indices = #map1}, {transform_indices = #map}, {transform_indices = #map2}]} {
    %lt3A = arith.constant 15 : i32
    %lt3A_0 = arith.cmpi slt, %arg1, %lt3A : i32
    %convert_element_type3A = arith.extui %lt3A_0 : i1 to i32
    %cond3A = arith.constant 0 : i32
    %cond3A_1 = arith.cmpi ne, %convert_element_type3A, %cond3A : i32
    scf.if %cond3A_1 {
      %mul3A_21 = arith.constant 624 : i32
      %mul3A_22 = arith.muli %arg1, %mul3A_21 : i32
      %dma_start3A = arith.constant 0 : i32
      %dma_start3A_23 = tpu.memref_slice %arg10[%mul3A_22, %dma_start3A] : memref<10000x128xf32, #tpu.memory_space<vmem_shared>> -> memref<624x128xf32, #tpu.memory_space<vmem_shared>>
      %dma_start3A_24 = arith.constant 0 : i32
      %dma_start3A_25 = arith.constant 0 : i32
      %dma_start3A_26 = tpu.memref_slice %arg5[%dma_start3A_24, %dma_start3A_25] : memref<640x128xf32, #tpu.memory_space<hbm>> -> memref<624x128xf32, #tpu.memory_space<hbm>>
      tpu.enqueue_dma source(%dma_start3A_26 : memref<624x128xf32, #tpu.memory_space<hbm>>) target(%dma_start3A_23 : memref<624x128xf32, #tpu.memory_space<vmem_shared>>) target_semaphore(%arg13 : memref<!tpu.dma_semaphore, #tpu.memory_space<semaphore_mem>>)
    } else {
    }
    %eq3A = arith.constant 15 : i32
    %eq3A_2 = arith.cmpi eq, %arg1, %eq3A : i32
    %convert_element_type3A_3 = arith.extui %eq3A_2 : i1 to i32
    %cond3A_4 = arith.constant 0 : i32
    %cond3A_5 = arith.cmpi ne, %convert_element_type3A_3, %cond3A_4 : i32
    scf.if %cond3A_5 {
      %dma_start3A = arith.constant 9360 : i32
      %dma_start3A_21 = arith.constant 0 : i32
      %dma_start3A_22 = tpu.memref_slice %arg10[%dma_start3A, %dma_start3A_21] : memref<10000x128xf32, #tpu.memory_space<vmem_shared>> -> memref<640x128xf32, #tpu.memory_space<vmem_shared>>
      tpu.enqueue_dma source(%arg5 : memref<640x128xf32, #tpu.memory_space<hbm>>) target(%dma_start3A_22 : memref<640x128xf32, #tpu.memory_space<vmem_shared>>) target_semaphore(%arg13 : memref<!tpu.dma_semaphore, #tpu.memory_space<semaphore_mem>>)
    } else {
    }
    %mul3A = arith.constant 16 : i32
    %mul3A_6 = arith.muli %arg0, %mul3A : i32
    %add3A = arith.addi %mul3A_6, %arg1 : i32
    %scan3A = arith.constant 0 : i32
    %scan3A_7 = arith.constant 5 : i32
    %scan3A_8 = arith.addi %scan3A, %scan3A_7 : i32
    %scan3A_9 = arith.constant 1 : i32
    scf.for %scan3A_21 = %scan3A to %scan3A_8 step %scan3A_9  : i32 {
      %mul3A_22 = arith.constant 1 : i32
      %mul3A_23 = arith.muli %scan3A_21, %mul3A_22 : i32
      %add3A_24 = arith.constant 0 : i32
      %add3A_25 = arith.addi %add3A_24, %mul3A_23 : i32
      "tpu.region"() ({
        %run_scoped3A_125 = tpu.sem_alloc : memref<!tpu.dma_semaphore, #tpu.memory_space<semaphore_mem>>
        %dma_start3A_126 = arith.constant 0 : i32
        %dma_start3A_127 = arith.constant 0 : i32
        %dma_start3A_128 = tpu.memref_slice %arg3[%add3A, %add3A_25, %dma_start3A_126, %dma_start3A_127] : memref<32x5x25x80xi32, #tpu.memory_space<hbm>> -> memref<1x1x25x80xi32, #tpu.memory_space<hbm>>
        %dma_start3A_129 = tpu.memref_squeeze %dma_start3A_128 : memref<1x1x25x80xi32, #tpu.memory_space<hbm>> -> memref<25x80xi32, #tpu.memory_space<hbm>>
        %dma_start3A_130 = arith.constant 0 : i32
        %dma_start3A_131 = arith.constant 0 : i32
        %dma_start3A_132 = tpu.memref_slice %arg3[%add3A, %add3A_25, %dma_start3A_130, %dma_start3A_131] : memref<32x5x25x80xi32, #tpu.memory_space<hbm>> -> memref<1x1x25x80xi32, #tpu.memory_space<hbm>>
        %dma_start3A_133 = tpu.memref_squeeze %dma_start3A_132 : memref<1x1x25x80xi32, #tpu.memory_space<hbm>> -> memref<25x80xi32, #tpu.memory_space<hbm>>
        tpu.enqueue_dma source(%dma_start3A_133 : memref<25x80xi32, #tpu.memory_space<hbm>>) target(%arg7 : memref<25x80xi32, #tpu.memory_space<vmem>>) target_semaphore(%run_scoped3A_125 : memref<!tpu.dma_semaphore, #tpu.memory_space<semaphore_mem>>)
        %dma_wait3A_134 = arith.constant 0 : i32
        %dma_wait3A_135 = arith.constant 0 : i32
        %dma_wait3A_136 = tpu.memref_slice %arg3[%add3A, %add3A_25, %dma_wait3A_134, %dma_wait3A_135] : memref<32x5x25x80xi32, #tpu.memory_space<hbm>> -> memref<1x1x25x80xi32, #tpu.memory_space<hbm>>
        %dma_wait3A_137 = tpu.memref_squeeze %dma_wait3A_136 : memref<1x1x25x80xi32, #tpu.memory_space<hbm>> -> memref<25x80xi32, #tpu.memory_space<hbm>>
        %dma_wait3A_138 = arith.constant 0 : i32
        %dma_wait3A_139 = arith.constant 0 : i32
        %dma_wait3A_140 = tpu.memref_slice %arg3[%add3A, %add3A_25, %dma_wait3A_138, %dma_wait3A_139] : memref<32x5x25x80xi32, #tpu.memory_space<hbm>> -> memref<1x1x25x80xi32, #tpu.memory_space<hbm>>
        %dma_wait3A_141 = tpu.memref_squeeze %dma_wait3A_140 : memref<1x1x25x80xi32, #tpu.memory_space<hbm>> -> memref<25x80xi32, #tpu.memory_space<hbm>>
        tpu.wait_dma2 semaphore(%run_scoped3A_125 : memref<!tpu.dma_semaphore, #tpu.memory_space<semaphore_mem>>) src(%dma_wait3A_141 : memref<25x80xi32, #tpu.memory_space<hbm>>) dst(%arg7 : memref<25x80xi32, #tpu.memory_space<vmem>>)
        tpu.yield
      }) : () -> ()
      "tpu.region"() ({
        %run_scoped3A_125 = tpu.sem_alloc : memref<!tpu.dma_semaphore, #tpu.memory_space<semaphore_mem>>
        %dma_start3A_126 = arith.constant 0 : i32
        %dma_start3A_127 = arith.constant 0 : i32
        %dma_start3A_128 = tpu.memref_slice %arg4[%add3A, %add3A_25, %dma_start3A_126, %dma_start3A_127] : memref<32x5x25x80xi32, #tpu.memory_space<hbm>> -> memref<1x1x25x80xi32, #tpu.memory_space<hbm>>
        %dma_start3A_129 = tpu.memref_squeeze %dma_start3A_128 : memref<1x1x25x80xi32, #tpu.memory_space<hbm>> -> memref<25x80xi32, #tpu.memory_space<hbm>>
        %dma_start3A_130 = arith.constant 0 : i32
        %dma_start3A_131 = arith.constant 0 : i32
        %dma_start3A_132 = tpu.memref_slice %arg4[%add3A, %add3A_25, %dma_start3A_130, %dma_start3A_131] : memref<32x5x25x80xi32, #tpu.memory_space<hbm>> -> memref<1x1x25x80xi32, #tpu.memory_space<hbm>>
        %dma_start3A_133 = tpu.memref_squeeze %dma_start3A_132 : memref<1x1x25x80xi32, #tpu.memory_space<hbm>> -> memref<25x80xi32, #tpu.memory_space<hbm>>
        tpu.enqueue_dma source(%dma_start3A_133 : memref<25x80xi32, #tpu.memory_space<hbm>>) target(%arg8 : memref<25x80xi32, #tpu.memory_space<vmem>>) target_semaphore(%run_scoped3A_125 : memref<!tpu.dma_semaphore, #tpu.memory_space<semaphore_mem>>)
        %dma_wait3A_134 = arith.constant 0 : i32
        %dma_wait3A_135 = arith.constant 0 : i32
        %dma_wait3A_136 = tpu.memref_slice %arg4[%add3A, %add3A_25, %dma_wait3A_134, %dma_wait3A_135] : memref<32x5x25x80xi32, #tpu.memory_space<hbm>> -> memref<1x1x25x80xi32, #tpu.memory_space<hbm>>
        %dma_wait3A_137 = tpu.memref_squeeze %dma_wait3A_136 : memref<1x1x25x80xi32, #tpu.memory_space<hbm>> -> memref<25x80xi32, #tpu.memory_space<hbm>>
        %dma_wait3A_138 = arith.constant 0 : i32
        %dma_wait3A_139 = arith.constant 0 : i32
        %dma_wait3A_140 = tpu.memref_slice %arg4[%add3A, %add3A_25, %dma_wait3A_138, %dma_wait3A_139] : memref<32x5x25x80xi32, #tpu.memory_space<hbm>> -> memref<1x1x25x80xi32, #tpu.memory_space<hbm>>
        %dma_wait3A_141 = tpu.memref_squeeze %dma_wait3A_140 : memref<1x1x25x80xi32, #tpu.memory_space<hbm>> -> memref<25x80xi32, #tpu.memory_space<hbm>>
        tpu.wait_dma2 semaphore(%run_scoped3A_125 : memref<!tpu.dma_semaphore, #tpu.memory_space<semaphore_mem>>) src(%dma_wait3A_141 : memref<25x80xi32, #tpu.memory_space<hbm>>) dst(%arg8 : memref<25x80xi32, #tpu.memory_space<vmem>>)
        tpu.yield
      }) : () -> ()
      %eq3A_26 = arith.constant 0 : i32
      %eq3A_27 = arith.cmpi eq, %add3A_25, %eq3A_26 : i32
      %convert_element_type3A_28 = arith.extui %eq3A_27 : i1 to i32
      %cond3A_29 = arith.constant 0 : i32
      %cond3A_30 = arith.cmpi ne, %convert_element_type3A_28, %cond3A_29 : i32
      scf.if %cond3A_30 {
        %lt3A_125 = arith.constant 15 : i32
        %lt3A_126 = arith.cmpi slt, %arg1, %lt3A_125 : i32
        %convert_element_type3A_127 = arith.extui %lt3A_126 : i1 to i32
        %cond3A_128 = arith.constant 0 : i32
        %cond3A_129 = arith.cmpi ne, %convert_element_type3A_127, %cond3A_128 : i32
        scf.if %cond3A_129 {
          %mul3A_136 = arith.constant 624 : i32
          %mul3A_137 = arith.muli %arg1, %mul3A_136 : i32
          %dma_wait3A_138 = arith.constant 0 : i32
          %dma_wait3A_139 = tpu.memref_slice %arg10[%mul3A_137, %dma_wait3A_138] : memref<10000x128xf32, #tpu.memory_space<vmem_shared>> -> memref<624x128xf32, #tpu.memory_space<vmem_shared>>
          %dma_wait3A_140 = arith.constant 0 : i32
          %dma_wait3A_141 = arith.constant 0 : i32
          %dma_wait3A_142 = tpu.memref_slice %arg5[%dma_wait3A_140, %dma_wait3A_141] : memref<640x128xf32, #tpu.memory_space<hbm>> -> memref<624x128xf32, #tpu.memory_space<hbm>>
          tpu.wait_dma2 semaphore(%arg13 : memref<!tpu.dma_semaphore, #tpu.memory_space<semaphore_mem>>) src(%dma_wait3A_142 : memref<624x128xf32, #tpu.memory_space<hbm>>) dst(%dma_wait3A_139 : memref<624x128xf32, #tpu.memory_space<vmem_shared>>)
        } else {
        }
        %eq3A_130 = arith.constant 15 : i32
        %eq3A_131 = arith.cmpi eq, %arg1, %eq3A_130 : i32
        %convert_element_type3A_132 = arith.extui %eq3A_131 : i1 to i32
        %cond3A_133 = arith.constant 0 : i32
        %cond3A_134 = arith.cmpi ne, %convert_element_type3A_132, %cond3A_133 : i32
        scf.if %cond3A_134 {
          %dma_wait3A_136 = arith.constant 9360 : i32
          %dma_wait3A_137 = arith.constant 0 : i32
          %dma_wait3A_138 = tpu.memref_slice %arg10[%dma_wait3A_136, %dma_wait3A_137] : memref<10000x128xf32, #tpu.memory_space<vmem_shared>> -> memref<640x128xf32, #tpu.memory_space<vmem_shared>>
          tpu.wait_dma2 semaphore(%arg13 : memref<!tpu.dma_semaphore, #tpu.memory_space<semaphore_mem>>) src(%arg5 : memref<640x128xf32, #tpu.memory_space<hbm>>) dst(%dma_wait3A_138 : memref<640x128xf32, #tpu.memory_space<vmem_shared>>)
        } else {
        }
        %barrier3A_135 = arith.constant 0 : index
        tpu.barrier barrier_id(%barrier3A_135)
      } else {
      }
      %scan3A_31 = arith.constant 0 : i32
      %scan3A_32 = arith.constant 6 : i32
      %scan3A_33 = arith.addi %scan3A_31, %scan3A_32 : i32
      %scan3A_34 = arith.constant 1 : i32
      scf.for %scan3A_125 = %scan3A_31 to %scan3A_33 step %scan3A_34  : i32 {
        %mul3A_126 = arith.constant 1 : i32
        %mul3A_127 = arith.muli %scan3A_125, %mul3A_126 : i32
        %add3A_128 = arith.constant 0 : i32
        %add3A_129 = arith.addi %add3A_128, %mul3A_127 : i32
        %mul3A_130 = arith.constant 4 : i32
        %mul3A_131 = arith.muli %add3A_129, %mul3A_130 : i32
        %gt3A = arith.constant 0 : i32
        %gt3A_132 = arith.cmpi sgt, %add3A_129, %gt3A : i32
        %convert_element_type3A_133 = arith.extui %gt3A_132 : i1 to i32
        %cond3A_134 = arith.constant 0 : i32
        %cond3A_135 = arith.cmpi ne, %convert_element_type3A_133, %cond3A_134 : i32
        scf.if %cond3A_135 {
          %dma_wait3A_335 = arith.constant 0 : i32
          %dma_wait3A_336 = arith.constant 0 : i32
          %dma_wait3A_337 = arith.constant 0 : i32
          %dma_wait3A_338 = arith.constant 0 : i32
          %dma_wait3A_339 = arith.constant 0 : i32
          %dma_wait3A_340 = tpu.memref_slice %arg9[%dma_wait3A_335, %dma_wait3A_338, %dma_wait3A_339] : memref<4x80x128xf32, #tpu.memory_space<vmem>> -> memref<1x80x128xf32, #tpu.memory_space<vmem>>
          %dma_wait3A_341 = tpu.memref_squeeze %dma_wait3A_340 : memref<1x80x128xf32, #tpu.memory_space<vmem>> -> memref<80x128xf32, #tpu.memory_space<vmem>>
          %dma_wait3A_342 = arith.constant 0 : i32
          %dma_wait3A_343 = tpu.memref_slice %arg8[%dma_wait3A_336, %dma_wait3A_342] : memref<25x80xi32, #tpu.memory_space<vmem>> -> memref<1x80xi32, #tpu.memory_space<vmem>>
          %dma_wait3A_344 = tpu.memref_squeeze %dma_wait3A_343 : memref<1x80xi32, #tpu.memory_space<vmem>> -> memref<80xi32, #tpu.memory_space<vmem>>
          %dma_wait3A_345 = arith.constant 0 : i32
          %dma_wait3A_346 = arith.constant 0 : i32
          %dma_wait3A_347 = tpu.memref_slice %arg10[%dma_wait3A_345, %dma_wait3A_346] : memref<10000x128xf32, #tpu.memory_space<vmem_shared>> -> memref<10000x128xf32, #tpu.memory_space<vmem_shared>>
          %dma_wait3A_348 = tpu.memref_slice %arg12[%dma_wait3A_337] : memref<4x!tpu.dma_semaphore, #tpu.memory_space<semaphore_mem>> -> memref<1x!tpu.dma_semaphore, #tpu.memory_space<semaphore_mem>>
          %dma_wait3A_349 = tpu.memref_squeeze %dma_wait3A_348 : memref<1x!tpu.dma_semaphore, #tpu.memory_space<semaphore_mem>> -> memref<!tpu.dma_semaphore, #tpu.memory_space<semaphore_mem>>
          tpu.wait_indirect_dma semaphore(%dma_wait3A_349 : memref<!tpu.dma_semaphore, #tpu.memory_space<semaphore_mem>>) src(%dma_wait3A_341 : memref<80x128xf32, #tpu.memory_space<vmem>>) dst(%dma_wait3A_347 : memref<10000x128xf32, #tpu.memory_space<vmem_shared>>)
        } else {
        }
        %add3A_136 = arith.constant 0 : i32
        %add3A_137 = arith.addi %mul3A_131, %add3A_136 : i32
        %dma_start3A_138 = arith.constant 0 : i32
        %dma_start3A_139 = arith.constant 0 : i32
        %dma_start3A_140 = arith.constant 0 : i32
        %dma_start3A_141 = arith.constant 0 : i32
        %dma_start3A_142 = tpu.memref_slice %arg9[%dma_start3A_138, %dma_start3A_140, %dma_start3A_141] : memref<4x80x128xf32, #tpu.memory_space<vmem>> -> memref<1x80x128xf32, #tpu.memory_space<vmem>>
        %dma_start3A_143 = tpu.memref_squeeze %dma_start3A_142 : memref<1x80x128xf32, #tpu.memory_space<vmem>> -> memref<80x128xf32, #tpu.memory_space<vmem>>
        %dma_start3A_144 = arith.constant 0 : i32
        %dma_start3A_145 = tpu.memref_slice %arg7[%add3A_137, %dma_start3A_144] : memref<25x80xi32, #tpu.memory_space<vmem>> -> memref<1x80xi32, #tpu.memory_space<vmem>>
        %dma_start3A_146 = tpu.memref_squeeze %dma_start3A_145 : memref<1x80xi32, #tpu.memory_space<vmem>> -> memref<80xi32, #tpu.memory_space<vmem>>
        %dma_start3A_147 = arith.constant 0 : i32
        %dma_start3A_148 = arith.constant 0 : i32
        %dma_start3A_149 = tpu.memref_slice %arg2[%dma_start3A_147, %dma_start3A_148] : memref<10000x128xf32, #tpu.memory_space<hbm>> -> memref<10000x128xf32, #tpu.memory_space<hbm>>
        %dma_start3A_150 = tpu.memref_slice %arg11[%dma_start3A_139] : memref<4x!tpu.dma_semaphore, #tpu.memory_space<semaphore_mem>> -> memref<1x!tpu.dma_semaphore, #tpu.memory_space<semaphore_mem>>
        %dma_start3A_151 = tpu.memref_squeeze %dma_start3A_150 : memref<1x!tpu.dma_semaphore, #tpu.memory_space<semaphore_mem>> -> memref<!tpu.dma_semaphore, #tpu.memory_space<semaphore_mem>>
        tpu.enqueue_indirect_dma source(%dma_start3A_149 : memref<10000x128xf32, #tpu.memory_space<hbm>>) target(%dma_start3A_143 : memref<80x128xf32, #tpu.memory_space<vmem>>) offsets(%dma_start3A_146 : memref<80xi32, #tpu.memory_space<vmem>>) semaphore(%dma_start3A_151 : memref<!tpu.dma_semaphore, #tpu.memory_space<semaphore_mem>>)
        %gt3A_152 = arith.constant 0 : i32
        %gt3A_153 = arith.cmpi sgt, %add3A_129, %gt3A_152 : i32
        %convert_element_type3A_154 = arith.extui %gt3A_153 : i1 to i32
        %cond3A_155 = arith.constant 0 : i32
        %cond3A_156 = arith.cmpi ne, %convert_element_type3A_154, %cond3A_155 : i32
        scf.if %cond3A_156 {
          %dma_wait3A_335 = arith.constant 1 : i32
          %dma_wait3A_336 = arith.constant 0 : i32
          %dma_wait3A_337 = arith.constant 1 : i32
          %dma_wait3A_338 = arith.constant 0 : i32
          %dma_wait3A_339 = arith.constant 0 : i32
          %dma_wait3A_340 = tpu.memref_slice %arg9[%dma_wait3A_335, %dma_wait3A_338, %dma_wait3A_339] : memref<4x80x128xf32, #tpu.memory_space<vmem>> -> memref<1x80x128xf32, #tpu.memory_space<vmem>>
          %dma_wait3A_341 = tpu.memref_squeeze %dma_wait3A_340 : memref<1x80x128xf32, #tpu.memory_space<vmem>> -> memref<80x128xf32, #tpu.memory_space<vmem>>
          %dma_wait3A_342 = arith.constant 0 : i32
          %dma_wait3A_343 = tpu.memref_slice %arg8[%dma_wait3A_336, %dma_wait3A_342] : memref<25x80xi32, #tpu.memory_space<vmem>> -> memref<1x80xi32, #tpu.memory_space<vmem>>
          %dma_wait3A_344 = tpu.memref_squeeze %dma_wait3A_343 : memref<1x80xi32, #tpu.memory_space<vmem>> -> memref<80xi32, #tpu.memory_space<vmem>>
          %dma_wait3A_345 = arith.constant 0 : i32
          %dma_wait3A_346 = arith.constant 0 : i32
          %dma_wait3A_347 = tpu.memref_slice %arg10[%dma_wait3A_345, %dma_wait3A_346] : memref<10000x128xf32, #tpu.memory_space<vmem_shared>> -> memref<10000x128xf32, #tpu.memory_space<vmem_shared>>
          %dma_wait3A_348 = tpu.memref_slice %arg12[%dma_wait3A_337] : memref<4x!tpu.dma_semaphore, #tpu.memory_space<semaphore_mem>> -> memref<1x!tpu.dma_semaphore, #tpu.memory_space<semaphore_mem>>
          %dma_wait3A_349 = tpu.memref_squeeze %dma_wait3A_348 : memref<1x!tpu.dma_semaphore, #tpu.memory_space<semaphore_mem>> -> memref<!tpu.dma_semaphore, #tpu.memory_space<semaphore_mem>>
          tpu.wait_indirect_dma semaphore(%dma_wait3A_349 : memref<!tpu.dma_semaphore, #tpu.memory_space<semaphore_mem>>) src(%dma_wait3A_341 : memref<80x128xf32, #tpu.memory_space<vmem>>) dst(%dma_wait3A_347 : memref<10000x128xf32, #tpu.memory_space<vmem_shared>>)
        } else {
        }
        %add3A_157 = arith.constant 1 : i32
        %add3A_158 = arith.addi %mul3A_131, %add3A_157 : i32
        %dma_start3A_159 = arith.constant 1 : i32
        %dma_start3A_160 = arith.constant 1 : i32
        %dma_start3A_161 = arith.constant 0 : i32
        %dma_start3A_162 = arith.constant 0 : i32
        %dma_start3A_163 = tpu.memref_slice %arg9[%dma_start3A_159, %dma_start3A_161, %dma_start3A_162] : memref<4x80x128xf32, #tpu.memory_space<vmem>> -> memref<1x80x128xf32, #tpu.memory_space<vmem>>
        %dma_start3A_164 = tpu.memref_squeeze %dma_start3A_163 : memref<1x80x128xf32, #tpu.memory_space<vmem>> -> memref<80x128xf32, #tpu.memory_space<vmem>>
        %dma_start3A_165 = arith.constant 0 : i32
        %dma_start3A_166 = tpu.memref_slice %arg7[%add3A_158, %dma_start3A_165] : memref<25x80xi32, #tpu.memory_space<vmem>> -> memref<1x80xi32, #tpu.memory_space<vmem>>
        %dma_start3A_167 = tpu.memref_squeeze %dma_start3A_166 : memref<1x80xi32, #tpu.memory_space<vmem>> -> memref<80xi32, #tpu.memory_space<vmem>>
        %dma_start3A_168 = arith.constant 0 : i32
        %dma_start3A_169 = arith.constant 0 : i32
        %dma_start3A_170 = tpu.memref_slice %arg2[%dma_start3A_168, %dma_start3A_169] : memref<10000x128xf32, #tpu.memory_space<hbm>> -> memref<10000x128xf32, #tpu.memory_space<hbm>>
        %dma_start3A_171 = tpu.memref_slice %arg11[%dma_start3A_160] : memref<4x!tpu.dma_semaphore, #tpu.memory_space<semaphore_mem>> -> memref<1x!tpu.dma_semaphore, #tpu.memory_space<semaphore_mem>>
        %dma_start3A_172 = tpu.memref_squeeze %dma_start3A_171 : memref<1x!tpu.dma_semaphore, #tpu.memory_space<semaphore_mem>> -> memref<!tpu.dma_semaphore, #tpu.memory_space<semaphore_mem>>
        tpu.enqueue_indirect_dma source(%dma_start3A_170 : memref<10000x128xf32, #tpu.memory_space<hbm>>) target(%dma_start3A_164 : memref<80x128xf32, #tpu.memory_space<vmem>>) offsets(%dma_start3A_167 : memref<80xi32, #tpu.memory_space<vmem>>) semaphore(%dma_start3A_172 : memref<!tpu.dma_semaphore, #tpu.memory_space<semaphore_mem>>)
        %gt3A_173 = arith.constant 0 : i32
        %gt3A_174 = arith.cmpi sgt, %add3A_129, %gt3A_173 : i32
        %convert_element_type3A_175 = arith.extui %gt3A_174 : i1 to i32
        %cond3A_176 = arith.constant 0 : i32
        %cond3A_177 = arith.cmpi ne, %convert_element_type3A_175, %cond3A_176 : i32
        scf.if %cond3A_177 {
          %dma_wait3A_335 = arith.constant 2 : i32
          %dma_wait3A_336 = arith.constant 0 : i32
          %dma_wait3A_337 = arith.constant 2 : i32
          %dma_wait3A_338 = arith.constant 0 : i32
          %dma_wait3A_339 = arith.constant 0 : i32
          %dma_wait3A_340 = tpu.memref_slice %arg9[%dma_wait3A_335, %dma_wait3A_338, %dma_wait3A_339] : memref<4x80x128xf32, #tpu.memory_space<vmem>> -> memref<1x80x128xf32, #tpu.memory_space<vmem>>
          %dma_wait3A_341 = tpu.memref_squeeze %dma_wait3A_340 : memref<1x80x128xf32, #tpu.memory_space<vmem>> -> memref<80x128xf32, #tpu.memory_space<vmem>>
          %dma_wait3A_342 = arith.constant 0 : i32
          %dma_wait3A_343 = tpu.memref_slice %arg8[%dma_wait3A_336, %dma_wait3A_342] : memref<25x80xi32, #tpu.memory_space<vmem>> -> memref<1x80xi32, #tpu.memory_space<vmem>>
          %dma_wait3A_344 = tpu.memref_squeeze %dma_wait3A_343 : memref<1x80xi32, #tpu.memory_space<vmem>> -> memref<80xi32, #tpu.memory_space<vmem>>
          %dma_wait3A_345 = arith.constant 0 : i32
          %dma_wait3A_346 = arith.constant 0 : i32
          %dma_wait3A_347 = tpu.memref_slice %arg10[%dma_wait3A_345, %dma_wait3A_346] : memref<10000x128xf32, #tpu.memory_space<vmem_shared>> -> memref<10000x128xf32, #tpu.memory_space<vmem_shared>>
          %dma_wait3A_348 = tpu.memref_slice %arg12[%dma_wait3A_337] : memref<4x!tpu.dma_semaphore, #tpu.memory_space<semaphore_mem>> -> memref<1x!tpu.dma_semaphore, #tpu.memory_space<semaphore_mem>>
          %dma_wait3A_349 = tpu.memref_squeeze %dma_wait3A_348 : memref<1x!tpu.dma_semaphore, #tpu.memory_space<semaphore_mem>> -> memref<!tpu.dma_semaphore, #tpu.memory_space<semaphore_mem>>
          tpu.wait_indirect_dma semaphore(%dma_wait3A_349 : memref<!tpu.dma_semaphore, #tpu.memory_space<semaphore_mem>>) src(%dma_wait3A_341 : memref<80x128xf32, #tpu.memory_space<vmem>>) dst(%dma_wait3A_347 : memref<10000x128xf32, #tpu.memory_space<vmem_shared>>)
        } else {
        }
        %add3A_178 = arith.constant 2 : i32
        %add3A_179 = arith.addi %mul3A_131, %add3A_178 : i32
        %dma_start3A_180 = arith.constant 2 : i32
        %dma_start3A_181 = arith.constant 2 : i32
        %dma_start3A_182 = arith.constant 0 : i32
        %dma_start3A_183 = arith.constant 0 : i32
        %dma_start3A_184 = tpu.memref_slice %arg9[%dma_start3A_180, %dma_start3A_182, %dma_start3A_183] : memref<4x80x128xf32, #tpu.memory_space<vmem>> -> memref<1x80x128xf32, #tpu.memory_space<vmem>>
        %dma_start3A_185 = tpu.memref_squeeze %dma_start3A_184 : memref<1x80x128xf32, #tpu.memory_space<vmem>> -> memref<80x128xf32, #tpu.memory_space<vmem>>
        %dma_start3A_186 = arith.constant 0 : i32
        %dma_start3A_187 = tpu.memref_slice %arg7[%add3A_179, %dma_start3A_186] : memref<25x80xi32, #tpu.memory_space<vmem>> -> memref<1x80xi32, #tpu.memory_space<vmem>>
        %dma_start3A_188 = tpu.memref_squeeze %dma_start3A_187 : memref<1x80xi32, #tpu.memory_space<vmem>> -> memref<80xi32, #tpu.memory_space<vmem>>
        %dma_start3A_189 = arith.constant 0 : i32
        %dma_start3A_190 = arith.constant 0 : i32
        %dma_start3A_191 = tpu.memref_slice %arg2[%dma_start3A_189, %dma_start3A_190] : memref<10000x128xf32, #tpu.memory_space<hbm>> -> memref<10000x128xf32, #tpu.memory_space<hbm>>
        %dma_start3A_192 = tpu.memref_slice %arg11[%dma_start3A_181] : memref<4x!tpu.dma_semaphore, #tpu.memory_space<semaphore_mem>> -> memref<1x!tpu.dma_semaphore, #tpu.memory_space<semaphore_mem>>
        %dma_start3A_193 = tpu.memref_squeeze %dma_start3A_192 : memref<1x!tpu.dma_semaphore, #tpu.memory_space<semaphore_mem>> -> memref<!tpu.dma_semaphore, #tpu.memory_space<semaphore_mem>>
        tpu.enqueue_indirect_dma source(%dma_start3A_191 : memref<10000x128xf32, #tpu.memory_space<hbm>>) target(%dma_start3A_185 : memref<80x128xf32, #tpu.memory_space<vmem>>) offsets(%dma_start3A_188 : memref<80xi32, #tpu.memory_space<vmem>>) semaphore(%dma_start3A_193 : memref<!tpu.dma_semaphore, #tpu.memory_space<semaphore_mem>>)
        %gt3A_194 = arith.constant 0 : i32
        %gt3A_195 = arith.cmpi sgt, %add3A_129, %gt3A_194 : i32
        %convert_element_type3A_196 = arith.extui %gt3A_195 : i1 to i32
        %cond3A_197 = arith.constant 0 : i32
        %cond3A_198 = arith.cmpi ne, %convert_element_type3A_196, %cond3A_197 : i32
        scf.if %cond3A_198 {
          %dma_wait3A_335 = arith.constant 3 : i32
          %dma_wait3A_336 = arith.constant 0 : i32
          %dma_wait3A_337 = arith.constant 3 : i32
          %dma_wait3A_338 = arith.constant 0 : i32
          %dma_wait3A_339 = arith.constant 0 : i32
          %dma_wait3A_340 = tpu.memref_slice %arg9[%dma_wait3A_335, %dma_wait3A_338, %dma_wait3A_339] : memref<4x80x128xf32, #tpu.memory_space<vmem>> -> memref<1x80x128xf32, #tpu.memory_space<vmem>>
          %dma_wait3A_341 = tpu.memref_squeeze %dma_wait3A_340 : memref<1x80x128xf32, #tpu.memory_space<vmem>> -> memref<80x128xf32, #tpu.memory_space<vmem>>
          %dma_wait3A_342 = arith.constant 0 : i32
          %dma_wait3A_343 = tpu.memref_slice %arg8[%dma_wait3A_336, %dma_wait3A_342] : memref<25x80xi32, #tpu.memory_space<vmem>> -> memref<1x80xi32, #tpu.memory_space<vmem>>
          %dma_wait3A_344 = tpu.memref_squeeze %dma_wait3A_343 : memref<1x80xi32, #tpu.memory_space<vmem>> -> memref<80xi32, #tpu.memory_space<vmem>>
          %dma_wait3A_345 = arith.constant 0 : i32
          %dma_wait3A_346 = arith.constant 0 : i32
          %dma_wait3A_347 = tpu.memref_slice %arg10[%dma_wait3A_345, %dma_wait3A_346] : memref<10000x128xf32, #tpu.memory_space<vmem_shared>> -> memref<10000x128xf32, #tpu.memory_space<vmem_shared>>
          %dma_wait3A_348 = tpu.memref_slice %arg12[%dma_wait3A_337] : memref<4x!tpu.dma_semaphore, #tpu.memory_space<semaphore_mem>> -> memref<1x!tpu.dma_semaphore, #tpu.memory_space<semaphore_mem>>
          %dma_wait3A_349 = tpu.memref_squeeze %dma_wait3A_348 : memref<1x!tpu.dma_semaphore, #tpu.memory_space<semaphore_mem>> -> memref<!tpu.dma_semaphore, #tpu.memory_space<semaphore_mem>>
          tpu.wait_indirect_dma semaphore(%dma_wait3A_349 : memref<!tpu.dma_semaphore, #tpu.memory_space<semaphore_mem>>) src(%dma_wait3A_341 : memref<80x128xf32, #tpu.memory_space<vmem>>) dst(%dma_wait3A_347 : memref<10000x128xf32, #tpu.memory_space<vmem_shared>>)
        } else {
        }
        %add3A_199 = arith.constant 3 : i32
        %add3A_200 = arith.addi %mul3A_131, %add3A_199 : i32
        %dma_start3A_201 = arith.constant 3 : i32
        %dma_start3A_202 = arith.constant 3 : i32
        %dma_start3A_203 = arith.constant 0 : i32
        %dma_start3A_204 = arith.constant 0 : i32
        %dma_start3A_205 = tpu.memref_slice %arg9[%dma_start3A_201, %dma_start3A_203, %dma_start3A_204] : memref<4x80x128xf32, #tpu.memory_space<vmem>> -> memref<1x80x128xf32, #tpu.memory_space<vmem>>
        %dma_start3A_206 = tpu.memref_squeeze %dma_start3A_205 : memref<1x80x128xf32, #tpu.memory_space<vmem>> -> memref<80x128xf32, #tpu.memory_space<vmem>>
        %dma_start3A_207 = arith.constant 0 : i32
        %dma_start3A_208 = tpu.memref_slice %arg7[%add3A_200, %dma_start3A_207] : memref<25x80xi32, #tpu.memory_space<vmem>> -> memref<1x80xi32, #tpu.memory_space<vmem>>
        %dma_start3A_209 = tpu.memref_squeeze %dma_start3A_208 : memref<1x80xi32, #tpu.memory_space<vmem>> -> memref<80xi32, #tpu.memory_space<vmem>>
        %dma_start3A_210 = arith.constant 0 : i32
        %dma_start3A_211 = arith.constant 0 : i32
        %dma_start3A_212 = tpu.memref_slice %arg2[%dma_start3A_210, %dma_start3A_211] : memref<10000x128xf32, #tpu.memory_space<hbm>> -> memref<10000x128xf32, #tpu.memory_space<hbm>>
        %dma_start3A_213 = tpu.memref_slice %arg11[%dma_start3A_202] : memref<4x!tpu.dma_semaphore, #tpu.memory_space<semaphore_mem>> -> memref<1x!tpu.dma_semaphore, #tpu.memory_space<semaphore_mem>>
        %dma_start3A_214 = tpu.memref_squeeze %dma_start3A_213 : memref<1x!tpu.dma_semaphore, #tpu.memory_space<semaphore_mem>> -> memref<!tpu.dma_semaphore, #tpu.memory_space<semaphore_mem>>
        tpu.enqueue_indirect_dma source(%dma_start3A_212 : memref<10000x128xf32, #tpu.memory_space<hbm>>) target(%dma_start3A_206 : memref<80x128xf32, #tpu.memory_space<vmem>>) offsets(%dma_start3A_209 : memref<80xi32, #tpu.memory_space<vmem>>) semaphore(%dma_start3A_214 : memref<!tpu.dma_semaphore, #tpu.memory_space<semaphore_mem>>)
        %dma_wait3A_215 = arith.constant 0 : i32
        %dma_wait3A_216 = arith.constant 0 : i32
        %dma_wait3A_217 = arith.constant 0 : i32
        %dma_wait3A_218 = arith.constant 0 : i32
        %dma_wait3A_219 = tpu.memref_slice %arg9[%dma_wait3A_215, %dma_wait3A_217, %dma_wait3A_218] : memref<4x80x128xf32, #tpu.memory_space<vmem>> -> memref<1x80x128xf32, #tpu.memory_space<vmem>>
        %dma_wait3A_220 = tpu.memref_squeeze %dma_wait3A_219 : memref<1x80x128xf32, #tpu.memory_space<vmem>> -> memref<80x128xf32, #tpu.memory_space<vmem>>
        %dma_wait3A_221 = arith.constant 0 : i32
        %dma_wait3A_222 = tpu.memref_slice %arg7[%add3A_137, %dma_wait3A_221] : memref<25x80xi32, #tpu.memory_space<vmem>> -> memref<1x80xi32, #tpu.memory_space<vmem>>
        %dma_wait3A_223 = tpu.memref_squeeze %dma_wait3A_222 : memref<1x80xi32, #tpu.memory_space<vmem>> -> memref<80xi32, #tpu.memory_space<vmem>>
        %dma_wait3A_224 = arith.constant 0 : i32
        %dma_wait3A_225 = arith.constant 0 : i32
        %dma_wait3A_226 = tpu.memref_slice %arg2[%dma_wait3A_224, %dma_wait3A_225] : memref<10000x128xf32, #tpu.memory_space<hbm>> -> memref<10000x128xf32, #tpu.memory_space<hbm>>
        %dma_wait3A_227 = tpu.memref_slice %arg11[%dma_wait3A_216] : memref<4x!tpu.dma_semaphore, #tpu.memory_space<semaphore_mem>> -> memref<1x!tpu.dma_semaphore, #tpu.memory_space<semaphore_mem>>
        %dma_wait3A_228 = tpu.memref_squeeze %dma_wait3A_227 : memref<1x!tpu.dma_semaphore, #tpu.memory_space<semaphore_mem>> -> memref<!tpu.dma_semaphore, #tpu.memory_space<semaphore_mem>>
        tpu.wait_indirect_dma semaphore(%dma_wait3A_228 : memref<!tpu.dma_semaphore, #tpu.memory_space<semaphore_mem>>) src(%dma_wait3A_226 : memref<10000x128xf32, #tpu.memory_space<hbm>>) dst(%dma_wait3A_220 : memref<80x128xf32, #tpu.memory_space<vmem>>)
        %add3A_229 = arith.constant 0 : i32
        %add3A_230 = arith.addi %mul3A_131, %add3A_229 : i32
        %dma_start3A_231 = arith.constant 0 : i32
        %dma_start3A_232 = arith.constant 0 : i32
        %dma_start3A_233 = arith.constant 0 : i32
        %dma_start3A_234 = arith.constant 0 : i32
        %dma_start3A_235 = tpu.memref_slice %arg9[%dma_start3A_231, %dma_start3A_233, %dma_start3A_234] : memref<4x80x128xf32, #tpu.memory_space<vmem>> -> memref<1x80x128xf32, #tpu.memory_space<vmem>>
        %dma_start3A_236 = tpu.memref_squeeze %dma_start3A_235 : memref<1x80x128xf32, #tpu.memory_space<vmem>> -> memref<80x128xf32, #tpu.memory_space<vmem>>
        %dma_start3A_237 = arith.constant 0 : i32
        %dma_start3A_238 = tpu.memref_slice %arg8[%add3A_230, %dma_start3A_237] : memref<25x80xi32, #tpu.memory_space<vmem>> -> memref<1x80xi32, #tpu.memory_space<vmem>>
        %dma_start3A_239 = tpu.memref_squeeze %dma_start3A_238 : memref<1x80xi32, #tpu.memory_space<vmem>> -> memref<80xi32, #tpu.memory_space<vmem>>
        %dma_start3A_240 = arith.constant 0 : i32
        %dma_start3A_241 = arith.constant 0 : i32
        %dma_start3A_242 = tpu.memref_slice %arg10[%dma_start3A_240, %dma_start3A_241] : memref<10000x128xf32, #tpu.memory_space<vmem_shared>> -> memref<10000x128xf32, #tpu.memory_space<vmem_shared>>
        %dma_start3A_243 = tpu.memref_slice %arg12[%dma_start3A_232] : memref<4x!tpu.dma_semaphore, #tpu.memory_space<semaphore_mem>> -> memref<1x!tpu.dma_semaphore, #tpu.memory_space<semaphore_mem>>
        %dma_start3A_244 = tpu.memref_squeeze %dma_start3A_243 : memref<1x!tpu.dma_semaphore, #tpu.memory_space<semaphore_mem>> -> memref<!tpu.dma_semaphore, #tpu.memory_space<semaphore_mem>>
        tpu.enqueue_indirect_dma source(%dma_start3A_236 : memref<80x128xf32, #tpu.memory_space<vmem>>) target(%dma_start3A_242 : memref<10000x128xf32, #tpu.memory_space<vmem_shared>>) offsets(%dma_start3A_239 : memref<80xi32, #tpu.memory_space<vmem>>) semaphore(%dma_start3A_244 : memref<!tpu.dma_semaphore, #tpu.memory_space<semaphore_mem>>) {add = true}
        %dma_wait3A_245 = arith.constant 1 : i32
        %dma_wait3A_246 = arith.constant 1 : i32
        %dma_wait3A_247 = arith.constant 0 : i32
        %dma_wait3A_248 = arith.constant 0 : i32
        %dma_wait3A_249 = tpu.memref_slice %arg9[%dma_wait3A_245, %dma_wait3A_247, %dma_wait3A_248] : memref<4x80x128xf32, #tpu.memory_space<vmem>> -> memref<1x80x128xf32, #tpu.memory_space<vmem>>
        %dma_wait3A_250 = tpu.memref_squeeze %dma_wait3A_249 : memref<1x80x128xf32, #tpu.memory_space<vmem>> -> memref<80x128xf32, #tpu.memory_space<vmem>>
        %dma_wait3A_251 = arith.constant 0 : i32
        %dma_wait3A_252 = tpu.memref_slice %arg7[%add3A_158, %dma_wait3A_251] : memref<25x80xi32, #tpu.memory_space<vmem>> -> memref<1x80xi32, #tpu.memory_space<vmem>>
        %dma_wait3A_253 = tpu.memref_squeeze %dma_wait3A_252 : memref<1x80xi32, #tpu.memory_space<vmem>> -> memref<80xi32, #tpu.memory_space<vmem>>
        %dma_wait3A_254 = arith.constant 0 : i32
        %dma_wait3A_255 = arith.constant 0 : i32
        %dma_wait3A_256 = tpu.memref_slice %arg2[%dma_wait3A_254, %dma_wait3A_255] : memref<10000x128xf32, #tpu.memory_space<hbm>> -> memref<10000x128xf32, #tpu.memory_space<hbm>>
        %dma_wait3A_257 = tpu.memref_slice %arg11[%dma_wait3A_246] : memref<4x!tpu.dma_semaphore, #tpu.memory_space<semaphore_mem>> -> memref<1x!tpu.dma_semaphore, #tpu.memory_space<semaphore_mem>>
        %dma_wait3A_258 = tpu.memref_squeeze %dma_wait3A_257 : memref<1x!tpu.dma_semaphore, #tpu.memory_space<semaphore_mem>> -> memref<!tpu.dma_semaphore, #tpu.memory_space<semaphore_mem>>
        tpu.wait_indirect_dma semaphore(%dma_wait3A_258 : memref<!tpu.dma_semaphore, #tpu.memory_space<semaphore_mem>>) src(%dma_wait3A_256 : memref<10000x128xf32, #tpu.memory_space<hbm>>) dst(%dma_wait3A_250 : memref<80x128xf32, #tpu.memory_space<vmem>>)
        %add3A_259 = arith.constant 1 : i32
        %add3A_260 = arith.addi %mul3A_131, %add3A_259 : i32
        %dma_start3A_261 = arith.constant 1 : i32
        %dma_start3A_262 = arith.constant 1 : i32
        %dma_start3A_263 = arith.constant 0 : i32
        %dma_start3A_264 = arith.constant 0 : i32
        %dma_start3A_265 = tpu.memref_slice %arg9[%dma_start3A_261, %dma_start3A_263, %dma_start3A_264] : memref<4x80x128xf32, #tpu.memory_space<vmem>> -> memref<1x80x128xf32, #tpu.memory_space<vmem>>
        %dma_start3A_266 = tpu.memref_squeeze %dma_start3A_265 : memref<1x80x128xf32, #tpu.memory_space<vmem>> -> memref<80x128xf32, #tpu.memory_space<vmem>>
        %dma_start3A_267 = arith.constant 0 : i32
        %dma_start3A_268 = tpu.memref_slice %arg8[%add3A_260, %dma_start3A_267] : memref<25x80xi32, #tpu.memory_space<vmem>> -> memref<1x80xi32, #tpu.memory_space<vmem>>
        %dma_start3A_269 = tpu.memref_squeeze %dma_start3A_268 : memref<1x80xi32, #tpu.memory_space<vmem>> -> memref<80xi32, #tpu.memory_space<vmem>>
        %dma_start3A_270 = arith.constant 0 : i32
        %dma_start3A_271 = arith.constant 0 : i32
        %dma_start3A_272 = tpu.memref_slice %arg10[%dma_start3A_270, %dma_start3A_271] : memref<10000x128xf32, #tpu.memory_space<vmem_shared>> -> memref<10000x128xf32, #tpu.memory_space<vmem_shared>>
        %dma_start3A_273 = tpu.memref_slice %arg12[%dma_start3A_262] : memref<4x!tpu.dma_semaphore, #tpu.memory_space<semaphore_mem>> -> memref<1x!tpu.dma_semaphore, #tpu.memory_space<semaphore_mem>>
        %dma_start3A_274 = tpu.memref_squeeze %dma_start3A_273 : memref<1x!tpu.dma_semaphore, #tpu.memory_space<semaphore_mem>> -> memref<!tpu.dma_semaphore, #tpu.memory_space<semaphore_mem>>
        tpu.enqueue_indirect_dma source(%dma_start3A_266 : memref<80x128xf32, #tpu.memory_space<vmem>>) target(%dma_start3A_272 : memref<10000x128xf32, #tpu.memory_space<vmem_shared>>) offsets(%dma_start3A_269 : memref<80xi32, #tpu.memory_space<vmem>>) semaphore(%dma_start3A_274 : memref<!tpu.dma_semaphore, #tpu.memory_space<semaphore_mem>>) {add = true}
        %dma_wait3A_275 = arith.constant 2 : i32
        %dma_wait3A_276 = arith.constant 2 : i32
        %dma_wait3A_277 = arith.constant 0 : i32
        %dma_wait3A_278 = arith.constant 0 : i32
        %dma_wait3A_279 = tpu.memref_slice %arg9[%dma_wait3A_275, %dma_wait3A_277, %dma_wait3A_278] : memref<4x80x128xf32, #tpu.memory_space<vmem>> -> memref<1x80x128xf32, #tpu.memory_space<vmem>>
        %dma_wait3A_280 = tpu.memref_squeeze %dma_wait3A_279 : memref<1x80x128xf32, #tpu.memory_space<vmem>> -> memref<80x128xf32, #tpu.memory_space<vmem>>
        %dma_wait3A_281 = arith.constant 0 : i32
        %dma_wait3A_282 = tpu.memref_slice %arg7[%add3A_179, %dma_wait3A_281] : memref<25x80xi32, #tpu.memory_space<vmem>> -> memref<1x80xi32, #tpu.memory_space<vmem>>
        %dma_wait3A_283 = tpu.memref_squeeze %dma_wait3A_282 : memref<1x80xi32, #tpu.memory_space<vmem>> -> memref<80xi32, #tpu.memory_space<vmem>>
        %dma_wait3A_284 = arith.constant 0 : i32
        %dma_wait3A_285 = arith.constant 0 : i32
        %dma_wait3A_286 = tpu.memref_slice %arg2[%dma_wait3A_284, %dma_wait3A_285] : memref<10000x128xf32, #tpu.memory_space<hbm>> -> memref<10000x128xf32, #tpu.memory_space<hbm>>
        %dma_wait3A_287 = tpu.memref_slice %arg11[%dma_wait3A_276] : memref<4x!tpu.dma_semaphore, #tpu.memory_space<semaphore_mem>> -> memref<1x!tpu.dma_semaphore, #tpu.memory_space<semaphore_mem>>
        %dma_wait3A_288 = tpu.memref_squeeze %dma_wait3A_287 : memref<1x!tpu.dma_semaphore, #tpu.memory_space<semaphore_mem>> -> memref<!tpu.dma_semaphore, #tpu.memory_space<semaphore_mem>>
        tpu.wait_indirect_dma semaphore(%dma_wait3A_288 : memref<!tpu.dma_semaphore, #tpu.memory_space<semaphore_mem>>) src(%dma_wait3A_286 : memref<10000x128xf32, #tpu.memory_space<hbm>>) dst(%dma_wait3A_280 : memref<80x128xf32, #tpu.memory_space<vmem>>)
        %add3A_289 = arith.constant 2 : i32
        %add3A_290 = arith.addi %mul3A_131, %add3A_289 : i32
        %dma_start3A_291 = arith.constant 2 : i32
        %dma_start3A_292 = arith.constant 2 : i32
        %dma_start3A_293 = arith.constant 0 : i32
        %dma_start3A_294 = arith.constant 0 : i32
        %dma_start3A_295 = tpu.memref_slice %arg9[%dma_start3A_291, %dma_start3A_293, %dma_start3A_294] : memref<4x80x128xf32, #tpu.memory_space<vmem>> -> memref<1x80x128xf32, #tpu.memory_space<vmem>>
        %dma_start3A_296 = tpu.memref_squeeze %dma_start3A_295 : memref<1x80x128xf32, #tpu.memory_space<vmem>> -> memref<80x128xf32, #tpu.memory_space<vmem>>
        %dma_start3A_297 = arith.constant 0 : i32
        %dma_start3A_298 = tpu.memref_slice %arg8[%add3A_290, %dma_start3A_297] : memref<25x80xi32, #tpu.memory_space<vmem>> -> memref<1x80xi32, #tpu.memory_space<vmem>>
        %dma_start3A_299 = tpu.memref_squeeze %dma_start3A_298 : memref<1x80xi32, #tpu.memory_space<vmem>> -> memref<80xi32, #tpu.memory_space<vmem>>
        %dma_start3A_300 = arith.constant 0 : i32
        %dma_start3A_301 = arith.constant 0 : i32
        %dma_start3A_302 = tpu.memref_slice %arg10[%dma_start3A_300, %dma_start3A_301] : memref<10000x128xf32, #tpu.memory_space<vmem_shared>> -> memref<10000x128xf32, #tpu.memory_space<vmem_shared>>
        %dma_start3A_303 = tpu.memref_slice %arg12[%dma_start3A_292] : memref<4x!tpu.dma_semaphore, #tpu.memory_space<semaphore_mem>> -> memref<1x!tpu.dma_semaphore, #tpu.memory_space<semaphore_mem>>
        %dma_start3A_304 = tpu.memref_squeeze %dma_start3A_303 : memref<1x!tpu.dma_semaphore, #tpu.memory_space<semaphore_mem>> -> memref<!tpu.dma_semaphore, #tpu.memory_space<semaphore_mem>>
        tpu.enqueue_indirect_dma source(%dma_start3A_296 : memref<80x128xf32, #tpu.memory_space<vmem>>) target(%dma_start3A_302 : memref<10000x128xf32, #tpu.memory_space<vmem_shared>>) offsets(%dma_start3A_299 : memref<80xi32, #tpu.memory_space<vmem>>) semaphore(%dma_start3A_304 : memref<!tpu.dma_semaphore, #tpu.memory_space<semaphore_mem>>) {add = true}
        %dma_wait3A_305 = arith.constant 3 : i32
        %dma_wait3A_306 = arith.constant 3 : i32
        %dma_wait3A_307 = arith.constant 0 : i32
        %dma_wait3A_308 = arith.constant 0 : i32
        %dma_wait3A_309 = tpu.memref_slice %arg9[%dma_wait3A_305, %dma_wait3A_307, %dma_wait3A_308] : memref<4x80x128xf32, #tpu.memory_space<vmem>> -> memref<1x80x128xf32, #tpu.memory_space<vmem>>
        %dma_wait3A_310 = tpu.memref_squeeze %dma_wait3A_309 : memref<1x80x128xf32, #tpu.memory_space<vmem>> -> memref<80x128xf32, #tpu.memory_space<vmem>>
        %dma_wait3A_311 = arith.constant 0 : i32
        %dma_wait3A_312 = tpu.memref_slice %arg7[%add3A_200, %dma_wait3A_311] : memref<25x80xi32, #tpu.memory_space<vmem>> -> memref<1x80xi32, #tpu.memory_space<vmem>>
        %dma_wait3A_313 = tpu.memref_squeeze %dma_wait3A_312 : memref<1x80xi32, #tpu.memory_space<vmem>> -> memref<80xi32, #tpu.memory_space<vmem>>
        %dma_wait3A_314 = arith.constant 0 : i32
        %dma_wait3A_315 = arith.constant 0 : i32
        %dma_wait3A_316 = tpu.memref_slice %arg2[%dma_wait3A_314, %dma_wait3A_315] : memref<10000x128xf32, #tpu.memory_space<hbm>> -> memref<10000x128xf32, #tpu.memory_space<hbm>>
        %dma_wait3A_317 = tpu.memref_slice %arg11[%dma_wait3A_306] : memref<4x!tpu.dma_semaphore, #tpu.memory_space<semaphore_mem>> -> memref<1x!tpu.dma_semaphore, #tpu.memory_space<semaphore_mem>>
        %dma_wait3A_318 = tpu.memref_squeeze %dma_wait3A_317 : memref<1x!tpu.dma_semaphore, #tpu.memory_space<semaphore_mem>> -> memref<!tpu.dma_semaphore, #tpu.memory_space<semaphore_mem>>
        tpu.wait_indirect_dma semaphore(%dma_wait3A_318 : memref<!tpu.dma_semaphore, #tpu.memory_space<semaphore_mem>>) src(%dma_wait3A_316 : memref<10000x128xf32, #tpu.memory_space<hbm>>) dst(%dma_wait3A_310 : memref<80x128xf32, #tpu.memory_space<vmem>>)
        %add3A_319 = arith.constant 3 : i32
        %add3A_320 = arith.addi %mul3A_131, %add3A_319 : i32
        %dma_start3A_321 = arith.constant 3 : i32
        %dma_start3A_322 = arith.constant 3 : i32
        %dma_start3A_323 = arith.constant 0 : i32
        %dma_start3A_324 = arith.constant 0 : i32
        %dma_start3A_325 = tpu.memref_slice %arg9[%dma_start3A_321, %dma_start3A_323, %dma_start3A_324] : memref<4x80x128xf32, #tpu.memory_space<vmem>> -> memref<1x80x128xf32, #tpu.memory_space<vmem>>
        %dma_start3A_326 = tpu.memref_squeeze %dma_start3A_325 : memref<1x80x128xf32, #tpu.memory_space<vmem>> -> memref<80x128xf32, #tpu.memory_space<vmem>>
        %dma_start3A_327 = arith.constant 0 : i32
        %dma_start3A_328 = tpu.memref_slice %arg8[%add3A_320, %dma_start3A_327] : memref<25x80xi32, #tpu.memory_space<vmem>> -> memref<1x80xi32, #tpu.memory_space<vmem>>
        %dma_start3A_329 = tpu.memref_squeeze %dma_start3A_328 : memref<1x80xi32, #tpu.memory_space<vmem>> -> memref<80xi32, #tpu.memory_space<vmem>>
        %dma_start3A_330 = arith.constant 0 : i32
        %dma_start3A_331 = arith.constant 0 : i32
        %dma_start3A_332 = tpu.memref_slice %arg10[%dma_start3A_330, %dma_start3A_331] : memref<10000x128xf32, #tpu.memory_space<vmem_shared>> -> memref<10000x128xf32, #tpu.memory_space<vmem_shared>>
        %dma_start3A_333 = tpu.memref_slice %arg12[%dma_start3A_322] : memref<4x!tpu.dma_semaphore, #tpu.memory_space<semaphore_mem>> -> memref<1x!tpu.dma_semaphore, #tpu.memory_space<semaphore_mem>>
        %dma_start3A_334 = tpu.memref_squeeze %dma_start3A_333 : memref<1x!tpu.dma_semaphore, #tpu.memory_space<semaphore_mem>> -> memref<!tpu.dma_semaphore, #tpu.memory_space<semaphore_mem>>
        tpu.enqueue_indirect_dma source(%dma_start3A_326 : memref<80x128xf32, #tpu.memory_space<vmem>>) target(%dma_start3A_332 : memref<10000x128xf32, #tpu.memory_space<vmem_shared>>) offsets(%dma_start3A_329 : memref<80xi32, #tpu.memory_space<vmem>>) semaphore(%dma_start3A_334 : memref<!tpu.dma_semaphore, #tpu.memory_space<semaphore_mem>>) {add = true}
      }
      %scan3A_35 = arith.constant 6 : i32
      %dma_wait3A = arith.constant 0 : i32
      %dma_wait3A_36 = arith.constant 0 : i32
      %dma_wait3A_37 = arith.constant 0 : i32
      %dma_wait3A_38 = arith.constant 0 : i32
      %dma_wait3A_39 = arith.constant 0 : i32
      %dma_wait3A_40 = tpu.memref_slice %arg9[%dma_wait3A, %dma_wait3A_38, %dma_wait3A_39] : memref<4x80x128xf32, #tpu.memory_space<vmem>> -> memref<1x80x128xf32, #tpu.memory_space<vmem>>
      %dma_wait3A_41 = tpu.memref_squeeze %dma_wait3A_40 : memref<1x80x128xf32, #tpu.memory_space<vmem>> -> memref<80x128xf32, #tpu.memory_space<vmem>>
      %dma_wait3A_42 = arith.constant 0 : i32
      %dma_wait3A_43 = tpu.memref_slice %arg8[%dma_wait3A_36, %dma_wait3A_42] : memref<25x80xi32, #tpu.memory_space<vmem>> -> memref<1x80xi32, #tpu.memory_space<vmem>>
      %dma_wait3A_44 = tpu.memref_squeeze %dma_wait3A_43 : memref<1x80xi32, #tpu.memory_space<vmem>> -> memref<80xi32, #tpu.memory_space<vmem>>
      %dma_wait3A_45 = arith.constant 0 : i32
      %dma_wait3A_46 = arith.constant 0 : i32
      %dma_wait3A_47 = tpu.memref_slice %arg10[%dma_wait3A_45, %dma_wait3A_46] : memref<10000x128xf32, #tpu.memory_space<vmem_shared>> -> memref<10000x128xf32, #tpu.memory_space<vmem_shared>>
      %dma_wait3A_48 = tpu.memref_slice %arg12[%dma_wait3A_37] : memref<4x!tpu.dma_semaphore, #tpu.memory_space<semaphore_mem>> -> memref<1x!tpu.dma_semaphore, #tpu.memory_space<semaphore_mem>>
      %dma_wait3A_49 = tpu.memref_squeeze %dma_wait3A_48 : memref<1x!tpu.dma_semaphore, #tpu.memory_space<semaphore_mem>> -> memref<!tpu.dma_semaphore, #tpu.memory_space<semaphore_mem>>
      tpu.wait_indirect_dma semaphore(%dma_wait3A_49 : memref<!tpu.dma_semaphore, #tpu.memory_space<semaphore_mem>>) src(%dma_wait3A_41 : memref<80x128xf32, #tpu.memory_space<vmem>>) dst(%dma_wait3A_47 : memref<10000x128xf32, #tpu.memory_space<vmem_shared>>)
      %dma_start3A = arith.constant 24 : i32
      %dma_start3A_50 = arith.constant 0 : i32
      %dma_start3A_51 = arith.constant 0 : i32
      %dma_start3A_52 = arith.constant 0 : i32
      %dma_start3A_53 = arith.constant 0 : i32
      %dma_start3A_54 = tpu.memref_slice %arg9[%dma_start3A_50, %dma_start3A_52, %dma_start3A_53] : memref<4x80x128xf32, #tpu.memory_space<vmem>> -> memref<1x80x128xf32, #tpu.memory_space<vmem>>
      %dma_start3A_55 = tpu.memref_squeeze %dma_start3A_54 : memref<1x80x128xf32, #tpu.memory_space<vmem>> -> memref<80x128xf32, #tpu.memory_space<vmem>>
      %dma_start3A_56 = arith.constant 0 : i32
      %dma_start3A_57 = tpu.memref_slice %arg7[%dma_start3A, %dma_start3A_56] : memref<25x80xi32, #tpu.memory_space<vmem>> -> memref<1x80xi32, #tpu.memory_space<vmem>>
      %dma_start3A_58 = tpu.memref_squeeze %dma_start3A_57 : memref<1x80xi32, #tpu.memory_space<vmem>> -> memref<80xi32, #tpu.memory_space<vmem>>
      %dma_start3A_59 = arith.constant 0 : i32
      %dma_start3A_60 = arith.constant 0 : i32
      %dma_start3A_61 = tpu.memref_slice %arg2[%dma_start3A_59, %dma_start3A_60] : memref<10000x128xf32, #tpu.memory_space<hbm>> -> memref<10000x128xf32, #tpu.memory_space<hbm>>
      %dma_start3A_62 = tpu.memref_slice %arg11[%dma_start3A_51] : memref<4x!tpu.dma_semaphore, #tpu.memory_space<semaphore_mem>> -> memref<1x!tpu.dma_semaphore, #tpu.memory_space<semaphore_mem>>
      %dma_start3A_63 = tpu.memref_squeeze %dma_start3A_62 : memref<1x!tpu.dma_semaphore, #tpu.memory_space<semaphore_mem>> -> memref<!tpu.dma_semaphore, #tpu.memory_space<semaphore_mem>>
      tpu.enqueue_indirect_dma source(%dma_start3A_61 : memref<10000x128xf32, #tpu.memory_space<hbm>>) target(%dma_start3A_55 : memref<80x128xf32, #tpu.memory_space<vmem>>) offsets(%dma_start3A_58 : memref<80xi32, #tpu.memory_space<vmem>>) semaphore(%dma_start3A_63 : memref<!tpu.dma_semaphore, #tpu.memory_space<semaphore_mem>>)
      %dma_wait3A_64 = arith.constant 1 : i32
      %dma_wait3A_65 = arith.constant 0 : i32
      %dma_wait3A_66 = arith.constant 1 : i32
      %dma_wait3A_67 = arith.constant 0 : i32
      %dma_wait3A_68 = arith.constant 0 : i32
      %dma_wait3A_69 = tpu.memref_slice %arg9[%dma_wait3A_64, %dma_wait3A_67, %dma_wait3A_68] : memref<4x80x128xf32, #tpu.memory_space<vmem>> -> memref<1x80x128xf32, #tpu.memory_space<vmem>>
      %dma_wait3A_70 = tpu.memref_squeeze %dma_wait3A_69 : memref<1x80x128xf32, #tpu.memory_space<vmem>> -> memref<80x128xf32, #tpu.memory_space<vmem>>
      %dma_wait3A_71 = arith.constant 0 : i32
      %dma_wait3A_72 = tpu.memref_slice %arg8[%dma_wait3A_65, %dma_wait3A_71] : memref<25x80xi32, #tpu.memory_space<vmem>> -> memref<1x80xi32, #tpu.memory_space<vmem>>
      %dma_wait3A_73 = tpu.memref_squeeze %dma_wait3A_72 : memref<1x80xi32, #tpu.memory_space<vmem>> -> memref<80xi32, #tpu.memory_space<vmem>>
      %dma_wait3A_74 = arith.constant 0 : i32
      %dma_wait3A_75 = arith.constant 0 : i32
      %dma_wait3A_76 = tpu.memref_slice %arg10[%dma_wait3A_74, %dma_wait3A_75] : memref<10000x128xf32, #tpu.memory_space<vmem_shared>> -> memref<10000x128xf32, #tpu.memory_space<vmem_shared>>
      %dma_wait3A_77 = tpu.memref_slice %arg12[%dma_wait3A_66] : memref<4x!tpu.dma_semaphore, #tpu.memory_space<semaphore_mem>> -> memref<1x!tpu.dma_semaphore, #tpu.memory_space<semaphore_mem>>
      %dma_wait3A_78 = tpu.memref_squeeze %dma_wait3A_77 : memref<1x!tpu.dma_semaphore, #tpu.memory_space<semaphore_mem>> -> memref<!tpu.dma_semaphore, #tpu.memory_space<semaphore_mem>>
      tpu.wait_indirect_dma semaphore(%dma_wait3A_78 : memref<!tpu.dma_semaphore, #tpu.memory_space<semaphore_mem>>) src(%dma_wait3A_70 : memref<80x128xf32, #tpu.memory_space<vmem>>) dst(%dma_wait3A_76 : memref<10000x128xf32, #tpu.memory_space<vmem_shared>>)
      %dma_wait3A_79 = arith.constant 2 : i32
      %dma_wait3A_80 = arith.constant 0 : i32
      %dma_wait3A_81 = arith.constant 2 : i32
      %dma_wait3A_82 = arith.constant 0 : i32
      %dma_wait3A_83 = arith.constant 0 : i32
      %dma_wait3A_84 = tpu.memref_slice %arg9[%dma_wait3A_79, %dma_wait3A_82, %dma_wait3A_83] : memref<4x80x128xf32, #tpu.memory_space<vmem>> -> memref<1x80x128xf32, #tpu.memory_space<vmem>>
      %dma_wait3A_85 = tpu.memref_squeeze %dma_wait3A_84 : memref<1x80x128xf32, #tpu.memory_space<vmem>> -> memref<80x128xf32, #tpu.memory_space<vmem>>
      %dma_wait3A_86 = arith.constant 0 : i32
      %dma_wait3A_87 = tpu.memref_slice %arg8[%dma_wait3A_80, %dma_wait3A_86] : memref<25x80xi32, #tpu.memory_space<vmem>> -> memref<1x80xi32, #tpu.memory_space<vmem>>
      %dma_wait3A_88 = tpu.memref_squeeze %dma_wait3A_87 : memref<1x80xi32, #tpu.memory_space<vmem>> -> memref<80xi32, #tpu.memory_space<vmem>>
      %dma_wait3A_89 = arith.constant 0 : i32
      %dma_wait3A_90 = arith.constant 0 : i32
      %dma_wait3A_91 = tpu.memref_slice %arg10[%dma_wait3A_89, %dma_wait3A_90] : memref<10000x128xf32, #tpu.memory_space<vmem_shared>> -> memref<10000x128xf32, #tpu.memory_space<vmem_shared>>
      %dma_wait3A_92 = tpu.memref_slice %arg12[%dma_wait3A_81] : memref<4x!tpu.dma_semaphore, #tpu.memory_space<semaphore_mem>> -> memref<1x!tpu.dma_semaphore, #tpu.memory_space<semaphore_mem>>
      %dma_wait3A_93 = tpu.memref_squeeze %dma_wait3A_92 : memref<1x!tpu.dma_semaphore, #tpu.memory_space<semaphore_mem>> -> memref<!tpu.dma_semaphore, #tpu.memory_space<semaphore_mem>>
      tpu.wait_indirect_dma semaphore(%dma_wait3A_93 : memref<!tpu.dma_semaphore, #tpu.memory_space<semaphore_mem>>) src(%dma_wait3A_85 : memref<80x128xf32, #tpu.memory_space<vmem>>) dst(%dma_wait3A_91 : memref<10000x128xf32, #tpu.memory_space<vmem_shared>>)
      %dma_wait3A_94 = arith.constant 3 : i32
      %dma_wait3A_95 = arith.constant 0 : i32
      %dma_wait3A_96 = arith.constant 3 : i32
      %dma_wait3A_97 = arith.constant 0 : i32
      %dma_wait3A_98 = arith.constant 0 : i32
      %dma_wait3A_99 = tpu.memref_slice %arg9[%dma_wait3A_94, %dma_wait3A_97, %dma_wait3A_98] : memref<4x80x128xf32, #tpu.memory_space<vmem>> -> memref<1x80x128xf32, #tpu.memory_space<vmem>>
      %dma_wait3A_100 = tpu.memref_squeeze %dma_wait3A_99 : memref<1x80x128xf32, #tpu.memory_space<vmem>> -> memref<80x128xf32, #tpu.memory_space<vmem>>
      %dma_wait3A_101 = arith.constant 0 : i32
      %dma_wait3A_102 = tpu.memref_slice %arg8[%dma_wait3A_95, %dma_wait3A_101] : memref<25x80xi32, #tpu.memory_space<vmem>> -> memref<1x80xi32, #tpu.memory_space<vmem>>
      %dma_wait3A_103 = tpu.memref_squeeze %dma_wait3A_102 : memref<1x80xi32, #tpu.memory_space<vmem>> -> memref<80xi32, #tpu.memory_space<vmem>>
      %dma_wait3A_104 = arith.constant 0 : i32
      %dma_wait3A_105 = arith.constant 0 : i32
      %dma_wait3A_106 = tpu.memref_slice %arg10[%dma_wait3A_104, %dma_wait3A_105] : memref<10000x128xf32, #tpu.memory_space<vmem_shared>> -> memref<10000x128xf32, #tpu.memory_space<vmem_shared>>
      %dma_wait3A_107 = tpu.memref_slice %arg12[%dma_wait3A_96] : memref<4x!tpu.dma_semaphore, #tpu.memory_space<semaphore_mem>> -> memref<1x!tpu.dma_semaphore, #tpu.memory_space<semaphore_mem>>
      %dma_wait3A_108 = tpu.memref_squeeze %dma_wait3A_107 : memref<1x!tpu.dma_semaphore, #tpu.memory_space<semaphore_mem>> -> memref<!tpu.dma_semaphore, #tpu.memory_space<semaphore_mem>>
      tpu.wait_indirect_dma semaphore(%dma_wait3A_108 : memref<!tpu.dma_semaphore, #tpu.memory_space<semaphore_mem>>) src(%dma_wait3A_100 : memref<80x128xf32, #tpu.memory_space<vmem>>) dst(%dma_wait3A_106 : memref<10000x128xf32, #tpu.memory_space<vmem_shared>>)
      %dma_wait3A_109 = arith.constant 24 : i32
      %dma_wait3A_110 = arith.constant 0 : i32
      %dma_wait3A_111 = arith.constant 0 : i32
      %dma_wait3A_112 = arith.constant 0 : i32
      %dma_wait3A_113 = arith.constant 0 : i32
      %dma_wait3A_114 = tpu.memref_slice %arg9[%dma_wait3A_110, %dma_wait3A_112, %dma_wait3A_113] : memref<4x80x128xf32, #tpu.memory_space<vmem>> -> memref<1x80x128xf32, #tpu.memory_space<vmem>>
      %dma_wait3A_115 = tpu.memref_squeeze %dma_wait3A_114 : memref<1x80x128xf32, #tpu.memory_space<vmem>> -> memref<80x128xf32, #tpu.memory_space<vmem>>
      %dma_wait3A_116 = arith.constant 0 : i32
      %dma_wait3A_117 = tpu.memref_slice %arg7[%dma_wait3A_109, %dma_wait3A_116] : memref<25x80xi32, #tpu.memory_space<vmem>> -> memref<1x80xi32, #tpu.memory_space<vmem>>
      %dma_wait3A_118 = tpu.memref_squeeze %dma_wait3A_117 : memref<1x80xi32, #tpu.memory_space<vmem>> -> memref<80xi32, #tpu.memory_space<vmem>>
      %dma_wait3A_119 = arith.constant 0 : i32
      %dma_wait3A_120 = arith.constant 0 : i32
      %dma_wait3A_121 = tpu.memref_slice %arg2[%dma_wait3A_119, %dma_wait3A_120] : memref<10000x128xf32, #tpu.memory_space<hbm>> -> memref<10000x128xf32, #tpu.memory_space<hbm>>
      %dma_wait3A_122 = tpu.memref_slice %arg11[%dma_wait3A_111] : memref<4x!tpu.dma_semaphore, #tpu.memory_space<semaphore_mem>> -> memref<1x!tpu.dma_semaphore, #tpu.memory_space<semaphore_mem>>
      %dma_wait3A_123 = tpu.memref_squeeze %dma_wait3A_122 : memref<1x!tpu.dma_semaphore, #tpu.memory_space<semaphore_mem>> -> memref<!tpu.dma_semaphore, #tpu.memory_space<semaphore_mem>>
      tpu.wait_indirect_dma semaphore(%dma_wait3A_123 : memref<!tpu.dma_semaphore, #tpu.memory_space<semaphore_mem>>) src(%dma_wait3A_121 : memref<10000x128xf32, #tpu.memory_space<hbm>>) dst(%dma_wait3A_115 : memref<80x128xf32, #tpu.memory_space<vmem>>)
      %run_scoped3A = arith.constant 0 : i32
      %run_scoped3A_124 = arith.constant 24 : i32
      "tpu.region"() ({
        %run_scoped3A_125 = tpu.sem_alloc : memref<!tpu.dma_semaphore, #tpu.memory_space<semaphore_mem>>
        %dma_start3A_126 = arith.constant 0 : i32
        %dma_start3A_127 = arith.constant 0 : i32
        %dma_start3A_128 = tpu.memref_slice %arg9[%run_scoped3A, %dma_start3A_126, %dma_start3A_127] : memref<4x80x128xf32, #tpu.memory_space<vmem>> -> memref<1x80x128xf32, #tpu.memory_space<vmem>>
        %dma_start3A_129 = tpu.memref_squeeze %dma_start3A_128 : memref<1x80x128xf32, #tpu.memory_space<vmem>> -> memref<80x128xf32, #tpu.memory_space<vmem>>
        %dma_start3A_130 = arith.constant 0 : i32
        %dma_start3A_131 = tpu.memref_slice %arg8[%run_scoped3A_124, %dma_start3A_130] : memref<25x80xi32, #tpu.memory_space<vmem>> -> memref<1x80xi32, #tpu.memory_space<vmem>>
        %dma_start3A_132 = tpu.memref_squeeze %dma_start3A_131 : memref<1x80xi32, #tpu.memory_space<vmem>> -> memref<80xi32, #tpu.memory_space<vmem>>
        %dma_start3A_133 = arith.constant 0 : i32
        %dma_start3A_134 = arith.constant 0 : i32
        %dma_start3A_135 = tpu.memref_slice %arg10[%dma_start3A_133, %dma_start3A_134] : memref<10000x128xf32, #tpu.memory_space<vmem_shared>> -> memref<10000x128xf32, #tpu.memory_space<vmem_shared>>
        tpu.enqueue_indirect_dma source(%dma_start3A_129 : memref<80x128xf32, #tpu.memory_space<vmem>>) target(%dma_start3A_135 : memref<10000x128xf32, #tpu.memory_space<vmem_shared>>) offsets(%dma_start3A_132 : memref<80xi32, #tpu.memory_space<vmem>>) semaphore(%run_scoped3A_125 : memref<!tpu.dma_semaphore, #tpu.memory_space<semaphore_mem>>) {add = true}
        %dma_wait3A_136 = arith.constant 0 : i32
        %dma_wait3A_137 = arith.constant 0 : i32
        %dma_wait3A_138 = tpu.memref_slice %arg9[%run_scoped3A, %dma_wait3A_136, %dma_wait3A_137] : memref<4x80x128xf32, #tpu.memory_space<vmem>> -> memref<1x80x128xf32, #tpu.memory_space<vmem>>
        %dma_wait3A_139 = tpu.memref_squeeze %dma_wait3A_138 : memref<1x80x128xf32, #tpu.memory_space<vmem>> -> memref<80x128xf32, #tpu.memory_space<vmem>>
        %dma_wait3A_140 = arith.constant 0 : i32
        %dma_wait3A_141 = tpu.memref_slice %arg8[%run_scoped3A_124, %dma_wait3A_140] : memref<25x80xi32, #tpu.memory_space<vmem>> -> memref<1x80xi32, #tpu.memory_space<vmem>>
        %dma_wait3A_142 = tpu.memref_squeeze %dma_wait3A_141 : memref<1x80xi32, #tpu.memory_space<vmem>> -> memref<80xi32, #tpu.memory_space<vmem>>
        %dma_wait3A_143 = arith.constant 0 : i32
        %dma_wait3A_144 = arith.constant 0 : i32
        %dma_wait3A_145 = tpu.memref_slice %arg10[%dma_wait3A_143, %dma_wait3A_144] : memref<10000x128xf32, #tpu.memory_space<vmem_shared>> -> memref<10000x128xf32, #tpu.memory_space<vmem_shared>>
        tpu.wait_indirect_dma semaphore(%run_scoped3A_125 : memref<!tpu.dma_semaphore, #tpu.memory_space<semaphore_mem>>) src(%dma_wait3A_139 : memref<80x128xf32, #tpu.memory_space<vmem>>) dst(%dma_wait3A_145 : memref<10000x128xf32, #tpu.memory_space<vmem_shared>>)
        tpu.yield
      }) : () -> ()
    }
    %scan3A_10 = arith.constant 5 : i32
    %barrier3A = arith.constant 0 : index
    tpu.barrier barrier_id(%barrier3A)
    %lt3A_11 = arith.constant 15 : i32
    %lt3A_12 = arith.cmpi slt, %arg1, %lt3A_11 : i32
    %convert_element_type3A_13 = arith.extui %lt3A_12 : i1 to i32
    %cond3A_14 = arith.constant 0 : i32
    %cond3A_15 = arith.cmpi ne, %convert_element_type3A_13, %cond3A_14 : i32
    scf.if %cond3A_15 {
      %mul3A_21 = arith.constant 624 : i32
      %mul3A_22 = arith.muli %arg1, %mul3A_21 : i32
      %mul3A_23 = arith.constant 624 : i32
      %mul3A_24 = arith.muli %arg1, %mul3A_23 : i32
      "tpu.region"() ({
        %run_scoped3A = tpu.sem_alloc : memref<!tpu.dma_semaphore, #tpu.memory_space<semaphore_mem>>
        %dma_start3A = arith.constant 0 : i32
        %dma_start3A_25 = tpu.memref_slice %arg6[%arg0, %mul3A_24, %dma_start3A] : memref<2x10000x128xf32, #tpu.memory_space<hbm>> -> memref<1x624x128xf32, #tpu.memory_space<hbm>>
        %dma_start3A_26 = tpu.memref_squeeze %dma_start3A_25 : memref<1x624x128xf32, #tpu.memory_space<hbm>> -> memref<624x128xf32, #tpu.memory_space<hbm>>
        %dma_start3A_27 = arith.constant 0 : i32
        %dma_start3A_28 = tpu.memref_slice %arg10[%mul3A_22, %dma_start3A_27] : memref<10000x128xf32, #tpu.memory_space<vmem_shared>> -> memref<624x128xf32, #tpu.memory_space<vmem_shared>>
        tpu.enqueue_dma source(%dma_start3A_28 : memref<624x128xf32, #tpu.memory_space<vmem_shared>>) target(%dma_start3A_26 : memref<624x128xf32, #tpu.memory_space<hbm>>) target_semaphore(%run_scoped3A : memref<!tpu.dma_semaphore, #tpu.memory_space<semaphore_mem>>)
        %dma_wait3A = arith.constant 0 : i32
        %dma_wait3A_29 = tpu.memref_slice %arg6[%arg0, %mul3A_24, %dma_wait3A] : memref<2x10000x128xf32, #tpu.memory_space<hbm>> -> memref<1x624x128xf32, #tpu.memory_space<hbm>>
        %dma_wait3A_30 = tpu.memref_squeeze %dma_wait3A_29 : memref<1x624x128xf32, #tpu.memory_space<hbm>> -> memref<624x128xf32, #tpu.memory_space<hbm>>
        %dma_wait3A_31 = arith.constant 0 : i32
        %dma_wait3A_32 = tpu.memref_slice %arg10[%mul3A_22, %dma_wait3A_31] : memref<10000x128xf32, #tpu.memory_space<vmem_shared>> -> memref<624x128xf32, #tpu.memory_space<vmem_shared>>
        tpu.wait_dma2 semaphore(%run_scoped3A : memref<!tpu.dma_semaphore, #tpu.memory_space<semaphore_mem>>) src(%dma_wait3A_32 : memref<624x128xf32, #tpu.memory_space<vmem_shared>>) dst(%dma_wait3A_30 : memref<624x128xf32, #tpu.memory_space<hbm>>)
        tpu.yield
      }) : () -> ()
    } else {
    }
    %eq3A_16 = arith.constant 15 : i32
    %eq3A_17 = arith.cmpi eq, %arg1, %eq3A_16 : i32
    %convert_element_type3A_18 = arith.extui %eq3A_17 : i1 to i32
    %cond3A_19 = arith.constant 0 : i32
    %cond3A_20 = arith.cmpi ne, %convert_element_type3A_18, %cond3A_19 : i32
    scf.if %cond3A_20 {
      "tpu.region"() ({
        %run_scoped3A = tpu.sem_alloc : memref<!tpu.dma_semaphore, #tpu.memory_space<semaphore_mem>>
        %dma_start3A = arith.constant 9360 : i32
        %dma_start3A_21 = arith.constant 0 : i32
        %dma_start3A_22 = tpu.memref_slice %arg6[%arg0, %dma_start3A, %dma_start3A_21] : memref<2x10000x128xf32, #tpu.memory_space<hbm>> -> memref<1x640x128xf32, #tpu.memory_space<hbm>>
        %dma_start3A_23 = tpu.memref_squeeze %dma_start3A_22 : memref<1x640x128xf32, #tpu.memory_space<hbm>> -> memref<640x128xf32, #tpu.memory_space<hbm>>
        %dma_start3A_24 = arith.constant 9360 : i32
        %dma_start3A_25 = arith.constant 0 : i32
        %dma_start3A_26 = tpu.memref_slice %arg10[%dma_start3A_24, %dma_start3A_25] : memref<10000x128xf32, #tpu.memory_space<vmem_shared>> -> memref<640x128xf32, #tpu.memory_space<vmem_shared>>
        tpu.enqueue_dma source(%dma_start3A_26 : memref<640x128xf32, #tpu.memory_space<vmem_shared>>) target(%dma_start3A_23 : memref<640x128xf32, #tpu.memory_space<hbm>>) target_semaphore(%run_scoped3A : memref<!tpu.dma_semaphore, #tpu.memory_space<semaphore_mem>>)
        %dma_wait3A = arith.constant 9360 : i32
        %dma_wait3A_27 = arith.constant 0 : i32
        %dma_wait3A_28 = tpu.memref_slice %arg6[%arg0, %dma_wait3A, %dma_wait3A_27] : memref<2x10000x128xf32, #tpu.memory_space<hbm>> -> memref<1x640x128xf32, #tpu.memory_space<hbm>>
        %dma_wait3A_29 = tpu.memref_squeeze %dma_wait3A_28 : memref<1x640x128xf32, #tpu.memory_space<hbm>> -> memref<640x128xf32, #tpu.memory_space<hbm>>
        %dma_wait3A_30 = arith.constant 9360 : i32
        %dma_wait3A_31 = arith.constant 0 : i32
        %dma_wait3A_32 = tpu.memref_slice %arg10[%dma_wait3A_30, %dma_wait3A_31] : memref<10000x128xf32, #tpu.memory_space<vmem_shared>> -> memref<640x128xf32, #tpu.memory_space<vmem_shared>>
        tpu.wait_dma2 semaphore(%run_scoped3A : memref<!tpu.dma_semaphore, #tpu.memory_space<semaphore_mem>>) src(%dma_wait3A_32 : memref<640x128xf32, #tpu.memory_space<vmem_shared>>) dst(%dma_wait3A_29 : memref<640x128xf32, #tpu.memory_space<hbm>>)
        tpu.yield
      }) : () -> ()
    } else {
    }
    return
  }
}

#map = affine_map<(d0, d1) -> (0, 0)>
#map1 = affine_map<(d0, d1) -> (0, 0, 0, 0)>
#map2 = affine_map<(d0, d1) -> (0, 0, 0)>
module attributes {stable_mosaic.version = 14 : i64} {
  func.func @_conv_body(%arg0: i32, %arg1: i32, %arg2: memref<10000x128xf32, #tpu.memory_space<hbm>>, %arg3: memref<32x5x25x80xi32, #tpu.memory_space<hbm>>, %arg4: memref<32x5x25x80xi32, #tpu.memory_space<hbm>>, %arg5: memref<640x128xf32, #tpu.memory_space<hbm>>, %arg6: memref<2x10000x128xf32, #tpu.memory_space<hbm>>, %arg7: memref<25x80xi32, #tpu.memory_space<vmem>>, %arg8: memref<25x80xi32, #tpu.memory_space<vmem>>, %arg9: memref<4x80x128xf32, #tpu.memory_space<vmem>>, %arg10: memref<10000x128xf32, #tpu.memory_space<vmem_shared>>, %arg11: memref<4x!tpu.dma_semaphore, #tpu.memory_space<semaphore_mem>>, %arg12: memref<4x!tpu.dma_semaphore, #tpu.memory_space<semaphore_mem>>, %arg13: memref<!tpu.dma_semaphore, #tpu.memory_space<semaphore_mem>>) attributes {dimension_semantics = [#tpu.dimension_semantics<core_parallel>, #tpu.dimension_semantics<subcore_parallel>], iteration_bounds = array<i64: 2, 16>, scalar_prefetch = 0 : i64, scratch_operands = 7 : i64, tpu.core_type = #tpu.core_type<sc_vector_subcore>, window_params = [{transform_indices = #map}, {transform_indices = #map1}, {transform_indices = #map1}, {transform_indices = #map}, {transform_indices = #map2}]} {
    %lt3A = arith.constant 15 : i32
    %lt3A_0 = arith.cmpi slt, %arg1, %lt3A : i32
    %convert_element_type3A = arith.extui %lt3A_0 : i1 to i32
    %cond3A = arith.constant 0 : i32
    %cond3A_1 = arith.cmpi ne, %convert_element_type3A, %cond3A : i32
    scf.if %cond3A_1 {
      %mul3A_21 = arith.constant 624 : i32
      %mul3A_22 = arith.muli %arg1, %mul3A_21 : i32
      %dma_start3A = arith.constant 0 : i32
      %dma_start3A_23 = tpu.memref_slice %arg10[%mul3A_22, %dma_start3A] : memref<10000x128xf32, #tpu.memory_space<vmem_shared>> -> memref<624x128xf32, #tpu.memory_space<vmem_shared>>
      %dma_start3A_24 = arith.constant 0 : i32
      %dma_start3A_25 = arith.constant 0 : i32
      %dma_start3A_26 = tpu.memref_slice %arg5[%dma_start3A_24, %dma_start3A_25] : memref<640x128xf32, #tpu.memory_space<hbm>> -> memref<624x128xf32, #tpu.memory_space<hbm>>
      tpu.enqueue_dma source(%dma_start3A_26 : memref<624x128xf32, #tpu.memory_space<hbm>>) target(%dma_start3A_23 : memref<624x128xf32, #tpu.memory_space<vmem_shared>>) target_semaphore(%arg13 : memref<!tpu.dma_semaphore, #tpu.memory_space<semaphore_mem>>)
    } else {
    }
    %eq3A = arith.constant 15 : i32
    %eq3A_2 = arith.cmpi eq, %arg1, %eq3A : i32
    %convert_element_type3A_3 = arith.extui %eq3A_2 : i1 to i32
    %cond3A_4 = arith.constant 0 : i32
    %cond3A_5 = arith.cmpi ne, %convert_element_type3A_3, %cond3A_4 : i32
    scf.if %cond3A_5 {
      %dma_start3A = arith.constant 9360 : i32
      %dma_start3A_21 = arith.constant 0 : i32
      %dma_start3A_22 = tpu.memref_slice %arg10[%dma_start3A, %dma_start3A_21] : memref<10000x128xf32, #tpu.memory_space<vmem_shared>> -> memref<640x128xf32, #tpu.memory_space<vmem_shared>>
      tpu.enqueue_dma source(%arg5 : memref<640x128xf32, #tpu.memory_space<hbm>>) target(%dma_start3A_22 : memref<640x128xf32, #tpu.memory_space<vmem_shared>>) target_semaphore(%arg13 : memref<!tpu.dma_semaphore, #tpu.memory_space<semaphore_mem>>)
    } else {
    }
    %mul3A = arith.constant 16 : i32
    %mul3A_6 = arith.muli %arg0, %mul3A : i32
    %add3A = arith.addi %mul3A_6, %arg1 : i32
    %scan3A = arith.constant 0 : i32
    %scan3A_7 = arith.constant 5 : i32
    %scan3A_8 = arith.addi %scan3A, %scan3A_7 : i32
    %scan3A_9 = arith.constant 1 : i32
    scf.for %scan3A_21 = %scan3A to %scan3A_8 step %scan3A_9  : i32 {
      %mul3A_22 = arith.constant 1 : i32
      %mul3A_23 = arith.muli %scan3A_21, %mul3A_22 : i32
      %add3A_24 = arith.constant 0 : i32
      %add3A_25 = arith.addi %add3A_24, %mul3A_23 : i32
      "tpu.region"() ({
        %run_scoped3A_125 = tpu.sem_alloc : memref<!tpu.dma_semaphore, #tpu.memory_space<semaphore_mem>>
        %dma_start3A_126 = arith.constant 0 : i32
        %dma_start3A_127 = arith.constant 0 : i32
        %dma_start3A_128 = tpu.memref_slice %arg3[%add3A, %add3A_25, %dma_start3A_126, %dma_start3A_127] : memref<32x5x25x80xi32, #tpu.memory_space<hbm>> -> memref<1x1x25x80xi32, #tpu.memory_space<hbm>>
        %dma_start3A_129 = tpu.memref_squeeze %dma_start3A_128 : memref<1x1x25x80xi32, #tpu.memory_space<hbm>> -> memref<25x80xi32, #tpu.memory_space<hbm>>
        %dma_start3A_130 = arith.constant 0 : i32
        %dma_start3A_131 = arith.constant 0 : i32
        %dma_start3A_132 = tpu.memref_slice %arg3[%add3A, %add3A_25, %dma_start3A_130, %dma_start3A_131] : memref<32x5x25x80xi32, #tpu.memory_space<hbm>> -> memref<1x1x25x80xi32, #tpu.memory_space<hbm>>
        %dma_start3A_133 = tpu.memref_squeeze %dma_start3A_132 : memref<1x1x25x80xi32, #tpu.memory_space<hbm>> -> memref<25x80xi32, #tpu.memory_space<hbm>>
        tpu.enqueue_dma source(%dma_start3A_133 : memref<25x80xi32, #tpu.memory_space<hbm>>) target(%arg7 : memref<25x80xi32, #tpu.memory_space<vmem>>) target_semaphore(%run_scoped3A_125 : memref<!tpu.dma_semaphore, #tpu.memory_space<semaphore_mem>>)
        %dma_wait3A_134 = arith.constant 0 : i32
        %dma_wait3A_135 = arith.constant 0 : i32
        %dma_wait3A_136 = tpu.memref_slice %arg3[%add3A, %add3A_25, %dma_wait3A_134, %dma_wait3A_135] : memref<32x5x25x80xi32, #tpu.memory_space<hbm>> -> memref<1x1x25x80xi32, #tpu.memory_space<hbm>>
        %dma_wait3A_137 = tpu.memref_squeeze %dma_wait3A_136 : memref<1x1x25x80xi32, #tpu.memory_space<hbm>> -> memref<25x80xi32, #tpu.memory_space<hbm>>
        %dma_wait3A_138 = arith.constant 0 : i32
        %dma_wait3A_139 = arith.constant 0 : i32
        %dma_wait3A_140 = tpu.memref_slice %arg3[%add3A, %add3A_25, %dma_wait3A_138, %dma_wait3A_139] : memref<32x5x25x80xi32, #tpu.memory_space<hbm>> -> memref<1x1x25x80xi32, #tpu.memory_space<hbm>>
        %dma_wait3A_141 = tpu.memref_squeeze %dma_wait3A_140 : memref<1x1x25x80xi32, #tpu.memory_space<hbm>> -> memref<25x80xi32, #tpu.memory_space<hbm>>
        tpu.wait_dma2 semaphore(%run_scoped3A_125 : memref<!tpu.dma_semaphore, #tpu.memory_space<semaphore_mem>>) src(%dma_wait3A_141 : memref<25x80xi32, #tpu.memory_space<hbm>>) dst(%arg7 : memref<25x80xi32, #tpu.memory_space<vmem>>)
        tpu.yield
      }) : () -> ()
      "tpu.region"() ({
        %run_scoped3A_125 = tpu.sem_alloc : memref<!tpu.dma_semaphore, #tpu.memory_space<semaphore_mem>>
        %dma_start3A_126 = arith.constant 0 : i32
        %dma_start3A_127 = arith.constant 0 : i32
        %dma_start3A_128 = tpu.memref_slice %arg4[%add3A, %add3A_25, %dma_start3A_126, %dma_start3A_127] : memref<32x5x25x80xi32, #tpu.memory_space<hbm>> -> memref<1x1x25x80xi32, #tpu.memory_space<hbm>>
        %dma_start3A_129 = tpu.memref_squeeze %dma_start3A_128 : memref<1x1x25x80xi32, #tpu.memory_space<hbm>> -> memref<25x80xi32, #tpu.memory_space<hbm>>
        %dma_start3A_130 = arith.constant 0 : i32
        %dma_start3A_131 = arith.constant 0 : i32
        %dma_start3A_132 = tpu.memref_slice %arg4[%add3A, %add3A_25, %dma_start3A_130, %dma_start3A_131] : memref<32x5x25x80xi32, #tpu.memory_space<hbm>> -> memref<1x1x25x80xi32, #tpu.memory_space<hbm>>
        %dma_start3A_133 = tpu.memref_squeeze %dma_start3A_132 : memref<1x1x25x80xi32, #tpu.memory_space<hbm>> -> memref<25x80xi32, #tpu.memory_space<hbm>>
        tpu.enqueue_dma source(%dma_start3A_133 : memref<25x80xi32, #tpu.memory_space<hbm>>) target(%arg8 : memref<25x80xi32, #tpu.memory_space<vmem>>) target_semaphore(%run_scoped3A_125 : memref<!tpu.dma_semaphore, #tpu.memory_space<semaphore_mem>>)
        %dma_wait3A_134 = arith.constant 0 : i32
        %dma_wait3A_135 = arith.constant 0 : i32
        %dma_wait3A_136 = tpu.memref_slice %arg4[%add3A, %add3A_25, %dma_wait3A_134, %dma_wait3A_135] : memref<32x5x25x80xi32, #tpu.memory_space<hbm>> -> memref<1x1x25x80xi32, #tpu.memory_space<hbm>>
        %dma_wait3A_137 = tpu.memref_squeeze %dma_wait3A_136 : memref<1x1x25x80xi32, #tpu.memory_space<hbm>> -> memref<25x80xi32, #tpu.memory_space<hbm>>
        %dma_wait3A_138 = arith.constant 0 : i32
        %dma_wait3A_139 = arith.constant 0 : i32
        %dma_wait3A_140 = tpu.memref_slice %arg4[%add3A, %add3A_25, %dma_wait3A_138, %dma_wait3A_139] : memref<32x5x25x80xi32, #tpu.memory_space<hbm>> -> memref<1x1x25x80xi32, #tpu.memory_space<hbm>>
        %dma_wait3A_141 = tpu.memref_squeeze %dma_wait3A_140 : memref<1x1x25x80xi32, #tpu.memory_space<hbm>> -> memref<25x80xi32, #tpu.memory_space<hbm>>
        tpu.wait_dma2 semaphore(%run_scoped3A_125 : memref<!tpu.dma_semaphore, #tpu.memory_space<semaphore_mem>>) src(%dma_wait3A_141 : memref<25x80xi32, #tpu.memory_space<hbm>>) dst(%arg8 : memref<25x80xi32, #tpu.memory_space<vmem>>)
        tpu.yield
      }) : () -> ()
      %eq3A_26 = arith.constant 0 : i32
      %eq3A_27 = arith.cmpi eq, %add3A_25, %eq3A_26 : i32
      %convert_element_type3A_28 = arith.extui %eq3A_27 : i1 to i32
      %cond3A_29 = arith.constant 0 : i32
      %cond3A_30 = arith.cmpi ne, %convert_element_type3A_28, %cond3A_29 : i32
      scf.if %cond3A_30 {
        %lt3A_125 = arith.constant 15 : i32
        %lt3A_126 = arith.cmpi slt, %arg1, %lt3A_125 : i32
        %convert_element_type3A_127 = arith.extui %lt3A_126 : i1 to i32
        %cond3A_128 = arith.constant 0 : i32
        %cond3A_129 = arith.cmpi ne, %convert_element_type3A_127, %cond3A_128 : i32
        scf.if %cond3A_129 {
          %mul3A_136 = arith.constant 624 : i32
          %mul3A_137 = arith.muli %arg1, %mul3A_136 : i32
          %dma_wait3A_138 = arith.constant 0 : i32
          %dma_wait3A_139 = tpu.memref_slice %arg10[%mul3A_137, %dma_wait3A_138] : memref<10000x128xf32, #tpu.memory_space<vmem_shared>> -> memref<624x128xf32, #tpu.memory_space<vmem_shared>>
          %dma_wait3A_140 = arith.constant 0 : i32
          %dma_wait3A_141 = arith.constant 0 : i32
          %dma_wait3A_142 = tpu.memref_slice %arg5[%dma_wait3A_140, %dma_wait3A_141] : memref<640x128xf32, #tpu.memory_space<hbm>> -> memref<624x128xf32, #tpu.memory_space<hbm>>
          tpu.wait_dma2 semaphore(%arg13 : memref<!tpu.dma_semaphore, #tpu.memory_space<semaphore_mem>>) src(%dma_wait3A_142 : memref<624x128xf32, #tpu.memory_space<hbm>>) dst(%dma_wait3A_139 : memref<624x128xf32, #tpu.memory_space<vmem_shared>>)
        } else {
        }
        %eq3A_130 = arith.constant 15 : i32
        %eq3A_131 = arith.cmpi eq, %arg1, %eq3A_130 : i32
        %convert_element_type3A_132 = arith.extui %eq3A_131 : i1 to i32
        %cond3A_133 = arith.constant 0 : i32
        %cond3A_134 = arith.cmpi ne, %convert_element_type3A_132, %cond3A_133 : i32
        scf.if %cond3A_134 {
          %dma_wait3A_136 = arith.constant 9360 : i32
          %dma_wait3A_137 = arith.constant 0 : i32
          %dma_wait3A_138 = tpu.memref_slice %arg10[%dma_wait3A_136, %dma_wait3A_137] : memref<10000x128xf32, #tpu.memory_space<vmem_shared>> -> memref<640x128xf32, #tpu.memory_space<vmem_shared>>
          tpu.wait_dma2 semaphore(%arg13 : memref<!tpu.dma_semaphore, #tpu.memory_space<semaphore_mem>>) src(%arg5 : memref<640x128xf32, #tpu.memory_space<hbm>>) dst(%dma_wait3A_138 : memref<640x128xf32, #tpu.memory_space<vmem_shared>>)
        } else {
        }
        %barrier3A_135 = arith.constant 0 : index
        tpu.barrier barrier_id(%barrier3A_135)
      } else {
      }
      %scan3A_31 = arith.constant 0 : i32
      %scan3A_32 = arith.constant 6 : i32
      %scan3A_33 = arith.addi %scan3A_31, %scan3A_32 : i32
      %scan3A_34 = arith.constant 1 : i32
      scf.for %scan3A_125 = %scan3A_31 to %scan3A_33 step %scan3A_34  : i32 {
        %mul3A_126 = arith.constant 1 : i32
        %mul3A_127 = arith.muli %scan3A_125, %mul3A_126 : i32
        %add3A_128 = arith.constant 0 : i32
        %add3A_129 = arith.addi %add3A_128, %mul3A_127 : i32
        %mul3A_130 = arith.constant 4 : i32
        %mul3A_131 = arith.muli %add3A_129, %mul3A_130 : i32
        %gt3A = arith.constant 0 : i32
        %gt3A_132 = arith.cmpi sgt, %add3A_129, %gt3A : i32
        %convert_element_type3A_133 = arith.extui %gt3A_132 : i1 to i32
        %cond3A_134 = arith.constant 0 : i32
        %cond3A_135 = arith.cmpi ne, %convert_element_type3A_133, %cond3A_134 : i32
        scf.if %cond3A_135 {
          %dma_wait3A_335 = arith.constant 0 : i32
          %dma_wait3A_336 = arith.constant 0 : i32
          %dma_wait3A_337 = arith.constant 0 : i32
          %dma_wait3A_338 = arith.constant 0 : i32
          %dma_wait3A_339 = arith.constant 0 : i32
          %dma_wait3A_340 = tpu.memref_slice %arg9[%dma_wait3A_335, %dma_wait3A_338, %dma_wait3A_339] : memref<4x80x128xf32, #tpu.memory_space<vmem>> -> memref<1x80x128xf32, #tpu.memory_space<vmem>>
          %dma_wait3A_341 = tpu.memref_squeeze %dma_wait3A_340 : memref<1x80x128xf32, #tpu.memory_space<vmem>> -> memref<80x128xf32, #tpu.memory_space<vmem>>
          %dma_wait3A_342 = arith.constant 0 : i32
          %dma_wait3A_343 = tpu.memref_slice %arg8[%dma_wait3A_336, %dma_wait3A_342] : memref<25x80xi32, #tpu.memory_space<vmem>> -> memref<1x80xi32, #tpu.memory_space<vmem>>
          %dma_wait3A_344 = tpu.memref_squeeze %dma_wait3A_343 : memref<1x80xi32, #tpu.memory_space<vmem>> -> memref<80xi32, #tpu.memory_space<vmem>>
          %dma_wait3A_345 = arith.constant 0 : i32
          %dma_wait3A_346 = arith.constant 0 : i32
          %dma_wait3A_347 = tpu.memref_slice %arg10[%dma_wait3A_345, %dma_wait3A_346] : memref<10000x128xf32, #tpu.memory_space<vmem_shared>> -> memref<10000x128xf32, #tpu.memory_space<vmem_shared>>
          %dma_wait3A_348 = tpu.memref_slice %arg12[%dma_wait3A_337] : memref<4x!tpu.dma_semaphore, #tpu.memory_space<semaphore_mem>> -> memref<1x!tpu.dma_semaphore, #tpu.memory_space<semaphore_mem>>
          %dma_wait3A_349 = tpu.memref_squeeze %dma_wait3A_348 : memref<1x!tpu.dma_semaphore, #tpu.memory_space<semaphore_mem>> -> memref<!tpu.dma_semaphore, #tpu.memory_space<semaphore_mem>>
          tpu.wait_indirect_dma semaphore(%dma_wait3A_349 : memref<!tpu.dma_semaphore, #tpu.memory_space<semaphore_mem>>) src(%dma_wait3A_341 : memref<80x128xf32, #tpu.memory_space<vmem>>) dst(%dma_wait3A_347 : memref<10000x128xf32, #tpu.memory_space<vmem_shared>>)
        } else {
        }
        %add3A_136 = arith.constant 0 : i32
        %add3A_137 = arith.addi %mul3A_131, %add3A_136 : i32
        %dma_start3A_138 = arith.constant 0 : i32
        %dma_start3A_139 = arith.constant 0 : i32
        %dma_start3A_140 = arith.constant 0 : i32
        %dma_start3A_141 = arith.constant 0 : i32
        %dma_start3A_142 = tpu.memref_slice %arg9[%dma_start3A_138, %dma_start3A_140, %dma_start3A_141] : memref<4x80x128xf32, #tpu.memory_space<vmem>> -> memref<1x80x128xf32, #tpu.memory_space<vmem>>
        %dma_start3A_143 = tpu.memref_squeeze %dma_start3A_142 : memref<1x80x128xf32, #tpu.memory_space<vmem>> -> memref<80x128xf32, #tpu.memory_space<vmem>>
        %dma_start3A_144 = arith.constant 0 : i32
        %dma_start3A_145 = tpu.memref_slice %arg7[%add3A_137, %dma_start3A_144] : memref<25x80xi32, #tpu.memory_space<vmem>> -> memref<1x80xi32, #tpu.memory_space<vmem>>
        %dma_start3A_146 = tpu.memref_squeeze %dma_start3A_145 : memref<1x80xi32, #tpu.memory_space<vmem>> -> memref<80xi32, #tpu.memory_space<vmem>>
        %dma_start3A_147 = arith.constant 0 : i32
        %dma_start3A_148 = arith.constant 0 : i32
        %dma_start3A_149 = tpu.memref_slice %arg2[%dma_start3A_147, %dma_start3A_148] : memref<10000x128xf32, #tpu.memory_space<hbm>> -> memref<10000x128xf32, #tpu.memory_space<hbm>>
        %dma_start3A_150 = tpu.memref_slice %arg11[%dma_start3A_139] : memref<4x!tpu.dma_semaphore, #tpu.memory_space<semaphore_mem>> -> memref<1x!tpu.dma_semaphore, #tpu.memory_space<semaphore_mem>>
        %dma_start3A_151 = tpu.memref_squeeze %dma_start3A_150 : memref<1x!tpu.dma_semaphore, #tpu.memory_space<semaphore_mem>> -> memref<!tpu.dma_semaphore, #tpu.memory_space<semaphore_mem>>
        tpu.enqueue_indirect_dma source(%dma_start3A_149 : memref<10000x128xf32, #tpu.memory_space<hbm>>) target(%dma_start3A_143 : memref<80x128xf32, #tpu.memory_space<vmem>>) offsets(%dma_start3A_146 : memref<80xi32, #tpu.memory_space<vmem>>) semaphore(%dma_start3A_151 : memref<!tpu.dma_semaphore, #tpu.memory_space<semaphore_mem>>)
        %gt3A_152 = arith.constant 0 : i32
        %gt3A_153 = arith.cmpi sgt, %add3A_129, %gt3A_152 : i32
        %convert_element_type3A_154 = arith.extui %gt3A_153 : i1 to i32
        %cond3A_155 = arith.constant 0 : i32
        %cond3A_156 = arith.cmpi ne, %convert_element_type3A_154, %cond3A_155 : i32
        scf.if %cond3A_156 {
          %dma_wait3A_335 = arith.constant 1 : i32
          %dma_wait3A_336 = arith.constant 0 : i32
          %dma_wait3A_337 = arith.constant 1 : i32
          %dma_wait3A_338 = arith.constant 0 : i32
          %dma_wait3A_339 = arith.constant 0 : i32
          %dma_wait3A_340 = tpu.memref_slice %arg9[%dma_wait3A_335, %dma_wait3A_338, %dma_wait3A_339] : memref<4x80x128xf32, #tpu.memory_space<vmem>> -> memref<1x80x128xf32, #tpu.memory_space<vmem>>
          %dma_wait3A_341 = tpu.memref_squeeze %dma_wait3A_340 : memref<1x80x128xf32, #tpu.memory_space<vmem>> -> memref<80x128xf32, #tpu.memory_space<vmem>>
          %dma_wait3A_342 = arith.constant 0 : i32
          %dma_wait3A_343 = tpu.memref_slice %arg8[%dma_wait3A_336, %dma_wait3A_342] : memref<25x80xi32, #tpu.memory_space<vmem>> -> memref<1x80xi32, #tpu.memory_space<vmem>>
          %dma_wait3A_344 = tpu.memref_squeeze %dma_wait3A_343 : memref<1x80xi32, #tpu.memory_space<vmem>> -> memref<80xi32, #tpu.memory_space<vmem>>
          %dma_wait3A_345 = arith.constant 0 : i32
          %dma_wait3A_346 = arith.constant 0 : i32
          %dma_wait3A_347 = tpu.memref_slice %arg10[%dma_wait3A_345, %dma_wait3A_346] : memref<10000x128xf32, #tpu.memory_space<vmem_shared>> -> memref<10000x128xf32, #tpu.memory_space<vmem_shared>>
          %dma_wait3A_348 = tpu.memref_slice %arg12[%dma_wait3A_337] : memref<4x!tpu.dma_semaphore, #tpu.memory_space<semaphore_mem>> -> memref<1x!tpu.dma_semaphore, #tpu.memory_space<semaphore_mem>>
          %dma_wait3A_349 = tpu.memref_squeeze %dma_wait3A_348 : memref<1x!tpu.dma_semaphore, #tpu.memory_space<semaphore_mem>> -> memref<!tpu.dma_semaphore, #tpu.memory_space<semaphore_mem>>
          tpu.wait_indirect_dma semaphore(%dma_wait3A_349 : memref<!tpu.dma_semaphore, #tpu.memory_space<semaphore_mem>>) src(%dma_wait3A_341 : memref<80x128xf32, #tpu.memory_space<vmem>>) dst(%dma_wait3A_347 : memref<10000x128xf32, #tpu.memory_space<vmem_shared>>)
        } else {
        }
        %add3A_157 = arith.constant 1 : i32
        %add3A_158 = arith.addi %mul3A_131, %add3A_157 : i32
        %dma_start3A_159 = arith.constant 1 : i32
        %dma_start3A_160 = arith.constant 1 : i32
        %dma_start3A_161 = arith.constant 0 : i32
        %dma_start3A_162 = arith.constant 0 : i32
        %dma_start3A_163 = tpu.memref_slice %arg9[%dma_start3A_159, %dma_start3A_161, %dma_start3A_162] : memref<4x80x128xf32, #tpu.memory_space<vmem>> -> memref<1x80x128xf32, #tpu.memory_space<vmem>>
        %dma_start3A_164 = tpu.memref_squeeze %dma_start3A_163 : memref<1x80x128xf32, #tpu.memory_space<vmem>> -> memref<80x128xf32, #tpu.memory_space<vmem>>
        %dma_start3A_165 = arith.constant 0 : i32
        %dma_start3A_166 = tpu.memref_slice %arg7[%add3A_158, %dma_start3A_165] : memref<25x80xi32, #tpu.memory_space<vmem>> -> memref<1x80xi32, #tpu.memory_space<vmem>>
        %dma_start3A_167 = tpu.memref_squeeze %dma_start3A_166 : memref<1x80xi32, #tpu.memory_space<vmem>> -> memref<80xi32, #tpu.memory_space<vmem>>
        %dma_start3A_168 = arith.constant 0 : i32
        %dma_start3A_169 = arith.constant 0 : i32
        %dma_start3A_170 = tpu.memref_slice %arg2[%dma_start3A_168, %dma_start3A_169] : memref<10000x128xf32, #tpu.memory_space<hbm>> -> memref<10000x128xf32, #tpu.memory_space<hbm>>
        %dma_start3A_171 = tpu.memref_slice %arg11[%dma_start3A_160] : memref<4x!tpu.dma_semaphore, #tpu.memory_space<semaphore_mem>> -> memref<1x!tpu.dma_semaphore, #tpu.memory_space<semaphore_mem>>
        %dma_start3A_172 = tpu.memref_squeeze %dma_start3A_171 : memref<1x!tpu.dma_semaphore, #tpu.memory_space<semaphore_mem>> -> memref<!tpu.dma_semaphore, #tpu.memory_space<semaphore_mem>>
        tpu.enqueue_indirect_dma source(%dma_start3A_170 : memref<10000x128xf32, #tpu.memory_space<hbm>>) target(%dma_start3A_164 : memref<80x128xf32, #tpu.memory_space<vmem>>) offsets(%dma_start3A_167 : memref<80xi32, #tpu.memory_space<vmem>>) semaphore(%dma_start3A_172 : memref<!tpu.dma_semaphore, #tpu.memory_space<semaphore_mem>>)
        %gt3A_173 = arith.constant 0 : i32
        %gt3A_174 = arith.cmpi sgt, %add3A_129, %gt3A_173 : i32
        %convert_element_type3A_175 = arith.extui %gt3A_174 : i1 to i32
        %cond3A_176 = arith.constant 0 : i32
        %cond3A_177 = arith.cmpi ne, %convert_element_type3A_175, %cond3A_176 : i32
        scf.if %cond3A_177 {
          %dma_wait3A_335 = arith.constant 2 : i32
          %dma_wait3A_336 = arith.constant 0 : i32
          %dma_wait3A_337 = arith.constant 2 : i32
          %dma_wait3A_338 = arith.constant 0 : i32
          %dma_wait3A_339 = arith.constant 0 : i32
          %dma_wait3A_340 = tpu.memref_slice %arg9[%dma_wait3A_335, %dma_wait3A_338, %dma_wait3A_339] : memref<4x80x128xf32, #tpu.memory_space<vmem>> -> memref<1x80x128xf32, #tpu.memory_space<vmem>>
          %dma_wait3A_341 = tpu.memref_squeeze %dma_wait3A_340 : memref<1x80x128xf32, #tpu.memory_space<vmem>> -> memref<80x128xf32, #tpu.memory_space<vmem>>
          %dma_wait3A_342 = arith.constant 0 : i32
          %dma_wait3A_343 = tpu.memref_slice %arg8[%dma_wait3A_336, %dma_wait3A_342] : memref<25x80xi32, #tpu.memory_space<vmem>> -> memref<1x80xi32, #tpu.memory_space<vmem>>
          %dma_wait3A_344 = tpu.memref_squeeze %dma_wait3A_343 : memref<1x80xi32, #tpu.memory_space<vmem>> -> memref<80xi32, #tpu.memory_space<vmem>>
          %dma_wait3A_345 = arith.constant 0 : i32
          %dma_wait3A_346 = arith.constant 0 : i32
          %dma_wait3A_347 = tpu.memref_slice %arg10[%dma_wait3A_345, %dma_wait3A_346] : memref<10000x128xf32, #tpu.memory_space<vmem_shared>> -> memref<10000x128xf32, #tpu.memory_space<vmem_shared>>
          %dma_wait3A_348 = tpu.memref_slice %arg12[%dma_wait3A_337] : memref<4x!tpu.dma_semaphore, #tpu.memory_space<semaphore_mem>> -> memref<1x!tpu.dma_semaphore, #tpu.memory_space<semaphore_mem>>
          %dma_wait3A_349 = tpu.memref_squeeze %dma_wait3A_348 : memref<1x!tpu.dma_semaphore, #tpu.memory_space<semaphore_mem>> -> memref<!tpu.dma_semaphore, #tpu.memory_space<semaphore_mem>>
          tpu.wait_indirect_dma semaphore(%dma_wait3A_349 : memref<!tpu.dma_semaphore, #tpu.memory_space<semaphore_mem>>) src(%dma_wait3A_341 : memref<80x128xf32, #tpu.memory_space<vmem>>) dst(%dma_wait3A_347 : memref<10000x128xf32, #tpu.memory_space<vmem_shared>>)
        } else {
        }
        %add3A_178 = arith.constant 2 : i32
        %add3A_179 = arith.addi %mul3A_131, %add3A_178 : i32
        %dma_start3A_180 = arith.constant 2 : i32
        %dma_start3A_181 = arith.constant 2 : i32
        %dma_start3A_182 = arith.constant 0 : i32
        %dma_start3A_183 = arith.constant 0 : i32
        %dma_start3A_184 = tpu.memref_slice %arg9[%dma_start3A_180, %dma_start3A_182, %dma_start3A_183] : memref<4x80x128xf32, #tpu.memory_space<vmem>> -> memref<1x80x128xf32, #tpu.memory_space<vmem>>
        %dma_start3A_185 = tpu.memref_squeeze %dma_start3A_184 : memref<1x80x128xf32, #tpu.memory_space<vmem>> -> memref<80x128xf32, #tpu.memory_space<vmem>>
        %dma_start3A_186 = arith.constant 0 : i32
        %dma_start3A_187 = tpu.memref_slice %arg7[%add3A_179, %dma_start3A_186] : memref<25x80xi32, #tpu.memory_space<vmem>> -> memref<1x80xi32, #tpu.memory_space<vmem>>
        %dma_start3A_188 = tpu.memref_squeeze %dma_start3A_187 : memref<1x80xi32, #tpu.memory_space<vmem>> -> memref<80xi32, #tpu.memory_space<vmem>>
        %dma_start3A_189 = arith.constant 0 : i32
        %dma_start3A_190 = arith.constant 0 : i32
        %dma_start3A_191 = tpu.memref_slice %arg2[%dma_start3A_189, %dma_start3A_190] : memref<10000x128xf32, #tpu.memory_space<hbm>> -> memref<10000x128xf32, #tpu.memory_space<hbm>>
        %dma_start3A_192 = tpu.memref_slice %arg11[%dma_start3A_181] : memref<4x!tpu.dma_semaphore, #tpu.memory_space<semaphore_mem>> -> memref<1x!tpu.dma_semaphore, #tpu.memory_space<semaphore_mem>>
        %dma_start3A_193 = tpu.memref_squeeze %dma_start3A_192 : memref<1x!tpu.dma_semaphore, #tpu.memory_space<semaphore_mem>> -> memref<!tpu.dma_semaphore, #tpu.memory_space<semaphore_mem>>
        tpu.enqueue_indirect_dma source(%dma_start3A_191 : memref<10000x128xf32, #tpu.memory_space<hbm>>) target(%dma_start3A_185 : memref<80x128xf32, #tpu.memory_space<vmem>>) offsets(%dma_start3A_188 : memref<80xi32, #tpu.memory_space<vmem>>) semaphore(%dma_start3A_193 : memref<!tpu.dma_semaphore, #tpu.memory_space<semaphore_mem>>)
        %gt3A_194 = arith.constant 0 : i32
        %gt3A_195 = arith.cmpi sgt, %add3A_129, %gt3A_194 : i32
        %convert_element_type3A_196 = arith.extui %gt3A_195 : i1 to i32
        %cond3A_197 = arith.constant 0 : i32
        %cond3A_198 = arith.cmpi ne, %convert_element_type3A_196, %cond3A_197 : i32
        scf.if %cond3A_198 {
          %dma_wait3A_335 = arith.constant 3 : i32
          %dma_wait3A_336 = arith.constant 0 : i32
          %dma_wait3A_337 = arith.constant 3 : i32
          %dma_wait3A_338 = arith.constant 0 : i32
          %dma_wait3A_339 = arith.constant 0 : i32
          %dma_wait3A_340 = tpu.memref_slice %arg9[%dma_wait3A_335, %dma_wait3A_338, %dma_wait3A_339] : memref<4x80x128xf32, #tpu.memory_space<vmem>> -> memref<1x80x128xf32, #tpu.memory_space<vmem>>
          %dma_wait3A_341 = tpu.memref_squeeze %dma_wait3A_340 : memref<1x80x128xf32, #tpu.memory_space<vmem>> -> memref<80x128xf32, #tpu.memory_space<vmem>>
          %dma_wait3A_342 = arith.constant 0 : i32
          %dma_wait3A_343 = tpu.memref_slice %arg8[%dma_wait3A_336, %dma_wait3A_342] : memref<25x80xi32, #tpu.memory_space<vmem>> -> memref<1x80xi32, #tpu.memory_space<vmem>>
          %dma_wait3A_344 = tpu.memref_squeeze %dma_wait3A_343 : memref<1x80xi32, #tpu.memory_space<vmem>> -> memref<80xi32, #tpu.memory_space<vmem>>
          %dma_wait3A_345 = arith.constant 0 : i32
          %dma_wait3A_346 = arith.constant 0 : i32
          %dma_wait3A_347 = tpu.memref_slice %arg10[%dma_wait3A_345, %dma_wait3A_346] : memref<10000x128xf32, #tpu.memory_space<vmem_shared>> -> memref<10000x128xf32, #tpu.memory_space<vmem_shared>>
          %dma_wait3A_348 = tpu.memref_slice %arg12[%dma_wait3A_337] : memref<4x!tpu.dma_semaphore, #tpu.memory_space<semaphore_mem>> -> memref<1x!tpu.dma_semaphore, #tpu.memory_space<semaphore_mem>>
          %dma_wait3A_349 = tpu.memref_squeeze %dma_wait3A_348 : memref<1x!tpu.dma_semaphore, #tpu.memory_space<semaphore_mem>> -> memref<!tpu.dma_semaphore, #tpu.memory_space<semaphore_mem>>
          tpu.wait_indirect_dma semaphore(%dma_wait3A_349 : memref<!tpu.dma_semaphore, #tpu.memory_space<semaphore_mem>>) src(%dma_wait3A_341 : memref<80x128xf32, #tpu.memory_space<vmem>>) dst(%dma_wait3A_347 : memref<10000x128xf32, #tpu.memory_space<vmem_shared>>)
        } else {
        }
        %add3A_199 = arith.constant 3 : i32
        %add3A_200 = arith.addi %mul3A_131, %add3A_199 : i32
        %dma_start3A_201 = arith.constant 3 : i32
        %dma_start3A_202 = arith.constant 3 : i32
        %dma_start3A_203 = arith.constant 0 : i32
        %dma_start3A_204 = arith.constant 0 : i32
        %dma_start3A_205 = tpu.memref_slice %arg9[%dma_start3A_201, %dma_start3A_203, %dma_start3A_204] : memref<4x80x128xf32, #tpu.memory_space<vmem>> -> memref<1x80x128xf32, #tpu.memory_space<vmem>>
        %dma_start3A_206 = tpu.memref_squeeze %dma_start3A_205 : memref<1x80x128xf32, #tpu.memory_space<vmem>> -> memref<80x128xf32, #tpu.memory_space<vmem>>
        %dma_start3A_207 = arith.constant 0 : i32
        %dma_start3A_208 = tpu.memref_slice %arg7[%add3A_200, %dma_start3A_207] : memref<25x80xi32, #tpu.memory_space<vmem>> -> memref<1x80xi32, #tpu.memory_space<vmem>>
        %dma_start3A_209 = tpu.memref_squeeze %dma_start3A_208 : memref<1x80xi32, #tpu.memory_space<vmem>> -> memref<80xi32, #tpu.memory_space<vmem>>
        %dma_start3A_210 = arith.constant 0 : i32
        %dma_start3A_211 = arith.constant 0 : i32
        %dma_start3A_212 = tpu.memref_slice %arg2[%dma_start3A_210, %dma_start3A_211] : memref<10000x128xf32, #tpu.memory_space<hbm>> -> memref<10000x128xf32, #tpu.memory_space<hbm>>
        %dma_start3A_213 = tpu.memref_slice %arg11[%dma_start3A_202] : memref<4x!tpu.dma_semaphore, #tpu.memory_space<semaphore_mem>> -> memref<1x!tpu.dma_semaphore, #tpu.memory_space<semaphore_mem>>
        %dma_start3A_214 = tpu.memref_squeeze %dma_start3A_213 : memref<1x!tpu.dma_semaphore, #tpu.memory_space<semaphore_mem>> -> memref<!tpu.dma_semaphore, #tpu.memory_space<semaphore_mem>>
        tpu.enqueue_indirect_dma source(%dma_start3A_212 : memref<10000x128xf32, #tpu.memory_space<hbm>>) target(%dma_start3A_206 : memref<80x128xf32, #tpu.memory_space<vmem>>) offsets(%dma_start3A_209 : memref<80xi32, #tpu.memory_space<vmem>>) semaphore(%dma_start3A_214 : memref<!tpu.dma_semaphore, #tpu.memory_space<semaphore_mem>>)
        %dma_wait3A_215 = arith.constant 0 : i32
        %dma_wait3A_216 = arith.constant 0 : i32
        %dma_wait3A_217 = arith.constant 0 : i32
        %dma_wait3A_218 = arith.constant 0 : i32
        %dma_wait3A_219 = tpu.memref_slice %arg9[%dma_wait3A_215, %dma_wait3A_217, %dma_wait3A_218] : memref<4x80x128xf32, #tpu.memory_space<vmem>> -> memref<1x80x128xf32, #tpu.memory_space<vmem>>
        %dma_wait3A_220 = tpu.memref_squeeze %dma_wait3A_219 : memref<1x80x128xf32, #tpu.memory_space<vmem>> -> memref<80x128xf32, #tpu.memory_space<vmem>>
        %dma_wait3A_221 = arith.constant 0 : i32
        %dma_wait3A_222 = tpu.memref_slice %arg7[%add3A_137, %dma_wait3A_221] : memref<25x80xi32, #tpu.memory_space<vmem>> -> memref<1x80xi32, #tpu.memory_space<vmem>>
        %dma_wait3A_223 = tpu.memref_squeeze %dma_wait3A_222 : memref<1x80xi32, #tpu.memory_space<vmem>> -> memref<80xi32, #tpu.memory_space<vmem>>
        %dma_wait3A_224 = arith.constant 0 : i32
        %dma_wait3A_225 = arith.constant 0 : i32
        %dma_wait3A_226 = tpu.memref_slice %arg2[%dma_wait3A_224, %dma_wait3A_225] : memref<10000x128xf32, #tpu.memory_space<hbm>> -> memref<10000x128xf32, #tpu.memory_space<hbm>>
        %dma_wait3A_227 = tpu.memref_slice %arg11[%dma_wait3A_216] : memref<4x!tpu.dma_semaphore, #tpu.memory_space<semaphore_mem>> -> memref<1x!tpu.dma_semaphore, #tpu.memory_space<semaphore_mem>>
        %dma_wait3A_228 = tpu.memref_squeeze %dma_wait3A_227 : memref<1x!tpu.dma_semaphore, #tpu.memory_space<semaphore_mem>> -> memref<!tpu.dma_semaphore, #tpu.memory_space<semaphore_mem>>
        tpu.wait_indirect_dma semaphore(%dma_wait3A_228 : memref<!tpu.dma_semaphore, #tpu.memory_space<semaphore_mem>>) src(%dma_wait3A_226 : memref<10000x128xf32, #tpu.memory_space<hbm>>) dst(%dma_wait3A_220 : memref<80x128xf32, #tpu.memory_space<vmem>>)
        %add3A_229 = arith.constant 0 : i32
        %add3A_230 = arith.addi %mul3A_131, %add3A_229 : i32
        %dma_start3A_231 = arith.constant 0 : i32
        %dma_start3A_232 = arith.constant 0 : i32
        %dma_start3A_233 = arith.constant 0 : i32
        %dma_start3A_234 = arith.constant 0 : i32
        %dma_start3A_235 = tpu.memref_slice %arg9[%dma_start3A_231, %dma_start3A_233, %dma_start3A_234] : memref<4x80x128xf32, #tpu.memory_space<vmem>> -> memref<1x80x128xf32, #tpu.memory_space<vmem>>
        %dma_start3A_236 = tpu.memref_squeeze %dma_start3A_235 : memref<1x80x128xf32, #tpu.memory_space<vmem>> -> memref<80x128xf32, #tpu.memory_space<vmem>>
        %dma_start3A_237 = arith.constant 0 : i32
        %dma_start3A_238 = tpu.memref_slice %arg8[%add3A_230, %dma_start3A_237] : memref<25x80xi32, #tpu.memory_space<vmem>> -> memref<1x80xi32, #tpu.memory_space<vmem>>
        %dma_start3A_239 = tpu.memref_squeeze %dma_start3A_238 : memref<1x80xi32, #tpu.memory_space<vmem>> -> memref<80xi32, #tpu.memory_space<vmem>>
        %dma_start3A_240 = arith.constant 0 : i32
        %dma_start3A_241 = arith.constant 0 : i32
        %dma_start3A_242 = tpu.memref_slice %arg10[%dma_start3A_240, %dma_start3A_241] : memref<10000x128xf32, #tpu.memory_space<vmem_shared>> -> memref<10000x128xf32, #tpu.memory_space<vmem_shared>>
        %dma_start3A_243 = tpu.memref_slice %arg12[%dma_start3A_232] : memref<4x!tpu.dma_semaphore, #tpu.memory_space<semaphore_mem>> -> memref<1x!tpu.dma_semaphore, #tpu.memory_space<semaphore_mem>>
        %dma_start3A_244 = tpu.memref_squeeze %dma_start3A_243 : memref<1x!tpu.dma_semaphore, #tpu.memory_space<semaphore_mem>> -> memref<!tpu.dma_semaphore, #tpu.memory_space<semaphore_mem>>
        tpu.enqueue_indirect_dma source(%dma_start3A_236 : memref<80x128xf32, #tpu.memory_space<vmem>>) target(%dma_start3A_242 : memref<10000x128xf32, #tpu.memory_space<vmem_shared>>) offsets(%dma_start3A_239 : memref<80xi32, #tpu.memory_space<vmem>>) semaphore(%dma_start3A_244 : memref<!tpu.dma_semaphore, #tpu.memory_space<semaphore_mem>>) {add = true}
        %dma_wait3A_245 = arith.constant 1 : i32
        %dma_wait3A_246 = arith.constant 1 : i32
        %dma_wait3A_247 = arith.constant 0 : i32
        %dma_wait3A_248 = arith.constant 0 : i32
        %dma_wait3A_249 = tpu.memref_slice %arg9[%dma_wait3A_245, %dma_wait3A_247, %dma_wait3A_248] : memref<4x80x128xf32, #tpu.memory_space<vmem>> -> memref<1x80x128xf32, #tpu.memory_space<vmem>>
        %dma_wait3A_250 = tpu.memref_squeeze %dma_wait3A_249 : memref<1x80x128xf32, #tpu.memory_space<vmem>> -> memref<80x128xf32, #tpu.memory_space<vmem>>
        %dma_wait3A_251 = arith.constant 0 : i32
        %dma_wait3A_252 = tpu.memref_slice %arg7[%add3A_158, %dma_wait3A_251] : memref<25x80xi32, #tpu.memory_space<vmem>> -> memref<1x80xi32, #tpu.memory_space<vmem>>
        %dma_wait3A_253 = tpu.memref_squeeze %dma_wait3A_252 : memref<1x80xi32, #tpu.memory_space<vmem>> -> memref<80xi32, #tpu.memory_space<vmem>>
        %dma_wait3A_254 = arith.constant 0 : i32
        %dma_wait3A_255 = arith.constant 0 : i32
        %dma_wait3A_256 = tpu.memref_slice %arg2[%dma_wait3A_254, %dma_wait3A_255] : memref<10000x128xf32, #tpu.memory_space<hbm>> -> memref<10000x128xf32, #tpu.memory_space<hbm>>
        %dma_wait3A_257 = tpu.memref_slice %arg11[%dma_wait3A_246] : memref<4x!tpu.dma_semaphore, #tpu.memory_space<semaphore_mem>> -> memref<1x!tpu.dma_semaphore, #tpu.memory_space<semaphore_mem>>
        %dma_wait3A_258 = tpu.memref_squeeze %dma_wait3A_257 : memref<1x!tpu.dma_semaphore, #tpu.memory_space<semaphore_mem>> -> memref<!tpu.dma_semaphore, #tpu.memory_space<semaphore_mem>>
        tpu.wait_indirect_dma semaphore(%dma_wait3A_258 : memref<!tpu.dma_semaphore, #tpu.memory_space<semaphore_mem>>) src(%dma_wait3A_256 : memref<10000x128xf32, #tpu.memory_space<hbm>>) dst(%dma_wait3A_250 : memref<80x128xf32, #tpu.memory_space<vmem>>)
        %add3A_259 = arith.constant 1 : i32
        %add3A_260 = arith.addi %mul3A_131, %add3A_259 : i32
        %dma_start3A_261 = arith.constant 1 : i32
        %dma_start3A_262 = arith.constant 1 : i32
        %dma_start3A_263 = arith.constant 0 : i32
        %dma_start3A_264 = arith.constant 0 : i32
        %dma_start3A_265 = tpu.memref_slice %arg9[%dma_start3A_261, %dma_start3A_263, %dma_start3A_264] : memref<4x80x128xf32, #tpu.memory_space<vmem>> -> memref<1x80x128xf32, #tpu.memory_space<vmem>>
        %dma_start3A_266 = tpu.memref_squeeze %dma_start3A_265 : memref<1x80x128xf32, #tpu.memory_space<vmem>> -> memref<80x128xf32, #tpu.memory_space<vmem>>
        %dma_start3A_267 = arith.constant 0 : i32
        %dma_start3A_268 = tpu.memref_slice %arg8[%add3A_260, %dma_start3A_267] : memref<25x80xi32, #tpu.memory_space<vmem>> -> memref<1x80xi32, #tpu.memory_space<vmem>>
        %dma_start3A_269 = tpu.memref_squeeze %dma_start3A_268 : memref<1x80xi32, #tpu.memory_space<vmem>> -> memref<80xi32, #tpu.memory_space<vmem>>
        %dma_start3A_270 = arith.constant 0 : i32
        %dma_start3A_271 = arith.constant 0 : i32
        %dma_start3A_272 = tpu.memref_slice %arg10[%dma_start3A_270, %dma_start3A_271] : memref<10000x128xf32, #tpu.memory_space<vmem_shared>> -> memref<10000x128xf32, #tpu.memory_space<vmem_shared>>
        %dma_start3A_273 = tpu.memref_slice %arg12[%dma_start3A_262] : memref<4x!tpu.dma_semaphore, #tpu.memory_space<semaphore_mem>> -> memref<1x!tpu.dma_semaphore, #tpu.memory_space<semaphore_mem>>
        %dma_start3A_274 = tpu.memref_squeeze %dma_start3A_273 : memref<1x!tpu.dma_semaphore, #tpu.memory_space<semaphore_mem>> -> memref<!tpu.dma_semaphore, #tpu.memory_space<semaphore_mem>>
        tpu.enqueue_indirect_dma source(%dma_start3A_266 : memref<80x128xf32, #tpu.memory_space<vmem>>) target(%dma_start3A_272 : memref<10000x128xf32, #tpu.memory_space<vmem_shared>>) offsets(%dma_start3A_269 : memref<80xi32, #tpu.memory_space<vmem>>) semaphore(%dma_start3A_274 : memref<!tpu.dma_semaphore, #tpu.memory_space<semaphore_mem>>) {add = true}
        %dma_wait3A_275 = arith.constant 2 : i32
        %dma_wait3A_276 = arith.constant 2 : i32
        %dma_wait3A_277 = arith.constant 0 : i32
        %dma_wait3A_278 = arith.constant 0 : i32
        %dma_wait3A_279 = tpu.memref_slice %arg9[%dma_wait3A_275, %dma_wait3A_277, %dma_wait3A_278] : memref<4x80x128xf32, #tpu.memory_space<vmem>> -> memref<1x80x128xf32, #tpu.memory_space<vmem>>
        %dma_wait3A_280 = tpu.memref_squeeze %dma_wait3A_279 : memref<1x80x128xf32, #tpu.memory_space<vmem>> -> memref<80x128xf32, #tpu.memory_space<vmem>>
        %dma_wait3A_281 = arith.constant 0 : i32
        %dma_wait3A_282 = tpu.memref_slice %arg7[%add3A_179, %dma_wait3A_281] : memref<25x80xi32, #tpu.memory_space<vmem>> -> memref<1x80xi32, #tpu.memory_space<vmem>>
        %dma_wait3A_283 = tpu.memref_squeeze %dma_wait3A_282 : memref<1x80xi32, #tpu.memory_space<vmem>> -> memref<80xi32, #tpu.memory_space<vmem>>
        %dma_wait3A_284 = arith.constant 0 : i32
        %dma_wait3A_285 = arith.constant 0 : i32
        %dma_wait3A_286 = tpu.memref_slice %arg2[%dma_wait3A_284, %dma_wait3A_285] : memref<10000x128xf32, #tpu.memory_space<hbm>> -> memref<10000x128xf32, #tpu.memory_space<hbm>>
        %dma_wait3A_287 = tpu.memref_slice %arg11[%dma_wait3A_276] : memref<4x!tpu.dma_semaphore, #tpu.memory_space<semaphore_mem>> -> memref<1x!tpu.dma_semaphore, #tpu.memory_space<semaphore_mem>>
        %dma_wait3A_288 = tpu.memref_squeeze %dma_wait3A_287 : memref<1x!tpu.dma_semaphore, #tpu.memory_space<semaphore_mem>> -> memref<!tpu.dma_semaphore, #tpu.memory_space<semaphore_mem>>
        tpu.wait_indirect_dma semaphore(%dma_wait3A_288 : memref<!tpu.dma_semaphore, #tpu.memory_space<semaphore_mem>>) src(%dma_wait3A_286 : memref<10000x128xf32, #tpu.memory_space<hbm>>) dst(%dma_wait3A_280 : memref<80x128xf32, #tpu.memory_space<vmem>>)
        %add3A_289 = arith.constant 2 : i32
        %add3A_290 = arith.addi %mul3A_131, %add3A_289 : i32
        %dma_start3A_291 = arith.constant 2 : i32
        %dma_start3A_292 = arith.constant 2 : i32
        %dma_start3A_293 = arith.constant 0 : i32
        %dma_start3A_294 = arith.constant 0 : i32
        %dma_start3A_295 = tpu.memref_slice %arg9[%dma_start3A_291, %dma_start3A_293, %dma_start3A_294] : memref<4x80x128xf32, #tpu.memory_space<vmem>> -> memref<1x80x128xf32, #tpu.memory_space<vmem>>
        %dma_start3A_296 = tpu.memref_squeeze %dma_start3A_295 : memref<1x80x128xf32, #tpu.memory_space<vmem>> -> memref<80x128xf32, #tpu.memory_space<vmem>>
        %dma_start3A_297 = arith.constant 0 : i32
        %dma_start3A_298 = tpu.memref_slice %arg8[%add3A_290, %dma_start3A_297] : memref<25x80xi32, #tpu.memory_space<vmem>> -> memref<1x80xi32, #tpu.memory_space<vmem>>
        %dma_start3A_299 = tpu.memref_squeeze %dma_start3A_298 : memref<1x80xi32, #tpu.memory_space<vmem>> -> memref<80xi32, #tpu.memory_space<vmem>>
        %dma_start3A_300 = arith.constant 0 : i32
        %dma_start3A_301 = arith.constant 0 : i32
        %dma_start3A_302 = tpu.memref_slice %arg10[%dma_start3A_300, %dma_start3A_301] : memref<10000x128xf32, #tpu.memory_space<vmem_shared>> -> memref<10000x128xf32, #tpu.memory_space<vmem_shared>>
        %dma_start3A_303 = tpu.memref_slice %arg12[%dma_start3A_292] : memref<4x!tpu.dma_semaphore, #tpu.memory_space<semaphore_mem>> -> memref<1x!tpu.dma_semaphore, #tpu.memory_space<semaphore_mem>>
        %dma_start3A_304 = tpu.memref_squeeze %dma_start3A_303 : memref<1x!tpu.dma_semaphore, #tpu.memory_space<semaphore_mem>> -> memref<!tpu.dma_semaphore, #tpu.memory_space<semaphore_mem>>
        tpu.enqueue_indirect_dma source(%dma_start3A_296 : memref<80x128xf32, #tpu.memory_space<vmem>>) target(%dma_start3A_302 : memref<10000x128xf32, #tpu.memory_space<vmem_shared>>) offsets(%dma_start3A_299 : memref<80xi32, #tpu.memory_space<vmem>>) semaphore(%dma_start3A_304 : memref<!tpu.dma_semaphore, #tpu.memory_space<semaphore_mem>>) {add = true}
        %dma_wait3A_305 = arith.constant 3 : i32
        %dma_wait3A_306 = arith.constant 3 : i32
        %dma_wait3A_307 = arith.constant 0 : i32
        %dma_wait3A_308 = arith.constant 0 : i32
        %dma_wait3A_309 = tpu.memref_slice %arg9[%dma_wait3A_305, %dma_wait3A_307, %dma_wait3A_308] : memref<4x80x128xf32, #tpu.memory_space<vmem>> -> memref<1x80x128xf32, #tpu.memory_space<vmem>>
        %dma_wait3A_310 = tpu.memref_squeeze %dma_wait3A_309 : memref<1x80x128xf32, #tpu.memory_space<vmem>> -> memref<80x128xf32, #tpu.memory_space<vmem>>
        %dma_wait3A_311 = arith.constant 0 : i32
        %dma_wait3A_312 = tpu.memref_slice %arg7[%add3A_200, %dma_wait3A_311] : memref<25x80xi32, #tpu.memory_space<vmem>> -> memref<1x80xi32, #tpu.memory_space<vmem>>
        %dma_wait3A_313 = tpu.memref_squeeze %dma_wait3A_312 : memref<1x80xi32, #tpu.memory_space<vmem>> -> memref<80xi32, #tpu.memory_space<vmem>>
        %dma_wait3A_314 = arith.constant 0 : i32
        %dma_wait3A_315 = arith.constant 0 : i32
        %dma_wait3A_316 = tpu.memref_slice %arg2[%dma_wait3A_314, %dma_wait3A_315] : memref<10000x128xf32, #tpu.memory_space<hbm>> -> memref<10000x128xf32, #tpu.memory_space<hbm>>
        %dma_wait3A_317 = tpu.memref_slice %arg11[%dma_wait3A_306] : memref<4x!tpu.dma_semaphore, #tpu.memory_space<semaphore_mem>> -> memref<1x!tpu.dma_semaphore, #tpu.memory_space<semaphore_mem>>
        %dma_wait3A_318 = tpu.memref_squeeze %dma_wait3A_317 : memref<1x!tpu.dma_semaphore, #tpu.memory_space<semaphore_mem>> -> memref<!tpu.dma_semaphore, #tpu.memory_space<semaphore_mem>>
        tpu.wait_indirect_dma semaphore(%dma_wait3A_318 : memref<!tpu.dma_semaphore, #tpu.memory_space<semaphore_mem>>) src(%dma_wait3A_316 : memref<10000x128xf32, #tpu.memory_space<hbm>>) dst(%dma_wait3A_310 : memref<80x128xf32, #tpu.memory_space<vmem>>)
        %add3A_319 = arith.constant 3 : i32
        %add3A_320 = arith.addi %mul3A_131, %add3A_319 : i32
        %dma_start3A_321 = arith.constant 3 : i32
        %dma_start3A_322 = arith.constant 3 : i32
        %dma_start3A_323 = arith.constant 0 : i32
        %dma_start3A_324 = arith.constant 0 : i32
        %dma_start3A_325 = tpu.memref_slice %arg9[%dma_start3A_321, %dma_start3A_323, %dma_start3A_324] : memref<4x80x128xf32, #tpu.memory_space<vmem>> -> memref<1x80x128xf32, #tpu.memory_space<vmem>>
        %dma_start3A_326 = tpu.memref_squeeze %dma_start3A_325 : memref<1x80x128xf32, #tpu.memory_space<vmem>> -> memref<80x128xf32, #tpu.memory_space<vmem>>
        %dma_start3A_327 = arith.constant 0 : i32
        %dma_start3A_328 = tpu.memref_slice %arg8[%add3A_320, %dma_start3A_327] : memref<25x80xi32, #tpu.memory_space<vmem>> -> memref<1x80xi32, #tpu.memory_space<vmem>>
        %dma_start3A_329 = tpu.memref_squeeze %dma_start3A_328 : memref<1x80xi32, #tpu.memory_space<vmem>> -> memref<80xi32, #tpu.memory_space<vmem>>
        %dma_start3A_330 = arith.constant 0 : i32
        %dma_start3A_331 = arith.constant 0 : i32
        %dma_start3A_332 = tpu.memref_slice %arg10[%dma_start3A_330, %dma_start3A_331] : memref<10000x128xf32, #tpu.memory_space<vmem_shared>> -> memref<10000x128xf32, #tpu.memory_space<vmem_shared>>
        %dma_start3A_333 = tpu.memref_slice %arg12[%dma_start3A_322] : memref<4x!tpu.dma_semaphore, #tpu.memory_space<semaphore_mem>> -> memref<1x!tpu.dma_semaphore, #tpu.memory_space<semaphore_mem>>
        %dma_start3A_334 = tpu.memref_squeeze %dma_start3A_333 : memref<1x!tpu.dma_semaphore, #tpu.memory_space<semaphore_mem>> -> memref<!tpu.dma_semaphore, #tpu.memory_space<semaphore_mem>>
        tpu.enqueue_indirect_dma source(%dma_start3A_326 : memref<80x128xf32, #tpu.memory_space<vmem>>) target(%dma_start3A_332 : memref<10000x128xf32, #tpu.memory_space<vmem_shared>>) offsets(%dma_start3A_329 : memref<80xi32, #tpu.memory_space<vmem>>) semaphore(%dma_start3A_334 : memref<!tpu.dma_semaphore, #tpu.memory_space<semaphore_mem>>) {add = true}
      }
      %scan3A_35 = arith.constant 6 : i32
      %dma_wait3A = arith.constant 0 : i32
      %dma_wait3A_36 = arith.constant 0 : i32
      %dma_wait3A_37 = arith.constant 0 : i32
      %dma_wait3A_38 = arith.constant 0 : i32
      %dma_wait3A_39 = arith.constant 0 : i32
      %dma_wait3A_40 = tpu.memref_slice %arg9[%dma_wait3A, %dma_wait3A_38, %dma_wait3A_39] : memref<4x80x128xf32, #tpu.memory_space<vmem>> -> memref<1x80x128xf32, #tpu.memory_space<vmem>>
      %dma_wait3A_41 = tpu.memref_squeeze %dma_wait3A_40 : memref<1x80x128xf32, #tpu.memory_space<vmem>> -> memref<80x128xf32, #tpu.memory_space<vmem>>
      %dma_wait3A_42 = arith.constant 0 : i32
      %dma_wait3A_43 = tpu.memref_slice %arg8[%dma_wait3A_36, %dma_wait3A_42] : memref<25x80xi32, #tpu.memory_space<vmem>> -> memref<1x80xi32, #tpu.memory_space<vmem>>
      %dma_wait3A_44 = tpu.memref_squeeze %dma_wait3A_43 : memref<1x80xi32, #tpu.memory_space<vmem>> -> memref<80xi32, #tpu.memory_space<vmem>>
      %dma_wait3A_45 = arith.constant 0 : i32
      %dma_wait3A_46 = arith.constant 0 : i32
      %dma_wait3A_47 = tpu.memref_slice %arg10[%dma_wait3A_45, %dma_wait3A_46] : memref<10000x128xf32, #tpu.memory_space<vmem_shared>> -> memref<10000x128xf32, #tpu.memory_space<vmem_shared>>
      %dma_wait3A_48 = tpu.memref_slice %arg12[%dma_wait3A_37] : memref<4x!tpu.dma_semaphore, #tpu.memory_space<semaphore_mem>> -> memref<1x!tpu.dma_semaphore, #tpu.memory_space<semaphore_mem>>
      %dma_wait3A_49 = tpu.memref_squeeze %dma_wait3A_48 : memref<1x!tpu.dma_semaphore, #tpu.memory_space<semaphore_mem>> -> memref<!tpu.dma_semaphore, #tpu.memory_space<semaphore_mem>>
      tpu.wait_indirect_dma semaphore(%dma_wait3A_49 : memref<!tpu.dma_semaphore, #tpu.memory_space<semaphore_mem>>) src(%dma_wait3A_41 : memref<80x128xf32, #tpu.memory_space<vmem>>) dst(%dma_wait3A_47 : memref<10000x128xf32, #tpu.memory_space<vmem_shared>>)
      %dma_start3A = arith.constant 24 : i32
      %dma_start3A_50 = arith.constant 0 : i32
      %dma_start3A_51 = arith.constant 0 : i32
      %dma_start3A_52 = arith.constant 0 : i32
      %dma_start3A_53 = arith.constant 0 : i32
      %dma_start3A_54 = tpu.memref_slice %arg9[%dma_start3A_50, %dma_start3A_52, %dma_start3A_53] : memref<4x80x128xf32, #tpu.memory_space<vmem>> -> memref<1x80x128xf32, #tpu.memory_space<vmem>>
      %dma_start3A_55 = tpu.memref_squeeze %dma_start3A_54 : memref<1x80x128xf32, #tpu.memory_space<vmem>> -> memref<80x128xf32, #tpu.memory_space<vmem>>
      %dma_start3A_56 = arith.constant 0 : i32
      %dma_start3A_57 = tpu.memref_slice %arg7[%dma_start3A, %dma_start3A_56] : memref<25x80xi32, #tpu.memory_space<vmem>> -> memref<1x80xi32, #tpu.memory_space<vmem>>
      %dma_start3A_58 = tpu.memref_squeeze %dma_start3A_57 : memref<1x80xi32, #tpu.memory_space<vmem>> -> memref<80xi32, #tpu.memory_space<vmem>>
      %dma_start3A_59 = arith.constant 0 : i32
      %dma_start3A_60 = arith.constant 0 : i32
      %dma_start3A_61 = tpu.memref_slice %arg2[%dma_start3A_59, %dma_start3A_60] : memref<10000x128xf32, #tpu.memory_space<hbm>> -> memref<10000x128xf32, #tpu.memory_space<hbm>>
      %dma_start3A_62 = tpu.memref_slice %arg11[%dma_start3A_51] : memref<4x!tpu.dma_semaphore, #tpu.memory_space<semaphore_mem>> -> memref<1x!tpu.dma_semaphore, #tpu.memory_space<semaphore_mem>>
      %dma_start3A_63 = tpu.memref_squeeze %dma_start3A_62 : memref<1x!tpu.dma_semaphore, #tpu.memory_space<semaphore_mem>> -> memref<!tpu.dma_semaphore, #tpu.memory_space<semaphore_mem>>
      tpu.enqueue_indirect_dma source(%dma_start3A_61 : memref<10000x128xf32, #tpu.memory_space<hbm>>) target(%dma_start3A_55 : memref<80x128xf32, #tpu.memory_space<vmem>>) offsets(%dma_start3A_58 : memref<80xi32, #tpu.memory_space<vmem>>) semaphore(%dma_start3A_63 : memref<!tpu.dma_semaphore, #tpu.memory_space<semaphore_mem>>)
      %dma_wait3A_64 = arith.constant 1 : i32
      %dma_wait3A_65 = arith.constant 0 : i32
      %dma_wait3A_66 = arith.constant 1 : i32
      %dma_wait3A_67 = arith.constant 0 : i32
      %dma_wait3A_68 = arith.constant 0 : i32
      %dma_wait3A_69 = tpu.memref_slice %arg9[%dma_wait3A_64, %dma_wait3A_67, %dma_wait3A_68] : memref<4x80x128xf32, #tpu.memory_space<vmem>> -> memref<1x80x128xf32, #tpu.memory_space<vmem>>
      %dma_wait3A_70 = tpu.memref_squeeze %dma_wait3A_69 : memref<1x80x128xf32, #tpu.memory_space<vmem>> -> memref<80x128xf32, #tpu.memory_space<vmem>>
      %dma_wait3A_71 = arith.constant 0 : i32
      %dma_wait3A_72 = tpu.memref_slice %arg8[%dma_wait3A_65, %dma_wait3A_71] : memref<25x80xi32, #tpu.memory_space<vmem>> -> memref<1x80xi32, #tpu.memory_space<vmem>>
      %dma_wait3A_73 = tpu.memref_squeeze %dma_wait3A_72 : memref<1x80xi32, #tpu.memory_space<vmem>> -> memref<80xi32, #tpu.memory_space<vmem>>
      %dma_wait3A_74 = arith.constant 0 : i32
      %dma_wait3A_75 = arith.constant 0 : i32
      %dma_wait3A_76 = tpu.memref_slice %arg10[%dma_wait3A_74, %dma_wait3A_75] : memref<10000x128xf32, #tpu.memory_space<vmem_shared>> -> memref<10000x128xf32, #tpu.memory_space<vmem_shared>>
      %dma_wait3A_77 = tpu.memref_slice %arg12[%dma_wait3A_66] : memref<4x!tpu.dma_semaphore, #tpu.memory_space<semaphore_mem>> -> memref<1x!tpu.dma_semaphore, #tpu.memory_space<semaphore_mem>>
      %dma_wait3A_78 = tpu.memref_squeeze %dma_wait3A_77 : memref<1x!tpu.dma_semaphore, #tpu.memory_space<semaphore_mem>> -> memref<!tpu.dma_semaphore, #tpu.memory_space<semaphore_mem>>
      tpu.wait_indirect_dma semaphore(%dma_wait3A_78 : memref<!tpu.dma_semaphore, #tpu.memory_space<semaphore_mem>>) src(%dma_wait3A_70 : memref<80x128xf32, #tpu.memory_space<vmem>>) dst(%dma_wait3A_76 : memref<10000x128xf32, #tpu.memory_space<vmem_shared>>)
      %dma_wait3A_79 = arith.constant 2 : i32
      %dma_wait3A_80 = arith.constant 0 : i32
      %dma_wait3A_81 = arith.constant 2 : i32
      %dma_wait3A_82 = arith.constant 0 : i32
      %dma_wait3A_83 = arith.constant 0 : i32
      %dma_wait3A_84 = tpu.memref_slice %arg9[%dma_wait3A_79, %dma_wait3A_82, %dma_wait3A_83] : memref<4x80x128xf32, #tpu.memory_space<vmem>> -> memref<1x80x128xf32, #tpu.memory_space<vmem>>
      %dma_wait3A_85 = tpu.memref_squeeze %dma_wait3A_84 : memref<1x80x128xf32, #tpu.memory_space<vmem>> -> memref<80x128xf32, #tpu.memory_space<vmem>>
      %dma_wait3A_86 = arith.constant 0 : i32
      %dma_wait3A_87 = tpu.memref_slice %arg8[%dma_wait3A_80, %dma_wait3A_86] : memref<25x80xi32, #tpu.memory_space<vmem>> -> memref<1x80xi32, #tpu.memory_space<vmem>>
      %dma_wait3A_88 = tpu.memref_squeeze %dma_wait3A_87 : memref<1x80xi32, #tpu.memory_space<vmem>> -> memref<80xi32, #tpu.memory_space<vmem>>
      %dma_wait3A_89 = arith.constant 0 : i32
      %dma_wait3A_90 = arith.constant 0 : i32
      %dma_wait3A_91 = tpu.memref_slice %arg10[%dma_wait3A_89, %dma_wait3A_90] : memref<10000x128xf32, #tpu.memory_space<vmem_shared>> -> memref<10000x128xf32, #tpu.memory_space<vmem_shared>>
      %dma_wait3A_92 = tpu.memref_slice %arg12[%dma_wait3A_81] : memref<4x!tpu.dma_semaphore, #tpu.memory_space<semaphore_mem>> -> memref<1x!tpu.dma_semaphore, #tpu.memory_space<semaphore_mem>>
      %dma_wait3A_93 = tpu.memref_squeeze %dma_wait3A_92 : memref<1x!tpu.dma_semaphore, #tpu.memory_space<semaphore_mem>> -> memref<!tpu.dma_semaphore, #tpu.memory_space<semaphore_mem>>
      tpu.wait_indirect_dma semaphore(%dma_wait3A_93 : memref<!tpu.dma_semaphore, #tpu.memory_space<semaphore_mem>>) src(%dma_wait3A_85 : memref<80x128xf32, #tpu.memory_space<vmem>>) dst(%dma_wait3A_91 : memref<10000x128xf32, #tpu.memory_space<vmem_shared>>)
      %dma_wait3A_94 = arith.constant 3 : i32
      %dma_wait3A_95 = arith.constant 0 : i32
      %dma_wait3A_96 = arith.constant 3 : i32
      %dma_wait3A_97 = arith.constant 0 : i32
      %dma_wait3A_98 = arith.constant 0 : i32
      %dma_wait3A_99 = tpu.memref_slice %arg9[%dma_wait3A_94, %dma_wait3A_97, %dma_wait3A_98] : memref<4x80x128xf32, #tpu.memory_space<vmem>> -> memref<1x80x128xf32, #tpu.memory_space<vmem>>
      %dma_wait3A_100 = tpu.memref_squeeze %dma_wait3A_99 : memref<1x80x128xf32, #tpu.memory_space<vmem>> -> memref<80x128xf32, #tpu.memory_space<vmem>>
      %dma_wait3A_101 = arith.constant 0 : i32
      %dma_wait3A_102 = tpu.memref_slice %arg8[%dma_wait3A_95, %dma_wait3A_101] : memref<25x80xi32, #tpu.memory_space<vmem>> -> memref<1x80xi32, #tpu.memory_space<vmem>>
      %dma_wait3A_103 = tpu.memref_squeeze %dma_wait3A_102 : memref<1x80xi32, #tpu.memory_space<vmem>> -> memref<80xi32, #tpu.memory_space<vmem>>
      %dma_wait3A_104 = arith.constant 0 : i32
      %dma_wait3A_105 = arith.constant 0 : i32
      %dma_wait3A_106 = tpu.memref_slice %arg10[%dma_wait3A_104, %dma_wait3A_105] : memref<10000x128xf32, #tpu.memory_space<vmem_shared>> -> memref<10000x128xf32, #tpu.memory_space<vmem_shared>>
      %dma_wait3A_107 = tpu.memref_slice %arg12[%dma_wait3A_96] : memref<4x!tpu.dma_semaphore, #tpu.memory_space<semaphore_mem>> -> memref<1x!tpu.dma_semaphore, #tpu.memory_space<semaphore_mem>>
      %dma_wait3A_108 = tpu.memref_squeeze %dma_wait3A_107 : memref<1x!tpu.dma_semaphore, #tpu.memory_space<semaphore_mem>> -> memref<!tpu.dma_semaphore, #tpu.memory_space<semaphore_mem>>
      tpu.wait_indirect_dma semaphore(%dma_wait3A_108 : memref<!tpu.dma_semaphore, #tpu.memory_space<semaphore_mem>>) src(%dma_wait3A_100 : memref<80x128xf32, #tpu.memory_space<vmem>>) dst(%dma_wait3A_106 : memref<10000x128xf32, #tpu.memory_space<vmem_shared>>)
      %dma_wait3A_109 = arith.constant 24 : i32
      %dma_wait3A_110 = arith.constant 0 : i32
      %dma_wait3A_111 = arith.constant 0 : i32
      %dma_wait3A_112 = arith.constant 0 : i32
      %dma_wait3A_113 = arith.constant 0 : i32
      %dma_wait3A_114 = tpu.memref_slice %arg9[%dma_wait3A_110, %dma_wait3A_112, %dma_wait3A_113] : memref<4x80x128xf32, #tpu.memory_space<vmem>> -> memref<1x80x128xf32, #tpu.memory_space<vmem>>
      %dma_wait3A_115 = tpu.memref_squeeze %dma_wait3A_114 : memref<1x80x128xf32, #tpu.memory_space<vmem>> -> memref<80x128xf32, #tpu.memory_space<vmem>>
      %dma_wait3A_116 = arith.constant 0 : i32
      %dma_wait3A_117 = tpu.memref_slice %arg7[%dma_wait3A_109, %dma_wait3A_116] : memref<25x80xi32, #tpu.memory_space<vmem>> -> memref<1x80xi32, #tpu.memory_space<vmem>>
      %dma_wait3A_118 = tpu.memref_squeeze %dma_wait3A_117 : memref<1x80xi32, #tpu.memory_space<vmem>> -> memref<80xi32, #tpu.memory_space<vmem>>
      %dma_wait3A_119 = arith.constant 0 : i32
      %dma_wait3A_120 = arith.constant 0 : i32
      %dma_wait3A_121 = tpu.memref_slice %arg2[%dma_wait3A_119, %dma_wait3A_120] : memref<10000x128xf32, #tpu.memory_space<hbm>> -> memref<10000x128xf32, #tpu.memory_space<hbm>>
      %dma_wait3A_122 = tpu.memref_slice %arg11[%dma_wait3A_111] : memref<4x!tpu.dma_semaphore, #tpu.memory_space<semaphore_mem>> -> memref<1x!tpu.dma_semaphore, #tpu.memory_space<semaphore_mem>>
      %dma_wait3A_123 = tpu.memref_squeeze %dma_wait3A_122 : memref<1x!tpu.dma_semaphore, #tpu.memory_space<semaphore_mem>> -> memref<!tpu.dma_semaphore, #tpu.memory_space<semaphore_mem>>
      tpu.wait_indirect_dma semaphore(%dma_wait3A_123 : memref<!tpu.dma_semaphore, #tpu.memory_space<semaphore_mem>>) src(%dma_wait3A_121 : memref<10000x128xf32, #tpu.memory_space<hbm>>) dst(%dma_wait3A_115 : memref<80x128xf32, #tpu.memory_space<vmem>>)
      %run_scoped3A = arith.constant 0 : i32
      %run_scoped3A_124 = arith.constant 24 : i32
      "tpu.region"() ({
        %run_scoped3A_125 = tpu.sem_alloc : memref<!tpu.dma_semaphore, #tpu.memory_space<semaphore_mem>>
        %dma_start3A_126 = arith.constant 0 : i32
        %dma_start3A_127 = arith.constant 0 : i32
        %dma_start3A_128 = tpu.memref_slice %arg9[%run_scoped3A, %dma_start3A_126, %dma_start3A_127] : memref<4x80x128xf32, #tpu.memory_space<vmem>> -> memref<1x80x128xf32, #tpu.memory_space<vmem>>
        %dma_start3A_129 = tpu.memref_squeeze %dma_start3A_128 : memref<1x80x128xf32, #tpu.memory_space<vmem>> -> memref<80x128xf32, #tpu.memory_space<vmem>>
        %dma_start3A_130 = arith.constant 0 : i32
        %dma_start3A_131 = tpu.memref_slice %arg8[%run_scoped3A_124, %dma_start3A_130] : memref<25x80xi32, #tpu.memory_space<vmem>> -> memref<1x80xi32, #tpu.memory_space<vmem>>
        %dma_start3A_132 = tpu.memref_squeeze %dma_start3A_131 : memref<1x80xi32, #tpu.memory_space<vmem>> -> memref<80xi32, #tpu.memory_space<vmem>>
        %dma_start3A_133 = arith.constant 0 : i32
        %dma_start3A_134 = arith.constant 0 : i32
        %dma_start3A_135 = tpu.memref_slice %arg10[%dma_start3A_133, %dma_start3A_134] : memref<10000x128xf32, #tpu.memory_space<vmem_shared>> -> memref<10000x128xf32, #tpu.memory_space<vmem_shared>>
        tpu.enqueue_indirect_dma source(%dma_start3A_129 : memref<80x128xf32, #tpu.memory_space<vmem>>) target(%dma_start3A_135 : memref<10000x128xf32, #tpu.memory_space<vmem_shared>>) offsets(%dma_start3A_132 : memref<80xi32, #tpu.memory_space<vmem>>) semaphore(%run_scoped3A_125 : memref<!tpu.dma_semaphore, #tpu.memory_space<semaphore_mem>>) {add = true}
        %dma_wait3A_136 = arith.constant 0 : i32
        %dma_wait3A_137 = arith.constant 0 : i32
        %dma_wait3A_138 = tpu.memref_slice %arg9[%run_scoped3A, %dma_wait3A_136, %dma_wait3A_137] : memref<4x80x128xf32, #tpu.memory_space<vmem>> -> memref<1x80x128xf32, #tpu.memory_space<vmem>>
        %dma_wait3A_139 = tpu.memref_squeeze %dma_wait3A_138 : memref<1x80x128xf32, #tpu.memory_space<vmem>> -> memref<80x128xf32, #tpu.memory_space<vmem>>
        %dma_wait3A_140 = arith.constant 0 : i32
        %dma_wait3A_141 = tpu.memref_slice %arg8[%run_scoped3A_124, %dma_wait3A_140] : memref<25x80xi32, #tpu.memory_space<vmem>> -> memref<1x80xi32, #tpu.memory_space<vmem>>
        %dma_wait3A_142 = tpu.memref_squeeze %dma_wait3A_141 : memref<1x80xi32, #tpu.memory_space<vmem>> -> memref<80xi32, #tpu.memory_space<vmem>>
        %dma_wait3A_143 = arith.constant 0 : i32
        %dma_wait3A_144 = arith.constant 0 : i32
        %dma_wait3A_145 = tpu.memref_slice %arg10[%dma_wait3A_143, %dma_wait3A_144] : memref<10000x128xf32, #tpu.memory_space<vmem_shared>> -> memref<10000x128xf32, #tpu.memory_space<vmem_shared>>
        tpu.wait_indirect_dma semaphore(%run_scoped3A_125 : memref<!tpu.dma_semaphore, #tpu.memory_space<semaphore_mem>>) src(%dma_wait3A_139 : memref<80x128xf32, #tpu.memory_space<vmem>>) dst(%dma_wait3A_145 : memref<10000x128xf32, #tpu.memory_space<vmem_shared>>)
        tpu.yield
      }) : () -> ()
    }
    %scan3A_10 = arith.constant 5 : i32
    %barrier3A = arith.constant 0 : index
    tpu.barrier barrier_id(%barrier3A)
    %lt3A_11 = arith.constant 15 : i32
    %lt3A_12 = arith.cmpi slt, %arg1, %lt3A_11 : i32
    %convert_element_type3A_13 = arith.extui %lt3A_12 : i1 to i32
    %cond3A_14 = arith.constant 0 : i32
    %cond3A_15 = arith.cmpi ne, %convert_element_type3A_13, %cond3A_14 : i32
    scf.if %cond3A_15 {
      %mul3A_21 = arith.constant 624 : i32
      %mul3A_22 = arith.muli %arg1, %mul3A_21 : i32
      %mul3A_23 = arith.constant 624 : i32
      %mul3A_24 = arith.muli %arg1, %mul3A_23 : i32
      "tpu.region"() ({
        %run_scoped3A = tpu.sem_alloc : memref<!tpu.dma_semaphore, #tpu.memory_space<semaphore_mem>>
        %dma_start3A = arith.constant 0 : i32
        %dma_start3A_25 = tpu.memref_slice %arg6[%arg0, %mul3A_24, %dma_start3A] : memref<2x10000x128xf32, #tpu.memory_space<hbm>> -> memref<1x624x128xf32, #tpu.memory_space<hbm>>
        %dma_start3A_26 = tpu.memref_squeeze %dma_start3A_25 : memref<1x624x128xf32, #tpu.memory_space<hbm>> -> memref<624x128xf32, #tpu.memory_space<hbm>>
        %dma_start3A_27 = arith.constant 0 : i32
        %dma_start3A_28 = tpu.memref_slice %arg10[%mul3A_22, %dma_start3A_27] : memref<10000x128xf32, #tpu.memory_space<vmem_shared>> -> memref<624x128xf32, #tpu.memory_space<vmem_shared>>
        tpu.enqueue_dma source(%dma_start3A_28 : memref<624x128xf32, #tpu.memory_space<vmem_shared>>) target(%dma_start3A_26 : memref<624x128xf32, #tpu.memory_space<hbm>>) target_semaphore(%run_scoped3A : memref<!tpu.dma_semaphore, #tpu.memory_space<semaphore_mem>>)
        %dma_wait3A = arith.constant 0 : i32
        %dma_wait3A_29 = tpu.memref_slice %arg6[%arg0, %mul3A_24, %dma_wait3A] : memref<2x10000x128xf32, #tpu.memory_space<hbm>> -> memref<1x624x128xf32, #tpu.memory_space<hbm>>
        %dma_wait3A_30 = tpu.memref_squeeze %dma_wait3A_29 : memref<1x624x128xf32, #tpu.memory_space<hbm>> -> memref<624x128xf32, #tpu.memory_space<hbm>>
        %dma_wait3A_31 = arith.constant 0 : i32
        %dma_wait3A_32 = tpu.memref_slice %arg10[%mul3A_22, %dma_wait3A_31] : memref<10000x128xf32, #tpu.memory_space<vmem_shared>> -> memref<624x128xf32, #tpu.memory_space<vmem_shared>>
        tpu.wait_dma2 semaphore(%run_scoped3A : memref<!tpu.dma_semaphore, #tpu.memory_space<semaphore_mem>>) src(%dma_wait3A_32 : memref<624x128xf32, #tpu.memory_space<vmem_shared>>) dst(%dma_wait3A_30 : memref<624x128xf32, #tpu.memory_space<hbm>>)
        tpu.yield
      }) : () -> ()
    } else {
    }
    %eq3A_16 = arith.constant 15 : i32
    %eq3A_17 = arith.cmpi eq, %arg1, %eq3A_16 : i32
    %convert_element_type3A_18 = arith.extui %eq3A_17 : i1 to i32
    %cond3A_19 = arith.constant 0 : i32
    %cond3A_20 = arith.cmpi ne, %convert_element_type3A_18, %cond3A_19 : i32
    scf.if %cond3A_20 {
      "tpu.region"() ({
        %run_scoped3A = tpu.sem_alloc : memref<!tpu.dma_semaphore, #tpu.memory_space<semaphore_mem>>
        %dma_start3A = arith.constant 9360 : i32
        %dma_start3A_21 = arith.constant 0 : i32
        %dma_start3A_22 = tpu.memref_slice %arg6[%arg0, %dma_start3A, %dma_start3A_21] : memref<2x10000x128xf32, #tpu.memory_space<hbm>> -> memref<1x640x128xf32, #tpu.memory_space<hbm>>
        %dma_start3A_23 = tpu.memref_squeeze %dma_start3A_22 : memref<1x640x128xf32, #tpu.memory_space<hbm>> -> memref<640x128xf32, #tpu.memory_space<hbm>>
        %dma_start3A_24 = arith.constant 9360 : i32
        %dma_start3A_25 = arith.constant 0 : i32
        %dma_start3A_26 = tpu.memref_slice %arg10[%dma_start3A_24, %dma_start3A_25] : memref<10000x128xf32, #tpu.memory_space<vmem_shared>> -> memref<640x128xf32, #tpu.memory_space<vmem_shared>>
        tpu.enqueue_dma source(%dma_start3A_26 : memref<640x128xf32, #tpu.memory_space<vmem_shared>>) target(%dma_start3A_23 : memref<640x128xf32, #tpu.memory_space<hbm>>) target_semaphore(%run_scoped3A : memref<!tpu.dma_semaphore, #tpu.memory_space<semaphore_mem>>)
        %dma_wait3A = arith.constant 9360 : i32
        %dma_wait3A_27 = arith.constant 0 : i32
        %dma_wait3A_28 = tpu.memref_slice %arg6[%arg0, %dma_wait3A, %dma_wait3A_27] : memref<2x10000x128xf32, #tpu.memory_space<hbm>> -> memref<1x640x128xf32, #tpu.memory_space<hbm>>
        %dma_wait3A_29 = tpu.memref_squeeze %dma_wait3A_28 : memref<1x640x128xf32, #tpu.memory_space<hbm>> -> memref<640x128xf32, #tpu.memory_space<hbm>>
        %dma_wait3A_30 = arith.constant 9360 : i32
        %dma_wait3A_31 = arith.constant 0 : i32
        %dma_wait3A_32 = tpu.memref_slice %arg10[%dma_wait3A_30, %dma_wait3A_31] : memref<10000x128xf32, #tpu.memory_space<vmem_shared>> -> memref<640x128xf32, #tpu.memory_space<vmem_shared>>
        tpu.wait_dma2 semaphore(%run_scoped3A : memref<!tpu.dma_semaphore, #tpu.memory_space<semaphore_mem>>) src(%dma_wait3A_32 : memref<640x128xf32, #tpu.memory_space<vmem_shared>>) dst(%dma_wait3A_29 : memref<640x128xf32, #tpu.memory_space<hbm>>)
        tpu.yield
      }) : () -> ()
    } else {
    }
    return
  }
}

module attributes {stable_mosaic.version = 14 : i64} {
  func.func @_scale_body(%arg0: i32, %arg1: memref<5000x128xf32, #tpu.memory_space<vmem>>, %arg2: memref<128x128xf32, #tpu.memory_space<vmem>>, %arg3: memref<1x5000x1xf32, #tpu.memory_space<vmem>>, %arg4: memref<1x5000x1xf32, #tpu.memory_space<vmem>>, %arg5: memref<5000x128xf32, #tpu.memory_space<vmem>>, %arg6: memref<5000x1xf32, #tpu.memory_space<vmem>>) attributes {dimension_semantics = [#tpu.dimension_semantics<arbitrary>], iteration_bounds = array<i64: 2>, scalar_prefetch = 0 : i64, scratch_operands = 0 : i64, tpu.core_type = #tpu.core_type<tc>, window_params = [{transform_indices = @transform_0, window_bounds = array<i64: 5000, 128>}, {pipeline_mode = #tpu.pipeline_mode<synchronous>, transform_indices = @transform_1, window_bounds = array<i64: 128, 128>}, {transform_indices = @transform_2, window_bounds = array<i64: 1, 5000, 1>}, {transform_indices = @transform_3, window_bounds = array<i64: 1, 5000, 1>}, {transform_indices = @transform_4, window_bounds = array<i64: 5000, 128>}, {transform_indices = @transform_5, window_bounds = array<i64: 5000, 1>}]} {
    %get3A = arith.constant 0 : index
    %get3A_0 = arith.constant 0 : index
    %get3A_1 = arith.constant 0 : index
    %get3A_2 = vector.load %arg3[%get3A, %get3A_0, %get3A_1] : memref<1x5000x1xf32, #tpu.memory_space<vmem>>, vector<1x5000x1xf32>
    %get3A_3 = vector.shape_cast %get3A_2 : vector<1x5000x1xf32> to vector<5000x1xf32>
    %get3A_4 = arith.constant 0 : index
    %get3A_5 = arith.constant 0 : index
    %get3A_6 = arith.constant 0 : index
    %get3A_7 = vector.load %arg4[%get3A_4, %get3A_5, %get3A_6] : memref<1x5000x1xf32, #tpu.memory_space<vmem>>, vector<1x5000x1xf32>
    %get3A_8 = vector.shape_cast %get3A_7 : vector<1x5000x1xf32> to vector<5000x1xf32>
    %add3A = arith.addf %get3A_3, %get3A_8 : vector<5000x1xf32>
    %add3A_9 = arith.constant 1.000000e+00 : f32
    %add3A_10 = vector.broadcast %add3A_9 : f32 to vector<5000x1xf32>
    %add3A_11 = arith.addf %add3A, %add3A_10 : vector<5000x1xf32>
    %rsqrt3A = math.rsqrt %add3A_11 : vector<5000x1xf32>
    %get3A_12 = arith.constant 0 : index
    %get3A_13 = arith.constant 0 : index
    %get3A_14 = vector.load %arg1[%get3A_12, %get3A_13] : memref<5000x128xf32, #tpu.memory_space<vmem>>, vector<5000x128xf32>
    %get3A_15 = arith.constant 0 : index
    %get3A_16 = arith.constant 0 : index
    %get3A_17 = vector.load %arg2[%get3A_15, %get3A_16] : memref<128x128xf32, #tpu.memory_space<vmem>>, vector<128x128xf32>
    %dot_general3A = arith.constant dense<0.000000e+00> : vector<5000x128xf32>
    %dot_general3A_18 = tpu.matmul %get3A_14, %get3A_17, %dot_general3A {dimension_numbers = #tpu.dot_dimension_numbers<[1], [0], [0], [1], [0, 0, 1, 1], [], []>, transpose_lhs_hint = false} : vector<5000x128xf32>, vector<128x128xf32>, vector<5000x128xf32> -> vector<5000x128xf32>
    %mul3A = vector.broadcast %rsqrt3A : vector<5000x1xf32> to vector<5000x128xf32>
    %mul3A_19 = arith.mulf %dot_general3A_18, %mul3A : vector<5000x128xf32>
    %swap3A = arith.constant 0 : index
    %swap3A_20 = arith.constant 0 : index
    %swap3A_21 = vector.load %arg5[%swap3A, %swap3A_20] : memref<5000x128xf32, #tpu.memory_space<vmem>>, vector<5000x128xf32>
    tpu.vector_store %arg5[%swap3A, %swap3A_20], %mul3A_19 {strides = array<i32>} : memref<5000x128xf32, #tpu.memory_space<vmem>>, vector<5000x128xf32>,
    %swap3A_22 = arith.constant 0 : index
    %swap3A_23 = arith.constant 0 : index
    %swap3A_24 = vector.load %arg6[%swap3A_22, %swap3A_23] : memref<5000x1xf32, #tpu.memory_space<vmem>>, vector<5000x1xf32>
    tpu.vector_store %arg6[%swap3A_22, %swap3A_23], %rsqrt3A {strides = array<i32>} : memref<5000x1xf32, #tpu.memory_space<vmem>>, vector<5000x1xf32>,
    return
  }
  func.func @transform_0(%arg0: i32) -> (i32, i32) {
    %c0_i32 = arith.constant 0 : i32
    %c0_i32_0 = arith.constant 0 : i32
    return %arg0, %c0_i32 : i32, i32
  }
  func.func @transform_1(%arg0: i32) -> (i32, i32) {
    %c0_i32 = arith.constant 0 : i32
    %c0_i32_0 = arith.constant 0 : i32
    %c0_i32_1 = arith.constant 0 : i32
    return %c0_i32, %c0_i32_0 : i32, i32
  }
  func.func @transform_2(%arg0: i32) -> (i32, i32, i32) {
    %c0_i32 = arith.constant 0 : i32
    %c0_i32_0 = arith.constant 0 : i32
    %c0_i32_1 = arith.constant 0 : i32
    return %c0_i32, %arg0, %c0_i32_0 : i32, i32, i32
  }
  func.func @transform_3(%arg0: i32) -> (i32, i32, i32) {
    %c1_i32 = arith.constant 1 : i32
    %c0_i32 = arith.constant 0 : i32
    %c0_i32_0 = arith.constant 0 : i32
    return %c1_i32, %arg0, %c0_i32 : i32, i32, i32
  }
  func.func @transform_4(%arg0: i32) -> (i32, i32) {
    %c0_i32 = arith.constant 0 : i32
    %c0_i32_0 = arith.constant 0 : i32
    return %arg0, %c0_i32 : i32, i32
  }
  func.func @transform_5(%arg0: i32) -> (i32, i32) {
    %c0_i32 = arith.constant 0 : i32
    %c0_i32_0 = arith.constant 0 : i32
    return %arg0, %c0_i32 : i32, i32
  }
}

module attributes {stable_mosaic.version = 14 : i64} {
  func.func @_final_body(%arg0: i32, %arg1: memref<1x5000x128xf32, #tpu.memory_space<vmem>>, %arg2: memref<1x5000x128xf32, #tpu.memory_space<vmem>>, %arg3: memref<5000x128xf32, #tpu.memory_space<vmem>>, %arg4: memref<5000x1xf32, #tpu.memory_space<vmem>>, %arg5: memref<1x128xf32, #tpu.memory_space<vmem>>, %arg6: memref<5000x1xf32, #tpu.memory_space<vmem>>, %arg7: memref<128x128xf32, #tpu.memory_space<vmem>>, %arg8: memref<1x128xf32, #tpu.memory_space<vmem>>, %arg9: memref<5000x128xf32, #tpu.memory_space<vmem>>) attributes {dimension_semantics = [#tpu.dimension_semantics<arbitrary>], iteration_bounds = array<i64: 2>, scalar_prefetch = 0 : i64, scratch_operands = 0 : i64, tpu.core_type = #tpu.core_type<tc>, window_params = [{transform_indices = @transform_0, window_bounds = array<i64: 1, 5000, 128>}, {transform_indices = @transform_1, window_bounds = array<i64: 1, 5000, 128>}, {transform_indices = @transform_2, window_bounds = array<i64: 5000, 128>}, {transform_indices = @transform_3, window_bounds = array<i64: 5000, 1>}, {pipeline_mode = #tpu.pipeline_mode<synchronous>, transform_indices = @transform_4, window_bounds = array<i64: 1, 128>}, {transform_indices = @transform_5, window_bounds = array<i64: 5000, 1>}, {pipeline_mode = #tpu.pipeline_mode<synchronous>, transform_indices = @transform_6, window_bounds = array<i64: 128, 128>}, {pipeline_mode = #tpu.pipeline_mode<synchronous>, transform_indices = @transform_7, window_bounds = array<i64: 1, 128>}, {transform_indices = @transform_8, window_bounds = array<i64: 5000, 128>}]} {
    %get3A = arith.constant 0 : index
    %get3A_0 = arith.constant 0 : index
    %get3A_1 = arith.constant 0 : index
    %get3A_2 = vector.load %arg1[%get3A, %get3A_0, %get3A_1] : memref<1x5000x128xf32, #tpu.memory_space<vmem>>, vector<1x5000x128xf32>
    %get3A_3 = vector.shape_cast %get3A_2 : vector<1x5000x128xf32> to vector<5000x128xf32>
    %get3A_4 = arith.constant 0 : index
    %get3A_5 = arith.constant 0 : index
    %get3A_6 = arith.constant 0 : index
    %get3A_7 = vector.load %arg2[%get3A_4, %get3A_5, %get3A_6] : memref<1x5000x128xf32, #tpu.memory_space<vmem>>, vector<1x5000x128xf32>
    %get3A_8 = vector.shape_cast %get3A_7 : vector<1x5000x128xf32> to vector<5000x128xf32>
    %add3A = arith.addf %get3A_3, %get3A_8 : vector<5000x128xf32>
    %get3A_9 = arith.constant 0 : index
    %get3A_10 = arith.constant 0 : index
    %get3A_11 = vector.load %arg3[%get3A_9, %get3A_10] : memref<5000x128xf32, #tpu.memory_space<vmem>>, vector<5000x128xf32>
    %add3A_12 = arith.addf %add3A, %get3A_11 : vector<5000x128xf32>
    %get3A_13 = arith.constant 0 : index
    %get3A_14 = arith.constant 0 : index
    %get3A_15 = vector.load %arg4[%get3A_13, %get3A_14] : memref<5000x1xf32, #tpu.memory_space<vmem>>, vector<5000x1xf32>
    %mul3A = vector.broadcast %get3A_15 : vector<5000x1xf32> to vector<5000x128xf32>
    %mul3A_16 = arith.mulf %add3A_12, %mul3A : vector<5000x128xf32>
    %get3A_17 = arith.constant 0 : index
    %get3A_18 = arith.constant 0 : index
    %get3A_19 = vector.load %arg5[%get3A_17, %get3A_18] : memref<1x128xf32, #tpu.memory_space<vmem>>, vector<1x128xf32>
    %add3A_20 = vector.broadcast %get3A_19 : vector<1x128xf32> to vector<5000x128xf32>
    %add3A_21 = arith.addf %mul3A_16, %add3A_20 : vector<5000x128xf32>
    %get3A_22 = arith.constant 0 : index
    %get3A_23 = arith.constant 0 : index
    %get3A_24 = vector.load %arg7[%get3A_22, %get3A_23] : memref<128x128xf32, #tpu.memory_space<vmem>>, vector<128x128xf32>
    %dot_general3A = arith.constant dense<0.000000e+00> : vector<5000x128xf32>
    %dot_general3A_25 = tpu.matmul %add3A_21, %get3A_24, %dot_general3A {dimension_numbers = #tpu.dot_dimension_numbers<[1], [1], [0], [0], [0, 0, 1, 0], [], []>, transpose_lhs_hint = false} : vector<5000x128xf32>, vector<128x128xf32>, vector<5000x128xf32> -> vector<5000x128xf32>
    %get3A_26 = arith.constant 0 : index
    %get3A_27 = arith.constant 0 : index
    %get3A_28 = vector.load %arg6[%get3A_26, %get3A_27] : memref<5000x1xf32, #tpu.memory_space<vmem>>, vector<5000x1xf32>
    %gt3A = arith.constant 0.000000e+00 : f32
    %gt3A_29 = vector.broadcast %gt3A : f32 to vector<5000x1xf32>
    %gt3A_30 = arith.cmpf ogt, %get3A_28, %gt3A_29 : vector<5000x1xf32>
    %get3A_31 = arith.constant 0 : index
    %get3A_32 = arith.constant 0 : index
    %get3A_33 = vector.load %arg8[%get3A_31, %get3A_32] : memref<1x128xf32, #tpu.memory_space<vmem>>, vector<1x128xf32>
    %add3A_34 = vector.broadcast %get3A_33 : vector<1x128xf32> to vector<5000x128xf32>
    %add3A_35 = arith.addf %dot_general3A_25, %add3A_34 : vector<5000x128xf32>
    %broadcast_in_dim3A = vector.shape_cast %gt3A_30 : vector<5000x1xi1> to vector<5000x1xi1>
    %broadcast_in_dim3A_36 = vector.broadcast %broadcast_in_dim3A : vector<5000x1xi1> to vector<5000x128xi1>
    %select_n3A = arith.select %broadcast_in_dim3A_36, %add3A_35, %add3A_21 : vector<5000x128xi1>, vector<5000x128xf32>
    %swap3A = arith.constant 0 : index
    %swap3A_37 = arith.constant 0 : index
    %swap3A_38 = vector.load %arg9[%swap3A, %swap3A_37] : memref<5000x128xf32, #tpu.memory_space<vmem>>, vector<5000x128xf32>
    tpu.vector_store %arg9[%swap3A, %swap3A_37], %select_n3A {strides = array<i32>} : memref<5000x128xf32, #tpu.memory_space<vmem>>, vector<5000x128xf32>,
    return
  }
  func.func @transform_0(%arg0: i32) -> (i32, i32, i32) {
    %c0_i32 = arith.constant 0 : i32
    %c0_i32_0 = arith.constant 0 : i32
    %c0_i32_1 = arith.constant 0 : i32
    return %c0_i32, %arg0, %c0_i32_0 : i32, i32, i32
  }
  func.func @transform_1(%arg0: i32) -> (i32, i32, i32) {
    %c1_i32 = arith.constant 1 : i32
    %c0_i32 = arith.constant 0 : i32
    %c0_i32_0 = arith.constant 0 : i32
    return %c1_i32, %arg0, %c0_i32 : i32, i32, i32
  }
  func.func @transform_2(%arg0: i32) -> (i32, i32) {
    %c0_i32 = arith.constant 0 : i32
    %c0_i32_0 = arith.constant 0 : i32
    return %arg0, %c0_i32 : i32, i32
  }
  func.func @transform_3(%arg0: i32) -> (i32, i32) {
    %c0_i32 = arith.constant 0 : i32
    %c0_i32_0 = arith.constant 0 : i32
    return %arg0, %c0_i32 : i32, i32
  }
  func.func @transform_4(%arg0: i32) -> (i32, i32) {
    %c0_i32 = arith.constant 0 : i32
    %c0_i32_0 = arith.constant 0 : i32
    %c0_i32_1 = arith.constant 0 : i32
    return %c0_i32, %c0_i32_0 : i32, i32
  }
  func.func @transform_5(%arg0: i32) -> (i32, i32) {
    %c0_i32 = arith.constant 0 : i32
    %c0_i32_0 = arith.constant 0 : i32
    return %arg0, %c0_i32 : i32, i32
  }
  func.func @transform_6(%arg0: i32) -> (i32, i32) {
    %c0_i32 = arith.constant 0 : i32
    %c0_i32_0 = arith.constant 0 : i32
    %c0_i32_1 = arith.constant 0 : i32
    return %c0_i32, %c0_i32_0 : i32, i32
  }
  func.func @transform_7(%arg0: i32) -> (i32, i32) {
    %c0_i32 = arith.constant 0 : i32
    %c0_i32_0 = arith.constant 0 : i32
    %c0_i32_1 = arith.constant 0 : i32
    return %c0_i32, %c0_i32_0 : i32, i32
  }
  func.func @transform_8(%arg0: i32) -> (i32, i32) {
    %c0_i32 = arith.constant 0 : i32
    %c0_i32_0 = arith.constant 0 : i32
    return %arg0, %c0_i32 : i32, i32
  }
}

module attributes {stable_mosaic.version = 14 : i64} {
  func.func @_mid_body(%arg0: i32, %arg1: memref<1x5000x128xf32, #tpu.memory_space<vmem>>, %arg2: memref<1x5000x128xf32, #tpu.memory_space<vmem>>, %arg3: memref<5000x128xf32, #tpu.memory_space<vmem>>, %arg4: memref<5000x1xf32, #tpu.memory_space<vmem>>, %arg5: memref<1x128xf32, #tpu.memory_space<vmem>>, %arg6: memref<5000x1xf32, #tpu.memory_space<vmem>>, %arg7: memref<128x128xf32, #tpu.memory_space<vmem>>, %arg8: memref<1x128xf32, #tpu.memory_space<vmem>>, %arg9: memref<128x128xf32, #tpu.memory_space<vmem>>, %arg10: memref<5000x128xf32, #tpu.memory_space<vmem>>) attributes {dimension_semantics = [#tpu.dimension_semantics<arbitrary>], iteration_bounds = array<i64: 2>, scalar_prefetch = 0 : i64, scratch_operands = 0 : i64, tpu.core_type = #tpu.core_type<tc>, window_params = [{transform_indices = @transform_0, window_bounds = array<i64: 1, 5000, 128>}, {transform_indices = @transform_1, window_bounds = array<i64: 1, 5000, 128>}, {transform_indices = @transform_2, window_bounds = array<i64: 5000, 128>}, {transform_indices = @transform_3, window_bounds = array<i64: 5000, 1>}, {pipeline_mode = #tpu.pipeline_mode<synchronous>, transform_indices = @transform_4, window_bounds = array<i64: 1, 128>}, {transform_indices = @transform_5, window_bounds = array<i64: 5000, 1>}, {pipeline_mode = #tpu.pipeline_mode<synchronous>, transform_indices = @transform_6, window_bounds = array<i64: 128, 128>}, {pipeline_mode = #tpu.pipeline_mode<synchronous>, transform_indices = @transform_7, window_bounds = array<i64: 1, 128>}, {pipeline_mode = #tpu.pipeline_mode<synchronous>, transform_indices = @transform_8, window_bounds = array<i64: 128, 128>}, {transform_indices = @transform_9, window_bounds = array<i64: 5000, 128>}]} {
    %get3A = arith.constant 0 : index
    %get3A_0 = arith.constant 0 : index
    %get3A_1 = vector.load %arg4[%get3A, %get3A_0] : memref<5000x1xf32, #tpu.memory_space<vmem>>, vector<5000x1xf32>
    %get3A_2 = arith.constant 0 : index
    %get3A_3 = arith.constant 0 : index
    %get3A_4 = arith.constant 0 : index
    %get3A_5 = vector.load %arg1[%get3A_2, %get3A_3, %get3A_4] : memref<1x5000x128xf32, #tpu.memory_space<vmem>>, vector<1x5000x128xf32>
    %get3A_6 = vector.shape_cast %get3A_5 : vector<1x5000x128xf32> to vector<5000x128xf32>
    %get3A_7 = arith.constant 0 : index
    %get3A_8 = arith.constant 0 : index
    %get3A_9 = arith.constant 0 : index
    %get3A_10 = vector.load %arg2[%get3A_7, %get3A_8, %get3A_9] : memref<1x5000x128xf32, #tpu.memory_space<vmem>>, vector<1x5000x128xf32>
    %get3A_11 = vector.shape_cast %get3A_10 : vector<1x5000x128xf32> to vector<5000x128xf32>
    %add3A = arith.addf %get3A_6, %get3A_11 : vector<5000x128xf32>
    %get3A_12 = arith.constant 0 : index
    %get3A_13 = arith.constant 0 : index
    %get3A_14 = vector.load %arg3[%get3A_12, %get3A_13] : memref<5000x128xf32, #tpu.memory_space<vmem>>, vector<5000x128xf32>
    %add3A_15 = arith.addf %add3A, %get3A_14 : vector<5000x128xf32>
    %mul3A = vector.broadcast %get3A_1 : vector<5000x1xf32> to vector<5000x128xf32>
    %mul3A_16 = arith.mulf %add3A_15, %mul3A : vector<5000x128xf32>
    %get3A_17 = arith.constant 0 : index
    %get3A_18 = arith.constant 0 : index
    %get3A_19 = vector.load %arg5[%get3A_17, %get3A_18] : memref<1x128xf32, #tpu.memory_space<vmem>>, vector<1x128xf32>
    %add3A_20 = vector.broadcast %get3A_19 : vector<1x128xf32> to vector<5000x128xf32>
    %add3A_21 = arith.addf %mul3A_16, %add3A_20 : vector<5000x128xf32>
    %max3A = arith.constant 0.000000e+00 : f32
    %max3A_22 = vector.broadcast %max3A : f32 to vector<5000x128xf32>
    %max3A_23 = arith.maximumf %add3A_21, %max3A_22 : vector<5000x128xf32>
    %get3A_24 = arith.constant 0 : index
    %get3A_25 = arith.constant 0 : index
    %get3A_26 = vector.load %arg7[%get3A_24, %get3A_25] : memref<128x128xf32, #tpu.memory_space<vmem>>, vector<128x128xf32>
    %dot_general3A = arith.constant dense<0.000000e+00> : vector<5000x128xf32>
    %dot_general3A_27 = tpu.matmul %max3A_23, %get3A_26, %dot_general3A {dimension_numbers = #tpu.dot_dimension_numbers<[1], [1], [0], [0], [0, 0, 1, 0], [], []>, transpose_lhs_hint = false} : vector<5000x128xf32>, vector<128x128xf32>, vector<5000x128xf32> -> vector<5000x128xf32>
    %get3A_28 = arith.constant 0 : index
    %get3A_29 = arith.constant 0 : index
    %get3A_30 = vector.load %arg6[%get3A_28, %get3A_29] : memref<5000x1xf32, #tpu.memory_space<vmem>>, vector<5000x1xf32>
    %gt3A = arith.constant 0.000000e+00 : f32
    %gt3A_31 = vector.broadcast %gt3A : f32 to vector<5000x1xf32>
    %gt3A_32 = arith.cmpf ogt, %get3A_30, %gt3A_31 : vector<5000x1xf32>
    %get3A_33 = arith.constant 0 : index
    %get3A_34 = arith.constant 0 : index
    %get3A_35 = vector.load %arg8[%get3A_33, %get3A_34] : memref<1x128xf32, #tpu.memory_space<vmem>>, vector<1x128xf32>
    %add3A_36 = vector.broadcast %get3A_35 : vector<1x128xf32> to vector<5000x128xf32>
    %add3A_37 = arith.addf %dot_general3A_27, %add3A_36 : vector<5000x128xf32>
    %broadcast_in_dim3A = vector.shape_cast %gt3A_32 : vector<5000x1xi1> to vector<5000x1xi1>
    %broadcast_in_dim3A_38 = vector.broadcast %broadcast_in_dim3A : vector<5000x1xi1> to vector<5000x128xi1>
    %select_n3A = arith.select %broadcast_in_dim3A_38, %add3A_37, %max3A_23 : vector<5000x128xi1>, vector<5000x128xf32>
    %get3A_39 = arith.constant 0 : index
    %get3A_40 = arith.constant 0 : index
    %get3A_41 = vector.load %arg9[%get3A_39, %get3A_40] : memref<128x128xf32, #tpu.memory_space<vmem>>, vector<128x128xf32>
    %dot_general3A_42 = arith.constant dense<0.000000e+00> : vector<5000x128xf32>
    %dot_general3A_43 = tpu.matmul %select_n3A, %get3A_41, %dot_general3A_42 {dimension_numbers = #tpu.dot_dimension_numbers<[1], [0], [0], [1], [0, 0, 1, 1], [], []>, transpose_lhs_hint = false} : vector<5000x128xf32>, vector<128x128xf32>, vector<5000x128xf32> -> vector<5000x128xf32>
    %mul3A_44 = vector.broadcast %get3A_1 : vector<5000x1xf32> to vector<5000x128xf32>
    %mul3A_45 = arith.mulf %dot_general3A_43, %mul3A_44 : vector<5000x128xf32>
    %swap3A = arith.constant 0 : index
    %swap3A_46 = arith.constant 0 : index
    %swap3A_47 = vector.load %arg10[%swap3A, %swap3A_46] : memref<5000x128xf32, #tpu.memory_space<vmem>>, vector<5000x128xf32>
    tpu.vector_store %arg10[%swap3A, %swap3A_46], %mul3A_45 {strides = array<i32>} : memref<5000x128xf32, #tpu.memory_space<vmem>>, vector<5000x128xf32>,
    return
  }
  func.func @transform_0(%arg0: i32) -> (i32, i32, i32) {
    %c0_i32 = arith.constant 0 : i32
    %c0_i32_0 = arith.constant 0 : i32
    %c0_i32_1 = arith.constant 0 : i32
    return %c0_i32, %arg0, %c0_i32_0 : i32, i32, i32
  }
  func.func @transform_1(%arg0: i32) -> (i32, i32, i32) {
    %c1_i32 = arith.constant 1 : i32
    %c0_i32 = arith.constant 0 : i32
    %c0_i32_0 = arith.constant 0 : i32
    return %c1_i32, %arg0, %c0_i32 : i32, i32, i32
  }
  func.func @transform_2(%arg0: i32) -> (i32, i32) {
    %c0_i32 = arith.constant 0 : i32
    %c0_i32_0 = arith.constant 0 : i32
    return %arg0, %c0_i32 : i32, i32
  }
  func.func @transform_3(%arg0: i32) -> (i32, i32) {
    %c0_i32 = arith.constant 0 : i32
    %c0_i32_0 = arith.constant 0 : i32
    return %arg0, %c0_i32 : i32, i32
  }
  func.func @transform_4(%arg0: i32) -> (i32, i32) {
    %c0_i32 = arith.constant 0 : i32
    %c0_i32_0 = arith.constant 0 : i32
    %c0_i32_1 = arith.constant 0 : i32
    return %c0_i32, %c0_i32_0 : i32, i32
  }
  func.func @transform_5(%arg0: i32) -> (i32, i32) {
    %c0_i32 = arith.constant 0 : i32
    %c0_i32_0 = arith.constant 0 : i32
    return %arg0, %c0_i32 : i32, i32
  }
  func.func @transform_6(%arg0: i32) -> (i32, i32) {
    %c0_i32 = arith.constant 0 : i32
    %c0_i32_0 = arith.constant 0 : i32
    %c0_i32_1 = arith.constant 0 : i32
    return %c0_i32, %c0_i32_0 : i32, i32
  }
  func.func @transform_7(%arg0: i32) -> (i32, i32) {
    %c0_i32 = arith.constant 0 : i32
    %c0_i32_0 = arith.constant 0 : i32
    %c0_i32_1 = arith.constant 0 : i32
    return %c0_i32, %c0_i32_0 : i32, i32
  }
  func.func @transform_8(%arg0: i32) -> (i32, i32) {
    %c0_i32 = arith.constant 0 : i32
    %c0_i32_0 = arith.constant 0 : i32
    %c0_i32_1 = arith.constant 0 : i32
    return %c0_i32, %c0_i32_0 : i32, i32
  }
  func.func @transform_9(%arg0: i32) -> (i32, i32) {
    %c0_i32 = arith.constant 0 : i32
    %c0_i32_0 = arith.constant 0 : i32
    return %arg0, %c0_i32 : i32, i32
  }
}

</mosaic_0001>

<sc_bundles>
// kernel: kernel.11.cloned.1.call-start
scs
__scs_entry_jumppad:
0x0: {  	(pc) =	sbr.rel $0x88, $3  }
0x1: {  	(tag) =	ssettag $0x0;
	lr =	simm.s32 $0x1  }
0x2: {  	[smem:$0x3F96] =	sst lr;
	_ =	strace $0xD0000000  }
0x3: {  	_ = 	snop  }
0x4: {  	_ = 	snop  }
0x5: {  	_ = 	snop  }
0x6: {  	_ = 	snop  }
0x7: {  	_ = 	snop  }
__scs_overlays_trampoline_lowered:
0x8: {  	[smem:$0x3FA5] =	sst s0  }
0x9: {  	[smem:$0x3FA6] =	sst s1  }
0xa: {  	[smem:$0x3FA7] =	sst s2  }
0xb: {  	[smem:$0x3FA8] =	sst s3  }
0xc: {  	[smem:$0x3FA9] =	sst s4  }
0xd: {  	[smem:$0x3FAA] =	sst s5  }
0xe: {  	[smem:$0x3FAB] =	sst s6  }
0xf: {  	[smem:$0x3FAC] =	sst s7  }
0x10: {  	[smem:$0x3FAD] =	sst s8  }
0x11: {  	[smem:$0x3FAE] =	sst s9;
	s0 =	simm.s32 @!p0 $0x0  }
0x12: {  	s1 =	sld [smem:$0x3F94];
	s0 =	simm.s32 @p0 $0x1  }
0x13: {  	[smem:$0x3FAF] =	sst s0;
	s0 =	simm.s32 @!p1 $0x0  }
0x14: {  	s2 =	sld [smem:$0x3F93];
	s0 =	simm.s32 @p1 $0x1  }
0x15: {  	[smem:$0x3FB0] =	sst s0;
	s0 =	simm.s32 @!p2 $0x0  }
0x16: {  	s3 =	sld [smem:$0x3FDB];
	s0 =	simm.s32 @p2 $0x1  }
0x17: {  	s4 =	simm.s32 $0x1BF5;
	[smem:$0x3FB2] =	sst s0  }
0x18: {  	s0 =	sld [smem:$0x3F95];
	_ =	swait.ge [sflag:s4], $0x0  }
0x19: {  	s7 =	sld [smem:$0x3F96]  }
0x1a: {  	s8 =	sadd.s32 $0xFFFFE003, lr  }
0x1b: {  	s9 =	sadd.s32 $0xFFFFFEF7, lr;
	s5 =	simm.s32 $0xFFFFFFFF;
	p2 =	slt.u32 s8, $0xFFFFF086  }
0x1c: {  	p1 =	slt.u32 s9, $0xF7A;
	s5 =	simm.s32 @!p2 $0x0  }
0x1d: {  	s5 =	simm.s32 @p1 $0x1;
	p0 =	seq.s32 s7, s2  }
0x1e: {  	s7 =	smul.u32 @!p0 $0xF7A, s2;
	p2 =	seq.s32 @!p0 s5, $0x0  }
0x1f: {  	s9 =	smul.u32 $0xF7A, s1;
	s8 =	simm.s32 @!p0 $0x1BF5;
	p2 =	por !p2, p0  }
0x20: {  	[sflag:s8] =	ssyncset.s32 @!p0 $0xFFFFF086;
	s6 =	sadd.s32 @!p0 s3, s7;
	s7 =	simm.s32 @!p0 $0x108  }
0x21: {  	s3 =	sadd.s32 s3, s9;
	s6 =	sadd.s32 @!p0 $0x88, s6;
	s7 =	simm.s32 @p2 $0x1082  }
0x22: {  	[simem:s7], [sflag:s8] =	dma.local @!p0 [hbm:s6], $0xF7A  }
0x23: {  	s9 =	sor.u32 $0xD0000000, s2;
	s6 =	simm.s32 $0x108;
	_ =	swait.ge @!p0 [sflag:s8], $0x0  }
0x24: {  	s3 =	sadd.s32 $0x88, s3;
	s6 =	simm.s32 @!p1 $0x1082;
	[sflag:s4] =	ssyncset.s32 $0xFFFFF086  }
0x25: {  	[simem:s6], [sflag:s4] =	dma.local [hbm:s3], $0xF7A  }
0x26: {  	[smem:$0x3F96] =	sst s1;
	(tag) =	ssettag s2;
	_ =	strace s9  }
0x27: {  	s1 =	sld [smem:$0x3FA6]  }
0x28: {  	s2 =	sld [smem:$0x3FA7]  }
0x29: {  	s4 =	sld [smem:$0x3FA9]  }
0x2a: {  	p0 =	seq.s32 s5, $0x0;
	s5 =	sld [smem:$0x3FAA]  }
0x2b: {  	s6 =	sld [smem:$0x3FAB]  }
0x2c: {  	s7 =	sld [smem:$0x3FAC]  }
0x2d: {  	s3 =	simm.s32 $0x108;
	s8 =	sld [smem:$0x3FAD]  }
0x2e: {  	s3 =	simm.s32 @!p0 $0x1082;
	s9 =	sld [smem:$0x3FAE]  }
0x2f: {  	lr =	sadd.s32 s0, s3;
	s0 =	sld [smem:$0x3FA5]  }
0x30: {  	s3 =	sld [smem:$0x3FA8]  }
0x31: {  	[smem:$0x3FB1] =	sst s10  }
0x32: {  	s10 =	sld [smem:$0x3FAF];
	_ =	sdelay $0x3  }
0x33: {  	p0 =	seq.s32 s10, $0x1;
	s10 =	sld [smem:$0x3FB1];
	_ =	sdelay $0x3  }
0x34: {  	[smem:$0x3FB1] =	sst s10  }
0x35: {  	s10 =	sld [smem:$0x3FB0];
	_ =	sdelay $0x3  }
0x36: {  	p1 =	seq.s32 s10, $0x1;
	s10 =	sld [smem:$0x3FB1];
	_ =	sdelay $0x3  }
0x37: {  	[smem:$0x3FB1] =	sst s10  }
0x38: {  	s10 =	sld [smem:$0x3FB2]  }
0x39: {  	_ = 	snop;
	(pc) =	sbr.ind lr, $3  }
0x3a: {  	_ = 	snop  }
0x3b: {  	_ = 	snop  }
0x3c: {  	p2 =	seq.s32 s10, $0x1;
	s10 =	sld [smem:$0x3FB1]  }
0x3d: {  	_ =	shalt  }
0x3e: {  	_ =	shalt  }
0x3f: {  	_ =	shalt  }
0x40: {  	_ =	shalt  }
0x41: {  	_ =	shalt  }
0x42: {  	_ =	shalt  }
0x43: {  	_ =	shalt  }
0x44: {  	_ =	shalt  }
0x45: {  	_ =	shalt  }
0x46: {  	_ =	shalt  }
0x47: {  	_ =	shalt  }
0x48: {  	_ =	shalt  }
0x49: {  	_ =	shalt  }
0x4a: {  	_ =	shalt  }
0x4b: {  	_ =	shalt  }
0x4c: {  	_ =	shalt  }
0x4d: {  	_ =	shalt  }
0x4e: {  	_ =	shalt  }
0x4f: {  	_ =	shalt  }
0x50: {  	_ =	shalt  }
0x51: {  	_ =	shalt  }
0x52: {  	_ =	shalt  }
0x53: {  	_ =	shalt  }
0x54: {  	_ =	shalt  }
0x55: {  	_ =	shalt  }
0x56: {  	_ =	shalt  }
0x57: {  	_ =	shalt  }
0x58: {  	_ =	shalt  }
0x59: {  	_ =	shalt  }
0x5a: {  	_ =	shalt  }
0x5b: {  	_ =	shalt  }
0x5c: {  	_ =	shalt  }
0x5d: {  	_ =	shalt  }
0x5e: {  	_ =	shalt  }
0x5f: {  	_ =	shalt  }
0x60: {  	_ =	shalt  }
0x61: {  	_ =	shalt  }
0x62: {  	_ =	shalt  }
0x63: {  	_ =	shalt  }
0x64: {  	_ =	shalt  }
0x65: {  	_ =	shalt  }
0x66: {  	_ =	shalt  }
0x67: {  	_ =	shalt  }
0x68: {  	_ =	shalt  }
0x69: {  	_ =	shalt  }
0x6a: {  	_ =	shalt  }
0x6b: {  	_ =	shalt  }
0x6c: {  	_ =	shalt  }
0x6d: {  	_ =	shalt  }
0x6e: {  	_ =	shalt  }
0x6f: {  	_ =	shalt  }
0x70: {  	_ =	shalt  }
0x71: {  	_ =	shalt  }
0x72: {  	_ =	shalt  }
0x73: {  	_ =	shalt  }
0x74: {  	_ =	shalt  }
0x75: {  	_ =	shalt  }
0x76: {  	_ =	shalt  }
0x77: {  	_ =	shalt  }
0x78: {  	_ =	shalt  }
0x79: {  	_ =	shalt  }
0x7a: {  	_ =	shalt  }
0x7b: {  	_ =	shalt  }
0x7c: {  	_ =	shalt  }
0x7d: {  	_ =	shalt  }
0x7e: {  	_ =	shalt  }
0x7f: {  	_ =	shalt  }
0x80: {  	_ =	shalt  }
0x81: {  	_ =	shalt  }
0x82: {  	_ =	shalt  }
0x83: {  	_ =	shalt  }
0x84: {  	_ =	shalt  }
0x85: {  	_ =	shalt  }
0x86: {  	_ =	shalt  }
0x87: {  	_ =	shalt  }
.Lfunc_end0:
.L_simem_size_0:
called_computation.1_lowered:
.L_overlay_start_0:
0x88: {  	s2 =	sld [smem:$0x3FD9]  }
0x89: {  	s3 =	sld [smem:$0x3FFE];
	_ =	sdelay $0x1  }
0x8a: {  	s1 =	srdreg.scid  }
0x8b: {  	s0 =	sand.u32 $0x1, s1  }
0x8c: {  	s17 =	sshll.u32 s0, $0xA;
	s2 =	sadd.s32 s3, s2  }
0x8d: {  	s2 =	sadd.s32 s2, s17  }
0x8e: {  	[smem:$0x3FBD] =	sst s2  }
0x8f: {  	_ = 	snop  }
0x90: {  	s2 =	sld [smem:$0x3FD0];
	(tm) =	ssettm $0x1  }
0x91: {  	s18 =	sld [smem:$0x3FFB];
	_ =	sdelay $0x3  }
0x92: {  	_ =	strace s18  }
0x93: {  	s3 =	sld [smem:$0x3FFC];
	_ =	sdelay $0x3  }
0x94: {  	_ =	strace s3  }
0x95: {  	s3 =	sld [smem:$0x3FFD];
	_ =	sdelay $0x3  }
0x96: {  	_ =	strace s3  }
0x97: {  	_ =	strace $0x8FFFFFFF  }
0x98: {  	s19 =	sld [smem:$0x3FDB];
	_ =	sdelay $0x1  }
0x99: {  	s4 =	simm.s32 $_scs_section_size  }
0x9a: {  	s5 =	simm.s32 $_size__tile_overlayer_lowered;
	s6 =	simm.s32 $_tile_overlayer_lowered  }
0x9b: {  	s22 =	simm.s32 $0x1BFF;
	s21 =	sshll.u32 s6, $0x1;
	s3 =	sadd.s32 s4, s19  }
0x9c: {  	s7 =	simm.s32 $0x0;
	s20 =	sshll.u32 s5, $0x1;
	s5 =	sadd.s32 s21, s3  }
0x9d: {  	[timem:s7], [sflag:s22] =	dma.local [hbm:s5], s20  }
0x9e: {  	_ =	swait.ge [sflag:s22], s20  }
0x9f: {  	s4 =	ssub.s32 $0x0, s20;
	[sflag:s22] =	ssyncset.done $0x0  }
0xa0: {  	[sflag:s22] =	ssyncadd.s32 s4;
	_ =	sdelay $0x1  }
0xa1: {  	s23 =	simm.s32 $0x1B8B  }
0xa2: {  	_ =	swait.ge [sflag:s23], $0x1  }
0xa3: {  	[sflag:s23] =	ssyncset.done $0x0  }
0xa4: {  	s25 =	simm.s32 $0x1B8E;
	s24 =	sld [smem:$0x3FFE];
	[sflag:s23] =	ssyncadd.s32 $0xFFFFFFFF  }
0xa5: {  	s26 =	simm.s32 $execute0_lowered;
	[smem:$0x3FD2] =	sst s25  }
0xa6: {  	s5 =	sshll.u32 s26, $0x1;
	_ =	strace $0x80000049;
	[dreg:$0x1] =	wrdreg $0xFFFFFFFF  }
0xa7: {  	s28 =	simm.s32 $_size_execute0_lowered;
	s3 =	sadd.s32 s3, s5;
	[dreg:$0x0] =	wrdreg $0x0  }
0xa8: {  	s5 =	sshll.u32 s28, $0x1;
	[dreg:$0x2] =	wrdreg s3  }
0xa9: {  	[dreg:$0x3] =	wrdreg s5  }
0xaa: {  	[dreg:$0x4] =	wrdreg $0xC0  }
0xab: {  	_ =	task [dreg:s7], $0x5FFFF  }
0xac: {  	[dreg:$0x1] =	wrdreg $0xFFFFFFFF  }
0xad: {  	[dreg:$0x0] =	wrdreg $0x60  }
0xae: {  	[dreg:$0x2] =	wrdreg s2  }
0xaf: {  	[dreg:$0x3] =	wrdreg s24  }
0xb0: {  	[dreg:$0x4] =	wrdreg $0xC0000  }
0xb1: {  	[dreg:$0x5] =	wrdreg $0x9  }
0xb2: {  	_ =	task.clear_ibuf [dreg:s7], $0x6FFFF;
	_ =	strace $0x90000049  }
0xb3: {  	s29 =	simm.s32 $0x9;
	_ =	strace $0x8000004B  }
0xb4: {  	_ =	swait.ge [sflag:s29], $0x1  }
0xb5: {  	[sflag:s29] =	ssyncadd.s32 $0xFFFFFFFF  }
0xb6: {  	_ =	strace $0x9000004B  }
0xb7: {  	_ =	sfence  }
0xb8: {  	s30 =	sld [smem:$0x0];
	_ =	sdelay $0x2  }
0xb9: {  	s31 =	sshll.u32 s1, $0xD;
	s1 =	sshrl.u32 s1, $0x2  }
0xba: {  	s3 =	sand.u32 $0x4000, s31;
	s1 =	sadd.s32 s1, s30  }
0xbb: {  	s0 =	sor.u32 s3, s0;
	s1 =	sshll.u32 s1, $0x11  }
0xbc: {  	s0 =	sor.u32 s1, s0  }
0xbd: {  	s0 =	sadd.s32 $0x8F2B, s0  }
0xbe: {  	[sflag:s0] =	ssyncadd.remote.s32 $0x1  }
0xbf: {  	_ =	sfence.sel $0xFFFF  }
0xc0: {  	[dreg:$0x0] =	wrdreg $0xFFFFFFFF;
	(pc) =	sbr.abs _section_cstart, $3  }
0xc1: {  	[dreg:$0x1] =	wrdreg $0xFFFFFFFF  }
0xc2: {  	_ =	task.clear_ibuf [dreg:s7], $0x2FFFF;
	_ =	strace $0x9FFFFFFF  }
0xc3: {  	(tm) =	ssettm $0x7FFFFFFF  }
tec
execute0_lowered:
.L_overlay_start_1:
0x0: {  	(tag) =	ssettag $0x1  }
0x1: {  	s0 =	srdreg.scid  }
0x2: {  	s1 =	sand.u32 $0x1, s0  }
0x3: {  	s0 =	stileid.u32;
	s4 =	smul.u32 $0x50000, s1  }
0x4: {  	s2 =	rddreg [dreg:$0x0];
	s5 =	smul.u32 $0x5000, s0  }
0x5: {  	s6 =	rddreg [dreg:$0x1]  }
0x6: {  	s3 =	rddreg [dreg:$0x2];
	s5 =	sadd.s32 s5, s4;
	s4 =	simm.s32 $0x0  }
0x7: {  	s18 =	simm.s32 $0x80;
	[smem:$0x7FF] =	sst s4  }
0x8: {  	s19 =	simm.s32 $0x100;
	_ =	strace $0x8000004A;
	[dreg:$0x6] =	wrdreg s18  }
0x9: {  	s20 =	simm.s32 $0x180;
	[dreg:$0x7] =	wrdreg s19  }
0xa: {  	s21 =	simm.s32 $0x1080;
	[dreg:$0x8] =	wrdreg s20  }
0xb: {  	s22 =	simm.s32 $0x1100;
	[dreg:$0x9] =	wrdreg s21  }
0xc: {  	s23 =	simm.s32 $0x1180;
	[dreg:$0xa] =	wrdreg s22  }
0xd: {  	s24 =	simm.s32 $0x200;
	[dreg:$0xb] =	wrdreg s23  }
0xe: {  	s26 =	sadd.s32 $0x2C000, s6;
	[dreg:$0xc] =	wrdreg s24  }
0xf: {  	s25 =	simm.s32 $0x280;
	[smem:$0x7E7] =	sst s26  }
0x10: {  	s8 =	simm.s32 $0x300;
	[dreg:$0xd] =	wrdreg s25  }
0x11: {  	s9 =	simm.s32 $0x380;
	[dreg:$0xe] =	wrdreg s8  }
0x12: {  	s11 =	simm.s32 $0x1200;
	[dreg:$0xf] =	wrdreg s9  }
0x13: {  	s12 =	simm.s32 $0x1280;
	[dreg:$0x10] =	wrdreg s11  }
0x14: {  	s13 =	simm.s32 $0x1300;
	[dreg:$0x11] =	wrdreg s12  }
0x15: {  	s14 =	simm.s32 $0x1380;
	[dreg:$0x12] =	wrdreg s13  }
0x16: {  	s16 =	simm.s32 $0x400;
	[dreg:$0x13] =	wrdreg s14  }
0x17: {  	s17 =	simm.s32 $0x480;
	s28 =	simm.s32 $0x8;
	[dreg:$0x14] =	wrdreg s16  }
0x18: {  	s29 =	simm.s32 $0x1A00;
	[dreg:$0x15] =	wrdreg s17;
	s18 =	simm.s32 $0x500  }
0x19: {  	s30 =	simm.s32 $0x1A80;
	s20 =	simm.s32 $0x580;
	[dreg:$0x16] =	wrdreg s18  }
0x1a: {  	s31 =	simm.s32 $0x1B00;
	s21 =	simm.s32 $0x1400;
	[dreg:$0x17] =	wrdreg s20  }
0x1b: {  	s10 =	ssub.s32 $0x2, s1;
	s22 =	simm.s32 $0x1480;
	[dreg:$0x18] =	wrdreg s21  }
0x1c: {  	s1 =	smul.u32 $0x138800, s1;
	s23 =	simm.s32 $0x1500;
	[dreg:$0x19] =	wrdreg s22  }
0x1d: {  	p0 =	seq.s32 s0, $0xF;
	s24 =	simm.s32 $0x1580;
	[dreg:$0x1a] =	wrdreg s23  }
0x1e: {  	s5 =	sshrl.u32 s5, $0x3;
	s25 =	simm.s32 $0x600;
	[dreg:$0x1b] =	wrdreg s24  }
0x1f: {  	s5 =	sadd.s32 s5, s6;
	s26 =	simm.s32 $0x680;
	[dreg:$0x1c] =	wrdreg s25  }
0x20: {  	s6 =	sadd.s32 $0x2E800, s6;
	s11 =	simm.s32 $0x1600;
	[dreg:$0x1d] =	wrdreg s26  }
0x21: {  	s8 =	sshrl.u32 s10, $0x1;
	s12 =	simm.s32 $0x1680;
	[smem:$0x7EB] =	sst s11  }
0x22: {  	s9 =	smul.u32 $0x4E000, s0;
	s13 =	simm.s32 $0x1700;
	[smem:$0x7EC] =	sst s12  }
0x23: {  	s19 =	smul.u32 $0x13800, s0;
	s14 =	simm.s32 $0x1780;
	[smem:$0x7EF] =	sst s13  }
0x24: {  	s16 =	simm.s32 $0x880;
	s17 =	simm.s32 $0x900;
	[smem:$0x7F0] =	sst s14  }
0x25: {  	s7 =	sadd.s32 $0x4000, s5;
	s5 =	sadd.s32 $0x18000, s5;
	[smem:$0x7F2] =	sst s16  }
0x26: {  	s13 =	simm.s32 $0xA;
	s14 =	simm.s32 $0x1000;
	[smem:$0x7F3] =	sst s17  }
0x27: {  	s18 =	simm.s32 $0x980;
	s16 =	simm.s32 $0x2000;
	s17 =	simm.s32 $0x4800  }
0x28: {  	s20 =	simm.s32 $0x1880;
	s21 =	simm.s32 $0x1900;
	[dreg:$0x4] =	wrdreg s7  }
0x29: {  	s22 =	simm.s32 $0x1980;
	s23 =	simm.s32 $0xA00;
	[dreg:$0x5] =	wrdreg s5  }
0x2a: {  	s24 =	simm.s32 $0xA80;
	s25 =	simm.s32 $0xB00;
	[smem:$0x7F4] =	sst s18  }
0x2b: {  	s26 =	simm.s32 $0xB80;
	s7 =	ssub.s32 s10, s8;
	[smem:$0x7F6] =	sst s20  }
0x2c: {  	s15 =	sshrl.u32 s9, $0x2;
	s10 =	sadd.s32 $0x124800, s3;
	[smem:$0x7F7] =	sst s21  }
0x2d: {  	s9 =	sadd.s32 s19, s1;
	s1 =	sshrl.u32 s1, $0x3;
	[smem:$0x7F8] =	sst s22  }
0x2e: {  	s5 =	sshll.u32 @!p0 s0, $0x6;
	s19 =	simm.s32 $0x1800;
	[smem:$0x7F9] =	sst s23  }
0x2f: {  	s18 =	simm.s32 $0x7000;
	s20 =	simm.s32 $0x1;
	[smem:$0x7FA] =	sst s24  }
0x30: {  	s21 =	simm.s32 $0x2;
	s22 =	simm.s32 $0x3;
	[smem:$0x7FB] =	sst s25  }
0x31: {  	s23 =	simm.s32 $0x4;
	s24 =	simm.s32 $0x5;
	[smem:$0x7FC] =	sst s26  }
0x32: {  	s25 =	simm.s32 $0x6;
	s26 =	simm.s32 $0x7;
	[smem:$0x7ED] =	sst s5  }
0x33: {  	s8 =	sadd.s32 s15, s3;
	s7 =	smax.u32 s7, $0x1;
	[smem:$0x7F5] =	sst s19  }
0x34: {  	s9 =	sshrl.u32 s9, $0x3;
	s5 =	sor.u32 @!p0 $0x1C09, s5;
	[smem:$0x7EA] =	sst s7  }
0x35: {  	s1 =	sadd.s32 s6, s1;
	s15 =	simm.s32 $0x800;
	[smem:$0x7EE] =	sst s5  }
0x36: {  	s10 =	sshrl.u32 @p0 s10, $0x3;
	s9 =	sadd.s32 s6, s9;
	[smem:$0x7F1] =	sst s15  }
0x37: {  	s19 =	simm.s32 $0x9800;
	s1 =	sadd.s32 $0x24900, s1;
	[smem:$0x7E8] =	sst s9  }
0x38: {  	s6 =	simm.s32 $0x700;
	s11 =	sshrl.u32 @!p0 s8, $0x3;
	[smem:$0x7E9] =	sst s1  }
0x39: {  	s15 =	simm.s32 $0x50;
	s7 =	simm.s32 $0x1C00;
	[dreg:$0x1e] =	wrdreg s6  }
0x3a: {  	s8 =	simm.s32 $0x0;
	s9 =	simm.s32 $0x780;
	[smem:$0x7FD] =	sst s11  }
0x3b: {  	s1 =	simm.s32 $0x1B80;
	s6 =	simm.s32 $0xC00;
	[dreg:$0x1f] =	wrdreg s9  }
.LBB2_1:
0x3c: {  	s9 =	sld [smem:$0x7E7];
	_ =	sdelay $0x1  }
0x3d: {  	s5 =	simm.s32 @p0 $0x1FC9  }
0x3e: {  	[spmem:s10], [sflag:s5] =	dma.local @p0 [hbm:s9], $0x2800  }
0x3f: {  	s5 =	sld [smem:$0x7EE];
	_ =	sdelay $0x2  }
0x40: {  	[spmem:s11], [sflag:s5] =	dma.local @!p0 [hbm:s9], $0x2700  }
0x41: {  	s5 =	rddreg [dreg:$0x5]  }
0x42: {  	s5 =	sadd.s32 $0x0, s5  }
0x43: {  	[tilespmem:s4], [sflag:$0xA] =	stream.linear.gather [hbm4b:s5+s4], $0xC80, $0x38;
	[tilespmem:$0x1F880] =	vst v63  }
0x44: {  	_ =	swait.ge [sflag:s13], $0xC80  }
0x45: {  	s12 =	smov.u32 s10;
	s10 =	rddreg [dreg:$0x4];
	[sflag:s13] =	ssyncset.done $0x0  }
0x46: {  	p1 =	por $0x0, $0x0;
	[sflag:s13] =	ssyncadd.s32 $0xFFFFF380;
	s5 =	sadd.s32 $0x0, s10  }
0x47: {  	[tilespmem:s14], [sflag:$0xA] =	stream.linear.gather [hbm4b:s5+s4], $0xC80, $0x38;
	[tilespmem:$0x1F880] =	vst v63  }
0x48: {  	p2 =	seq.s32 @!p1 s0, $0xF;
	_ =	swait.ge [sflag:s13], $0xC80  }
0x49: {  	p3 =	por !p2, p1;
	[sflag:s13] =	ssyncset.done $0x0  }
0x4a: {  	s5 =	simm.s32 @!p3 $0x9;
	[sflag:s13] =	ssyncadd.s32 $0xFFFFF380  }
0x4b: {  	_ =	swait.ge @!p3 [sflag:s5], $0x2800  }
0x4c: {  	p2 =	por p2, p1;
	[sflag:s5] =	ssyncset.done @!p3 $0x0  }
0x4d: {  	[sflag:s5] =	ssyncadd.s32 @!p3 $0xFFFFD800;
	s5 =	simm.s32 @!p2 $0x9  }
0x4e: {  	_ =	swait.ge @!p2 [sflag:s5], $0x2700  }
0x4f: {  	[sflag:s5] =	ssyncset.done @!p2 $0x0  }
0x50: {  	[sflag:s5] =	ssyncadd.s32 @!p2 $0xFFFFD900  }
0x51: {  	[bflag:$0x0] =	sbarrier.arrive @!p1 $0xFFFF  }
0x52: {  	[tilespmem:s16], [sflag:$0x1] =	stream.indirect.gather [hbm4b:s2+s15], $0x80, s4, s15, $0xb8;
	[tilespmem:$0x1F880] =	vst v63  }
0x53: {  	s11 =	rddreg [dreg:$0x6]  }
0x54: {  	[tilespmem:s17], [sflag:$0x2] =	stream.indirect.gather [hbm4b:s2+s15], $0x80, s11, s15, $0xb8;
	[tilespmem:$0x1F880] =	vst v63  }
0x55: {  	s9 =	rddreg [dreg:$0x7]  }
0x56: {  	[tilespmem:s18], [sflag:$0x3] =	stream.indirect.gather [hbm4b:s2+s15], $0x80, s9, s15, $0xb8;
	[tilespmem:$0x1F880] =	vst v63  }
0x57: {  	s11 =	rddreg [dreg:$0x8]  }
0x58: {  	[tilespmem:s19], [sflag:$0x4] =	stream.indirect.gather [hbm4b:s2+s15], $0x80, s11, s15, $0xb8;
	[tilespmem:$0x1F880] =	vst v63  }
0x59: {  	_ =	swait.ge [sflag:s20], $0x2800  }
0x5a: {  	[sflag:s20] =	ssyncset.done $0x0  }
0x5b: {  	[sflag:s20] =	ssyncadd.s32 $0xFFFFD800  }
0x5c: {  	[spmem:s3] =	stream.indirect.scatter.add.f32 [tilespmem:s16], [sflag:$0x5], $0x80, s14, s15, $0xb8;
	[tilespmem:$0x1F880] =	vst v63  }
0x5d: {  	_ =	swait.ge [sflag:s21], $0x2800  }
0x5e: {  	[sflag:s21] =	ssyncset.done $0x0  }
0x5f: {  	s9 =	rddreg [dreg:$0x9];
	[sflag:s21] =	ssyncadd.s32 $0xFFFFD800  }
0x60: {  	[spmem:s3] =	stream.indirect.scatter.add.f32 [tilespmem:s17], [sflag:$0x6], $0x80, s9, s15, $0xb8;
	[tilespmem:$0x1F880] =	vst v63  }
0x61: {  	_ =	swait.ge [sflag:s22], $0x2800  }
0x62: {  	[sflag:s22] =	ssyncset.done $0x0  }
0x63: {  	s10 =	rddreg [dreg:$0xa];
	[sflag:s22] =	ssyncadd.s32 $0xFFFFD800  }
0x64: {  	[spmem:s3] =	stream.indirect.scatter.add.f32 [tilespmem:s18], [sflag:$0x7], $0x80, s10, s15, $0xb8;
	[tilespmem:$0x1F880] =	vst v63  }
0x65: {  	_ =	swait.ge [sflag:s23], $0x2800  }
0x66: {  	[sflag:s23] =	ssyncset.done $0x0  }
0x67: {  	s11 =	rddreg [dreg:$0xb];
	[sflag:s23] =	ssyncadd.s32 $0xFFFFD800  }
0x68: {  	[spmem:s3] =	stream.indirect.scatter.add.f32 [tilespmem:s19], [sflag:$0x8], $0x80, s11, s15, $0xb8;
	[tilespmem:$0x1F880] =	vst v63  }
0x69: {  	_ =	swait.ge [sflag:s24], $0x2800  }
0x6a: {  	[sflag:s24] =	ssyncset.done $0x0  }
0x6b: {  	s9 =	rddreg [dreg:$0xc];
	[sflag:s24] =	ssyncadd.s32 $0xFFFFD800  }
0x6c: {  	[tilespmem:s16], [sflag:$0x1] =	stream.indirect.gather [hbm4b:s2+s15], $0x80, s9, s15, $0xb8;
	[tilespmem:$0x1F880] =	vst v63  }
0x6d: {  	_ =	swait.ge [sflag:s25], $0x2800  }
0x6e: {  	[sflag:s25] =	ssyncset.done $0x0  }
0x6f: {  	s10 =	rddreg [dreg:$0xd];
	[sflag:s25] =	ssyncadd.s32 $0xFFFFD800  }
0x70: {  	[tilespmem:s17], [sflag:$0x2] =	stream.indirect.gather [hbm4b:s2+s15], $0x80, s10, s15, $0xb8;
	[tilespmem:$0x1F880] =	vst v63  }
0x71: {  	_ =	swait.ge [sflag:s26], $0x2800  }
0x72: {  	[sflag:s26] =	ssyncset.done $0x0  }
0x73: {  	s11 =	rddreg [dreg:$0xe];
	[sflag:s26] =	ssyncadd.s32 $0xFFFFD800  }
0x74: {  	[tilespmem:s18], [sflag:$0x3] =	stream.indirect.gather [hbm4b:s2+s15], $0x80, s11, s15, $0xb8;
	[tilespmem:$0x1F880] =	vst v63  }
0x75: {  	_ =	swait.ge [sflag:s28], $0x2800  }
0x76: {  	[sflag:s28] =	ssyncset.done $0x0  }
0x77: {  	s9 =	rddreg [dreg:$0xf];
	[sflag:s28] =	ssyncadd.s32 $0xFFFFD800  }
0x78: {  	[tilespmem:s19], [sflag:$0x4] =	stream.indirect.gather [hbm4b:s2+s15], $0x80, s9, s15, $0xb8;
	[tilespmem:$0x1F880] =	vst v63  }
0x79: {  	_ =	swait.ge [sflag:s20], $0x2800  }
0x7a: {  	[sflag:s20] =	ssyncset.done $0x0  }
0x7b: {  	s10 =	rddreg [dreg:$0x10];
	[sflag:s20] =	ssyncadd.s32 $0xFFFFD800  }
0x7c: {  	[spmem:s3] =	stream.indirect.scatter.add.f32 [tilespmem:s16], [sflag:$0x5], $0x80, s10, s15, $0xb8;
	[tilespmem:$0x1F880] =	vst v63  }
0x7d: {  	_ =	swait.ge [sflag:s21], $0x2800  }
0x7e: {  	[sflag:s21] =	ssyncset.done $0x0  }
0x7f: {  	s11 =	rddreg [dreg:$0x11];
	[sflag:s21] =	ssyncadd.s32 $0xFFFFD800  }
0x80: {  	[spmem:s3] =	stream.indirect.scatter.add.f32 [tilespmem:s17], [sflag:$0x6], $0x80, s11, s15, $0xb8;
	[tilespmem:$0x1F880] =	vst v63  }
0x81: {  	_ =	swait.ge [sflag:s22], $0x2800  }
0x82: {  	[sflag:s22] =	ssyncset.done $0x0  }
0x83: {  	s9 =	rddreg [dreg:$0x12];
	[sflag:s22] =	ssyncadd.s32 $0xFFFFD800  }
0x84: {  	[spmem:s3] =	stream.indirect.scatter.add.f32 [tilespmem:s18], [sflag:$0x7], $0x80, s9, s15, $0xb8;
	[tilespmem:$0x1F880] =	vst v63  }
0x85: {  	_ =	swait.ge [sflag:s23], $0x2800  }
0x86: {  	[sflag:s23] =	ssyncset.done $0x0  }
0x87: {  	s10 =	rddreg [dreg:$0x13];
	[sflag:s23] =	ssyncadd.s32 $0xFFFFD800  }
0x88: {  	[spmem:s3] =	stream.indirect.scatter.add.f32 [tilespmem:s19], [sflag:$0x8], $0x80, s10, s15, $0xb8;
	[tilespmem:$0x1F880] =	vst v63  }
0x89: {  	_ =	swait.ge [sflag:s24], $0x2800  }
0x8a: {  	[sflag:s24] =	ssyncset.done $0x0  }
0x8b: {  	s11 =	rddreg [dreg:$0x14];
	[sflag:s24] =	ssyncadd.s32 $0xFFFFD800  }
0x8c: {  	[tilespmem:s16], [sflag:$0x1] =	stream.indirect.gather [hbm4b:s2+s15], $0x80, s11, s15, $0xb8;
	[tilespmem:$0x1F880] =	vst v63  }
0x8d: {  	_ =	swait.ge [sflag:s25], $0x2800  }
0x8e: {  	[sflag:s25] =	ssyncset.done $0x0  }
0x8f: {  	s9 =	rddreg [dreg:$0x15];
	[sflag:s25] =	ssyncadd.s32 $0xFFFFD800  }
0x90: {  	[tilespmem:s17], [sflag:$0x2] =	stream.indirect.gather [hbm4b:s2+s15], $0x80, s9, s15, $0xb8;
	[tilespmem:$0x1F880] =	vst v63  }
0x91: {  	_ =	swait.ge [sflag:s26], $0x2800  }
0x92: {  	[sflag:s26] =	ssyncset.done $0x0  }
0x93: {  	s10 =	rddreg [dreg:$0x16];
	[sflag:s26] =	ssyncadd.s32 $0xFFFFD800  }
0x94: {  	[tilespmem:s18], [sflag:$0x3] =	stream.indirect.gather [hbm4b:s2+s15], $0x80, s10, s15, $0xb8;
	[tilespmem:$0x1F880] =	vst v63  }
0x95: {  	_ =	swait.ge [sflag:s28], $0x2800  }
0x96: {  	[sflag:s28] =	ssyncset.done $0x0  }
0x97: {  	s11 =	rddreg [dreg:$0x17];
	[sflag:s28] =	ssyncadd.s32 $0xFFFFD800  }
0x98: {  	[tilespmem:s19], [sflag:$0x4] =	stream.indirect.gather [hbm4b:s2+s15], $0x80, s11, s15, $0xb8;
	[tilespmem:$0x1F880] =	vst v63  }
0x99: {  	_ =	swait.ge [sflag:s20], $0x2800  }
0x9a: {  	[sflag:s20] =	ssyncset.done $0x0  }
0x9b: {  	s9 =	rddreg [dreg:$0x18];
	[sflag:s20] =	ssyncadd.s32 $0xFFFFD800  }
0x9c: {  	[spmem:s3] =	stream.indirect.scatter.add.f32 [tilespmem:s16], [sflag:$0x5], $0x80, s9, s15, $0xb8;
	[tilespmem:$0x1F880] =	vst v63  }
0x9d: {  	_ =	swait.ge [sflag:s21], $0x2800  }
0x9e: {  	[sflag:s21] =	ssyncset.done $0x0  }
0x9f: {  	s10 =	rddreg [dreg:$0x19];
	[sflag:s21] =	ssyncadd.s32 $0xFFFFD800  }
0xa0: {  	[spmem:s3] =	stream.indirect.scatter.add.f32 [tilespmem:s17], [sflag:$0x6], $0x80, s10, s15, $0xb8;
	[tilespmem:$0x1F880] =	vst v63  }
0xa1: {  	_ =	swait.ge [sflag:s22], $0x2800  }
0xa2: {  	[sflag:s22] =	ssyncset.done $0x0  }
0xa3: {  	s11 =	rddreg [dreg:$0x1a];
	[sflag:s22] =	ssyncadd.s32 $0xFFFFD800  }
0xa4: {  	[spmem:s3] =	stream.indirect.scatter.add.f32 [tilespmem:s18], [sflag:$0x7], $0x80, s11, s15, $0xb8;
	[tilespmem:$0x1F880] =	vst v63  }
0xa5: {  	_ =	swait.ge [sflag:s23], $0x2800  }
0xa6: {  	[sflag:s23] =	ssyncset.done $0x0  }
0xa7: {  	s9 =	rddreg [dreg:$0x1b];
	[sflag:s23] =	ssyncadd.s32 $0xFFFFD800  }
0xa8: {  	[spmem:s3] =	stream.indirect.scatter.add.f32 [tilespmem:s19], [sflag:$0x8], $0x80, s9, s15, $0xb8;
	[tilespmem:$0x1F880] =	vst v63  }
0xa9: {  	_ =	swait.ge [sflag:s24], $0x2800  }
0xaa: {  	[sflag:s24] =	ssyncset.done $0x0  }
0xab: {  	s10 =	rddreg [dreg:$0x1c];
	[sflag:s24] =	ssyncadd.s32 $0xFFFFD800  }
0xac: {  	[tilespmem:s16], [sflag:$0x1] =	stream.indirect.gather [hbm4b:s2+s15], $0x80, s10, s15, $0xb8;
	[tilespmem:$0x1F880] =	vst v63  }
0xad: {  	_ =	swait.ge [sflag:s25], $0x2800  }
0xae: {  	[sflag:s25] =	ssyncset.done $0x0  }
0xaf: {  	s11 =	rddreg [dreg:$0x1d];
	[sflag:s25] =	ssyncadd.s32 $0xFFFFD800  }
0xb0: {  	[tilespmem:s17], [sflag:$0x2] =	stream.indirect.gather [hbm4b:s2+s15], $0x80, s11, s15, $0xb8;
	[tilespmem:$0x1F880] =	vst v63  }
0xb1: {  	_ =	swait.ge [sflag:s26], $0x2800  }
0xb2: {  	[sflag:s26] =	ssyncset.done $0x0  }
0xb3: {  	s9 =	rddreg [dreg:$0x1e];
	[sflag:s26] =	ssyncadd.s32 $0xFFFFD800  }
0xb4: {  	[tilespmem:s18], [sflag:$0x3] =	stream.indirect.gather [hbm4b:s2+s15], $0x80, s9, s15, $0xb8;
	[tilespmem:$0x1F880] =	vst v63  }
0xb5: {  	_ =	swait.ge [sflag:s28], $0x2800  }
0xb6: {  	[sflag:s28] =	ssyncset.done $0x0  }
0xb7: {  	s10 =	rddreg [dreg:$0x1f];
	[sflag:s28] =	ssyncadd.s32 $0xFFFFD800  }
0xb8: {  	[tilespmem:s19], [sflag:$0x4] =	stream.indirect.gather [hbm4b:s2+s15], $0x80, s10, s15, $0xb8;
	[tilespmem:$0x1F880] =	vst v63  }
0xb9: {  	_ =	swait.ge [sflag:s20], $0x2800  }
0xba: {  	s11 =	sld [smem:$0x7EB]  }
0xbb: {  	[sflag:s20] =	ssyncset.done $0x0  }
0xbc: {  	[sflag:s20] =	ssyncadd.s32 $0xFFFFD800  }
0xbd: {  	[spmem:s3] =	stream.indirect.scatter.add.f32 [tilespmem:s16], [sflag:$0x5], $0x80, s11, s15, $0xb8;
	[tilespmem:$0x1F880] =	vst v63  }
0xbe: {  	_ =	swait.ge [sflag:s21], $0x2800  }
0xbf: {  	s9 =	sld [smem:$0x7EC]  }
0xc0: {  	[sflag:s21] =	ssyncset.done $0x0  }
0xc1: {  	[sflag:s21] =	ssyncadd.s32 $0xFFFFD800  }
0xc2: {  	[spmem:s3] =	stream.indirect.scatter.add.f32 [tilespmem:s17], [sflag:$0x6], $0x80, s9, s15, $0xb8;
	[tilespmem:$0x1F880] =	vst v63  }
0xc3: {  	_ =	swait.ge [sflag:s22], $0x2800  }
0xc4: {  	s10 =	sld [smem:$0x7EF]  }
0xc5: {  	[sflag:s22] =	ssyncset.done $0x0  }
0xc6: {  	[sflag:s22] =	ssyncadd.s32 $0xFFFFD800  }
0xc7: {  	[spmem:s3] =	stream.indirect.scatter.add.f32 [tilespmem:s18], [sflag:$0x7], $0x80, s10, s15, $0xb8;
	[tilespmem:$0x1F880] =	vst v63  }
0xc8: {  	_ =	swait.ge [sflag:s23], $0x2800  }
0xc9: {  	s11 =	sld [smem:$0x7F0]  }
0xca: {  	[sflag:s23] =	ssyncset.done $0x0  }
0xcb: {  	[sflag:s23] =	ssyncadd.s32 $0xFFFFD800  }
0xcc: {  	[spmem:s3] =	stream.indirect.scatter.add.f32 [tilespmem:s19], [sflag:$0x8], $0x80, s11, s15, $0xb8;
	[tilespmem:$0x1F880] =	vst v63  }
0xcd: {  	_ =	swait.ge [sflag:s24], $0x2800  }
0xce: {  	s9 =	sld [smem:$0x7F1]  }
0xcf: {  	[sflag:s24] =	ssyncset.done $0x0  }
0xd0: {  	[sflag:s24] =	ssyncadd.s32 $0xFFFFD800  }
0xd1: {  	[tilespmem:s16], [sflag:$0x1] =	stream.indirect.gather [hbm4b:s2+s15], $0x80, s9, s15, $0xb8;
	[tilespmem:$0x1F880] =	vst v63  }
0xd2: {  	_ =	swait.ge [sflag:s25], $0x2800  }
0xd3: {  	s10 =	sld [smem:$0x7F2]  }
0xd4: {  	[sflag:s25] =	ssyncset.done $0x0  }
0xd5: {  	[sflag:s25] =	ssyncadd.s32 $0xFFFFD800  }
0xd6: {  	[tilespmem:s17], [sflag:$0x2] =	stream.indirect.gather [hbm4b:s2+s15], $0x80, s10, s15, $0xb8;
	[tilespmem:$0x1F880] =	vst v63  }
0xd7: {  	_ =	swait.ge [sflag:s26], $0x2800  }
0xd8: {  	s11 =	sld [smem:$0x7F3]  }
0xd9: {  	[sflag:s26] =	ssyncset.done $0x0  }
0xda: {  	[sflag:s26] =	ssyncadd.s32 $0xFFFFD800  }
0xdb: {  	[tilespmem:s18], [sflag:$0x3] =	stream.indirect.gather [hbm4b:s2+s15], $0x80, s11, s15, $0xb8;
	[tilespmem:$0x1F880] =	vst v63  }
0xdc: {  	_ =	swait.ge [sflag:s28], $0x2800  }
0xdd: {  	s9 =	sld [smem:$0x7F4]  }
0xde: {  	[sflag:s28] =	ssyncset.done $0x0  }
0xdf: {  	[sflag:s28] =	ssyncadd.s32 $0xFFFFD800  }
0xe0: {  	[tilespmem:s19], [sflag:$0x4] =	stream.indirect.gather [hbm4b:s2+s15], $0x80, s9, s15, $0xb8;
	[tilespmem:$0x1F880] =	vst v63  }
0xe1: {  	_ =	swait.ge [sflag:s20], $0x2800  }
0xe2: {  	s10 =	sld [smem:$0x7F5]  }
0xe3: {  	[sflag:s20] =	ssyncset.done $0x0  }
0xe4: {  	[sflag:s20] =	ssyncadd.s32 $0xFFFFD800  }
0xe5: {  	[spmem:s3] =	stream.indirect.scatter.add.f32 [tilespmem:s16], [sflag:$0x5], $0x80, s10, s15, $0xb8;
	[tilespmem:$0x1F880] =	vst v63  }
0xe6: {  	_ =	swait.ge [sflag:s21], $0x2800  }
0xe7: {  	s11 =	sld [smem:$0x7F6]  }
0xe8: {  	[sflag:s21] =	ssyncset.done $0x0  }
0xe9: {  	[sflag:s21] =	ssyncadd.s32 $0xFFFFD800  }
0xea: {  	[spmem:s3] =	stream.indirect.scatter.add.f32 [tilespmem:s17], [sflag:$0x6], $0x80, s11, s15, $0xb8;
	[tilespmem:$0x1F880] =	vst v63  }
0xeb: {  	_ =	swait.ge [sflag:s22], $0x2800  }
0xec: {  	s9 =	sld [smem:$0x7F7]  }
0xed: {  	[sflag:s22] =	ssyncset.done $0x0  }
0xee: {  	[sflag:s22] =	ssyncadd.s32 $0xFFFFD800  }
0xef: {  	[spmem:s3] =	stream.indirect.scatter.add.f32 [tilespmem:s18], [sflag:$0x7], $0x80, s9, s15, $0xb8;
	[tilespmem:$0x1F880] =	vst v63  }
0xf0: {  	_ =	swait.ge [sflag:s23], $0x2800  }
0xf1: {  	s10 =	sld [smem:$0x7F8]  }
0xf2: {  	[sflag:s23] =	ssyncset.done $0x0  }
0xf3: {  	[sflag:s23] =	ssyncadd.s32 $0xFFFFD800  }
0xf4: {  	[spmem:s3] =	stream.indirect.scatter.add.f32 [tilespmem:s19], [sflag:$0x8], $0x80, s10, s15, $0xb8;
	[tilespmem:$0x1F880] =	vst v63  }
0xf5: {  	_ =	swait.ge [sflag:s24], $0x2800  }
0xf6: {  	s11 =	sld [smem:$0x7F9]  }
0xf7: {  	[sflag:s24] =	ssyncset.done $0x0  }
0xf8: {  	[sflag:s24] =	ssyncadd.s32 $0xFFFFD800  }
0xf9: {  	[tilespmem:s16], [sflag:$0x1] =	stream.indirect.gather [hbm4b:s2+s15], $0x80, s11, s15, $0xb8;
	[tilespmem:$0x1F880] =	vst v63  }
0xfa: {  	_ =	swait.ge [sflag:s25], $0x2800  }
0xfb: {  	s9 =	sld [smem:$0x7FA]  }
0xfc: {  	[sflag:s25] =	ssyncset.done $0x0  }
0xfd: {  	[sflag:s25] =	ssyncadd.s32 $0xFFFFD800  }
0xfe: {  	[tilespmem:s17], [sflag:$0x2] =	stream.indirect.gather [hbm4b:s2+s15], $0x80, s9, s15, $0xb8;
	[tilespmem:$0x1F880] =	vst v63  }
0xff: {  	_ =	swait.ge [sflag:s26], $0x2800  }
0x100: {  	s10 =	sld [smem:$0x7FB]  }
0x101: {  	[sflag:s26] =	ssyncset.done $0x0  }
0x102: {  	[sflag:s26] =	ssyncadd.s32 $0xFFFFD800  }
0x103: {  	[tilespmem:s18], [sflag:$0x3] =	stream.indirect.gather [hbm4b:s2+s15], $0x80, s10, s15, $0xb8;
	[tilespmem:$0x1F880] =	vst v63  }
0x104: {  	_ =	swait.ge [sflag:s28], $0x2800  }
0x105: {  	s11 =	sld [smem:$0x7FC]  }
0x106: {  	[sflag:s28] =	ssyncset.done $0x0  }
0x107: {  	[sflag:s28] =	ssyncadd.s32 $0xFFFFD800  }
0x108: {  	[tilespmem:s19], [sflag:$0x4] =	stream.indirect.gather [hbm4b:s2+s15], $0x80, s11, s15, $0xb8;
	[tilespmem:$0x1F880] =	vst v63  }
0x109: {  	_ =	swait.ge [sflag:s20], $0x2800  }
0x10a: {  	[sflag:s20] =	ssyncset.done $0x0  }
0x10b: {  	[sflag:s20] =	ssyncadd.s32 $0xFFFFD800  }
0x10c: {  	[spmem:s3] =	stream.indirect.scatter.add.f32 [tilespmem:s16], [sflag:$0x5], $0x80, s29, s15, $0xb8;
	[tilespmem:$0x1F880] =	vst v63  }
0x10d: {  	_ =	swait.ge [sflag:s21], $0x2800  }
0x10e: {  	[sflag:s21] =	ssyncset.done $0x0  }
0x10f: {  	[sflag:s21] =	ssyncadd.s32 $0xFFFFD800  }
0x110: {  	[spmem:s3] =	stream.indirect.scatter.add.f32 [tilespmem:s17], [sflag:$0x6], $0x80, s30, s15, $0xb8;
	[tilespmem:$0x1F880] =	vst v63  }
0x111: {  	_ =	swait.ge [sflag:s22], $0x2800  }
0x112: {  	[sflag:s22] =	ssyncset.done $0x0  }
0x113: {  	[sflag:s22] =	ssyncadd.s32 $0xFFFFD800  }
0x114: {  	[spmem:s3] =	stream.indirect.scatter.add.f32 [tilespmem:s18], [sflag:$0x7], $0x80, s31, s15, $0xb8;
	[tilespmem:$0x1F880] =	vst v63  }
0x115: {  	_ =	swait.ge [sflag:s23], $0x2800  }
0x116: {  	[sflag:s23] =	ssyncset.done $0x0  }
0x117: {  	[sflag:s23] =	ssyncadd.s32 $0xFFFFD800  }
0x118: {  	[spmem:s3] =	stream.indirect.scatter.add.f32 [tilespmem:s19], [sflag:$0x8], $0x80, s1, s15, $0xb8;
	[tilespmem:$0x1F880] =	vst v63  }
0x119: {  	_ =	swait.ge [sflag:s24], $0x2800  }
0x11a: {  	[sflag:s24] =	ssyncset.done $0x0  }
0x11b: {  	[sflag:s24] =	ssyncadd.s32 $0xFFFFD800  }
0x11c: {  	[tilespmem:s16], [sflag:$0x1] =	stream.indirect.gather [hbm4b:s2+s15], $0x80, s6, s15, $0xb8;
	[tilespmem:$0x1F880] =	vst v63  }
0x11d: {  	_ =	swait.ge [sflag:s25], $0x2800  }
0x11e: {  	[sflag:s25] =	ssyncset.done $0x0  }
0x11f: {  	[sflag:s25] =	ssyncadd.s32 $0xFFFFD800  }
0x120: {  	_ =	swait.ge [sflag:s26], $0x2800  }
0x121: {  	[sflag:s26] =	ssyncset.done $0x0  }
0x122: {  	[sflag:s26] =	ssyncadd.s32 $0xFFFFD800  }
0x123: {  	_ =	swait.ge [sflag:s28], $0x2800  }
0x124: {  	[sflag:s28] =	ssyncset.done $0x0  }
0x125: {  	[sflag:s28] =	ssyncadd.s32 $0xFFFFD800  }
0x126: {  	_ =	swait.ge [sflag:s20], $0x2800  }
0x127: {  	[sflag:s20] =	ssyncset.done $0x0  }
0x128: {  	[sflag:s20] =	ssyncadd.s32 $0xFFFFD800  }
0x129: {  	[spmem:s3] =	stream.indirect.scatter.add.f32 [tilespmem:s16], [sflag:$0xA], $0x80, s7, s15, $0xb8;
	[tilespmem:$0x1F880] =	vst v63  }
0x12a: {  	s10 =	simm.s32 $0x400;
	_ =	swait.ge [sflag:s13], $0x2800  }
0x12b: {  	s11 =	simm.s32 $0x200;
	s5 =	rddreg [dreg:$0x5];
	[sflag:s13] =	ssyncset.done $0x0  }
.LBB2_2:
0x12c: {  	[sflag:s13] =	ssyncadd.s32 $0xFFFFD800;
	s5 =	sadd.s32 s11, s5  }
0x12d: {  	[tilespmem:s4], [sflag:$0xA] =	stream.linear.gather [hbm4b:s5+s4], $0xC80, $0x38;
	[tilespmem:$0x1F880] =	vst v63  }
0x12e: {  	_ =	swait.ge [sflag:s13], $0xC80  }
0x12f: {  	s5 =	rddreg [dreg:$0x4];
	[sflag:s13] =	ssyncset.done $0x0  }
0x130: {  	p2 =	sne.s32 s11, $0x0;
	[sflag:s13] =	ssyncadd.s32 $0xFFFFF380;
	s5 =	sadd.s32 s11, s5  }
0x131: {  	[tilespmem:s14], [sflag:$0xA] =	stream.linear.gather [hbm4b:s5+s4], $0xC80, $0x38;
	[tilespmem:$0x1F880] =	vst v63  }
0x132: {  	p3 =	seq.s32 @!p2 s0, $0xF;
	_ =	swait.ge [sflag:s13], $0xC80  }
0x133: {  	p4 =	por !p3, p2;
	[sflag:s13] =	ssyncset.done $0x0  }
0x134: {  	s5 =	simm.s32 @!p4 $0x9;
	[sflag:s13] =	ssyncadd.s32 $0xFFFFF380  }
0x135: {  	_ =	swait.ge @!p4 [sflag:s5], $0x2800  }
0x136: {  	p3 =	por p3, p2;
	[sflag:s5] =	ssyncset.done @!p4 $0x0  }
0x137: {  	[sflag:s5] =	ssyncadd.s32 @!p4 $0xFFFFD800;
	s5 =	simm.s32 @!p3 $0x9  }
0x138: {  	_ =	swait.ge @!p3 [sflag:s5], $0x2700  }
0x139: {  	[sflag:s5] =	ssyncset.done @!p3 $0x0  }
0x13a: {  	[sflag:s5] =	ssyncadd.s32 @!p3 $0xFFFFD900  }
0x13b: {  	[bflag:$0x0] =	sbarrier.arrive @!p2 $0xFFFF  }
0x13c: {  	[tilespmem:s16], [sflag:$0x1] =	stream.indirect.gather [hbm4b:s2+s15], $0x80, s4, s15, $0xb8;
	[tilespmem:$0x1F880] =	vst v63  }
0x13d: {  	s9 =	smov.u32 s10;
	s5 =	rddreg [dreg:$0x6]  }
0x13e: {  	[tilespmem:s17], [sflag:$0x2] =	stream.indirect.gather [hbm4b:s2+s15], $0x80, s5, s15, $0xb8;
	[tilespmem:$0x1F880] =	vst v63  }
0x13f: {  	s11 =	smov.u32 s9;
	s9 =	rddreg [dreg:$0x7]  }
0x140: {  	[tilespmem:s18], [sflag:$0x3] =	stream.indirect.gather [hbm4b:s2+s15], $0x80, s9, s15, $0xb8;
	[tilespmem:$0x1F880] =	vst v63  }
0x141: {  	s5 =	rddreg [dreg:$0x8]  }
0x142: {  	[tilespmem:s19], [sflag:$0x4] =	stream.indirect.gather [hbm4b:s2+s15], $0x80, s5, s15, $0xb8;
	[tilespmem:$0x1F880] =	vst v63  }
0x143: {  	_ =	swait.ge [sflag:s20], $0x2800  }
0x144: {  	[sflag:s20] =	ssyncset.done $0x0  }
0x145: {  	[sflag:s20] =	ssyncadd.s32 $0xFFFFD800  }
0x146: {  	[spmem:s3] =	stream.indirect.scatter.add.f32 [tilespmem:s16], [sflag:$0x5], $0x80, s14, s15, $0xb8;
	[tilespmem:$0x1F880] =	vst v63  }
0x147: {  	_ =	swait.ge [sflag:s21], $0x2800  }
0x148: {  	[sflag:s21] =	ssyncset.done $0x0  }
0x149: {  	s9 =	rddreg [dreg:$0x9];
	[sflag:s21] =	ssyncadd.s32 $0xFFFFD800  }
0x14a: {  	[spmem:s3] =	stream.indirect.scatter.add.f32 [tilespmem:s17], [sflag:$0x6], $0x80, s9, s15, $0xb8;
	[tilespmem:$0x1F880] =	vst v63  }
0x14b: {  	_ =	swait.ge [sflag:s22], $0x2800  }
0x14c: {  	[sflag:s22] =	ssyncset.done $0x0  }
0x14d: {  	s9 =	rddreg [dreg:$0xa];
	[sflag:s22] =	ssyncadd.s32 $0xFFFFD800  }
0x14e: {  	[spmem:s3] =	stream.indirect.scatter.add.f32 [tilespmem:s18], [sflag:$0x7], $0x80, s9, s15, $0xb8;
	[tilespmem:$0x1F880] =	vst v63  }
0x14f: {  	_ =	swait.ge [sflag:s23], $0x2800  }
0x150: {  	[sflag:s23] =	ssyncset.done $0x0  }
0x151: {  	s9 =	rddreg [dreg:$0xb];
	[sflag:s23] =	ssyncadd.s32 $0xFFFFD800  }
0x152: {  	[spmem:s3] =	stream.indirect.scatter.add.f32 [tilespmem:s19], [sflag:$0x8], $0x80, s9, s15, $0xb8;
	[tilespmem:$0x1F880] =	vst v63  }
0x153: {  	_ =	swait.ge [sflag:s24], $0x2800  }
0x154: {  	[sflag:s24] =	ssyncset.done $0x0  }
0x155: {  	s9 =	rddreg [dreg:$0xc];
	[sflag:s24] =	ssyncadd.s32 $0xFFFFD800  }
0x156: {  	[tilespmem:s16], [sflag:$0x1] =	stream.indirect.gather [hbm4b:s2+s15], $0x80, s9, s15, $0xb8;
	[tilespmem:$0x1F880] =	vst v63  }
0x157: {  	_ =	swait.ge [sflag:s25], $0x2800  }
0x158: {  	[sflag:s25] =	ssyncset.done $0x0  }
0x159: {  	s9 =	rddreg [dreg:$0xd];
	[sflag:s25] =	ssyncadd.s32 $0xFFFFD800  }
0x15a: {  	[tilespmem:s17], [sflag:$0x2] =	stream.indirect.gather [hbm4b:s2+s15], $0x80, s9, s15, $0xb8;
	[tilespmem:$0x1F880] =	vst v63  }
0x15b: {  	_ =	swait.ge [sflag:s26], $0x2800  }
0x15c: {  	[sflag:s26] =	ssyncset.done $0x0  }
0x15d: {  	s9 =	rddreg [dreg:$0xe];
	[sflag:s26] =	ssyncadd.s32 $0xFFFFD800  }
0x15e: {  	[tilespmem:s18], [sflag:$0x3] =	stream.indirect.gather [hbm4b:s2+s15], $0x80, s9, s15, $0xb8;
	[tilespmem:$0x1F880] =	vst v63  }
0x15f: {  	_ =	swait.ge [sflag:s28], $0x2800  }
0x160: {  	[sflag:s28] =	ssyncset.done $0x0  }
0x161: {  	s9 =	rddreg [dreg:$0xf];
	[sflag:s28] =	ssyncadd.s32 $0xFFFFD800  }
0x162: {  	[tilespmem:s19], [sflag:$0x4] =	stream.indirect.gather [hbm4b:s2+s15], $0x80, s9, s15, $0xb8;
	[tilespmem:$0x1F880] =	vst v63  }
0x163: {  	_ =	swait.ge [sflag:s20], $0x2800  }
0x164: {  	[sflag:s20] =	ssyncset.done $0x0  }
0x165: {  	s9 =	rddreg [dreg:$0x10];
	[sflag:s20] =	ssyncadd.s32 $0xFFFFD800  }
0x166: {  	[spmem:s3] =	stream.indirect.scatter.add.f32 [tilespmem:s16], [sflag:$0x5], $0x80, s9, s15, $0xb8;
	[tilespmem:$0x1F880] =	vst v63  }
0x167: {  	_ =	swait.ge [sflag:s21], $0x2800  }
0x168: {  	[sflag:s21] =	ssyncset.done $0x0  }
0x169: {  	s9 =	rddreg [dreg:$0x11];
	[sflag:s21] =	ssyncadd.s32 $0xFFFFD800  }
0x16a: {  	[spmem:s3] =	stream.indirect.scatter.add.f32 [tilespmem:s17], [sflag:$0x6], $0x80, s9, s15, $0xb8;
	[tilespmem:$0x1F880] =	vst v63  }
0x16b: {  	_ =	swait.ge [sflag:s22], $0x2800  }
0x16c: {  	[sflag:s22] =	ssyncset.done $0x0  }
0x16d: {  	s9 =	rddreg [dreg:$0x12];
	[sflag:s22] =	ssyncadd.s32 $0xFFFFD800  }
0x16e: {  	[spmem:s3] =	stream.indirect.scatter.add.f32 [tilespmem:s18], [sflag:$0x7], $0x80, s9, s15, $0xb8;
	[tilespmem:$0x1F880] =	vst v63  }
0x16f: {  	_ =	swait.ge [sflag:s23], $0x2800  }
0x170: {  	[sflag:s23] =	ssyncset.done $0x0  }
0x171: {  	s9 =	rddreg [dreg:$0x13];
	[sflag:s23] =	ssyncadd.s32 $0xFFFFD800  }
0x172: {  	[spmem:s3] =	stream.indirect.scatter.add.f32 [tilespmem:s19], [sflag:$0x8], $0x80, s9, s15, $0xb8;
	[tilespmem:$0x1F880] =	vst v63  }
0x173: {  	_ =	swait.ge [sflag:s24], $0x2800  }
0x174: {  	[sflag:s24] =	ssyncset.done $0x0  }
0x175: {  	s9 =	rddreg [dreg:$0x14];
	[sflag:s24] =	ssyncadd.s32 $0xFFFFD800  }
0x176: {  	[tilespmem:s16], [sflag:$0x1] =	stream.indirect.gather [hbm4b:s2+s15], $0x80, s9, s15, $0xb8;
	[tilespmem:$0x1F880] =	vst v63  }
0x177: {  	_ =	swait.ge [sflag:s25], $0x2800  }
0x178: {  	[sflag:s25] =	ssyncset.done $0x0  }
0x179: {  	s9 =	rddreg [dreg:$0x15];
	[sflag:s25] =	ssyncadd.s32 $0xFFFFD800  }
0x17a: {  	[tilespmem:s17], [sflag:$0x2] =	stream.indirect.gather [hbm4b:s2+s15], $0x80, s9, s15, $0xb8;
	[tilespmem:$0x1F880] =	vst v63  }
0x17b: {  	_ =	swait.ge [sflag:s26], $0x2800  }
0x17c: {  	[sflag:s26] =	ssyncset.done $0x0  }
0x17d: {  	s9 =	rddreg [dreg:$0x16];
	[sflag:s26] =	ssyncadd.s32 $0xFFFFD800  }
0x17e: {  	[tilespmem:s18], [sflag:$0x3] =	stream.indirect.gather [hbm4b:s2+s15], $0x80, s9, s15, $0xb8;
	[tilespmem:$0x1F880] =	vst v63  }
0x17f: {  	_ =	swait.ge [sflag:s28], $0x2800  }
0x180: {  	[sflag:s28] =	ssyncset.done $0x0  }
0x181: {  	s9 =	rddreg [dreg:$0x17];
	[sflag:s28] =	ssyncadd.s32 $0xFFFFD800  }
0x182: {  	[tilespmem:s19], [sflag:$0x4] =	stream.indirect.gather [hbm4b:s2+s15], $0x80, s9, s15, $0xb8;
	[tilespmem:$0x1F880] =	vst v63  }
0x183: {  	_ =	swait.ge [sflag:s20], $0x2800  }
0x184: {  	[sflag:s20] =	ssyncset.done $0x0  }
0x185: {  	s9 =	rddreg [dreg:$0x18];
	[sflag:s20] =	ssyncadd.s32 $0xFFFFD800  }
0x186: {  	[spmem:s3] =	stream.indirect.scatter.add.f32 [tilespmem:s16], [sflag:$0x5], $0x80, s9, s15, $0xb8;
	[tilespmem:$0x1F880] =	vst v63  }
0x187: {  	_ =	swait.ge [sflag:s21], $0x2800  }
0x188: {  	[sflag:s21] =	ssyncset.done $0x0  }
0x189: {  	s9 =	rddreg [dreg:$0x19];
	[sflag:s21] =	ssyncadd.s32 $0xFFFFD800  }
0x18a: {  	[spmem:s3] =	stream.indirect.scatter.add.f32 [tilespmem:s17], [sflag:$0x6], $0x80, s9, s15, $0xb8;
	[tilespmem:$0x1F880] =	vst v63  }
0x18b: {  	_ =	swait.ge [sflag:s22], $0x2800  }
0x18c: {  	[sflag:s22] =	ssyncset.done $0x0  }
0x18d: {  	s9 =	rddreg [dreg:$0x1a];
	[sflag:s22] =	ssyncadd.s32 $0xFFFFD800  }
0x18e: {  	[spmem:s3] =	stream.indirect.scatter.add.f32 [tilespmem:s18], [sflag:$0x7], $0x80, s9, s15, $0xb8;
	[tilespmem:$0x1F880] =	vst v63  }
0x18f: {  	_ =	swait.ge [sflag:s23], $0x2800  }
0x190: {  	[sflag:s23] =	ssyncset.done $0x0  }
0x191: {  	s9 =	rddreg [dreg:$0x1b];
	[sflag:s23] =	ssyncadd.s32 $0xFFFFD800  }
0x192: {  	[spmem:s3] =	stream.indirect.scatter.add.f32 [tilespmem:s19], [sflag:$0x8], $0x80, s9, s15, $0xb8;
	[tilespmem:$0x1F880] =	vst v63  }
0x193: {  	_ =	swait.ge [sflag:s24], $0x2800  }
0x194: {  	[sflag:s24] =	ssyncset.done $0x0  }
0x195: {  	s9 =	rddreg [dreg:$0x1c];
	[sflag:s24] =	ssyncadd.s32 $0xFFFFD800  }
0x196: {  	[tilespmem:s16], [sflag:$0x1] =	stream.indirect.gather [hbm4b:s2+s15], $0x80, s9, s15, $0xb8;
	[tilespmem:$0x1F880] =	vst v63  }
0x197: {  	_ =	swait.ge [sflag:s25], $0x2800  }
0x198: {  	[sflag:s25] =	ssyncset.done $0x0  }
0x199: {  	s9 =	rddreg [dreg:$0x1d];
	[sflag:s25] =	ssyncadd.s32 $0xFFFFD800  }
0x19a: {  	[tilespmem:s17], [sflag:$0x2] =	stream.indirect.gather [hbm4b:s2+s15], $0x80, s9, s15, $0xb8;
	[tilespmem:$0x1F880] =	vst v63  }
0x19b: {  	_ =	swait.ge [sflag:s26], $0x2800  }
0x19c: {  	[sflag:s26] =	ssyncset.done $0x0  }
0x19d: {  	s9 =	rddreg [dreg:$0x1e];
	[sflag:s26] =	ssyncadd.s32 $0xFFFFD800  }
0x19e: {  	[tilespmem:s18], [sflag:$0x3] =	stream.indirect.gather [hbm4b:s2+s15], $0x80, s9, s15, $0xb8;
	[tilespmem:$0x1F880] =	vst v63  }
0x19f: {  	_ =	swait.ge [sflag:s28], $0x2800  }
0x1a0: {  	[sflag:s28] =	ssyncset.done $0x0  }
0x1a1: {  	s9 =	rddreg [dreg:$0x1f];
	[sflag:s28] =	ssyncadd.s32 $0xFFFFD800  }
0x1a2: {  	[tilespmem:s19], [sflag:$0x4] =	stream.indirect.gather [hbm4b:s2+s15], $0x80, s9, s15, $0xb8;
	[tilespmem:$0x1F880] =	vst v63  }
0x1a3: {  	_ =	swait.ge [sflag:s20], $0x2800  }
0x1a4: {  	s9 =	sld [smem:$0x7EB]  }
0x1a5: {  	[sflag:s20] =	ssyncset.done $0x0  }
0x1a6: {  	[sflag:s20] =	ssyncadd.s32 $0xFFFFD800  }
0x1a7: {  	[spmem:s3] =	stream.indirect.scatter.add.f32 [tilespmem:s16], [sflag:$0x5], $0x80, s9, s15, $0xb8;
	[tilespmem:$0x1F880] =	vst v63  }
0x1a8: {  	_ =	swait.ge [sflag:s21], $0x2800  }
0x1a9: {  	s9 =	sld [smem:$0x7EC]  }
0x1aa: {  	[sflag:s21] =	ssyncset.done $0x0  }
0x1ab: {  	[sflag:s21] =	ssyncadd.s32 $0xFFFFD800  }
0x1ac: {  	[spmem:s3] =	stream.indirect.scatter.add.f32 [tilespmem:s17], [sflag:$0x6], $0x80, s9, s15, $0xb8;
	[tilespmem:$0x1F880] =	vst v63  }
0x1ad: {  	_ =	swait.ge [sflag:s22], $0x2800  }
0x1ae: {  	s9 =	sld [smem:$0x7EF]  }
0x1af: {  	[sflag:s22] =	ssyncset.done $0x0  }
0x1b0: {  	[sflag:s22] =	ssyncadd.s32 $0xFFFFD800  }
0x1b1: {  	[spmem:s3] =	stream.indirect.scatter.add.f32 [tilespmem:s18], [sflag:$0x7], $0x80, s9, s15, $0xb8;
	[tilespmem:$0x1F880] =	vst v63  }
0x1b2: {  	_ =	swait.ge [sflag:s23], $0x2800  }
0x1b3: {  	s9 =	sld [smem:$0x7F0]  }
0x1b4: {  	[sflag:s23] =	ssyncset.done $0x0  }
0x1b5: {  	[sflag:s23] =	ssyncadd.s32 $0xFFFFD800  }
0x1b6: {  	[spmem:s3] =	stream.indirect.scatter.add.f32 [tilespmem:s19], [sflag:$0x8], $0x80, s9, s15, $0xb8;
	[tilespmem:$0x1F880] =	vst v63  }
0x1b7: {  	_ =	swait.ge [sflag:s24], $0x2800  }
0x1b8: {  	s9 =	sld [smem:$0x7F1]  }
0x1b9: {  	[sflag:s24] =	ssyncset.done $0x0  }
0x1ba: {  	[sflag:s24] =	ssyncadd.s32 $0xFFFFD800  }
0x1bb: {  	[tilespmem:s16], [sflag:$0x1] =	stream.indirect.gather [hbm4b:s2+s15], $0x80, s9, s15, $0xb8;
	[tilespmem:$0x1F880] =	vst v63  }
0x1bc: {  	_ =	swait.ge [sflag:s25], $0x2800  }
0x1bd: {  	s9 =	sld [smem:$0x7F2]  }
0x1be: {  	[sflag:s25] =	ssyncset.done $0x0  }
0x1bf: {  	[sflag:s25] =	ssyncadd.s32 $0xFFFFD800  }
0x1c0: {  	[tilespmem:s17], [sflag:$0x2] =	stream.indirect.gather [hbm4b:s2+s15], $0x80, s9, s15, $0xb8;
	[tilespmem:$0x1F880] =	vst v63  }
0x1c1: {  	_ =	swait.ge [sflag:s26], $0x2800  }
0x1c2: {  	s9 =	sld [smem:$0x7F3]  }
0x1c3: {  	[sflag:s26] =	ssyncset.done $0x0  }
0x1c4: {  	[sflag:s26] =	ssyncadd.s32 $0xFFFFD800  }
0x1c5: {  	[tilespmem:s18], [sflag:$0x3] =	stream.indirect.gather [hbm4b:s2+s15], $0x80, s9, s15, $0xb8;
	[tilespmem:$0x1F880] =	vst v63  }
0x1c6: {  	_ =	swait.ge [sflag:s28], $0x2800  }
0x1c7: {  	s9 =	sld [smem:$0x7F4]  }
0x1c8: {  	[sflag:s28] =	ssyncset.done $0x0  }
0x1c9: {  	[sflag:s28] =	ssyncadd.s32 $0xFFFFD800  }
0x1ca: {  	[tilespmem:s19], [sflag:$0x4] =	stream.indirect.gather [hbm4b:s2+s15], $0x80, s9, s15, $0xb8;
	[tilespmem:$0x1F880] =	vst v63  }
0x1cb: {  	_ =	swait.ge [sflag:s20], $0x2800  }
0x1cc: {  	s9 =	sld [smem:$0x7F5]  }
0x1cd: {  	[sflag:s20] =	ssyncset.done $0x0  }
0x1ce: {  	[sflag:s20] =	ssyncadd.s32 $0xFFFFD800  }
0x1cf: {  	[spmem:s3] =	stream.indirect.scatter.add.f32 [tilespmem:s16], [sflag:$0x5], $0x80, s9, s15, $0xb8;
	[tilespmem:$0x1F880] =	vst v63  }
0x1d0: {  	_ =	swait.ge [sflag:s21], $0x2800  }
0x1d1: {  	s9 =	sld [smem:$0x7F6]  }
0x1d2: {  	[sflag:s21] =	ssyncset.done $0x0  }
0x1d3: {  	[sflag:s21] =	ssyncadd.s32 $0xFFFFD800  }
0x1d4: {  	[spmem:s3] =	stream.indirect.scatter.add.f32 [tilespmem:s17], [sflag:$0x6], $0x80, s9, s15, $0xb8;
	[tilespmem:$0x1F880] =	vst v63  }
0x1d5: {  	_ =	swait.ge [sflag:s22], $0x2800  }
0x1d6: {  	s9 =	sld [smem:$0x7F7]  }
0x1d7: {  	[sflag:s22] =	ssyncset.done $0x0  }
0x1d8: {  	[sflag:s22] =	ssyncadd.s32 $0xFFFFD800  }
0x1d9: {  	[spmem:s3] =	stream.indirect.scatter.add.f32 [tilespmem:s18], [sflag:$0x7], $0x80, s9, s15, $0xb8;
	[tilespmem:$0x1F880] =	vst v63  }
0x1da: {  	_ =	swait.ge [sflag:s23], $0x2800  }
0x1db: {  	s9 =	sld [smem:$0x7F8]  }
0x1dc: {  	[sflag:s23] =	ssyncset.done $0x0  }
0x1dd: {  	[sflag:s23] =	ssyncadd.s32 $0xFFFFD800  }
0x1de: {  	[spmem:s3] =	stream.indirect.scatter.add.f32 [tilespmem:s19], [sflag:$0x8], $0x80, s9, s15, $0xb8;
	[tilespmem:$0x1F880] =	vst v63  }
0x1df: {  	_ =	swait.ge [sflag:s24], $0x2800  }
0x1e0: {  	s9 =	sld [smem:$0x7F9]  }
0x1e1: {  	[sflag:s24] =	ssyncset.done $0x0  }
0x1e2: {  	[sflag:s24] =	ssyncadd.s32 $0xFFFFD800  }
0x1e3: {  	[tilespmem:s16], [sflag:$0x1] =	stream.indirect.gather [hbm4b:s2+s15], $0x80, s9, s15, $0xb8;
	[tilespmem:$0x1F880] =	vst v63  }
0x1e4: {  	_ =	swait.ge [sflag:s25], $0x2800  }
0x1e5: {  	s9 =	sld [smem:$0x7FA]  }
0x1e6: {  	[sflag:s25] =	ssyncset.done $0x0  }
0x1e7: {  	[sflag:s25] =	ssyncadd.s32 $0xFFFFD800  }
0x1e8: {  	[tilespmem:s17], [sflag:$0x2] =	stream.indirect.gather [hbm4b:s2+s15], $0x80, s9, s15, $0xb8;
	[tilespmem:$0x1F880] =	vst v63  }
0x1e9: {  	_ =	swait.ge [sflag:s26], $0x2800  }
0x1ea: {  	s9 =	sld [smem:$0x7FB]  }
0x1eb: {  	[sflag:s26] =	ssyncset.done $0x0  }
0x1ec: {  	[sflag:s26] =	ssyncadd.s32 $0xFFFFD800  }
0x1ed: {  	[tilespmem:s18], [sflag:$0x3] =	stream.indirect.gather [hbm4b:s2+s15], $0x80, s9, s15, $0xb8;
	[tilespmem:$0x1F880] =	vst v63  }
0x1ee: {  	_ =	swait.ge [sflag:s28], $0x2800  }
0x1ef: {  	s9 =	sld [smem:$0x7FC]  }
0x1f0: {  	[sflag:s28] =	ssyncset.done $0x0  }
0x1f1: {  	[sflag:s28] =	ssyncadd.s32 $0xFFFFD800  }
0x1f2: {  	[tilespmem:s19], [sflag:$0x4] =	stream.indirect.gather [hbm4b:s2+s15], $0x80, s9, s15, $0xb8;
	[tilespmem:$0x1F880] =	vst v63  }
0x1f3: {  	_ =	swait.ge [sflag:s20], $0x2800  }
0x1f4: {  	[sflag:s20] =	ssyncset.done $0x0  }
0x1f5: {  	[sflag:s20] =	ssyncadd.s32 $0xFFFFD800  }
0x1f6: {  	[spmem:s3] =	stream.indirect.scatter.add.f32 [tilespmem:s16], [sflag:$0x5], $0x80, s29, s15, $0xb8;
	[tilespmem:$0x1F880] =	vst v63  }
0x1f7: {  	_ =	swait.ge [sflag:s21], $0x2800  }
0x1f8: {  	[sflag:s21] =	ssyncset.done $0x0  }
0x1f9: {  	[sflag:s21] =	ssyncadd.s32 $0xFFFFD800  }
0x1fa: {  	[spmem:s3] =	stream.indirect.scatter.add.f32 [tilespmem:s17], [sflag:$0x6], $0x80, s30, s15, $0xb8;
	[tilespmem:$0x1F880] =	vst v63  }
0x1fb: {  	_ =	swait.ge [sflag:s22], $0x2800  }
0x1fc: {  	[sflag:s22] =	ssyncset.done $0x0  }
0x1fd: {  	[sflag:s22] =	ssyncadd.s32 $0xFFFFD800  }
0x1fe: {  	[spmem:s3] =	stream.indirect.scatter.add.f32 [tilespmem:s18], [sflag:$0x7], $0x80, s31, s15, $0xb8;
	[tilespmem:$0x1F880] =	vst v63  }
0x1ff: {  	_ =	swait.ge [sflag:s23], $0x2800  }
0x200: {  	[sflag:s23] =	ssyncset.done $0x0  }
0x201: {  	[sflag:s23] =	ssyncadd.s32 $0xFFFFD800  }
0x202: {  	[spmem:s3] =	stream.indirect.scatter.add.f32 [tilespmem:s19], [sflag:$0x8], $0x80, s1, s15, $0xb8;
	[tilespmem:$0x1F880] =	vst v63  }
0x203: {  	_ =	swait.ge [sflag:s24], $0x2800  }
0x204: {  	[sflag:s24] =	ssyncset.done $0x0  }
0x205: {  	[sflag:s24] =	ssyncadd.s32 $0xFFFFD800  }
0x206: {  	[tilespmem:s16], [sflag:$0x1] =	stream.indirect.gather [hbm4b:s2+s15], $0x80, s6, s15, $0xb8;
	[tilespmem:$0x1F880] =	vst v63  }
0x207: {  	_ =	swait.ge [sflag:s25], $0x2800  }
0x208: {  	[sflag:s25] =	ssyncset.done $0x0  }
0x209: {  	[sflag:s25] =	ssyncadd.s32 $0xFFFFD800  }
0x20a: {  	_ =	swait.ge [sflag:s26], $0x2800  }
0x20b: {  	[sflag:s26] =	ssyncset.done $0x0  }
0x20c: {  	[sflag:s26] =	ssyncadd.s32 $0xFFFFD800  }
0x20d: {  	_ =	swait.ge [sflag:s28], $0x2800  }
0x20e: {  	[sflag:s28] =	ssyncset.done $0x0  }
0x20f: {  	s10 =	sadd.s32 $0x200, s10;
	[sflag:s28] =	ssyncadd.s32 $0xFFFFD800  }
0x210: {  	p1 =	sne.s32 s10, $0xA00;
	_ =	swait.ge [sflag:s20], $0x2800  }
.Ltmp0:
0x211: {  	[sflag:s20] =	ssyncset.done $0x0;
	(pc) =	sbr.rel @p1 .LBB2_2-.Ltmp0, $4  }
0x212: {  	[sflag:s20] =	ssyncadd.s32 $0xFFFFD800  }
0x213: {  	[spmem:s3] =	stream.indirect.scatter.add.f32 [tilespmem:s16], [sflag:$0xA], $0x80, s7, s15, $0xb8;
	[tilespmem:$0x1F880] =	vst v63  }
0x214: {  	_ =	swait.ge [sflag:s13], $0x2800  }
0x215: {  	s5 =	rddreg [dreg:$0x5];
	[sflag:s13] =	ssyncset.done $0x0  }
0x216: {  	[sflag:s13] =	ssyncadd.s32 $0xFFFFD800;
	s5 =	sadd.s32 s11, s5  }
0x217: {  	[tilespmem:s4], [sflag:$0xA] =	stream.linear.gather [hbm4b:s5+s4], $0xC80, $0x38;
	[tilespmem:$0x1F880] =	vst v63  }
0x218: {  	_ =	swait.ge [sflag:s13], $0xC80  }
0x219: {  	s9 =	rddreg [dreg:$0x4];
	[sflag:s13] =	ssyncset.done $0x0  }
0x21a: {  	p1 =	sne.s32 s11, $0x0;
	[sflag:s13] =	ssyncadd.s32 $0xFFFFF380;
	s5 =	sadd.s32 s11, s9  }
0x21b: {  	[tilespmem:s14], [sflag:$0xA] =	stream.linear.gather [hbm4b:s5+s4], $0xC80, $0x38;
	[tilespmem:$0x1F880] =	vst v63  }
0x21c: {  	p2 =	seq.s32 @!p1 s0, $0xF;
	_ =	swait.ge [sflag:s13], $0xC80  }
0x21d: {  	p3 =	por !p2, p1;
	[sflag:s13] =	ssyncset.done $0x0  }
0x21e: {  	s5 =	simm.s32 @!p3 $0x9;
	[sflag:s13] =	ssyncadd.s32 $0xFFFFF380  }
0x21f: {  	_ =	swait.ge @!p3 [sflag:s5], $0x2800  }
0x220: {  	p2 =	por p2, p1;
	[sflag:s5] =	ssyncset.done @!p3 $0x0  }
0x221: {  	[sflag:s5] =	ssyncadd.s32 @!p3 $0xFFFFD800;
	s5 =	simm.s32 @!p2 $0x9  }
0x222: {  	_ =	swait.ge @!p2 [sflag:s5], $0x2700  }
0x223: {  	[sflag:s5] =	ssyncset.done @!p2 $0x0  }
0x224: {  	[sflag:s5] =	ssyncadd.s32 @!p2 $0xFFFFD900  }
0x225: {  	[bflag:$0x0] =	sbarrier.arrive @!p1 $0xFFFF  }
0x226: {  	[tilespmem:s16], [sflag:$0x1] =	stream.indirect.gather [hbm4b:s2+s15], $0x80, s4, s15, $0xb8;
	[tilespmem:$0x1F880] =	vst v63  }
0x227: {  	s10 =	rddreg [dreg:$0x6]  }
0x228: {  	[tilespmem:s17], [sflag:$0x2] =	stream.indirect.gather [hbm4b:s2+s15], $0x80, s10, s15, $0xb8;
	[tilespmem:$0x1F880] =	vst v63  }
0x229: {  	s9 =	rddreg [dreg:$0x7]  }
0x22a: {  	[tilespmem:s18], [sflag:$0x3] =	stream.indirect.gather [hbm4b:s2+s15], $0x80, s9, s15, $0xb8;
	[tilespmem:$0x1F880] =	vst v63  }
0x22b: {  	s11 =	rddreg [dreg:$0x8]  }
0x22c: {  	[tilespmem:s19], [sflag:$0x4] =	stream.indirect.gather [hbm4b:s2+s15], $0x80, s11, s15, $0xb8;
	[tilespmem:$0x1F880] =	vst v63  }
0x22d: {  	_ =	swait.ge [sflag:s20], $0x2800  }
0x22e: {  	[sflag:s20] =	ssyncset.done $0x0  }
0x22f: {  	[sflag:s20] =	ssyncadd.s32 $0xFFFFD800  }
0x230: {  	[spmem:s3] =	stream.indirect.scatter.add.f32 [tilespmem:s16], [sflag:$0x5], $0x80, s14, s15, $0xb8;
	[tilespmem:$0x1F880] =	vst v63  }
0x231: {  	_ =	swait.ge [sflag:s21], $0x2800  }
0x232: {  	[sflag:s21] =	ssyncset.done $0x0  }
0x233: {  	s9 =	rddreg [dreg:$0x9];
	[sflag:s21] =	ssyncadd.s32 $0xFFFFD800  }
0x234: {  	[spmem:s3] =	stream.indirect.scatter.add.f32 [tilespmem:s17], [sflag:$0x6], $0x80, s9, s15, $0xb8;
	[tilespmem:$0x1F880] =	vst v63  }
0x235: {  	_ =	swait.ge [sflag:s22], $0x2800  }
0x236: {  	[sflag:s22] =	ssyncset.done $0x0  }
0x237: {  	s10 =	rddreg [dreg:$0xa];
	[sflag:s22] =	ssyncadd.s32 $0xFFFFD800  }
0x238: {  	[spmem:s3] =	stream.indirect.scatter.add.f32 [tilespmem:s18], [sflag:$0x7], $0x80, s10, s15, $0xb8;
	[tilespmem:$0x1F880] =	vst v63  }
0x239: {  	_ =	swait.ge [sflag:s23], $0x2800  }
0x23a: {  	[sflag:s23] =	ssyncset.done $0x0  }
0x23b: {  	s11 =	rddreg [dreg:$0xb];
	[sflag:s23] =	ssyncadd.s32 $0xFFFFD800  }
0x23c: {  	[spmem:s3] =	stream.indirect.scatter.add.f32 [tilespmem:s19], [sflag:$0x8], $0x80, s11, s15, $0xb8;
	[tilespmem:$0x1F880] =	vst v63  }
0x23d: {  	_ =	swait.ge [sflag:s24], $0x2800  }
0x23e: {  	[sflag:s24] =	ssyncset.done $0x0  }
0x23f: {  	s9 =	rddreg [dreg:$0xc];
	[sflag:s24] =	ssyncadd.s32 $0xFFFFD800  }
0x240: {  	[tilespmem:s16], [sflag:$0x1] =	stream.indirect.gather [hbm4b:s2+s15], $0x80, s9, s15, $0xb8;
	[tilespmem:$0x1F880] =	vst v63  }
0x241: {  	_ =	swait.ge [sflag:s25], $0x2800  }
0x242: {  	[sflag:s25] =	ssyncset.done $0x0  }
0x243: {  	s10 =	rddreg [dreg:$0xd];
	[sflag:s25] =	ssyncadd.s32 $0xFFFFD800  }
0x244: {  	[tilespmem:s17], [sflag:$0x2] =	stream.indirect.gather [hbm4b:s2+s15], $0x80, s10, s15, $0xb8;
	[tilespmem:$0x1F880] =	vst v63  }
0x245: {  	_ =	swait.ge [sflag:s26], $0x2800  }
0x246: {  	[sflag:s26] =	ssyncset.done $0x0  }
0x247: {  	s11 =	rddreg [dreg:$0xe];
	[sflag:s26] =	ssyncadd.s32 $0xFFFFD800  }
0x248: {  	[tilespmem:s18], [sflag:$0x3] =	stream.indirect.gather [hbm4b:s2+s15], $0x80, s11, s15, $0xb8;
	[tilespmem:$0x1F880] =	vst v63  }
0x249: {  	_ =	swait.ge [sflag:s28], $0x2800  }
0x24a: {  	[sflag:s28] =	ssyncset.done $0x0  }
0x24b: {  	s9 =	rddreg [dreg:$0xf];
	[sflag:s28] =	ssyncadd.s32 $0xFFFFD800  }
0x24c: {  	[tilespmem:s19], [sflag:$0x4] =	stream.indirect.gather [hbm4b:s2+s15], $0x80, s9, s15, $0xb8;
	[tilespmem:$0x1F880] =	vst v63  }
0x24d: {  	_ =	swait.ge [sflag:s20], $0x2800  }
0x24e: {  	[sflag:s20] =	ssyncset.done $0x0  }
0x24f: {  	s10 =	rddreg [dreg:$0x10];
	[sflag:s20] =	ssyncadd.s32 $0xFFFFD800  }
0x250: {  	[spmem:s3] =	stream.indirect.scatter.add.f32 [tilespmem:s16], [sflag:$0x5], $0x80, s10, s15, $0xb8;
	[tilespmem:$0x1F880] =	vst v63  }
0x251: {  	_ =	swait.ge [sflag:s21], $0x2800  }
0x252: {  	[sflag:s21] =	ssyncset.done $0x0  }
0x253: {  	s11 =	rddreg [dreg:$0x11];
	[sflag:s21] =	ssyncadd.s32 $0xFFFFD800  }
0x254: {  	[spmem:s3] =	stream.indirect.scatter.add.f32 [tilespmem:s17], [sflag:$0x6], $0x80, s11, s15, $0xb8;
	[tilespmem:$0x1F880] =	vst v63  }
0x255: {  	_ =	swait.ge [sflag:s22], $0x2800  }
0x256: {  	[sflag:s22] =	ssyncset.done $0x0  }
0x257: {  	s9 =	rddreg [dreg:$0x12];
	[sflag:s22] =	ssyncadd.s32 $0xFFFFD800  }
0x258: {  	[spmem:s3] =	stream.indirect.scatter.add.f32 [tilespmem:s18], [sflag:$0x7], $0x80, s9, s15, $0xb8;
	[tilespmem:$0x1F880] =	vst v63  }
0x259: {  	_ =	swait.ge [sflag:s23], $0x2800  }
0x25a: {  	[sflag:s23] =	ssyncset.done $0x0  }
0x25b: {  	s10 =	rddreg [dreg:$0x13];
	[sflag:s23] =	ssyncadd.s32 $0xFFFFD800  }
0x25c: {  	[spmem:s3] =	stream.indirect.scatter.add.f32 [tilespmem:s19], [sflag:$0x8], $0x80, s10, s15, $0xb8;
	[tilespmem:$0x1F880] =	vst v63  }
0x25d: {  	_ =	swait.ge [sflag:s24], $0x2800  }
0x25e: {  	[sflag:s24] =	ssyncset.done $0x0  }
0x25f: {  	s11 =	rddreg [dreg:$0x14];
	[sflag:s24] =	ssyncadd.s32 $0xFFFFD800  }
0x260: {  	[tilespmem:s16], [sflag:$0x1] =	stream.indirect.gather [hbm4b:s2+s15], $0x80, s11, s15, $0xb8;
	[tilespmem:$0x1F880] =	vst v63  }
0x261: {  	_ =	swait.ge [sflag:s25], $0x2800  }
0x262: {  	[sflag:s25] =	ssyncset.done $0x0  }
0x263: {  	s9 =	rddreg [dreg:$0x15];
	[sflag:s25] =	ssyncadd.s32 $0xFFFFD800  }
0x264: {  	[tilespmem:s17], [sflag:$0x2] =	stream.indirect.gather [hbm4b:s2+s15], $0x80, s9, s15, $0xb8;
	[tilespmem:$0x1F880] =	vst v63  }
0x265: {  	_ =	swait.ge [sflag:s26], $0x2800  }
0x266: {  	[sflag:s26] =	ssyncset.done $0x0  }
0x267: {  	s10 =	rddreg [dreg:$0x16];
	[sflag:s26] =	ssyncadd.s32 $0xFFFFD800  }
0x268: {  	[tilespmem:s18], [sflag:$0x3] =	stream.indirect.gather [hbm4b:s2+s15], $0x80, s10, s15, $0xb8;
	[tilespmem:$0x1F880] =	vst v63  }
0x269: {  	_ =	swait.ge [sflag:s28], $0x2800  }
0x26a: {  	[sflag:s28] =	ssyncset.done $0x0  }
0x26b: {  	s11 =	rddreg [dreg:$0x17];
	[sflag:s28] =	ssyncadd.s32 $0xFFFFD800  }
0x26c: {  	[tilespmem:s19], [sflag:$0x4] =	stream.indirect.gather [hbm4b:s2+s15], $0x80, s11, s15, $0xb8;
	[tilespmem:$0x1F880] =	vst v63  }
0x26d: {  	_ =	swait.ge [sflag:s20], $0x2800  }
0x26e: {  	[sflag:s20] =	ssyncset.done $0x0  }
0x26f: {  	s9 =	rddreg [dreg:$0x18];
	[sflag:s20] =	ssyncadd.s32 $0xFFFFD800  }
0x270: {  	[spmem:s3] =	stream.indirect.scatter.add.f32 [tilespmem:s16], [sflag:$0x5], $0x80, s9, s15, $0xb8;
	[tilespmem:$0x1F880] =	vst v63  }
0x271: {  	_ =	swait.ge [sflag:s21], $0x2800  }
0x272: {  	[sflag:s21] =	ssyncset.done $0x0  }
0x273: {  	s10 =	rddreg [dreg:$0x19];
	[sflag:s21] =	ssyncadd.s32 $0xFFFFD800  }
0x274: {  	[spmem:s3] =	stream.indirect.scatter.add.f32 [tilespmem:s17], [sflag:$0x6], $0x80, s10, s15, $0xb8;
	[tilespmem:$0x1F880] =	vst v63  }
0x275: {  	_ =	swait.ge [sflag:s22], $0x2800  }
0x276: {  	[sflag:s22] =	ssyncset.done $0x0  }
0x277: {  	s11 =	rddreg [dreg:$0x1a];
	[sflag:s22] =	ssyncadd.s32 $0xFFFFD800  }
0x278: {  	[spmem:s3] =	stream.indirect.scatter.add.f32 [tilespmem:s18], [sflag:$0x7], $0x80, s11, s15, $0xb8;
	[tilespmem:$0x1F880] =	vst v63  }
0x279: {  	_ =	swait.ge [sflag:s23], $0x2800  }
0x27a: {  	[sflag:s23] =	ssyncset.done $0x0  }
0x27b: {  	s9 =	rddreg [dreg:$0x1b];
	[sflag:s23] =	ssyncadd.s32 $0xFFFFD800  }
0x27c: {  	[spmem:s3] =	stream.indirect.scatter.add.f32 [tilespmem:s19], [sflag:$0x8], $0x80, s9, s15, $0xb8;
	[tilespmem:$0x1F880] =	vst v63  }
0x27d: {  	_ =	swait.ge [sflag:s24], $0x2800  }
0x27e: {  	[sflag:s24] =	ssyncset.done $0x0  }
0x27f: {  	s10 =	rddreg [dreg:$0x1c];
	[sflag:s24] =	ssyncadd.s32 $0xFFFFD800  }
0x280: {  	[tilespmem:s16], [sflag:$0x1] =	stream.indirect.gather [hbm4b:s2+s15], $0x80, s10, s15, $0xb8;
	[tilespmem:$0x1F880] =	vst v63  }
0x281: {  	_ =	swait.ge [sflag:s25], $0x2800  }
0x282: {  	[sflag:s25] =	ssyncset.done $0x0  }
0x283: {  	s11 =	rddreg [dreg:$0x1d];
	[sflag:s25] =	ssyncadd.s32 $0xFFFFD800  }
0x284: {  	[tilespmem:s17], [sflag:$0x2] =	stream.indirect.gather [hbm4b:s2+s15], $0x80, s11, s15, $0xb8;
	[tilespmem:$0x1F880] =	vst v63  }
0x285: {  	_ =	swait.ge [sflag:s26], $0x2800  }
0x286: {  	[sflag:s26] =	ssyncset.done $0x0  }
0x287: {  	s9 =	rddreg [dreg:$0x1e];
	[sflag:s26] =	ssyncadd.s32 $0xFFFFD800  }
0x288: {  	[tilespmem:s18], [sflag:$0x3] =	stream.indirect.gather [hbm4b:s2+s15], $0x80, s9, s15, $0xb8;
	[tilespmem:$0x1F880] =	vst v63  }
0x289: {  	_ =	swait.ge [sflag:s28], $0x2800  }
0x28a: {  	[sflag:s28] =	ssyncset.done $0x0  }
0x28b: {  	s10 =	rddreg [dreg:$0x1f];
	[sflag:s28] =	ssyncadd.s32 $0xFFFFD800  }
0x28c: {  	[tilespmem:s19], [sflag:$0x4] =	stream.indirect.gather [hbm4b:s2+s15], $0x80, s10, s15, $0xb8;
	[tilespmem:$0x1F880] =	vst v63  }
0x28d: {  	_ =	swait.ge [sflag:s20], $0x2800  }
0x28e: {  	s11 =	sld [smem:$0x7EB]  }
0x28f: {  	[sflag:s20] =	ssyncset.done $0x0  }
0x290: {  	[sflag:s20] =	ssyncadd.s32 $0xFFFFD800  }
0x291: {  	[spmem:s3] =	stream.indirect.scatter.add.f32 [tilespmem:s16], [sflag:$0x5], $0x80, s11, s15, $0xb8;
	[tilespmem:$0x1F880] =	vst v63  }
0x292: {  	_ =	swait.ge [sflag:s21], $0x2800  }
0x293: {  	s9 =	sld [smem:$0x7EC]  }
0x294: {  	[sflag:s21] =	ssyncset.done $0x0  }
0x295: {  	[sflag:s21] =	ssyncadd.s32 $0xFFFFD800  }
0x296: {  	[spmem:s3] =	stream.indirect.scatter.add.f32 [tilespmem:s17], [sflag:$0x6], $0x80, s9, s15, $0xb8;
	[tilespmem:$0x1F880] =	vst v63  }
0x297: {  	_ =	swait.ge [sflag:s22], $0x2800  }
0x298: {  	s10 =	sld [smem:$0x7EF]  }
0x299: {  	[sflag:s22] =	ssyncset.done $0x0  }
0x29a: {  	[sflag:s22] =	ssyncadd.s32 $0xFFFFD800  }
0x29b: {  	[spmem:s3] =	stream.indirect.scatter.add.f32 [tilespmem:s18], [sflag:$0x7], $0x80, s10, s15, $0xb8;
	[tilespmem:$0x1F880] =	vst v63  }
0x29c: {  	_ =	swait.ge [sflag:s23], $0x2800  }
0x29d: {  	s11 =	sld [smem:$0x7F0]  }
0x29e: {  	[sflag:s23] =	ssyncset.done $0x0  }
0x29f: {  	[sflag:s23] =	ssyncadd.s32 $0xFFFFD800  }
0x2a0: {  	[spmem:s3] =	stream.indirect.scatter.add.f32 [tilespmem:s19], [sflag:$0x8], $0x80, s11, s15, $0xb8;
	[tilespmem:$0x1F880] =	vst v63  }
0x2a1: {  	_ =	swait.ge [sflag:s24], $0x2800  }
0x2a2: {  	s9 =	sld [smem:$0x7F1]  }
0x2a3: {  	[sflag:s24] =	ssyncset.done $0x0  }
0x2a4: {  	[sflag:s24] =	ssyncadd.s32 $0xFFFFD800  }
0x2a5: {  	[tilespmem:s16], [sflag:$0x1] =	stream.indirect.gather [hbm4b:s2+s15], $0x80, s9, s15, $0xb8;
	[tilespmem:$0x1F880] =	vst v63  }
0x2a6: {  	_ =	swait.ge [sflag:s25], $0x2800  }
0x2a7: {  	s10 =	sld [smem:$0x7F2]  }
0x2a8: {  	[sflag:s25] =	ssyncset.done $0x0  }
0x2a9: {  	[sflag:s25] =	ssyncadd.s32 $0xFFFFD800  }
0x2aa: {  	[tilespmem:s17], [sflag:$0x2] =	stream.indirect.gather [hbm4b:s2+s15], $0x80, s10, s15, $0xb8;
	[tilespmem:$0x1F880] =	vst v63  }
0x2ab: {  	_ =	swait.ge [sflag:s26], $0x2800  }
0x2ac: {  	s11 =	sld [smem:$0x7F3]  }
0x2ad: {  	[sflag:s26] =	ssyncset.done $0x0  }
0x2ae: {  	[sflag:s26] =	ssyncadd.s32 $0xFFFFD800  }
0x2af: {  	[tilespmem:s18], [sflag:$0x3] =	stream.indirect.gather [hbm4b:s2+s15], $0x80, s11, s15, $0xb8;
	[tilespmem:$0x1F880] =	vst v63  }
0x2b0: {  	_ =	swait.ge [sflag:s28], $0x2800  }
0x2b1: {  	s9 =	sld [smem:$0x7F4]  }
0x2b2: {  	[sflag:s28] =	ssyncset.done $0x0  }
0x2b3: {  	[sflag:s28] =	ssyncadd.s32 $0xFFFFD800  }
0x2b4: {  	[tilespmem:s19], [sflag:$0x4] =	stream.indirect.gather [hbm4b:s2+s15], $0x80, s9, s15, $0xb8;
	[tilespmem:$0x1F880] =	vst v63  }
0x2b5: {  	_ =	swait.ge [sflag:s20], $0x2800  }
0x2b6: {  	s10 =	sld [smem:$0x7F5]  }
0x2b7: {  	[sflag:s20] =	ssyncset.done $0x0  }
0x2b8: {  	[sflag:s20] =	ssyncadd.s32 $0xFFFFD800  }
0x2b9: {  	[spmem:s3] =	stream.indirect.scatter.add.f32 [tilespmem:s16], [sflag:$0x5], $0x80, s10, s15, $0xb8;
	[tilespmem:$0x1F880] =	vst v63  }
0x2ba: {  	_ =	swait.ge [sflag:s21], $0x2800  }
0x2bb: {  	s11 =	sld [smem:$0x7F6]  }
0x2bc: {  	[sflag:s21] =	ssyncset.done $0x0  }
0x2bd: {  	[sflag:s21] =	ssyncadd.s32 $0xFFFFD800  }
0x2be: {  	[spmem:s3] =	stream.indirect.scatter.add.f32 [tilespmem:s17], [sflag:$0x6], $0x80, s11, s15, $0xb8;
	[tilespmem:$0x1F880] =	vst v63  }
0x2bf: {  	_ =	swait.ge [sflag:s22], $0x2800  }
0x2c0: {  	s9 =	sld [smem:$0x7F7]  }
0x2c1: {  	[sflag:s22] =	ssyncset.done $0x0  }
0x2c2: {  	[sflag:s22] =	ssyncadd.s32 $0xFFFFD800  }
0x2c3: {  	[spmem:s3] =	stream.indirect.scatter.add.f32 [tilespmem:s18], [sflag:$0x7], $0x80, s9, s15, $0xb8;
	[tilespmem:$0x1F880] =	vst v63  }
0x2c4: {  	_ =	swait.ge [sflag:s23], $0x2800  }
0x2c5: {  	s10 =	sld [smem:$0x7F8]  }
0x2c6: {  	[sflag:s23] =	ssyncset.done $0x0  }
0x2c7: {  	[sflag:s23] =	ssyncadd.s32 $0xFFFFD800  }
0x2c8: {  	[spmem:s3] =	stream.indirect.scatter.add.f32 [tilespmem:s19], [sflag:$0x8], $0x80, s10, s15, $0xb8;
	[tilespmem:$0x1F880] =	vst v63  }
0x2c9: {  	_ =	swait.ge [sflag:s24], $0x2800  }
0x2ca: {  	s11 =	sld [smem:$0x7F9]  }
0x2cb: {  	[sflag:s24] =	ssyncset.done $0x0  }
0x2cc: {  	[sflag:s24] =	ssyncadd.s32 $0xFFFFD800  }
0x2cd: {  	[tilespmem:s16], [sflag:$0x1] =	stream.indirect.gather [hbm4b:s2+s15], $0x80, s11, s15, $0xb8;
	[tilespmem:$0x1F880] =	vst v63  }
0x2ce: {  	_ =	swait.ge [sflag:s25], $0x2800  }
0x2cf: {  	s9 =	sld [smem:$0x7FA]  }
0x2d0: {  	[sflag:s25] =	ssyncset.done $0x0  }
0x2d1: {  	[sflag:s25] =	ssyncadd.s32 $0xFFFFD800  }
0x2d2: {  	[tilespmem:s17], [sflag:$0x2] =	stream.indirect.gather [hbm4b:s2+s15], $0x80, s9, s15, $0xb8;
	[tilespmem:$0x1F880] =	vst v63  }
0x2d3: {  	_ =	swait.ge [sflag:s26], $0x2800  }
0x2d4: {  	s10 =	sld [smem:$0x7FB]  }
0x2d5: {  	[sflag:s26] =	ssyncset.done $0x0  }
0x2d6: {  	[sflag:s26] =	ssyncadd.s32 $0xFFFFD800  }
0x2d7: {  	[tilespmem:s18], [sflag:$0x3] =	stream.indirect.gather [hbm4b:s2+s15], $0x80, s10, s15, $0xb8;
	[tilespmem:$0x1F880] =	vst v63  }
0x2d8: {  	_ =	swait.ge [sflag:s28], $0x2800  }
0x2d9: {  	s11 =	sld [smem:$0x7FC]  }
0x2da: {  	[sflag:s28] =	ssyncset.done $0x0  }
0x2db: {  	[sflag:s28] =	ssyncadd.s32 $0xFFFFD800  }
0x2dc: {  	[tilespmem:s19], [sflag:$0x4] =	stream.indirect.gather [hbm4b:s2+s15], $0x80, s11, s15, $0xb8;
	[tilespmem:$0x1F880] =	vst v63  }
0x2dd: {  	_ =	swait.ge [sflag:s20], $0x2800  }
0x2de: {  	[sflag:s20] =	ssyncset.done $0x0  }
0x2df: {  	[sflag:s20] =	ssyncadd.s32 $0xFFFFD800  }
0x2e0: {  	[spmem:s3] =	stream.indirect.scatter.add.f32 [tilespmem:s16], [sflag:$0x5], $0x80, s29, s15, $0xb8;
	[tilespmem:$0x1F880] =	vst v63  }
0x2e1: {  	_ =	swait.ge [sflag:s21], $0x2800  }
0x2e2: {  	[sflag:s21] =	ssyncset.done $0x0  }
0x2e3: {  	[sflag:s21] =	ssyncadd.s32 $0xFFFFD800  }
0x2e4: {  	[spmem:s3] =	stream.indirect.scatter.add.f32 [tilespmem:s17], [sflag:$0x6], $0x80, s30, s15, $0xb8;
	[tilespmem:$0x1F880] =	vst v63  }
0x2e5: {  	_ =	swait.ge [sflag:s22], $0x2800  }
0x2e6: {  	[sflag:s22] =	ssyncset.done $0x0  }
0x2e7: {  	[sflag:s22] =	ssyncadd.s32 $0xFFFFD800  }
0x2e8: {  	[spmem:s3] =	stream.indirect.scatter.add.f32 [tilespmem:s18], [sflag:$0x7], $0x80, s31, s15, $0xb8;
	[tilespmem:$0x1F880] =	vst v63  }
0x2e9: {  	_ =	swait.ge [sflag:s23], $0x2800  }
0x2ea: {  	[sflag:s23] =	ssyncset.done $0x0  }
0x2eb: {  	[sflag:s23] =	ssyncadd.s32 $0xFFFFD800  }
0x2ec: {  	[spmem:s3] =	stream.indirect.scatter.add.f32 [tilespmem:s19], [sflag:$0x8], $0x80, s1, s15, $0xb8;
	[tilespmem:$0x1F880] =	vst v63  }
0x2ed: {  	_ =	swait.ge [sflag:s24], $0x2800  }
0x2ee: {  	[sflag:s24] =	ssyncset.done $0x0  }
0x2ef: {  	[sflag:s24] =	ssyncadd.s32 $0xFFFFD800  }
0x2f0: {  	[tilespmem:s16], [sflag:$0x1] =	stream.indirect.gather [hbm4b:s2+s15], $0x80, s6, s15, $0xb8;
	[tilespmem:$0x1F880] =	vst v63  }
0x2f1: {  	_ =	swait.ge [sflag:s25], $0x2800  }
0x2f2: {  	[sflag:s25] =	ssyncset.done $0x0  }
0x2f3: {  	[sflag:s25] =	ssyncadd.s32 $0xFFFFD800  }
0x2f4: {  	_ =	swait.ge [sflag:s26], $0x2800  }
0x2f5: {  	[sflag:s26] =	ssyncset.done $0x0  }
0x2f6: {  	[sflag:s26] =	ssyncadd.s32 $0xFFFFD800  }
0x2f7: {  	_ =	swait.ge [sflag:s28], $0x2800  }
0x2f8: {  	[sflag:s28] =	ssyncset.done $0x0  }
0x2f9: {  	[sflag:s28] =	ssyncadd.s32 $0xFFFFD800  }
0x2fa: {  	_ =	swait.ge [sflag:s20], $0x2800  }
0x2fb: {  	[sflag:s20] =	ssyncset.done $0x0  }
0x2fc: {  	[sflag:s20] =	ssyncadd.s32 $0xFFFFD800  }
0x2fd: {  	[spmem:s3] =	stream.indirect.scatter.add.f32 [tilespmem:s16], [sflag:$0xA], $0x80, s7, s15, $0xb8;
	[tilespmem:$0x1F880] =	vst v63  }
0x2fe: {  	_ =	swait.ge [sflag:s13], $0x2800  }
0x2ff: {  	[sflag:s13] =	ssyncset.done $0x0  }
0x300: {  	[sflag:s13] =	ssyncadd.s32 $0xFFFFD800  }
0x301: {  	[bflag:$0x0] =	sbarrier.arrive $0xFFFF  }
0x302: {  	s9 =	sld [smem:$0x7E9];
	_ =	sdelay $0x1  }
0x303: {  	s5 =	simm.s32 @p0 $0x1FCA  }
0x304: {  	[hbm:s9], [sflag:s5] =	dma.local @p0 [spmem:s12], $0x2800  }
0x305: {  	s5 =	simm.s32 @p0 $0xA  }
0x306: {  	_ =	swait.ge @p0 [sflag:s5], $0x2800  }
0x307: {  	[sflag:s5] =	ssyncset.done @p0 $0x0;
	s9 =	sld [smem:$0x7E8]  }
0x308: {  	[sflag:s5] =	ssyncadd.s32 @p0 $0xFFFFD800;
	s5 =	sld [smem:$0x7ED]  }
0x309: {  	s11 =	sld [smem:$0x7FD];
	_ =	sdelay $0x1  }
0x30a: {  	s5 =	sor.u32 @!p0 $0x1C0A, s5  }
0x30b: {  	[hbm:s9], [sflag:s5] =	dma.local @!p0 [spmem:s11], $0x2700  }
0x30c: {  	s5 =	simm.s32 @!p0 $0xA  }
0x30d: {  	_ =	swait.ge @!p0 [sflag:s5], $0x2700  }
0x30e: {  	s10 =	smov.u32 s12;
	s12 =	sld [smem:$0x7EA];
	_ =	sdelay $0x1  }
0x30f: {  	s8 =	sadd.s32 $0x1, s8  }
0x310: {  	p1 =	sne.s32 s8, s12  }
.Ltmp1:
0x311: {  	_ = 	snop;
	(pc) =	sbr.rel @p1 .LBB2_1-.Ltmp1, $3  }
0x312: {  	_ =	sdelay $0x1  }
0x313: {  	[sflag:s5] =	ssyncset.done @!p0 $0x0  }
0x314: {  	[sflag:s5] =	ssyncadd.s32 @!p0 $0xFFFFD900  }
0x315: {  	_ =	sfence.sel $0x180000  }
0x316: {  	[bflag:$0x0] =	sbarrier.arrive $0xFFFF  }
0x317: {  	_ =	strace $0x9000004A  }
0x318: {  	[bflag:$0x2] =	sbarrier.arrive $0xFFFF  }
0x319: {  	p0 =	sne.s32 s0, $0x0;
	s0 =	rddreg [dreg:$0x3]  }
0x31a: {  	s0 =	sadd.s32 @!p0 $0x100000, s0  }
0x31b: {  	[sflag:s0] =	ssyncadd.tile.s32 @!p0 $0x1;
	_ =	shalt  }
.Lfunc_end2:
_tile_overlayer_lowered:
.L_overlay_start_2:
0x31c: {  	(tag) =	ssettag $0x2  }
0x31d: {  	s0 =	rddreg [dreg:$0x0];
	s2 =	stileid.u32  }
0x31e: {  	s1 =	rddreg [dreg:$0x1];
	p0 =	sne.s32 s2, $0x0  }
0x31f: {  	s3 =	rddreg [dreg:$0x2];
	[bflag:$0x3] =	sbarrier.arrive $0xFFFF;
	s2 =	simm.s32 @!p0 $0x1C0A  }
0x320: {  	[timem:s3], [sflag:s2] =	dma.local @!p0 [hbm:s0], s1  }
0x321: {  	s0 =	simm.s32 @!p0 $0xA  }
0x322: {  	_ =	swait.ge @!p0 [sflag:s0], s1  }
0x323: {  	s1 =	ssub.s32 @!p0 $0x0, s1;
	[sflag:s0] =	ssyncset.done @!p0 $0x0  }
0x324: {  	[sflag:s0] =	ssyncadd.s32 @!p0 s1  }
0x325: {  	[bflag:$0x3] =	sbarrier.arrive $0xFFFF  }
0x326: {  	_ =	shalt  }

// kernel: kernel.14.cloned.1.call-start
scs
__scs_entry_jumppad:
0x0: {  	(pc) =	sbr.rel $0x88, $3  }
0x1: {  	(tag) =	ssettag $0x0;
	lr =	simm.s32 $0x1  }
0x2: {  	[smem:$0x3F96] =	sst lr;
	_ =	strace $0xD0000000  }
0x3: {  	_ = 	snop  }
0x4: {  	_ = 	snop  }
0x5: {  	_ = 	snop  }
0x6: {  	_ = 	snop  }
0x7: {  	_ = 	snop  }
__scs_overlays_trampoline_lowered:
0x8: {  	[smem:$0x3FA5] =	sst s0  }
0x9: {  	[smem:$0x3FA6] =	sst s1  }
0xa: {  	[smem:$0x3FA7] =	sst s2  }
0xb: {  	[smem:$0x3FA8] =	sst s3  }
0xc: {  	[smem:$0x3FA9] =	sst s4  }
0xd: {  	[smem:$0x3FAA] =	sst s5  }
0xe: {  	[smem:$0x3FAB] =	sst s6  }
0xf: {  	[smem:$0x3FAC] =	sst s7  }
0x10: {  	[smem:$0x3FAD] =	sst s8  }
0x11: {  	[smem:$0x3FAE] =	sst s9;
	s0 =	simm.s32 @!p0 $0x0  }
0x12: {  	s1 =	sld [smem:$0x3F94];
	s0 =	simm.s32 @p0 $0x1  }
0x13: {  	[smem:$0x3FAF] =	sst s0;
	s0 =	simm.s32 @!p1 $0x0  }
0x14: {  	s2 =	sld [smem:$0x3F93];
	s0 =	simm.s32 @p1 $0x1  }
0x15: {  	[smem:$0x3FB0] =	sst s0;
	s0 =	simm.s32 @!p2 $0x0  }
0x16: {  	s3 =	sld [smem:$0x3FDB];
	s0 =	simm.s32 @p2 $0x1  }
0x17: {  	s4 =	simm.s32 $0x1BF5;
	[smem:$0x3FB2] =	sst s0  }
0x18: {  	s0 =	sld [smem:$0x3F95];
	_ =	swait.ge [sflag:s4], $0x0  }
0x19: {  	s7 =	sld [smem:$0x3F96]  }
0x1a: {  	s8 =	sadd.s32 $0xFFFFE003, lr  }
0x1b: {  	s9 =	sadd.s32 $0xFFFFFEF7, lr;
	s5 =	simm.s32 $0xFFFFFFFF;
	p2 =	slt.u32 s8, $0xFFFFF086  }
0x1c: {  	p1 =	slt.u32 s9, $0xF7A;
	s5 =	simm.s32 @!p2 $0x0  }
0x1d: {  	s5 =	simm.s32 @p1 $0x1;
	p0 =	seq.s32 s7, s2  }
0x1e: {  	s7 =	smul.u32 @!p0 $0xF7A, s2;
	p2 =	seq.s32 @!p0 s5, $0x0  }
0x1f: {  	s9 =	smul.u32 $0xF7A, s1;
	s8 =	simm.s32 @!p0 $0x1BF5;
	p2 =	por !p2, p0  }
0x20: {  	[sflag:s8] =	ssyncset.s32 @!p0 $0xFFFFF086;
	s6 =	sadd.s32 @!p0 s3, s7;
	s7 =	simm.s32 @!p0 $0x108  }
0x21: {  	s3 =	sadd.s32 s3, s9;
	s6 =	sadd.s32 @!p0 $0x88, s6;
	s7 =	simm.s32 @p2 $0x1082  }
0x22: {  	[simem:s7], [sflag:s8] =	dma.local @!p0 [hbm:s6], $0xF7A  }
0x23: {  	s9 =	sor.u32 $0xD0000000, s2;
	s6 =	simm.s32 $0x108;
	_ =	swait.ge @!p0 [sflag:s8], $0x0  }
0x24: {  	s3 =	sadd.s32 $0x88, s3;
	s6 =	simm.s32 @!p1 $0x1082;
	[sflag:s4] =	ssyncset.s32 $0xFFFFF086  }
0x25: {  	[simem:s6], [sflag:s4] =	dma.local [hbm:s3], $0xF7A  }
0x26: {  	[smem:$0x3F96] =	sst s1;
	(tag) =	ssettag s2;
	_ =	strace s9  }
0x27: {  	s1 =	sld [smem:$0x3FA6]  }
0x28: {  	s2 =	sld [smem:$0x3FA7]  }
0x29: {  	s4 =	sld [smem:$0x3FA9]  }
0x2a: {  	p0 =	seq.s32 s5, $0x0;
	s5 =	sld [smem:$0x3FAA]  }
0x2b: {  	s6 =	sld [smem:$0x3FAB]  }
0x2c: {  	s7 =	sld [smem:$0x3FAC]  }
0x2d: {  	s3 =	simm.s32 $0x108;
	s8 =	sld [smem:$0x3FAD]  }
0x2e: {  	s3 =	simm.s32 @!p0 $0x1082;
	s9 =	sld [smem:$0x3FAE]  }
0x2f: {  	lr =	sadd.s32 s0, s3;
	s0 =	sld [smem:$0x3FA5]  }
0x30: {  	s3 =	sld [smem:$0x3FA8]  }
0x31: {  	[smem:$0x3FB1] =	sst s10  }
0x32: {  	s10 =	sld [smem:$0x3FAF];
	_ =	sdelay $0x3  }
0x33: {  	p0 =	seq.s32 s10, $0x1;
	s10 =	sld [smem:$0x3FB1];
	_ =	sdelay $0x3  }
0x34: {  	[smem:$0x3FB1] =	sst s10  }
0x35: {  	s10 =	sld [smem:$0x3FB0];
	_ =	sdelay $0x3  }
0x36: {  	p1 =	seq.s32 s10, $0x1;
	s10 =	sld [smem:$0x3FB1];
	_ =	sdelay $0x3  }
0x37: {  	[smem:$0x3FB1] =	sst s10  }
0x38: {  	s10 =	sld [smem:$0x3FB2]  }
0x39: {  	_ = 	snop;
	(pc) =	sbr.ind lr, $3  }
0x3a: {  	_ = 	snop  }
0x3b: {  	_ = 	snop  }
0x3c: {  	p2 =	seq.s32 s10, $0x1;
	s10 =	sld [smem:$0x3FB1]  }
0x3d: {  	_ =	shalt  }
0x3e: {  	_ =	shalt  }
0x3f: {  	_ =	shalt  }
0x40: {  	_ =	shalt  }
0x41: {  	_ =	shalt  }
0x42: {  	_ =	shalt  }
0x43: {  	_ =	shalt  }
0x44: {  	_ =	shalt  }
0x45: {  	_ =	shalt  }
0x46: {  	_ =	shalt  }
0x47: {  	_ =	shalt  }
0x48: {  	_ =	shalt  }
0x49: {  	_ =	shalt  }
0x4a: {  	_ =	shalt  }
0x4b: {  	_ =	shalt  }
0x4c: {  	_ =	shalt  }
0x4d: {  	_ =	shalt  }
0x4e: {  	_ =	shalt  }
0x4f: {  	_ =	shalt  }
0x50: {  	_ =	shalt  }
0x51: {  	_ =	shalt  }
0x52: {  	_ =	shalt  }
0x53: {  	_ =	shalt  }
0x54: {  	_ =	shalt  }
0x55: {  	_ =	shalt  }
0x56: {  	_ =	shalt  }
0x57: {  	_ =	shalt  }
0x58: {  	_ =	shalt  }
0x59: {  	_ =	shalt  }
0x5a: {  	_ =	shalt  }
0x5b: {  	_ =	shalt  }
0x5c: {  	_ =	shalt  }
0x5d: {  	_ =	shalt  }
0x5e: {  	_ =	shalt  }
0x5f: {  	_ =	shalt  }
0x60: {  	_ =	shalt  }
0x61: {  	_ =	shalt  }
0x62: {  	_ =	shalt  }
0x63: {  	_ =	shalt  }
0x64: {  	_ =	shalt  }
0x65: {  	_ =	shalt  }
0x66: {  	_ =	shalt  }
0x67: {  	_ =	shalt  }
0x68: {  	_ =	shalt  }
0x69: {  	_ =	shalt  }
0x6a: {  	_ =	shalt  }
0x6b: {  	_ =	shalt  }
0x6c: {  	_ =	shalt  }
0x6d: {  	_ =	shalt  }
0x6e: {  	_ =	shalt  }
0x6f: {  	_ =	shalt  }
0x70: {  	_ =	shalt  }
0x71: {  	_ =	shalt  }
0x72: {  	_ =	shalt  }
0x73: {  	_ =	shalt  }
0x74: {  	_ =	shalt  }
0x75: {  	_ =	shalt  }
0x76: {  	_ =	shalt  }
0x77: {  	_ =	shalt  }
0x78: {  	_ =	shalt  }
0x79: {  	_ =	shalt  }
0x7a: {  	_ =	shalt  }
0x7b: {  	_ =	shalt  }
0x7c: {  	_ =	shalt  }
0x7d: {  	_ =	shalt  }
0x7e: {  	_ =	shalt  }
0x7f: {  	_ =	shalt  }
0x80: {  	_ =	shalt  }
0x81: {  	_ =	shalt  }
0x82: {  	_ =	shalt  }
0x83: {  	_ =	shalt  }
0x84: {  	_ =	shalt  }
0x85: {  	_ =	shalt  }
0x86: {  	_ =	shalt  }
0x87: {  	_ =	shalt  }
.Lfunc_end0:
.L_simem_size_0:
called_computation.2_lowered:
.L_overlay_start_0:
0x88: {  	s2 =	sld [smem:$0x3FD9]  }
0x89: {  	s3 =	sld [smem:$0x3FFE];
	_ =	sdelay $0x1  }
0x8a: {  	s1 =	srdreg.scid  }
0x8b: {  	s0 =	sand.u32 $0x1, s1  }
0x8c: {  	s17 =	sshll.u32 s0, $0xA;
	s2 =	sadd.s32 s3, s2  }
0x8d: {  	s2 =	sadd.s32 s2, s17  }
0x8e: {  	[smem:$0x3FBD] =	sst s2  }
0x8f: {  	_ = 	snop  }
0x90: {  	s2 =	sld [smem:$0x3FD0];
	(tm) =	ssettm $0x1  }
0x91: {  	s18 =	sld [smem:$0x3FFB];
	_ =	sdelay $0x3  }
0x92: {  	_ =	strace s18  }
0x93: {  	s3 =	sld [smem:$0x3FFC];
	_ =	sdelay $0x3  }
0x94: {  	_ =	strace s3  }
0x95: {  	s3 =	sld [smem:$0x3FFD];
	_ =	sdelay $0x3  }
0x96: {  	_ =	strace s3  }
0x97: {  	_ =	strace $0x8FFFFFFF  }
0x98: {  	s19 =	sld [smem:$0x3FDB];
	_ =	sdelay $0x1  }
0x99: {  	s4 =	simm.s32 $_scs_section_size  }
0x9a: {  	s5 =	simm.s32 $_size__tile_overlayer_lowered;
	s6 =	simm.s32 $_tile_overlayer_lowered  }
0x9b: {  	s22 =	simm.s32 $0x1BFF;
	s21 =	sshll.u32 s6, $0x1;
	s3 =	sadd.s32 s4, s19  }
0x9c: {  	s7 =	simm.s32 $0x0;
	s20 =	sshll.u32 s5, $0x1;
	s5 =	sadd.s32 s21, s3  }
0x9d: {  	[timem:s7], [sflag:s22] =	dma.local [hbm:s5], s20  }
0x9e: {  	_ =	swait.ge [sflag:s22], s20  }
0x9f: {  	s4 =	ssub.s32 $0x0, s20;
	[sflag:s22] =	ssyncset.done $0x0  }
0xa0: {  	[sflag:s22] =	ssyncadd.s32 s4;
	_ =	sdelay $0x1  }
0xa1: {  	s23 =	simm.s32 $0x1B8B  }
0xa2: {  	_ =	swait.ge [sflag:s23], $0x1  }
0xa3: {  	[sflag:s23] =	ssyncset.done $0x0  }
0xa4: {  	s25 =	simm.s32 $0x1B8E;
	s24 =	sld [smem:$0x3FFE];
	[sflag:s23] =	ssyncadd.s32 $0xFFFFFFFF  }
0xa5: {  	s26 =	simm.s32 $execute0_lowered;
	[smem:$0x3FD2] =	sst s25  }
0xa6: {  	s5 =	sshll.u32 s26, $0x1;
	_ =	strace $0x8000004C;
	[dreg:$0x1] =	wrdreg $0xFFFFFFFF  }
0xa7: {  	s28 =	simm.s32 $_size_execute0_lowered;
	s3 =	sadd.s32 s3, s5;
	[dreg:$0x0] =	wrdreg $0x0  }
0xa8: {  	s5 =	sshll.u32 s28, $0x1;
	[dreg:$0x2] =	wrdreg s3  }
0xa9: {  	[dreg:$0x3] =	wrdreg s5  }
0xaa: {  	[dreg:$0x4] =	wrdreg $0xC0  }
0xab: {  	_ =	task [dreg:s7], $0x5FFFF  }
0xac: {  	[dreg:$0x1] =	wrdreg $0xFFFFFFFF  }
0xad: {  	[dreg:$0x0] =	wrdreg $0x60  }
0xae: {  	[dreg:$0x2] =	wrdreg s2  }
0xaf: {  	[dreg:$0x3] =	wrdreg s24  }
0xb0: {  	[dreg:$0x4] =	wrdreg $0xC0000  }
0xb1: {  	[dreg:$0x5] =	wrdreg $0x9  }
0xb2: {  	_ =	task.clear_ibuf [dreg:s7], $0x6FFFF;
	_ =	strace $0x9000004C  }
0xb3: {  	s29 =	simm.s32 $0x9;
	_ =	strace $0x8000004E  }
0xb4: {  	_ =	swait.ge [sflag:s29], $0x1  }
0xb5: {  	[sflag:s29] =	ssyncadd.s32 $0xFFFFFFFF  }
0xb6: {  	_ =	strace $0x9000004E  }
0xb7: {  	_ =	sfence  }
0xb8: {  	s30 =	sld [smem:$0x0];
	_ =	sdelay $0x2  }
0xb9: {  	s31 =	sshll.u32 s1, $0xD;
	s1 =	sshrl.u32 s1, $0x2  }
0xba: {  	s3 =	sand.u32 $0x4000, s31;
	s1 =	sadd.s32 s1, s30  }
0xbb: {  	s0 =	sor.u32 s3, s0;
	s1 =	sshll.u32 s1, $0x11  }
0xbc: {  	s0 =	sor.u32 s1, s0  }
0xbd: {  	s0 =	sadd.s32 $0x8F2B, s0  }
0xbe: {  	[sflag:s0] =	ssyncadd.remote.s32 $0x1  }
0xbf: {  	_ =	sfence.sel $0xFFFF  }
0xc0: {  	[dreg:$0x0] =	wrdreg $0xFFFFFFFF;
	(pc) =	sbr.abs _section_cstart, $3  }
0xc1: {  	[dreg:$0x1] =	wrdreg $0xFFFFFFFF  }
0xc2: {  	_ =	task.clear_ibuf [dreg:s7], $0x2FFFF;
	_ =	strace $0x9FFFFFFF  }
0xc3: {  	(tm) =	ssettm $0x7FFFFFFF  }
tec
execute0_lowered:
.L_overlay_start_1:
0x0: {  	(tag) =	ssettag $0x1  }
0x1: {  	s0 =	srdreg.scid  }
0x2: {  	s1 =	sand.u32 $0x1, s0  }
0x3: {  	s0 =	stileid.u32;
	s4 =	smul.u32 $0x50000, s1  }
0x4: {  	s2 =	rddreg [dreg:$0x0];
	s5 =	smul.u32 $0x5000, s0  }
0x5: {  	s6 =	rddreg [dreg:$0x1]  }
0x6: {  	s3 =	rddreg [dreg:$0x2];
	s5 =	sadd.s32 s5, s4;
	s4 =	simm.s32 $0x0  }
0x7: {  	s18 =	simm.s32 $0x80;
	[smem:$0x7FF] =	sst s4  }
0x8: {  	s19 =	simm.s32 $0x100;
	_ =	strace $0x8000004D;
	[dreg:$0x6] =	wrdreg s18  }
0x9: {  	s20 =	simm.s32 $0x180;
	[dreg:$0x7] =	wrdreg s19  }
0xa: {  	s21 =	simm.s32 $0x1080;
	[dreg:$0x8] =	wrdreg s20  }
0xb: {  	s22 =	simm.s32 $0x1100;
	[dreg:$0x9] =	wrdreg s21  }
0xc: {  	s23 =	simm.s32 $0x1180;
	[dreg:$0xa] =	wrdreg s22  }
0xd: {  	s24 =	simm.s32 $0x200;
	[dreg:$0xb] =	wrdreg s23  }
0xe: {  	s26 =	sadd.s32 $0x2C000, s6;
	[dreg:$0xc] =	wrdreg s24  }
0xf: {  	s25 =	simm.s32 $0x280;
	[smem:$0x7E7] =	sst s26  }
0x10: {  	s8 =	simm.s32 $0x300;
	[dreg:$0xd] =	wrdreg s25  }
0x11: {  	s9 =	simm.s32 $0x380;
	[dreg:$0xe] =	wrdreg s8  }
0x12: {  	s11 =	simm.s32 $0x1200;
	[dreg:$0xf] =	wrdreg s9  }
0x13: {  	s12 =	simm.s32 $0x1280;
	[dreg:$0x10] =	wrdreg s11  }
0x14: {  	s13 =	simm.s32 $0x1300;
	[dreg:$0x11] =	wrdreg s12  }
0x15: {  	s14 =	simm.s32 $0x1380;
	[dreg:$0x12] =	wrdreg s13  }
0x16: {  	s16 =	simm.s32 $0x400;
	[dreg:$0x13] =	wrdreg s14  }
0x17: {  	s17 =	simm.s32 $0x480;
	s28 =	simm.s32 $0x8;
	[dreg:$0x14] =	wrdreg s16  }
0x18: {  	s29 =	simm.s32 $0x1A00;
	[dreg:$0x15] =	wrdreg s17;
	s18 =	simm.s32 $0x500  }
0x19: {  	s30 =	simm.s32 $0x1A80;
	s20 =	simm.s32 $0x580;
	[dreg:$0x16] =	wrdreg s18  }
0x1a: {  	s31 =	simm.s32 $0x1B00;
	s21 =	simm.s32 $0x1400;
	[dreg:$0x17] =	wrdreg s20  }
0x1b: {  	s10 =	ssub.s32 $0x2, s1;
	s22 =	simm.s32 $0x1480;
	[dreg:$0x18] =	wrdreg s21  }
0x1c: {  	s1 =	smul.u32 $0x138800, s1;
	s23 =	simm.s32 $0x1500;
	[dreg:$0x19] =	wrdreg s22  }
0x1d: {  	p0 =	seq.s32 s0, $0xF;
	s24 =	simm.s32 $0x1580;
	[dreg:$0x1a] =	wrdreg s23  }
0x1e: {  	s5 =	sshrl.u32 s5, $0x3;
	s25 =	simm.s32 $0x600;
	[dreg:$0x1b] =	wrdreg s24  }
0x1f: {  	s5 =	sadd.s32 s5, s6;
	s26 =	simm.s32 $0x680;
	[dreg:$0x1c] =	wrdreg s25  }
0x20: {  	s6 =	sadd.s32 $0x2E800, s6;
	s11 =	simm.s32 $0x1600;
	[dreg:$0x1d] =	wrdreg s26  }
0x21: {  	s8 =	sshrl.u32 s10, $0x1;
	s12 =	simm.s32 $0x1680;
	[smem:$0x7EB] =	sst s11  }
0x22: {  	s9 =	smul.u32 $0x4E000, s0;
	s13 =	simm.s32 $0x1700;
	[smem:$0x7EC] =	sst s12  }
0x23: {  	s19 =	smul.u32 $0x13800, s0;
	s14 =	simm.s32 $0x1780;
	[smem:$0x7EF] =	sst s13  }
0x24: {  	s16 =	simm.s32 $0x880;
	s17 =	simm.s32 $0x900;
	[smem:$0x7F0] =	sst s14  }
0x25: {  	s7 =	sadd.s32 $0x4000, s5;
	s5 =	sadd.s32 $0x18000, s5;
	[smem:$0x7F2] =	sst s16  }
0x26: {  	s13 =	simm.s32 $0xA;
	s14 =	simm.s32 $0x1000;
	[smem:$0x7F3] =	sst s17  }
0x27: {  	s18 =	simm.s32 $0x980;
	s16 =	simm.s32 $0x2000;
	s17 =	simm.s32 $0x4800  }
0x28: {  	s20 =	simm.s32 $0x1880;
	s21 =	simm.s32 $0x1900;
	[dreg:$0x4] =	wrdreg s7  }
0x29: {  	s22 =	simm.s32 $0x1980;
	s23 =	simm.s32 $0xA00;
	[dreg:$0x5] =	wrdreg s5  }
0x2a: {  	s24 =	simm.s32 $0xA80;
	s25 =	simm.s32 $0xB00;
	[smem:$0x7F4] =	sst s18  }
0x2b: {  	s26 =	simm.s32 $0xB80;
	s7 =	ssub.s32 s10, s8;
	[smem:$0x7F6] =	sst s20  }
0x2c: {  	s15 =	sshrl.u32 s9, $0x2;
	s10 =	sadd.s32 $0x124800, s3;
	[smem:$0x7F7] =	sst s21  }
0x2d: {  	s9 =	sadd.s32 s19, s1;
	s1 =	sshrl.u32 s1, $0x3;
	[smem:$0x7F8] =	sst s22  }
0x2e: {  	s5 =	sshll.u32 @!p0 s0, $0x6;
	s19 =	simm.s32 $0x1800;
	[smem:$0x7F9] =	sst s23  }
0x2f: {  	s18 =	simm.s32 $0x7000;
	s20 =	simm.s32 $0x1;
	[smem:$0x7FA] =	sst s24  }
0x30: {  	s21 =	simm.s32 $0x2;
	s22 =	simm.s32 $0x3;
	[smem:$0x7FB] =	sst s25  }
0x31: {  	s23 =	simm.s32 $0x4;
	s24 =	simm.s32 $0x5;
	[smem:$0x7FC] =	sst s26  }
0x32: {  	s25 =	simm.s32 $0x6;
	s26 =	simm.s32 $0x7;
	[smem:$0x7ED] =	sst s5  }
0x33: {  	s8 =	sadd.s32 s15, s3;
	s7 =	smax.u32 s7, $0x1;
	[smem:$0x7F5] =	sst s19  }
0x34: {  	s9 =	sshrl.u32 s9, $0x3;
	s5 =	sor.u32 @!p0 $0x1C09, s5;
	[smem:$0x7EA] =	sst s7  }
0x35: {  	s1 =	sadd.s32 s6, s1;
	s15 =	simm.s32 $0x800;
	[smem:$0x7EE] =	sst s5  }
0x36: {  	s10 =	sshrl.u32 @p0 s10, $0x3;
	s9 =	sadd.s32 s6, s9;
	[smem:$0x7F1] =	sst s15  }
0x37: {  	s19 =	simm.s32 $0x9800;
	s1 =	sadd.s32 $0x24900, s1;
	[smem:$0x7E8] =	sst s9  }
0x38: {  	s6 =	simm.s32 $0x700;
	s11 =	sshrl.u32 @!p0 s8, $0x3;
	[smem:$0x7E9] =	sst s1  }
0x39: {  	s15 =	simm.s32 $0x50;
	s7 =	simm.s32 $0x1C00;
	[dreg:$0x1e] =	wrdreg s6  }
0x3a: {  	s8 =	simm.s32 $0x0;
	s9 =	simm.s32 $0x780;
	[smem:$0x7FD] =	sst s11  }
0x3b: {  	s1 =	simm.s32 $0x1B80;
	s6 =	simm.s32 $0xC00;
	[dreg:$0x1f] =	wrdreg s9  }
.LBB2_1:
0x3c: {  	s9 =	sld [smem:$0x7E7];
	_ =	sdelay $0x1  }
0x3d: {  	s5 =	simm.s32 @p0 $0x1FC9  }
0x3e: {  	[spmem:s10], [sflag:s5] =	dma.local @p0 [hbm:s9], $0x2800  }
0x3f: {  	s5 =	sld [smem:$0x7EE];
	_ =	sdelay $0x2  }
0x40: {  	[spmem:s11], [sflag:s5] =	dma.local @!p0 [hbm:s9], $0x2700  }
0x41: {  	s5 =	rddreg [dreg:$0x5]  }
0x42: {  	s5 =	sadd.s32 $0x0, s5  }
0x43: {  	[tilespmem:s4], [sflag:$0xA] =	stream.linear.gather [hbm4b:s5+s4], $0xC80, $0x38;
	[tilespmem:$0x1F880] =	vst v63  }
0x44: {  	_ =	swait.ge [sflag:s13], $0xC80  }
0x45: {  	s12 =	smov.u32 s10;
	s10 =	rddreg [dreg:$0x4];
	[sflag:s13] =	ssyncset.done $0x0  }
0x46: {  	p1 =	por $0x0, $0x0;
	[sflag:s13] =	ssyncadd.s32 $0xFFFFF380;
	s5 =	sadd.s32 $0x0, s10  }
0x47: {  	[tilespmem:s14], [sflag:$0xA] =	stream.linear.gather [hbm4b:s5+s4], $0xC80, $0x38;
	[tilespmem:$0x1F880] =	vst v63  }
0x48: {  	p2 =	seq.s32 @!p1 s0, $0xF;
	_ =	swait.ge [sflag:s13], $0xC80  }
0x49: {  	p3 =	por !p2, p1;
	[sflag:s13] =	ssyncset.done $0x0  }
0x4a: {  	s5 =	simm.s32 @!p3 $0x9;
	[sflag:s13] =	ssyncadd.s32 $0xFFFFF380  }
0x4b: {  	_ =	swait.ge @!p3 [sflag:s5], $0x2800  }
0x4c: {  	p2 =	por p2, p1;
	[sflag:s5] =	ssyncset.done @!p3 $0x0  }
0x4d: {  	[sflag:s5] =	ssyncadd.s32 @!p3 $0xFFFFD800;
	s5 =	simm.s32 @!p2 $0x9  }
0x4e: {  	_ =	swait.ge @!p2 [sflag:s5], $0x2700  }
0x4f: {  	[sflag:s5] =	ssyncset.done @!p2 $0x0  }
0x50: {  	[sflag:s5] =	ssyncadd.s32 @!p2 $0xFFFFD900  }
0x51: {  	[bflag:$0x0] =	sbarrier.arrive @!p1 $0xFFFF  }
0x52: {  	[tilespmem:s16], [sflag:$0x1] =	stream.indirect.gather [hbm4b:s2+s15], $0x80, s4, s15, $0xb8;
	[tilespmem:$0x1F880] =	vst v63  }
0x53: {  	s11 =	rddreg [dreg:$0x6]  }
0x54: {  	[tilespmem:s17], [sflag:$0x2] =	stream.indirect.gather [hbm4b:s2+s15], $0x80, s11, s15, $0xb8;
	[tilespmem:$0x1F880] =	vst v63  }
0x55: {  	s9 =	rddreg [dreg:$0x7]  }
0x56: {  	[tilespmem:s18], [sflag:$0x3] =	stream.indirect.gather [hbm4b:s2+s15], $0x80, s9, s15, $0xb8;
	[tilespmem:$0x1F880] =	vst v63  }
0x57: {  	s11 =	rddreg [dreg:$0x8]  }
0x58: {  	[tilespmem:s19], [sflag:$0x4] =	stream.indirect.gather [hbm4b:s2+s15], $0x80, s11, s15, $0xb8;
	[tilespmem:$0x1F880] =	vst v63  }
0x59: {  	_ =	swait.ge [sflag:s20], $0x2800  }
0x5a: {  	[sflag:s20] =	ssyncset.done $0x0  }
0x5b: {  	[sflag:s20] =	ssyncadd.s32 $0xFFFFD800  }
0x5c: {  	[spmem:s3] =	stream.indirect.scatter.add.f32 [tilespmem:s16], [sflag:$0x5], $0x80, s14, s15, $0xb8;
	[tilespmem:$0x1F880] =	vst v63  }
0x5d: {  	_ =	swait.ge [sflag:s21], $0x2800  }
0x5e: {  	[sflag:s21] =	ssyncset.done $0x0  }
0x5f: {  	s9 =	rddreg [dreg:$0x9];
	[sflag:s21] =	ssyncadd.s32 $0xFFFFD800  }
0x60: {  	[spmem:s3] =	stream.indirect.scatter.add.f32 [tilespmem:s17], [sflag:$0x6], $0x80, s9, s15, $0xb8;
	[tilespmem:$0x1F880] =	vst v63  }
0x61: {  	_ =	swait.ge [sflag:s22], $0x2800  }
0x62: {  	[sflag:s22] =	ssyncset.done $0x0  }
0x63: {  	s10 =	rddreg [dreg:$0xa];
	[sflag:s22] =	ssyncadd.s32 $0xFFFFD800  }
0x64: {  	[spmem:s3] =	stream.indirect.scatter.add.f32 [tilespmem:s18], [sflag:$0x7], $0x80, s10, s15, $0xb8;
	[tilespmem:$0x1F880] =	vst v63  }
0x65: {  	_ =	swait.ge [sflag:s23], $0x2800  }
0x66: {  	[sflag:s23] =	ssyncset.done $0x0  }
0x67: {  	s11 =	rddreg [dreg:$0xb];
	[sflag:s23] =	ssyncadd.s32 $0xFFFFD800  }
0x68: {  	[spmem:s3] =	stream.indirect.scatter.add.f32 [tilespmem:s19], [sflag:$0x8], $0x80, s11, s15, $0xb8;
	[tilespmem:$0x1F880] =	vst v63  }
0x69: {  	_ =	swait.ge [sflag:s24], $0x2800  }
0x6a: {  	[sflag:s24] =	ssyncset.done $0x0  }
0x6b: {  	s9 =	rddreg [dreg:$0xc];
	[sflag:s24] =	ssyncadd.s32 $0xFFFFD800  }
0x6c: {  	[tilespmem:s16], [sflag:$0x1] =	stream.indirect.gather [hbm4b:s2+s15], $0x80, s9, s15, $0xb8;
	[tilespmem:$0x1F880] =	vst v63  }
0x6d: {  	_ =	swait.ge [sflag:s25], $0x2800  }
0x6e: {  	[sflag:s25] =	ssyncset.done $0x0  }
0x6f: {  	s10 =	rddreg [dreg:$0xd];
	[sflag:s25] =	ssyncadd.s32 $0xFFFFD800  }
0x70: {  	[tilespmem:s17], [sflag:$0x2] =	stream.indirect.gather [hbm4b:s2+s15], $0x80, s10, s15, $0xb8;
	[tilespmem:$0x1F880] =	vst v63  }
0x71: {  	_ =	swait.ge [sflag:s26], $0x2800  }
0x72: {  	[sflag:s26] =	ssyncset.done $0x0  }
0x73: {  	s11 =	rddreg [dreg:$0xe];
	[sflag:s26] =	ssyncadd.s32 $0xFFFFD800  }
0x74: {  	[tilespmem:s18], [sflag:$0x3] =	stream.indirect.gather [hbm4b:s2+s15], $0x80, s11, s15, $0xb8;
	[tilespmem:$0x1F880] =	vst v63  }
0x75: {  	_ =	swait.ge [sflag:s28], $0x2800  }
0x76: {  	[sflag:s28] =	ssyncset.done $0x0  }
0x77: {  	s9 =	rddreg [dreg:$0xf];
	[sflag:s28] =	ssyncadd.s32 $0xFFFFD800  }
0x78: {  	[tilespmem:s19], [sflag:$0x4] =	stream.indirect.gather [hbm4b:s2+s15], $0x80, s9, s15, $0xb8;
	[tilespmem:$0x1F880] =	vst v63  }
0x79: {  	_ =	swait.ge [sflag:s20], $0x2800  }
0x7a: {  	[sflag:s20] =	ssyncset.done $0x0  }
0x7b: {  	s10 =	rddreg [dreg:$0x10];
	[sflag:s20] =	ssyncadd.s32 $0xFFFFD800  }
0x7c: {  	[spmem:s3] =	stream.indirect.scatter.add.f32 [tilespmem:s16], [sflag:$0x5], $0x80, s10, s15, $0xb8;
	[tilespmem:$0x1F880] =	vst v63  }
0x7d: {  	_ =	swait.ge [sflag:s21], $0x2800  }
0x7e: {  	[sflag:s21] =	ssyncset.done $0x0  }
0x7f: {  	s11 =	rddreg [dreg:$0x11];
	[sflag:s21] =	ssyncadd.s32 $0xFFFFD800  }
0x80: {  	[spmem:s3] =	stream.indirect.scatter.add.f32 [tilespmem:s17], [sflag:$0x6], $0x80, s11, s15, $0xb8;
	[tilespmem:$0x1F880] =	vst v63  }
0x81: {  	_ =	swait.ge [sflag:s22], $0x2800  }
0x82: {  	[sflag:s22] =	ssyncset.done $0x0  }
0x83: {  	s9 =	rddreg [dreg:$0x12];
	[sflag:s22] =	ssyncadd.s32 $0xFFFFD800  }
0x84: {  	[spmem:s3] =	stream.indirect.scatter.add.f32 [tilespmem:s18], [sflag:$0x7], $0x80, s9, s15, $0xb8;
	[tilespmem:$0x1F880] =	vst v63  }
0x85: {  	_ =	swait.ge [sflag:s23], $0x2800  }
0x86: {  	[sflag:s23] =	ssyncset.done $0x0  }
0x87: {  	s10 =	rddreg [dreg:$0x13];
	[sflag:s23] =	ssyncadd.s32 $0xFFFFD800  }
0x88: {  	[spmem:s3] =	stream.indirect.scatter.add.f32 [tilespmem:s19], [sflag:$0x8], $0x80, s10, s15, $0xb8;
	[tilespmem:$0x1F880] =	vst v63  }
0x89: {  	_ =	swait.ge [sflag:s24], $0x2800  }
0x8a: {  	[sflag:s24] =	ssyncset.done $0x0  }
0x8b: {  	s11 =	rddreg [dreg:$0x14];
	[sflag:s24] =	ssyncadd.s32 $0xFFFFD800  }
0x8c: {  	[tilespmem:s16], [sflag:$0x1] =	stream.indirect.gather [hbm4b:s2+s15], $0x80, s11, s15, $0xb8;
	[tilespmem:$0x1F880] =	vst v63  }
0x8d: {  	_ =	swait.ge [sflag:s25], $0x2800  }
0x8e: {  	[sflag:s25] =	ssyncset.done $0x0  }
0x8f: {  	s9 =	rddreg [dreg:$0x15];
	[sflag:s25] =	ssyncadd.s32 $0xFFFFD800  }
0x90: {  	[tilespmem:s17], [sflag:$0x2] =	stream.indirect.gather [hbm4b:s2+s15], $0x80, s9, s15, $0xb8;
	[tilespmem:$0x1F880] =	vst v63  }
0x91: {  	_ =	swait.ge [sflag:s26], $0x2800  }
0x92: {  	[sflag:s26] =	ssyncset.done $0x0  }
0x93: {  	s10 =	rddreg [dreg:$0x16];
	[sflag:s26] =	ssyncadd.s32 $0xFFFFD800  }
0x94: {  	[tilespmem:s18], [sflag:$0x3] =	stream.indirect.gather [hbm4b:s2+s15], $0x80, s10, s15, $0xb8;
	[tilespmem:$0x1F880] =	vst v63  }
0x95: {  	_ =	swait.ge [sflag:s28], $0x2800  }
0x96: {  	[sflag:s28] =	ssyncset.done $0x0  }
0x97: {  	s11 =	rddreg [dreg:$0x17];
	[sflag:s28] =	ssyncadd.s32 $0xFFFFD800  }
0x98: {  	[tilespmem:s19], [sflag:$0x4] =	stream.indirect.gather [hbm4b:s2+s15], $0x80, s11, s15, $0xb8;
	[tilespmem:$0x1F880] =	vst v63  }
0x99: {  	_ =	swait.ge [sflag:s20], $0x2800  }
0x9a: {  	[sflag:s20] =	ssyncset.done $0x0  }
0x9b: {  	s9 =	rddreg [dreg:$0x18];
	[sflag:s20] =	ssyncadd.s32 $0xFFFFD800  }
0x9c: {  	[spmem:s3] =	stream.indirect.scatter.add.f32 [tilespmem:s16], [sflag:$0x5], $0x80, s9, s15, $0xb8;
	[tilespmem:$0x1F880] =	vst v63  }
0x9d: {  	_ =	swait.ge [sflag:s21], $0x2800  }
0x9e: {  	[sflag:s21] =	ssyncset.done $0x0  }
0x9f: {  	s10 =	rddreg [dreg:$0x19];
	[sflag:s21] =	ssyncadd.s32 $0xFFFFD800  }
0xa0: {  	[spmem:s3] =	stream.indirect.scatter.add.f32 [tilespmem:s17], [sflag:$0x6], $0x80, s10, s15, $0xb8;
	[tilespmem:$0x1F880] =	vst v63  }
0xa1: {  	_ =	swait.ge [sflag:s22], $0x2800  }
0xa2: {  	[sflag:s22] =	ssyncset.done $0x0  }
0xa3: {  	s11 =	rddreg [dreg:$0x1a];
	[sflag:s22] =	ssyncadd.s32 $0xFFFFD800  }
0xa4: {  	[spmem:s3] =	stream.indirect.scatter.add.f32 [tilespmem:s18], [sflag:$0x7], $0x80, s11, s15, $0xb8;
	[tilespmem:$0x1F880] =	vst v63  }
0xa5: {  	_ =	swait.ge [sflag:s23], $0x2800  }
0xa6: {  	[sflag:s23] =	ssyncset.done $0x0  }
0xa7: {  	s9 =	rddreg [dreg:$0x1b];
	[sflag:s23] =	ssyncadd.s32 $0xFFFFD800  }
0xa8: {  	[spmem:s3] =	stream.indirect.scatter.add.f32 [tilespmem:s19], [sflag:$0x8], $0x80, s9, s15, $0xb8;
	[tilespmem:$0x1F880] =	vst v63  }
0xa9: {  	_ =	swait.ge [sflag:s24], $0x2800  }
0xaa: {  	[sflag:s24] =	ssyncset.done $0x0  }
0xab: {  	s10 =	rddreg [dreg:$0x1c];
	[sflag:s24] =	ssyncadd.s32 $0xFFFFD800  }
0xac: {  	[tilespmem:s16], [sflag:$0x1] =	stream.indirect.gather [hbm4b:s2+s15], $0x80, s10, s15, $0xb8;
	[tilespmem:$0x1F880] =	vst v63  }
0xad: {  	_ =	swait.ge [sflag:s25], $0x2800  }
0xae: {  	[sflag:s25] =	ssyncset.done $0x0  }
0xaf: {  	s11 =	rddreg [dreg:$0x1d];
	[sflag:s25] =	ssyncadd.s32 $0xFFFFD800  }
0xb0: {  	[tilespmem:s17], [sflag:$0x2] =	stream.indirect.gather [hbm4b:s2+s15], $0x80, s11, s15, $0xb8;
	[tilespmem:$0x1F880] =	vst v63  }
0xb1: {  	_ =	swait.ge [sflag:s26], $0x2800  }
0xb2: {  	[sflag:s26] =	ssyncset.done $0x0  }
0xb3: {  	s9 =	rddreg [dreg:$0x1e];
	[sflag:s26] =	ssyncadd.s32 $0xFFFFD800  }
0xb4: {  	[tilespmem:s18], [sflag:$0x3] =	stream.indirect.gather [hbm4b:s2+s15], $0x80, s9, s15, $0xb8;
	[tilespmem:$0x1F880] =	vst v63  }
0xb5: {  	_ =	swait.ge [sflag:s28], $0x2800  }
0xb6: {  	[sflag:s28] =	ssyncset.done $0x0  }
0xb7: {  	s10 =	rddreg [dreg:$0x1f];
	[sflag:s28] =	ssyncadd.s32 $0xFFFFD800  }
0xb8: {  	[tilespmem:s19], [sflag:$0x4] =	stream.indirect.gather [hbm4b:s2+s15], $0x80, s10, s15, $0xb8;
	[tilespmem:$0x1F880] =	vst v63  }
0xb9: {  	_ =	swait.ge [sflag:s20], $0x2800  }
0xba: {  	s11 =	sld [smem:$0x7EB]  }
0xbb: {  	[sflag:s20] =	ssyncset.done $0x0  }
0xbc: {  	[sflag:s20] =	ssyncadd.s32 $0xFFFFD800  }
0xbd: {  	[spmem:s3] =	stream.indirect.scatter.add.f32 [tilespmem:s16], [sflag:$0x5], $0x80, s11, s15, $0xb8;
	[tilespmem:$0x1F880] =	vst v63  }
0xbe: {  	_ =	swait.ge [sflag:s21], $0x2800  }
0xbf: {  	s9 =	sld [smem:$0x7EC]  }
0xc0: {  	[sflag:s21] =	ssyncset.done $0x0  }
0xc1: {  	[sflag:s21] =	ssyncadd.s32 $0xFFFFD800  }
0xc2: {  	[spmem:s3] =	stream.indirect.scatter.add.f32 [tilespmem:s17], [sflag:$0x6], $0x80, s9, s15, $0xb8;
	[tilespmem:$0x1F880] =	vst v63  }
0xc3: {  	_ =	swait.ge [sflag:s22], $0x2800  }
0xc4: {  	s10 =	sld [smem:$0x7EF]  }
0xc5: {  	[sflag:s22] =	ssyncset.done $0x0  }
0xc6: {  	[sflag:s22] =	ssyncadd.s32 $0xFFFFD800  }
0xc7: {  	[spmem:s3] =	stream.indirect.scatter.add.f32 [tilespmem:s18], [sflag:$0x7], $0x80, s10, s15, $0xb8;
	[tilespmem:$0x1F880] =	vst v63  }
0xc8: {  	_ =	swait.ge [sflag:s23], $0x2800  }
0xc9: {  	s11 =	sld [smem:$0x7F0]  }
0xca: {  	[sflag:s23] =	ssyncset.done $0x0  }
0xcb: {  	[sflag:s23] =	ssyncadd.s32 $0xFFFFD800  }
0xcc: {  	[spmem:s3] =	stream.indirect.scatter.add.f32 [tilespmem:s19], [sflag:$0x8], $0x80, s11, s15, $0xb8;
	[tilespmem:$0x1F880] =	vst v63  }
0xcd: {  	_ =	swait.ge [sflag:s24], $0x2800  }
0xce: {  	s9 =	sld [smem:$0x7F1]  }
0xcf: {  	[sflag:s24] =	ssyncset.done $0x0  }
0xd0: {  	[sflag:s24] =	ssyncadd.s32 $0xFFFFD800  }
0xd1: {  	[tilespmem:s16], [sflag:$0x1] =	stream.indirect.gather [hbm4b:s2+s15], $0x80, s9, s15, $0xb8;
	[tilespmem:$0x1F880] =	vst v63  }
0xd2: {  	_ =	swait.ge [sflag:s25], $0x2800  }
0xd3: {  	s10 =	sld [smem:$0x7F2]  }
0xd4: {  	[sflag:s25] =	ssyncset.done $0x0  }
0xd5: {  	[sflag:s25] =	ssyncadd.s32 $0xFFFFD800  }
0xd6: {  	[tilespmem:s17], [sflag:$0x2] =	stream.indirect.gather [hbm4b:s2+s15], $0x80, s10, s15, $0xb8;
	[tilespmem:$0x1F880] =	vst v63  }
0xd7: {  	_ =	swait.ge [sflag:s26], $0x2800  }
0xd8: {  	s11 =	sld [smem:$0x7F3]  }
0xd9: {  	[sflag:s26] =	ssyncset.done $0x0  }
0xda: {  	[sflag:s26] =	ssyncadd.s32 $0xFFFFD800  }
0xdb: {  	[tilespmem:s18], [sflag:$0x3] =	stream.indirect.gather [hbm4b:s2+s15], $0x80, s11, s15, $0xb8;
	[tilespmem:$0x1F880] =	vst v63  }
0xdc: {  	_ =	swait.ge [sflag:s28], $0x2800  }
0xdd: {  	s9 =	sld [smem:$0x7F4]  }
0xde: {  	[sflag:s28] =	ssyncset.done $0x0  }
0xdf: {  	[sflag:s28] =	ssyncadd.s32 $0xFFFFD800  }
0xe0: {  	[tilespmem:s19], [sflag:$0x4] =	stream.indirect.gather [hbm4b:s2+s15], $0x80, s9, s15, $0xb8;
	[tilespmem:$0x1F880] =	vst v63  }
0xe1: {  	_ =	swait.ge [sflag:s20], $0x2800  }
0xe2: {  	s10 =	sld [smem:$0x7F5]  }
0xe3: {  	[sflag:s20] =	ssyncset.done $0x0  }
0xe4: {  	[sflag:s20] =	ssyncadd.s32 $0xFFFFD800  }
0xe5: {  	[spmem:s3] =	stream.indirect.scatter.add.f32 [tilespmem:s16], [sflag:$0x5], $0x80, s10, s15, $0xb8;
	[tilespmem:$0x1F880] =	vst v63  }
0xe6: {  	_ =	swait.ge [sflag:s21], $0x2800  }
0xe7: {  	s11 =	sld [smem:$0x7F6]  }
0xe8: {  	[sflag:s21] =	ssyncset.done $0x0  }
0xe9: {  	[sflag:s21] =	ssyncadd.s32 $0xFFFFD800  }
0xea: {  	[spmem:s3] =	stream.indirect.scatter.add.f32 [tilespmem:s17], [sflag:$0x6], $0x80, s11, s15, $0xb8;
	[tilespmem:$0x1F880] =	vst v63  }
0xeb: {  	_ =	swait.ge [sflag:s22], $0x2800  }
0xec: {  	s9 =	sld [smem:$0x7F7]  }
0xed: {  	[sflag:s22] =	ssyncset.done $0x0  }
0xee: {  	[sflag:s22] =	ssyncadd.s32 $0xFFFFD800  }
0xef: {  	[spmem:s3] =	stream.indirect.scatter.add.f32 [tilespmem:s18], [sflag:$0x7], $0x80, s9, s15, $0xb8;
	[tilespmem:$0x1F880] =	vst v63  }
0xf0: {  	_ =	swait.ge [sflag:s23], $0x2800  }
0xf1: {  	s10 =	sld [smem:$0x7F8]  }
0xf2: {  	[sflag:s23] =	ssyncset.done $0x0  }
0xf3: {  	[sflag:s23] =	ssyncadd.s32 $0xFFFFD800  }
0xf4: {  	[spmem:s3] =	stream.indirect.scatter.add.f32 [tilespmem:s19], [sflag:$0x8], $0x80, s10, s15, $0xb8;
	[tilespmem:$0x1F880] =	vst v63  }
0xf5: {  	_ =	swait.ge [sflag:s24], $0x2800  }
0xf6: {  	s11 =	sld [smem:$0x7F9]  }
0xf7: {  	[sflag:s24] =	ssyncset.done $0x0  }
0xf8: {  	[sflag:s24] =	ssyncadd.s32 $0xFFFFD800  }
0xf9: {  	[tilespmem:s16], [sflag:$0x1] =	stream.indirect.gather [hbm4b:s2+s15], $0x80, s11, s15, $0xb8;
	[tilespmem:$0x1F880] =	vst v63  }
0xfa: {  	_ =	swait.ge [sflag:s25], $0x2800  }
0xfb: {  	s9 =	sld [smem:$0x7FA]  }
0xfc: {  	[sflag:s25] =	ssyncset.done $0x0  }
0xfd: {  	[sflag:s25] =	ssyncadd.s32 $0xFFFFD800  }
0xfe: {  	[tilespmem:s17], [sflag:$0x2] =	stream.indirect.gather [hbm4b:s2+s15], $0x80, s9, s15, $0xb8;
	[tilespmem:$0x1F880] =	vst v63  }
0xff: {  	_ =	swait.ge [sflag:s26], $0x2800  }
0x100: {  	s10 =	sld [smem:$0x7FB]  }
0x101: {  	[sflag:s26] =	ssyncset.done $0x0  }
0x102: {  	[sflag:s26] =	ssyncadd.s32 $0xFFFFD800  }
0x103: {  	[tilespmem:s18], [sflag:$0x3] =	stream.indirect.gather [hbm4b:s2+s15], $0x80, s10, s15, $0xb8;
	[tilespmem:$0x1F880] =	vst v63  }
0x104: {  	_ =	swait.ge [sflag:s28], $0x2800  }
0x105: {  	s11 =	sld [smem:$0x7FC]  }
0x106: {  	[sflag:s28] =	ssyncset.done $0x0  }
0x107: {  	[sflag:s28] =	ssyncadd.s32 $0xFFFFD800  }
0x108: {  	[tilespmem:s19], [sflag:$0x4] =	stream.indirect.gather [hbm4b:s2+s15], $0x80, s11, s15, $0xb8;
	[tilespmem:$0x1F880] =	vst v63  }
0x109: {  	_ =	swait.ge [sflag:s20], $0x2800  }
0x10a: {  	[sflag:s20] =	ssyncset.done $0x0  }
0x10b: {  	[sflag:s20] =	ssyncadd.s32 $0xFFFFD800  }
0x10c: {  	[spmem:s3] =	stream.indirect.scatter.add.f32 [tilespmem:s16], [sflag:$0x5], $0x80, s29, s15, $0xb8;
	[tilespmem:$0x1F880] =	vst v63  }
0x10d: {  	_ =	swait.ge [sflag:s21], $0x2800  }
0x10e: {  	[sflag:s21] =	ssyncset.done $0x0  }
0x10f: {  	[sflag:s21] =	ssyncadd.s32 $0xFFFFD800  }
0x110: {  	[spmem:s3] =	stream.indirect.scatter.add.f32 [tilespmem:s17], [sflag:$0x6], $0x80, s30, s15, $0xb8;
	[tilespmem:$0x1F880] =	vst v63  }
0x111: {  	_ =	swait.ge [sflag:s22], $0x2800  }
0x112: {  	[sflag:s22] =	ssyncset.done $0x0  }
0x113: {  	[sflag:s22] =	ssyncadd.s32 $0xFFFFD800  }
0x114: {  	[spmem:s3] =	stream.indirect.scatter.add.f32 [tilespmem:s18], [sflag:$0x7], $0x80, s31, s15, $0xb8;
	[tilespmem:$0x1F880] =	vst v63  }
0x115: {  	_ =	swait.ge [sflag:s23], $0x2800  }
0x116: {  	[sflag:s23] =	ssyncset.done $0x0  }
0x117: {  	[sflag:s23] =	ssyncadd.s32 $0xFFFFD800  }
0x118: {  	[spmem:s3] =	stream.indirect.scatter.add.f32 [tilespmem:s19], [sflag:$0x8], $0x80, s1, s15, $0xb8;
	[tilespmem:$0x1F880] =	vst v63  }
0x119: {  	_ =	swait.ge [sflag:s24], $0x2800  }
0x11a: {  	[sflag:s24] =	ssyncset.done $0x0  }
0x11b: {  	[sflag:s24] =	ssyncadd.s32 $0xFFFFD800  }
0x11c: {  	[tilespmem:s16], [sflag:$0x1] =	stream.indirect.gather [hbm4b:s2+s15], $0x80, s6, s15, $0xb8;
	[tilespmem:$0x1F880] =	vst v63  }
0x11d: {  	_ =	swait.ge [sflag:s25], $0x2800  }
0x11e: {  	[sflag:s25] =	ssyncset.done $0x0  }
0x11f: {  	[sflag:s25] =	ssyncadd.s32 $0xFFFFD800  }
0x120: {  	_ =	swait.ge [sflag:s26], $0x2800  }
0x121: {  	[sflag:s26] =	ssyncset.done $0x0  }
0x122: {  	[sflag:s26] =	ssyncadd.s32 $0xFFFFD800  }
0x123: {  	_ =	swait.ge [sflag:s28], $0x2800  }
0x124: {  	[sflag:s28] =	ssyncset.done $0x0  }
0x125: {  	[sflag:s28] =	ssyncadd.s32 $0xFFFFD800  }
0x126: {  	_ =	swait.ge [sflag:s20], $0x2800  }
0x127: {  	[sflag:s20] =	ssyncset.done $0x0  }
0x128: {  	[sflag:s20] =	ssyncadd.s32 $0xFFFFD800  }
0x129: {  	[spmem:s3] =	stream.indirect.scatter.add.f32 [tilespmem:s16], [sflag:$0xA], $0x80, s7, s15, $0xb8;
	[tilespmem:$0x1F880] =	vst v63  }
0x12a: {  	s10 =	simm.s32 $0x400;
	_ =	swait.ge [sflag:s13], $0x2800  }
0x12b: {  	s11 =	simm.s32 $0x200;
	s5 =	rddreg [dreg:$0x5];
	[sflag:s13] =	ssyncset.done $0x0  }
.LBB2_2:
0x12c: {  	[sflag:s13] =	ssyncadd.s32 $0xFFFFD800;
	s5 =	sadd.s32 s11, s5  }
0x12d: {  	[tilespmem:s4], [sflag:$0xA] =	stream.linear.gather [hbm4b:s5+s4], $0xC80, $0x38;
	[tilespmem:$0x1F880] =	vst v63  }
0x12e: {  	_ =	swait.ge [sflag:s13], $0xC80  }
0x12f: {  	s5 =	rddreg [dreg:$0x4];
	[sflag:s13] =	ssyncset.done $0x0  }
0x130: {  	p2 =	sne.s32 s11, $0x0;
	[sflag:s13] =	ssyncadd.s32 $0xFFFFF380;
	s5 =	sadd.s32 s11, s5  }
0x131: {  	[tilespmem:s14], [sflag:$0xA] =	stream.linear.gather [hbm4b:s5+s4], $0xC80, $0x38;
	[tilespmem:$0x1F880] =	vst v63  }
0x132: {  	p3 =	seq.s32 @!p2 s0, $0xF;
	_ =	swait.ge [sflag:s13], $0xC80  }
0x133: {  	p4 =	por !p3, p2;
	[sflag:s13] =	ssyncset.done $0x0  }
0x134: {  	s5 =	simm.s32 @!p4 $0x9;
	[sflag:s13] =	ssyncadd.s32 $0xFFFFF380  }
0x135: {  	_ =	swait.ge @!p4 [sflag:s5], $0x2800  }
0x136: {  	p3 =	por p3, p2;
	[sflag:s5] =	ssyncset.done @!p4 $0x0  }
0x137: {  	[sflag:s5] =	ssyncadd.s32 @!p4 $0xFFFFD800;
	s5 =	simm.s32 @!p3 $0x9  }
0x138: {  	_ =	swait.ge @!p3 [sflag:s5], $0x2700  }
0x139: {  	[sflag:s5] =	ssyncset.done @!p3 $0x0  }
0x13a: {  	[sflag:s5] =	ssyncadd.s32 @!p3 $0xFFFFD900  }
0x13b: {  	[bflag:$0x0] =	sbarrier.arrive @!p2 $0xFFFF  }
0x13c: {  	[tilespmem:s16], [sflag:$0x1] =	stream.indirect.gather [hbm4b:s2+s15], $0x80, s4, s15, $0xb8;
	[tilespmem:$0x1F880] =	vst v63  }
0x13d: {  	s9 =	smov.u32 s10;
	s5 =	rddreg [dreg:$0x6]  }
0x13e: {  	[tilespmem:s17], [sflag:$0x2] =	stream.indirect.gather [hbm4b:s2+s15], $0x80, s5, s15, $0xb8;
	[tilespmem:$0x1F880] =	vst v63  }
0x13f: {  	s11 =	smov.u32 s9;
	s9 =	rddreg [dreg:$0x7]  }
0x140: {  	[tilespmem:s18], [sflag:$0x3] =	stream.indirect.gather [hbm4b:s2+s15], $0x80, s9, s15, $0xb8;
	[tilespmem:$0x1F880] =	vst v63  }
0x141: {  	s5 =	rddreg [dreg:$0x8]  }
0x142: {  	[tilespmem:s19], [sflag:$0x4] =	stream.indirect.gather [hbm4b:s2+s15], $0x80, s5, s15, $0xb8;
	[tilespmem:$0x1F880] =	vst v63  }
0x143: {  	_ =	swait.ge [sflag:s20], $0x2800  }
0x144: {  	[sflag:s20] =	ssyncset.done $0x0  }
0x145: {  	[sflag:s20] =	ssyncadd.s32 $0xFFFFD800  }
0x146: {  	[spmem:s3] =	stream.indirect.scatter.add.f32 [tilespmem:s16], [sflag:$0x5], $0x80, s14, s15, $0xb8;
	[tilespmem:$0x1F880] =	vst v63  }
0x147: {  	_ =	swait.ge [sflag:s21], $0x2800  }
0x148: {  	[sflag:s21] =	ssyncset.done $0x0  }
0x149: {  	s9 =	rddreg [dreg:$0x9];
	[sflag:s21] =	ssyncadd.s32 $0xFFFFD800  }
0x14a: {  	[spmem:s3] =	stream.indirect.scatter.add.f32 [tilespmem:s17], [sflag:$0x6], $0x80, s9, s15, $0xb8;
	[tilespmem:$0x1F880] =	vst v63  }
0x14b: {  	_ =	swait.ge [sflag:s22], $0x2800  }
0x14c: {  	[sflag:s22] =	ssyncset.done $0x0  }
0x14d: {  	s9 =	rddreg [dreg:$0xa];
	[sflag:s22] =	ssyncadd.s32 $0xFFFFD800  }
0x14e: {  	[spmem:s3] =	stream.indirect.scatter.add.f32 [tilespmem:s18], [sflag:$0x7], $0x80, s9, s15, $0xb8;
	[tilespmem:$0x1F880] =	vst v63  }
0x14f: {  	_ =	swait.ge [sflag:s23], $0x2800  }
0x150: {  	[sflag:s23] =	ssyncset.done $0x0  }
0x151: {  	s9 =	rddreg [dreg:$0xb];
	[sflag:s23] =	ssyncadd.s32 $0xFFFFD800  }
0x152: {  	[spmem:s3] =	stream.indirect.scatter.add.f32 [tilespmem:s19], [sflag:$0x8], $0x80, s9, s15, $0xb8;
	[tilespmem:$0x1F880] =	vst v63  }
0x153: {  	_ =	swait.ge [sflag:s24], $0x2800  }
0x154: {  	[sflag:s24] =	ssyncset.done $0x0  }
0x155: {  	s9 =	rddreg [dreg:$0xc];
	[sflag:s24] =	ssyncadd.s32 $0xFFFFD800  }
0x156: {  	[tilespmem:s16], [sflag:$0x1] =	stream.indirect.gather [hbm4b:s2+s15], $0x80, s9, s15, $0xb8;
	[tilespmem:$0x1F880] =	vst v63  }
0x157: {  	_ =	swait.ge [sflag:s25], $0x2800  }
0x158: {  	[sflag:s25] =	ssyncset.done $0x0  }
0x159: {  	s9 =	rddreg [dreg:$0xd];
	[sflag:s25] =	ssyncadd.s32 $0xFFFFD800  }
0x15a: {  	[tilespmem:s17], [sflag:$0x2] =	stream.indirect.gather [hbm4b:s2+s15], $0x80, s9, s15, $0xb8;
	[tilespmem:$0x1F880] =	vst v63  }
0x15b: {  	_ =	swait.ge [sflag:s26], $0x2800  }
0x15c: {  	[sflag:s26] =	ssyncset.done $0x0  }
0x15d: {  	s9 =	rddreg [dreg:$0xe];
	[sflag:s26] =	ssyncadd.s32 $0xFFFFD800  }
0x15e: {  	[tilespmem:s18], [sflag:$0x3] =	stream.indirect.gather [hbm4b:s2+s15], $0x80, s9, s15, $0xb8;
	[tilespmem:$0x1F880] =	vst v63  }
0x15f: {  	_ =	swait.ge [sflag:s28], $0x2800  }
0x160: {  	[sflag:s28] =	ssyncset.done $0x0  }
0x161: {  	s9 =	rddreg [dreg:$0xf];
	[sflag:s28] =	ssyncadd.s32 $0xFFFFD800  }
0x162: {  	[tilespmem:s19], [sflag:$0x4] =	stream.indirect.gather [hbm4b:s2+s15], $0x80, s9, s15, $0xb8;
	[tilespmem:$0x1F880] =	vst v63  }
0x163: {  	_ =	swait.ge [sflag:s20], $0x2800  }
0x164: {  	[sflag:s20] =	ssyncset.done $0x0  }
0x165: {  	s9 =	rddreg [dreg:$0x10];
	[sflag:s20] =	ssyncadd.s32 $0xFFFFD800  }
0x166: {  	[spmem:s3] =	stream.indirect.scatter.add.f32 [tilespmem:s16], [sflag:$0x5], $0x80, s9, s15, $0xb8;
	[tilespmem:$0x1F880] =	vst v63  }
0x167: {  	_ =	swait.ge [sflag:s21], $0x2800  }
0x168: {  	[sflag:s21] =	ssyncset.done $0x0  }
0x169: {  	s9 =	rddreg [dreg:$0x11];
	[sflag:s21] =	ssyncadd.s32 $0xFFFFD800  }
0x16a: {  	[spmem:s3] =	stream.indirect.scatter.add.f32 [tilespmem:s17], [sflag:$0x6], $0x80, s9, s15, $0xb8;
	[tilespmem:$0x1F880] =	vst v63  }
0x16b: {  	_ =	swait.ge [sflag:s22], $0x2800  }
0x16c: {  	[sflag:s22] =	ssyncset.done $0x0  }
0x16d: {  	s9 =	rddreg [dreg:$0x12];
	[sflag:s22] =	ssyncadd.s32 $0xFFFFD800  }
0x16e: {  	[spmem:s3] =	stream.indirect.scatter.add.f32 [tilespmem:s18], [sflag:$0x7], $0x80, s9, s15, $0xb8;
	[tilespmem:$0x1F880] =	vst v63  }
0x16f: {  	_ =	swait.ge [sflag:s23], $0x2800  }
0x170: {  	[sflag:s23] =	ssyncset.done $0x0  }
0x171: {  	s9 =	rddreg [dreg:$0x13];
	[sflag:s23] =	ssyncadd.s32 $0xFFFFD800  }
0x172: {  	[spmem:s3] =	stream.indirect.scatter.add.f32 [tilespmem:s19], [sflag:$0x8], $0x80, s9, s15, $0xb8;
	[tilespmem:$0x1F880] =	vst v63  }
0x173: {  	_ =	swait.ge [sflag:s24], $0x2800  }
0x174: {  	[sflag:s24] =	ssyncset.done $0x0  }
0x175: {  	s9 =	rddreg [dreg:$0x14];
	[sflag:s24] =	ssyncadd.s32 $0xFFFFD800  }
0x176: {  	[tilespmem:s16], [sflag:$0x1] =	stream.indirect.gather [hbm4b:s2+s15], $0x80, s9, s15, $0xb8;
	[tilespmem:$0x1F880] =	vst v63  }
0x177: {  	_ =	swait.ge [sflag:s25], $0x2800  }
0x178: {  	[sflag:s25] =	ssyncset.done $0x0  }
0x179: {  	s9 =	rddreg [dreg:$0x15];
	[sflag:s25] =	ssyncadd.s32 $0xFFFFD800  }
0x17a: {  	[tilespmem:s17], [sflag:$0x2] =	stream.indirect.gather [hbm4b:s2+s15], $0x80, s9, s15, $0xb8;
	[tilespmem:$0x1F880] =	vst v63  }
0x17b: {  	_ =	swait.ge [sflag:s26], $0x2800  }
0x17c: {  	[sflag:s26] =	ssyncset.done $0x0  }
0x17d: {  	s9 =	rddreg [dreg:$0x16];
	[sflag:s26] =	ssyncadd.s32 $0xFFFFD800  }
0x17e: {  	[tilespmem:s18], [sflag:$0x3] =	stream.indirect.gather [hbm4b:s2+s15], $0x80, s9, s15, $0xb8;
	[tilespmem:$0x1F880] =	vst v63  }
0x17f: {  	_ =	swait.ge [sflag:s28], $0x2800  }
0x180: {  	[sflag:s28] =	ssyncset.done $0x0  }
0x181: {  	s9 =	rddreg [dreg:$0x17];
	[sflag:s28] =	ssyncadd.s32 $0xFFFFD800  }
0x182: {  	[tilespmem:s19], [sflag:$0x4] =	stream.indirect.gather [hbm4b:s2+s15], $0x80, s9, s15, $0xb8;
	[tilespmem:$0x1F880] =	vst v63  }
0x183: {  	_ =	swait.ge [sflag:s20], $0x2800  }
0x184: {  	[sflag:s20] =	ssyncset.done $0x0  }
0x185: {  	s9 =	rddreg [dreg:$0x18];
	[sflag:s20] =	ssyncadd.s32 $0xFFFFD800  }
0x186: {  	[spmem:s3] =	stream.indirect.scatter.add.f32 [tilespmem:s16], [sflag:$0x5], $0x80, s9, s15, $0xb8;
	[tilespmem:$0x1F880] =	vst v63  }
0x187: {  	_ =	swait.ge [sflag:s21], $0x2800  }
0x188: {  	[sflag:s21] =	ssyncset.done $0x0  }
0x189: {  	s9 =	rddreg [dreg:$0x19];
	[sflag:s21] =	ssyncadd.s32 $0xFFFFD800  }
0x18a: {  	[spmem:s3] =	stream.indirect.scatter.add.f32 [tilespmem:s17], [sflag:$0x6], $0x80, s9, s15, $0xb8;
	[tilespmem:$0x1F880] =	vst v63  }
0x18b: {  	_ =	swait.ge [sflag:s22], $0x2800  }
0x18c: {  	[sflag:s22] =	ssyncset.done $0x0  }
0x18d: {  	s9 =	rddreg [dreg:$0x1a];
	[sflag:s22] =	ssyncadd.s32 $0xFFFFD800  }
0x18e: {  	[spmem:s3] =	stream.indirect.scatter.add.f32 [tilespmem:s18], [sflag:$0x7], $0x80, s9, s15, $0xb8;
	[tilespmem:$0x1F880] =	vst v63  }
0x18f: {  	_ =	swait.ge [sflag:s23], $0x2800  }
0x190: {  	[sflag:s23] =	ssyncset.done $0x0  }
0x191: {  	s9 =	rddreg [dreg:$0x1b];
	[sflag:s23] =	ssyncadd.s32 $0xFFFFD800  }
0x192: {  	[spmem:s3] =	stream.indirect.scatter.add.f32 [tilespmem:s19], [sflag:$0x8], $0x80, s9, s15, $0xb8;
	[tilespmem:$0x1F880] =	vst v63  }
0x193: {  	_ =	swait.ge [sflag:s24], $0x2800  }
0x194: {  	[sflag:s24] =	ssyncset.done $0x0  }
0x195: {  	s9 =	rddreg [dreg:$0x1c];
	[sflag:s24] =	ssyncadd.s32 $0xFFFFD800  }
0x196: {  	[tilespmem:s16], [sflag:$0x1] =	stream.indirect.gather [hbm4b:s2+s15], $0x80, s9, s15, $0xb8;
	[tilespmem:$0x1F880] =	vst v63  }
0x197: {  	_ =	swait.ge [sflag:s25], $0x2800  }
0x198: {  	[sflag:s25] =	ssyncset.done $0x0  }
0x199: {  	s9 =	rddreg [dreg:$0x1d];
	[sflag:s25] =	ssyncadd.s32 $0xFFFFD800  }
0x19a: {  	[tilespmem:s17], [sflag:$0x2] =	stream.indirect.gather [hbm4b:s2+s15], $0x80, s9, s15, $0xb8;
	[tilespmem:$0x1F880] =	vst v63  }
0x19b: {  	_ =	swait.ge [sflag:s26], $0x2800  }
0x19c: {  	[sflag:s26] =	ssyncset.done $0x0  }
0x19d: {  	s9 =	rddreg [dreg:$0x1e];
	[sflag:s26] =	ssyncadd.s32 $0xFFFFD800  }
0x19e: {  	[tilespmem:s18], [sflag:$0x3] =	stream.indirect.gather [hbm4b:s2+s15], $0x80, s9, s15, $0xb8;
	[tilespmem:$0x1F880] =	vst v63  }
0x19f: {  	_ =	swait.ge [sflag:s28], $0x2800  }
0x1a0: {  	[sflag:s28] =	ssyncset.done $0x0  }
0x1a1: {  	s9 =	rddreg [dreg:$0x1f];
	[sflag:s28] =	ssyncadd.s32 $0xFFFFD800  }
0x1a2: {  	[tilespmem:s19], [sflag:$0x4] =	stream.indirect.gather [hbm4b:s2+s15], $0x80, s9, s15, $0xb8;
	[tilespmem:$0x1F880] =	vst v63  }
0x1a3: {  	_ =	swait.ge [sflag:s20], $0x2800  }
0x1a4: {  	s9 =	sld [smem:$0x7EB]  }
0x1a5: {  	[sflag:s20] =	ssyncset.done $0x0  }
0x1a6: {  	[sflag:s20] =	ssyncadd.s32 $0xFFFFD800  }
0x1a7: {  	[spmem:s3] =	stream.indirect.scatter.add.f32 [tilespmem:s16], [sflag:$0x5], $0x80, s9, s15, $0xb8;
	[tilespmem:$0x1F880] =	vst v63  }
0x1a8: {  	_ =	swait.ge [sflag:s21], $0x2800  }
0x1a9: {  	s9 =	sld [smem:$0x7EC]  }
0x1aa: {  	[sflag:s21] =	ssyncset.done $0x0  }
0x1ab: {  	[sflag:s21] =	ssyncadd.s32 $0xFFFFD800  }
0x1ac: {  	[spmem:s3] =	stream.indirect.scatter.add.f32 [tilespmem:s17], [sflag:$0x6], $0x80, s9, s15, $0xb8;
	[tilespmem:$0x1F880] =	vst v63  }
0x1ad: {  	_ =	swait.ge [sflag:s22], $0x2800  }
0x1ae: {  	s9 =	sld [smem:$0x7EF]  }
0x1af: {  	[sflag:s22] =	ssyncset.done $0x0  }
0x1b0: {  	[sflag:s22] =	ssyncadd.s32 $0xFFFFD800  }
0x1b1: {  	[spmem:s3] =	stream.indirect.scatter.add.f32 [tilespmem:s18], [sflag:$0x7], $0x80, s9, s15, $0xb8;
	[tilespmem:$0x1F880] =	vst v63  }
0x1b2: {  	_ =	swait.ge [sflag:s23], $0x2800  }
0x1b3: {  	s9 =	sld [smem:$0x7F0]  }
0x1b4: {  	[sflag:s23] =	ssyncset.done $0x0  }
0x1b5: {  	[sflag:s23] =	ssyncadd.s32 $0xFFFFD800  }
0x1b6: {  	[spmem:s3] =	stream.indirect.scatter.add.f32 [tilespmem:s19], [sflag:$0x8], $0x80, s9, s15, $0xb8;
	[tilespmem:$0x1F880] =	vst v63  }
0x1b7: {  	_ =	swait.ge [sflag:s24], $0x2800  }
0x1b8: {  	s9 =	sld [smem:$0x7F1]  }
0x1b9: {  	[sflag:s24] =	ssyncset.done $0x0  }
0x1ba: {  	[sflag:s24] =	ssyncadd.s32 $0xFFFFD800  }
0x1bb: {  	[tilespmem:s16], [sflag:$0x1] =	stream.indirect.gather [hbm4b:s2+s15], $0x80, s9, s15, $0xb8;
	[tilespmem:$0x1F880] =	vst v63  }
0x1bc: {  	_ =	swait.ge [sflag:s25], $0x2800  }
0x1bd: {  	s9 =	sld [smem:$0x7F2]  }
0x1be: {  	[sflag:s25] =	ssyncset.done $0x0  }
0x1bf: {  	[sflag:s25] =	ssyncadd.s32 $0xFFFFD800  }
0x1c0: {  	[tilespmem:s17], [sflag:$0x2] =	stream.indirect.gather [hbm4b:s2+s15], $0x80, s9, s15, $0xb8;
	[tilespmem:$0x1F880] =	vst v63  }
0x1c1: {  	_ =	swait.ge [sflag:s26], $0x2800  }
0x1c2: {  	s9 =	sld [smem:$0x7F3]  }
0x1c3: {  	[sflag:s26] =	ssyncset.done $0x0  }
0x1c4: {  	[sflag:s26] =	ssyncadd.s32 $0xFFFFD800  }
0x1c5: {  	[tilespmem:s18], [sflag:$0x3] =	stream.indirect.gather [hbm4b:s2+s15], $0x80, s9, s15, $0xb8;
	[tilespmem:$0x1F880] =	vst v63  }
0x1c6: {  	_ =	swait.ge [sflag:s28], $0x2800  }
0x1c7: {  	s9 =	sld [smem:$0x7F4]  }
0x1c8: {  	[sflag:s28] =	ssyncset.done $0x0  }
0x1c9: {  	[sflag:s28] =	ssyncadd.s32 $0xFFFFD800  }
0x1ca: {  	[tilespmem:s19], [sflag:$0x4] =	stream.indirect.gather [hbm4b:s2+s15], $0x80, s9, s15, $0xb8;
	[tilespmem:$0x1F880] =	vst v63  }
0x1cb: {  	_ =	swait.ge [sflag:s20], $0x2800  }
0x1cc: {  	s9 =	sld [smem:$0x7F5]  }
0x1cd: {  	[sflag:s20] =	ssyncset.done $0x0  }
0x1ce: {  	[sflag:s20] =	ssyncadd.s32 $0xFFFFD800  }
0x1cf: {  	[spmem:s3] =	stream.indirect.scatter.add.f32 [tilespmem:s16], [sflag:$0x5], $0x80, s9, s15, $0xb8;
	[tilespmem:$0x1F880] =	vst v63  }
0x1d0: {  	_ =	swait.ge [sflag:s21], $0x2800  }
0x1d1: {  	s9 =	sld [smem:$0x7F6]  }
0x1d2: {  	[sflag:s21] =	ssyncset.done $0x0  }
0x1d3: {  	[sflag:s21] =	ssyncadd.s32 $0xFFFFD800  }
0x1d4: {  	[spmem:s3] =	stream.indirect.scatter.add.f32 [tilespmem:s17], [sflag:$0x6], $0x80, s9, s15, $0xb8;
	[tilespmem:$0x1F880] =	vst v63  }
0x1d5: {  	_ =	swait.ge [sflag:s22], $0x2800  }
0x1d6: {  	s9 =	sld [smem:$0x7F7]  }
0x1d7: {  	[sflag:s22] =	ssyncset.done $0x0  }
0x1d8: {  	[sflag:s22] =	ssyncadd.s32 $0xFFFFD800  }
0x1d9: {  	[spmem:s3] =	stream.indirect.scatter.add.f32 [tilespmem:s18], [sflag:$0x7], $0x80, s9, s15, $0xb8;
	[tilespmem:$0x1F880] =	vst v63  }
0x1da: {  	_ =	swait.ge [sflag:s23], $0x2800  }
0x1db: {  	s9 =	sld [smem:$0x7F8]  }
0x1dc: {  	[sflag:s23] =	ssyncset.done $0x0  }
0x1dd: {  	[sflag:s23] =	ssyncadd.s32 $0xFFFFD800  }
0x1de: {  	[spmem:s3] =	stream.indirect.scatter.add.f32 [tilespmem:s19], [sflag:$0x8], $0x80, s9, s15, $0xb8;
	[tilespmem:$0x1F880] =	vst v63  }
0x1df: {  	_ =	swait.ge [sflag:s24], $0x2800  }
0x1e0: {  	s9 =	sld [smem:$0x7F9]  }
0x1e1: {  	[sflag:s24] =	ssyncset.done $0x0  }
0x1e2: {  	[sflag:s24] =	ssyncadd.s32 $0xFFFFD800  }
0x1e3: {  	[tilespmem:s16], [sflag:$0x1] =	stream.indirect.gather [hbm4b:s2+s15], $0x80, s9, s15, $0xb8;
	[tilespmem:$0x1F880] =	vst v63  }
0x1e4: {  	_ =	swait.ge [sflag:s25], $0x2800  }
0x1e5: {  	s9 =	sld [smem:$0x7FA]  }
0x1e6: {  	[sflag:s25] =	ssyncset.done $0x0  }
0x1e7: {  	[sflag:s25] =	ssyncadd.s32 $0xFFFFD800  }
0x1e8: {  	[tilespmem:s17], [sflag:$0x2] =	stream.indirect.gather [hbm4b:s2+s15], $0x80, s9, s15, $0xb8;
	[tilespmem:$0x1F880] =	vst v63  }
0x1e9: {  	_ =	swait.ge [sflag:s26], $0x2800  }
0x1ea: {  	s9 =	sld [smem:$0x7FB]  }
0x1eb: {  	[sflag:s26] =	ssyncset.done $0x0  }
0x1ec: {  	[sflag:s26] =	ssyncadd.s32 $0xFFFFD800  }
0x1ed: {  	[tilespmem:s18], [sflag:$0x3] =	stream.indirect.gather [hbm4b:s2+s15], $0x80, s9, s15, $0xb8;
	[tilespmem:$0x1F880] =	vst v63  }
0x1ee: {  	_ =	swait.ge [sflag:s28], $0x2800  }
0x1ef: {  	s9 =	sld [smem:$0x7FC]  }
0x1f0: {  	[sflag:s28] =	ssyncset.done $0x0  }
0x1f1: {  	[sflag:s28] =	ssyncadd.s32 $0xFFFFD800  }
0x1f2: {  	[tilespmem:s19], [sflag:$0x4] =	stream.indirect.gather [hbm4b:s2+s15], $0x80, s9, s15, $0xb8;
	[tilespmem:$0x1F880] =	vst v63  }
0x1f3: {  	_ =	swait.ge [sflag:s20], $0x2800  }
0x1f4: {  	[sflag:s20] =	ssyncset.done $0x0  }
0x1f5: {  	[sflag:s20] =	ssyncadd.s32 $0xFFFFD800  }
0x1f6: {  	[spmem:s3] =	stream.indirect.scatter.add.f32 [tilespmem:s16], [sflag:$0x5], $0x80, s29, s15, $0xb8;
	[tilespmem:$0x1F880] =	vst v63  }
0x1f7: {  	_ =	swait.ge [sflag:s21], $0x2800  }
0x1f8: {  	[sflag:s21] =	ssyncset.done $0x0  }
0x1f9: {  	[sflag:s21] =	ssyncadd.s32 $0xFFFFD800  }
0x1fa: {  	[spmem:s3] =	stream.indirect.scatter.add.f32 [tilespmem:s17], [sflag:$0x6], $0x80, s30, s15, $0xb8;
	[tilespmem:$0x1F880] =	vst v63  }
0x1fb: {  	_ =	swait.ge [sflag:s22], $0x2800  }
0x1fc: {  	[sflag:s22] =	ssyncset.done $0x0  }
0x1fd: {  	[sflag:s22] =	ssyncadd.s32 $0xFFFFD800  }
0x1fe: {  	[spmem:s3] =	stream.indirect.scatter.add.f32 [tilespmem:s18], [sflag:$0x7], $0x80, s31, s15, $0xb8;
	[tilespmem:$0x1F880] =	vst v63  }
0x1ff: {  	_ =	swait.ge [sflag:s23], $0x2800  }
0x200: {  	[sflag:s23] =	ssyncset.done $0x0  }
0x201: {  	[sflag:s23] =	ssyncadd.s32 $0xFFFFD800  }
0x202: {  	[spmem:s3] =	stream.indirect.scatter.add.f32 [tilespmem:s19], [sflag:$0x8], $0x80, s1, s15, $0xb8;
	[tilespmem:$0x1F880] =	vst v63  }
0x203: {  	_ =	swait.ge [sflag:s24], $0x2800  }
0x204: {  	[sflag:s24] =	ssyncset.done $0x0  }
0x205: {  	[sflag:s24] =	ssyncadd.s32 $0xFFFFD800  }
0x206: {  	[tilespmem:s16], [sflag:$0x1] =	stream.indirect.gather [hbm4b:s2+s15], $0x80, s6, s15, $0xb8;
	[tilespmem:$0x1F880] =	vst v63  }
0x207: {  	_ =	swait.ge [sflag:s25], $0x2800  }
0x208: {  	[sflag:s25] =	ssyncset.done $0x0  }
0x209: {  	[sflag:s25] =	ssyncadd.s32 $0xFFFFD800  }
0x20a: {  	_ =	swait.ge [sflag:s26], $0x2800  }
0x20b: {  	[sflag:s26] =	ssyncset.done $0x0  }
0x20c: {  	[sflag:s26] =	ssyncadd.s32 $0xFFFFD800  }
0x20d: {  	_ =	swait.ge [sflag:s28], $0x2800  }
0x20e: {  	[sflag:s28] =	ssyncset.done $0x0  }
0x20f: {  	s10 =	sadd.s32 $0x200, s10;
	[sflag:s28] =	ssyncadd.s32 $0xFFFFD800  }
0x210: {  	p1 =	sne.s32 s10, $0xA00;
	_ =	swait.ge [sflag:s20], $0x2800  }
.Ltmp0:
0x211: {  	[sflag:s20] =	ssyncset.done $0x0;
	(pc) =	sbr.rel @p1 .LBB2_2-.Ltmp0, $4  }
0x212: {  	[sflag:s20] =	ssyncadd.s32 $0xFFFFD800  }
0x213: {  	[spmem:s3] =	stream.indirect.scatter.add.f32 [tilespmem:s16], [sflag:$0xA], $0x80, s7, s15, $0xb8;
	[tilespmem:$0x1F880] =	vst v63  }
0x214: {  	_ =	swait.ge [sflag:s13], $0x2800  }
0x215: {  	s5 =	rddreg [dreg:$0x5];
	[sflag:s13] =	ssyncset.done $0x0  }
0x216: {  	[sflag:s13] =	ssyncadd.s32 $0xFFFFD800;
	s5 =	sadd.s32 s11, s5  }
0x217: {  	[tilespmem:s4], [sflag:$0xA] =	stream.linear.gather [hbm4b:s5+s4], $0xC80, $0x38;
	[tilespmem:$0x1F880] =	vst v63  }
0x218: {  	_ =	swait.ge [sflag:s13], $0xC80  }
0x219: {  	s9 =	rddreg [dreg:$0x4];
	[sflag:s13] =	ssyncset.done $0x0  }
0x21a: {  	p1 =	sne.s32 s11, $0x0;
	[sflag:s13] =	ssyncadd.s32 $0xFFFFF380;
	s5 =	sadd.s32 s11, s9  }
0x21b: {  	[tilespmem:s14], [sflag:$0xA] =	stream.linear.gather [hbm4b:s5+s4], $0xC80, $0x38;
	[tilespmem:$0x1F880] =	vst v63  }
0x21c: {  	p2 =	seq.s32 @!p1 s0, $0xF;
	_ =	swait.ge [sflag:s13], $0xC80  }
0x21d: {  	p3 =	por !p2, p1;
	[sflag:s13] =	ssyncset.done $0x0  }
0x21e: {  	s5 =	simm.s32 @!p3 $0x9;
	[sflag:s13] =	ssyncadd.s32 $0xFFFFF380  }
0x21f: {  	_ =	swait.ge @!p3 [sflag:s5], $0x2800  }
0x220: {  	p2 =	por p2, p1;
	[sflag:s5] =	ssyncset.done @!p3 $0x0  }
0x221: {  	[sflag:s5] =	ssyncadd.s32 @!p3 $0xFFFFD800;
	s5 =	simm.s32 @!p2 $0x9  }
0x222: {  	_ =	swait.ge @!p2 [sflag:s5], $0x2700  }
0x223: {  	[sflag:s5] =	ssyncset.done @!p2 $0x0  }
0x224: {  	[sflag:s5] =	ssyncadd.s32 @!p2 $0xFFFFD900  }
0x225: {  	[bflag:$0x0] =	sbarrier.arrive @!p1 $0xFFFF  }
0x226: {  	[tilespmem:s16], [sflag:$0x1] =	stream.indirect.gather [hbm4b:s2+s15], $0x80, s4, s15, $0xb8;
	[tilespmem:$0x1F880] =	vst v63  }
0x227: {  	s10 =	rddreg [dreg:$0x6]  }
0x228: {  	[tilespmem:s17], [sflag:$0x2] =	stream.indirect.gather [hbm4b:s2+s15], $0x80, s10, s15, $0xb8;
	[tilespmem:$0x1F880] =	vst v63  }
0x229: {  	s9 =	rddreg [dreg:$0x7]  }
0x22a: {  	[tilespmem:s18], [sflag:$0x3] =	stream.indirect.gather [hbm4b:s2+s15], $0x80, s9, s15, $0xb8;
	[tilespmem:$0x1F880] =	vst v63  }
0x22b: {  	s11 =	rddreg [dreg:$0x8]  }
0x22c: {  	[tilespmem:s19], [sflag:$0x4] =	stream.indirect.gather [hbm4b:s2+s15], $0x80, s11, s15, $0xb8;
	[tilespmem:$0x1F880] =	vst v63  }
0x22d: {  	_ =	swait.ge [sflag:s20], $0x2800  }
0x22e: {  	[sflag:s20] =	ssyncset.done $0x0  }
0x22f: {  	[sflag:s20] =	ssyncadd.s32 $0xFFFFD800  }
0x230: {  	[spmem:s3] =	stream.indirect.scatter.add.f32 [tilespmem:s16], [sflag:$0x5], $0x80, s14, s15, $0xb8;
	[tilespmem:$0x1F880] =	vst v63  }
0x231: {  	_ =	swait.ge [sflag:s21], $0x2800  }
0x232: {  	[sflag:s21] =	ssyncset.done $0x0  }
0x233: {  	s9 =	rddreg [dreg:$0x9];
	[sflag:s21] =	ssyncadd.s32 $0xFFFFD800  }
0x234: {  	[spmem:s3] =	stream.indirect.scatter.add.f32 [tilespmem:s17], [sflag:$0x6], $0x80, s9, s15, $0xb8;
	[tilespmem:$0x1F880] =	vst v63  }
0x235: {  	_ =	swait.ge [sflag:s22], $0x2800  }
0x236: {  	[sflag:s22] =	ssyncset.done $0x0  }
0x237: {  	s10 =	rddreg [dreg:$0xa];
	[sflag:s22] =	ssyncadd.s32 $0xFFFFD800  }
0x238: {  	[spmem:s3] =	stream.indirect.scatter.add.f32 [tilespmem:s18], [sflag:$0x7], $0x80, s10, s15, $0xb8;
	[tilespmem:$0x1F880] =	vst v63  }
0x239: {  	_ =	swait.ge [sflag:s23], $0x2800  }
0x23a: {  	[sflag:s23] =	ssyncset.done $0x0  }
0x23b: {  	s11 =	rddreg [dreg:$0xb];
	[sflag:s23] =	ssyncadd.s32 $0xFFFFD800  }
0x23c: {  	[spmem:s3] =	stream.indirect.scatter.add.f32 [tilespmem:s19], [sflag:$0x8], $0x80, s11, s15, $0xb8;
	[tilespmem:$0x1F880] =	vst v63  }
0x23d: {  	_ =	swait.ge [sflag:s24], $0x2800  }
0x23e: {  	[sflag:s24] =	ssyncset.done $0x0  }
0x23f: {  	s9 =	rddreg [dreg:$0xc];
	[sflag:s24] =	ssyncadd.s32 $0xFFFFD800  }
0x240: {  	[tilespmem:s16], [sflag:$0x1] =	stream.indirect.gather [hbm4b:s2+s15], $0x80, s9, s15, $0xb8;
	[tilespmem:$0x1F880] =	vst v63  }
0x241: {  	_ =	swait.ge [sflag:s25], $0x2800  }
0x242: {  	[sflag:s25] =	ssyncset.done $0x0  }
0x243: {  	s10 =	rddreg [dreg:$0xd];
	[sflag:s25] =	ssyncadd.s32 $0xFFFFD800  }
0x244: {  	[tilespmem:s17], [sflag:$0x2] =	stream.indirect.gather [hbm4b:s2+s15], $0x80, s10, s15, $0xb8;
	[tilespmem:$0x1F880] =	vst v63  }
0x245: {  	_ =	swait.ge [sflag:s26], $0x2800  }
0x246: {  	[sflag:s26] =	ssyncset.done $0x0  }
0x247: {  	s11 =	rddreg [dreg:$0xe];
	[sflag:s26] =	ssyncadd.s32 $0xFFFFD800  }
0x248: {  	[tilespmem:s18], [sflag:$0x3] =	stream.indirect.gather [hbm4b:s2+s15], $0x80, s11, s15, $0xb8;
	[tilespmem:$0x1F880] =	vst v63  }
0x249: {  	_ =	swait.ge [sflag:s28], $0x2800  }
0x24a: {  	[sflag:s28] =	ssyncset.done $0x0  }
0x24b: {  	s9 =	rddreg [dreg:$0xf];
	[sflag:s28] =	ssyncadd.s32 $0xFFFFD800  }
0x24c: {  	[tilespmem:s19], [sflag:$0x4] =	stream.indirect.gather [hbm4b:s2+s15], $0x80, s9, s15, $0xb8;
	[tilespmem:$0x1F880] =	vst v63  }
0x24d: {  	_ =	swait.ge [sflag:s20], $0x2800  }
0x24e: {  	[sflag:s20] =	ssyncset.done $0x0  }
0x24f: {  	s10 =	rddreg [dreg:$0x10];
	[sflag:s20] =	ssyncadd.s32 $0xFFFFD800  }
0x250: {  	[spmem:s3] =	stream.indirect.scatter.add.f32 [tilespmem:s16], [sflag:$0x5], $0x80, s10, s15, $0xb8;
	[tilespmem:$0x1F880] =	vst v63  }
0x251: {  	_ =	swait.ge [sflag:s21], $0x2800  }
0x252: {  	[sflag:s21] =	ssyncset.done $0x0  }
0x253: {  	s11 =	rddreg [dreg:$0x11];
	[sflag:s21] =	ssyncadd.s32 $0xFFFFD800  }
0x254: {  	[spmem:s3] =	stream.indirect.scatter.add.f32 [tilespmem:s17], [sflag:$0x6], $0x80, s11, s15, $0xb8;
	[tilespmem:$0x1F880] =	vst v63  }
0x255: {  	_ =	swait.ge [sflag:s22], $0x2800  }
0x256: {  	[sflag:s22] =	ssyncset.done $0x0  }
0x257: {  	s9 =	rddreg [dreg:$0x12];
	[sflag:s22] =	ssyncadd.s32 $0xFFFFD800  }
0x258: {  	[spmem:s3] =	stream.indirect.scatter.add.f32 [tilespmem:s18], [sflag:$0x7], $0x80, s9, s15, $0xb8;
	[tilespmem:$0x1F880] =	vst v63  }
0x259: {  	_ =	swait.ge [sflag:s23], $0x2800  }
0x25a: {  	[sflag:s23] =	ssyncset.done $0x0  }
0x25b: {  	s10 =	rddreg [dreg:$0x13];
	[sflag:s23] =	ssyncadd.s32 $0xFFFFD800  }
0x25c: {  	[spmem:s3] =	stream.indirect.scatter.add.f32 [tilespmem:s19], [sflag:$0x8], $0x80, s10, s15, $0xb8;
	[tilespmem:$0x1F880] =	vst v63  }
0x25d: {  	_ =	swait.ge [sflag:s24], $0x2800  }
0x25e: {  	[sflag:s24] =	ssyncset.done $0x0  }
0x25f: {  	s11 =	rddreg [dreg:$0x14];
	[sflag:s24] =	ssyncadd.s32 $0xFFFFD800  }
0x260: {  	[tilespmem:s16], [sflag:$0x1] =	stream.indirect.gather [hbm4b:s2+s15], $0x80, s11, s15, $0xb8;
	[tilespmem:$0x1F880] =	vst v63  }
0x261: {  	_ =	swait.ge [sflag:s25], $0x2800  }
0x262: {  	[sflag:s25] =	ssyncset.done $0x0  }
0x263: {  	s9 =	rddreg [dreg:$0x15];
	[sflag:s25] =	ssyncadd.s32 $0xFFFFD800  }
0x264: {  	[tilespmem:s17], [sflag:$0x2] =	stream.indirect.gather [hbm4b:s2+s15], $0x80, s9, s15, $0xb8;
	[tilespmem:$0x1F880] =	vst v63  }
0x265: {  	_ =	swait.ge [sflag:s26], $0x2800  }
0x266: {  	[sflag:s26] =	ssyncset.done $0x0  }
0x267: {  	s10 =	rddreg [dreg:$0x16];
	[sflag:s26] =	ssyncadd.s32 $0xFFFFD800  }
0x268: {  	[tilespmem:s18], [sflag:$0x3] =	stream.indirect.gather [hbm4b:s2+s15], $0x80, s10, s15, $0xb8;
	[tilespmem:$0x1F880] =	vst v63  }
0x269: {  	_ =	swait.ge [sflag:s28], $0x2800  }
0x26a: {  	[sflag:s28] =	ssyncset.done $0x0  }
0x26b: {  	s11 =	rddreg [dreg:$0x17];
	[sflag:s28] =	ssyncadd.s32 $0xFFFFD800  }
0x26c: {  	[tilespmem:s19], [sflag:$0x4] =	stream.indirect.gather [hbm4b:s2+s15], $0x80, s11, s15, $0xb8;
	[tilespmem:$0x1F880] =	vst v63  }
0x26d: {  	_ =	swait.ge [sflag:s20], $0x2800  }
0x26e: {  	[sflag:s20] =	ssyncset.done $0x0  }
0x26f: {  	s9 =	rddreg [dreg:$0x18];
	[sflag:s20] =	ssyncadd.s32 $0xFFFFD800  }
0x270: {  	[spmem:s3] =	stream.indirect.scatter.add.f32 [tilespmem:s16], [sflag:$0x5], $0x80, s9, s15, $0xb8;
	[tilespmem:$0x1F880] =	vst v63  }
0x271: {  	_ =	swait.ge [sflag:s21], $0x2800  }
0x272: {  	[sflag:s21] =	ssyncset.done $0x0  }
0x273: {  	s10 =	rddreg [dreg:$0x19];
	[sflag:s21] =	ssyncadd.s32 $0xFFFFD800  }
0x274: {  	[spmem:s3] =	stream.indirect.scatter.add.f32 [tilespmem:s17], [sflag:$0x6], $0x80, s10, s15, $0xb8;
	[tilespmem:$0x1F880] =	vst v63  }
0x275: {  	_ =	swait.ge [sflag:s22], $0x2800  }
0x276: {  	[sflag:s22] =	ssyncset.done $0x0  }
0x277: {  	s11 =	rddreg [dreg:$0x1a];
	[sflag:s22] =	ssyncadd.s32 $0xFFFFD800  }
0x278: {  	[spmem:s3] =	stream.indirect.scatter.add.f32 [tilespmem:s18], [sflag:$0x7], $0x80, s11, s15, $0xb8;
	[tilespmem:$0x1F880] =	vst v63  }
0x279: {  	_ =	swait.ge [sflag:s23], $0x2800  }
0x27a: {  	[sflag:s23] =	ssyncset.done $0x0  }
0x27b: {  	s9 =	rddreg [dreg:$0x1b];
	[sflag:s23] =	ssyncadd.s32 $0xFFFFD800  }
0x27c: {  	[spmem:s3] =	stream.indirect.scatter.add.f32 [tilespmem:s19], [sflag:$0x8], $0x80, s9, s15, $0xb8;
	[tilespmem:$0x1F880] =	vst v63  }
0x27d: {  	_ =	swait.ge [sflag:s24], $0x2800  }
0x27e: {  	[sflag:s24] =	ssyncset.done $0x0  }
0x27f: {  	s10 =	rddreg [dreg:$0x1c];
	[sflag:s24] =	ssyncadd.s32 $0xFFFFD800  }
0x280: {  	[tilespmem:s16], [sflag:$0x1] =	stream.indirect.gather [hbm4b:s2+s15], $0x80, s10, s15, $0xb8;
	[tilespmem:$0x1F880] =	vst v63  }
0x281: {  	_ =	swait.ge [sflag:s25], $0x2800  }
0x282: {  	[sflag:s25] =	ssyncset.done $0x0  }
0x283: {  	s11 =	rddreg [dreg:$0x1d];
	[sflag:s25] =	ssyncadd.s32 $0xFFFFD800  }
0x284: {  	[tilespmem:s17], [sflag:$0x2] =	stream.indirect.gather [hbm4b:s2+s15], $0x80, s11, s15, $0xb8;
	[tilespmem:$0x1F880] =	vst v63  }
0x285: {  	_ =	swait.ge [sflag:s26], $0x2800  }
0x286: {  	[sflag:s26] =	ssyncset.done $0x0  }
0x287: {  	s9 =	rddreg [dreg:$0x1e];
	[sflag:s26] =	ssyncadd.s32 $0xFFFFD800  }
0x288: {  	[tilespmem:s18], [sflag:$0x3] =	stream.indirect.gather [hbm4b:s2+s15], $0x80, s9, s15, $0xb8;
	[tilespmem:$0x1F880] =	vst v63  }
0x289: {  	_ =	swait.ge [sflag:s28], $0x2800  }
0x28a: {  	[sflag:s28] =	ssyncset.done $0x0  }
0x28b: {  	s10 =	rddreg [dreg:$0x1f];
	[sflag:s28] =	ssyncadd.s32 $0xFFFFD800  }
0x28c: {  	[tilespmem:s19], [sflag:$0x4] =	stream.indirect.gather [hbm4b:s2+s15], $0x80, s10, s15, $0xb8;
	[tilespmem:$0x1F880] =	vst v63  }
0x28d: {  	_ =	swait.ge [sflag:s20], $0x2800  }
0x28e: {  	s11 =	sld [smem:$0x7EB]  }
0x28f: {  	[sflag:s20] =	ssyncset.done $0x0  }
0x290: {  	[sflag:s20] =	ssyncadd.s32 $0xFFFFD800  }
0x291: {  	[spmem:s3] =	stream.indirect.scatter.add.f32 [tilespmem:s16], [sflag:$0x5], $0x80, s11, s15, $0xb8;
	[tilespmem:$0x1F880] =	vst v63  }
0x292: {  	_ =	swait.ge [sflag:s21], $0x2800  }
0x293: {  	s9 =	sld [smem:$0x7EC]  }
0x294: {  	[sflag:s21] =	ssyncset.done $0x0  }
0x295: {  	[sflag:s21] =	ssyncadd.s32 $0xFFFFD800  }
0x296: {  	[spmem:s3] =	stream.indirect.scatter.add.f32 [tilespmem:s17], [sflag:$0x6], $0x80, s9, s15, $0xb8;
	[tilespmem:$0x1F880] =	vst v63  }
0x297: {  	_ =	swait.ge [sflag:s22], $0x2800  }
0x298: {  	s10 =	sld [smem:$0x7EF]  }
0x299: {  	[sflag:s22] =	ssyncset.done $0x0  }
0x29a: {  	[sflag:s22] =	ssyncadd.s32 $0xFFFFD800  }
0x29b: {  	[spmem:s3] =	stream.indirect.scatter.add.f32 [tilespmem:s18], [sflag:$0x7], $0x80, s10, s15, $0xb8;
	[tilespmem:$0x1F880] =	vst v63  }
0x29c: {  	_ =	swait.ge [sflag:s23], $0x2800  }
0x29d: {  	s11 =	sld [smem:$0x7F0]  }
0x29e: {  	[sflag:s23] =	ssyncset.done $0x0  }
0x29f: {  	[sflag:s23] =	ssyncadd.s32 $0xFFFFD800  }
0x2a0: {  	[spmem:s3] =	stream.indirect.scatter.add.f32 [tilespmem:s19], [sflag:$0x8], $0x80, s11, s15, $0xb8;
	[tilespmem:$0x1F880] =	vst v63  }
0x2a1: {  	_ =	swait.ge [sflag:s24], $0x2800  }
0x2a2: {  	s9 =	sld [smem:$0x7F1]  }
0x2a3: {  	[sflag:s24] =	ssyncset.done $0x0  }
0x2a4: {  	[sflag:s24] =	ssyncadd.s32 $0xFFFFD800  }
0x2a5: {  	[tilespmem:s16], [sflag:$0x1] =	stream.indirect.gather [hbm4b:s2+s15], $0x80, s9, s15, $0xb8;
	[tilespmem:$0x1F880] =	vst v63  }
0x2a6: {  	_ =	swait.ge [sflag:s25], $0x2800  }
0x2a7: {  	s10 =	sld [smem:$0x7F2]  }
0x2a8: {  	[sflag:s25] =	ssyncset.done $0x0  }
0x2a9: {  	[sflag:s25] =	ssyncadd.s32 $0xFFFFD800  }
0x2aa: {  	[tilespmem:s17], [sflag:$0x2] =	stream.indirect.gather [hbm4b:s2+s15], $0x80, s10, s15, $0xb8;
	[tilespmem:$0x1F880] =	vst v63  }
0x2ab: {  	_ =	swait.ge [sflag:s26], $0x2800  }
0x2ac: {  	s11 =	sld [smem:$0x7F3]  }
0x2ad: {  	[sflag:s26] =	ssyncset.done $0x0  }
0x2ae: {  	[sflag:s26] =	ssyncadd.s32 $0xFFFFD800  }
0x2af: {  	[tilespmem:s18], [sflag:$0x3] =	stream.indirect.gather [hbm4b:s2+s15], $0x80, s11, s15, $0xb8;
	[tilespmem:$0x1F880] =	vst v63  }
0x2b0: {  	_ =	swait.ge [sflag:s28], $0x2800  }
0x2b1: {  	s9 =	sld [smem:$0x7F4]  }
0x2b2: {  	[sflag:s28] =	ssyncset.done $0x0  }
0x2b3: {  	[sflag:s28] =	ssyncadd.s32 $0xFFFFD800  }
0x2b4: {  	[tilespmem:s19], [sflag:$0x4] =	stream.indirect.gather [hbm4b:s2+s15], $0x80, s9, s15, $0xb8;
	[tilespmem:$0x1F880] =	vst v63  }
0x2b5: {  	_ =	swait.ge [sflag:s20], $0x2800  }
0x2b6: {  	s10 =	sld [smem:$0x7F5]  }
0x2b7: {  	[sflag:s20] =	ssyncset.done $0x0  }
0x2b8: {  	[sflag:s20] =	ssyncadd.s32 $0xFFFFD800  }
0x2b9: {  	[spmem:s3] =	stream.indirect.scatter.add.f32 [tilespmem:s16], [sflag:$0x5], $0x80, s10, s15, $0xb8;
	[tilespmem:$0x1F880] =	vst v63  }
0x2ba: {  	_ =	swait.ge [sflag:s21], $0x2800  }
0x2bb: {  	s11 =	sld [smem:$0x7F6]  }
0x2bc: {  	[sflag:s21] =	ssyncset.done $0x0  }
0x2bd: {  	[sflag:s21] =	ssyncadd.s32 $0xFFFFD800  }
0x2be: {  	[spmem:s3] =	stream.indirect.scatter.add.f32 [tilespmem:s17], [sflag:$0x6], $0x80, s11, s15, $0xb8;
	[tilespmem:$0x1F880] =	vst v63  }
0x2bf: {  	_ =	swait.ge [sflag:s22], $0x2800  }
0x2c0: {  	s9 =	sld [smem:$0x7F7]  }
0x2c1: {  	[sflag:s22] =	ssyncset.done $0x0  }
0x2c2: {  	[sflag:s22] =	ssyncadd.s32 $0xFFFFD800  }
0x2c3: {  	[spmem:s3] =	stream.indirect.scatter.add.f32 [tilespmem:s18], [sflag:$0x7], $0x80, s9, s15, $0xb8;
	[tilespmem:$0x1F880] =	vst v63  }
0x2c4: {  	_ =	swait.ge [sflag:s23], $0x2800  }
0x2c5: {  	s10 =	sld [smem:$0x7F8]  }
0x2c6: {  	[sflag:s23] =	ssyncset.done $0x0  }
0x2c7: {  	[sflag:s23] =	ssyncadd.s32 $0xFFFFD800  }
0x2c8: {  	[spmem:s3] =	stream.indirect.scatter.add.f32 [tilespmem:s19], [sflag:$0x8], $0x80, s10, s15, $0xb8;
	[tilespmem:$0x1F880] =	vst v63  }
0x2c9: {  	_ =	swait.ge [sflag:s24], $0x2800  }
0x2ca: {  	s11 =	sld [smem:$0x7F9]  }
0x2cb: {  	[sflag:s24] =	ssyncset.done $0x0  }
0x2cc: {  	[sflag:s24] =	ssyncadd.s32 $0xFFFFD800  }
0x2cd: {  	[tilespmem:s16], [sflag:$0x1] =	stream.indirect.gather [hbm4b:s2+s15], $0x80, s11, s15, $0xb8;
	[tilespmem:$0x1F880] =	vst v63  }
0x2ce: {  	_ =	swait.ge [sflag:s25], $0x2800  }
0x2cf: {  	s9 =	sld [smem:$0x7FA]  }
0x2d0: {  	[sflag:s25] =	ssyncset.done $0x0  }
0x2d1: {  	[sflag:s25] =	ssyncadd.s32 $0xFFFFD800  }
0x2d2: {  	[tilespmem:s17], [sflag:$0x2] =	stream.indirect.gather [hbm4b:s2+s15], $0x80, s9, s15, $0xb8;
	[tilespmem:$0x1F880] =	vst v63  }
0x2d3: {  	_ =	swait.ge [sflag:s26], $0x2800  }
0x2d4: {  	s10 =	sld [smem:$0x7FB]  }
0x2d5: {  	[sflag:s26] =	ssyncset.done $0x0  }
0x2d6: {  	[sflag:s26] =	ssyncadd.s32 $0xFFFFD800  }
0x2d7: {  	[tilespmem:s18], [sflag:$0x3] =	stream.indirect.gather [hbm4b:s2+s15], $0x80, s10, s15, $0xb8;
	[tilespmem:$0x1F880] =	vst v63  }
0x2d8: {  	_ =	swait.ge [sflag:s28], $0x2800  }
0x2d9: {  	s11 =	sld [smem:$0x7FC]  }
0x2da: {  	[sflag:s28] =	ssyncset.done $0x0  }
0x2db: {  	[sflag:s28] =	ssyncadd.s32 $0xFFFFD800  }
0x2dc: {  	[tilespmem:s19], [sflag:$0x4] =	stream.indirect.gather [hbm4b:s2+s15], $0x80, s11, s15, $0xb8;
	[tilespmem:$0x1F880] =	vst v63  }
0x2dd: {  	_ =	swait.ge [sflag:s20], $0x2800  }
0x2de: {  	[sflag:s20] =	ssyncset.done $0x0  }
0x2df: {  	[sflag:s20] =	ssyncadd.s32 $0xFFFFD800  }
0x2e0: {  	[spmem:s3] =	stream.indirect.scatter.add.f32 [tilespmem:s16], [sflag:$0x5], $0x80, s29, s15, $0xb8;
	[tilespmem:$0x1F880] =	vst v63  }
0x2e1: {  	_ =	swait.ge [sflag:s21], $0x2800  }
0x2e2: {  	[sflag:s21] =	ssyncset.done $0x0  }
0x2e3: {  	[sflag:s21] =	ssyncadd.s32 $0xFFFFD800  }
0x2e4: {  	[spmem:s3] =	stream.indirect.scatter.add.f32 [tilespmem:s17], [sflag:$0x6], $0x80, s30, s15, $0xb8;
	[tilespmem:$0x1F880] =	vst v63  }
0x2e5: {  	_ =	swait.ge [sflag:s22], $0x2800  }
0x2e6: {  	[sflag:s22] =	ssyncset.done $0x0  }
0x2e7: {  	[sflag:s22] =	ssyncadd.s32 $0xFFFFD800  }
0x2e8: {  	[spmem:s3] =	stream.indirect.scatter.add.f32 [tilespmem:s18], [sflag:$0x7], $0x80, s31, s15, $0xb8;
	[tilespmem:$0x1F880] =	vst v63  }
0x2e9: {  	_ =	swait.ge [sflag:s23], $0x2800  }
0x2ea: {  	[sflag:s23] =	ssyncset.done $0x0  }
0x2eb: {  	[sflag:s23] =	ssyncadd.s32 $0xFFFFD800  }
0x2ec: {  	[spmem:s3] =	stream.indirect.scatter.add.f32 [tilespmem:s19], [sflag:$0x8], $0x80, s1, s15, $0xb8;
	[tilespmem:$0x1F880] =	vst v63  }
0x2ed: {  	_ =	swait.ge [sflag:s24], $0x2800  }
0x2ee: {  	[sflag:s24] =	ssyncset.done $0x0  }
0x2ef: {  	[sflag:s24] =	ssyncadd.s32 $0xFFFFD800  }
0x2f0: {  	[tilespmem:s16], [sflag:$0x1] =	stream.indirect.gather [hbm4b:s2+s15], $0x80, s6, s15, $0xb8;
	[tilespmem:$0x1F880] =	vst v63  }
0x2f1: {  	_ =	swait.ge [sflag:s25], $0x2800  }
0x2f2: {  	[sflag:s25] =	ssyncset.done $0x0  }
0x2f3: {  	[sflag:s25] =	ssyncadd.s32 $0xFFFFD800  }
0x2f4: {  	_ =	swait.ge [sflag:s26], $0x2800  }
0x2f5: {  	[sflag:s26] =	ssyncset.done $0x0  }
0x2f6: {  	[sflag:s26] =	ssyncadd.s32 $0xFFFFD800  }
0x2f7: {  	_ =	swait.ge [sflag:s28], $0x2800  }
0x2f8: {  	[sflag:s28] =	ssyncset.done $0x0  }
0x2f9: {  	[sflag:s28] =	ssyncadd.s32 $0xFFFFD800  }
0x2fa: {  	_ =	swait.ge [sflag:s20], $0x2800  }
0x2fb: {  	[sflag:s20] =	ssyncset.done $0x0  }
0x2fc: {  	[sflag:s20] =	ssyncadd.s32 $0xFFFFD800  }
0x2fd: {  	[spmem:s3] =	stream.indirect.scatter.add.f32 [tilespmem:s16], [sflag:$0xA], $0x80, s7, s15, $0xb8;
	[tilespmem:$0x1F880] =	vst v63  }
0x2fe: {  	_ =	swait.ge [sflag:s13], $0x2800  }
0x2ff: {  	[sflag:s13] =	ssyncset.done $0x0  }
0x300: {  	[sflag:s13] =	ssyncadd.s32 $0xFFFFD800  }
0x301: {  	[bflag:$0x0] =	sbarrier.arrive $0xFFFF  }
0x302: {  	s9 =	sld [smem:$0x7E9];
	_ =	sdelay $0x1  }
0x303: {  	s5 =	simm.s32 @p0 $0x1FCA  }
0x304: {  	[hbm:s9], [sflag:s5] =	dma.local @p0 [spmem:s12], $0x2800  }
0x305: {  	s5 =	simm.s32 @p0 $0xA  }
0x306: {  	_ =	swait.ge @p0 [sflag:s5], $0x2800  }
0x307: {  	[sflag:s5] =	ssyncset.done @p0 $0x0;
	s9 =	sld [smem:$0x7E8]  }
0x308: {  	[sflag:s5] =	ssyncadd.s32 @p0 $0xFFFFD800;
	s5 =	sld [smem:$0x7ED]  }
0x309: {  	s11 =	sld [smem:$0x7FD];
	_ =	sdelay $0x1  }
0x30a: {  	s5 =	sor.u32 @!p0 $0x1C0A, s5  }
0x30b: {  	[hbm:s9], [sflag:s5] =	dma.local @!p0 [spmem:s11], $0x2700  }
0x30c: {  	s5 =	simm.s32 @!p0 $0xA  }
0x30d: {  	_ =	swait.ge @!p0 [sflag:s5], $0x2700  }
0x30e: {  	s10 =	smov.u32 s12;
	s12 =	sld [smem:$0x7EA];
	_ =	sdelay $0x1  }
0x30f: {  	s8 =	sadd.s32 $0x1, s8  }
0x310: {  	p1 =	sne.s32 s8, s12  }
.Ltmp1:
0x311: {  	_ = 	snop;
	(pc) =	sbr.rel @p1 .LBB2_1-.Ltmp1, $3  }
0x312: {  	_ =	sdelay $0x1  }
0x313: {  	[sflag:s5] =	ssyncset.done @!p0 $0x0  }
0x314: {  	[sflag:s5] =	ssyncadd.s32 @!p0 $0xFFFFD900  }
0x315: {  	_ =	sfence.sel $0x180000  }
0x316: {  	[bflag:$0x0] =	sbarrier.arrive $0xFFFF  }
0x317: {  	_ =	strace $0x9000004D  }
0x318: {  	[bflag:$0x2] =	sbarrier.arrive $0xFFFF  }
0x319: {  	p0 =	sne.s32 s0, $0x0;
	s0 =	rddreg [dreg:$0x3]  }
0x31a: {  	s0 =	sadd.s32 @!p0 $0x100000, s0  }
0x31b: {  	[sflag:s0] =	ssyncadd.tile.s32 @!p0 $0x1;
	_ =	shalt  }
.Lfunc_end2:
_tile_overlayer_lowered:
.L_overlay_start_2:
0x31c: {  	(tag) =	ssettag $0x2  }
0x31d: {  	s0 =	rddreg [dreg:$0x0];
	s2 =	stileid.u32  }
0x31e: {  	s1 =	rddreg [dreg:$0x1];
	p0 =	sne.s32 s2, $0x0  }
0x31f: {  	s3 =	rddreg [dreg:$0x2];
	[bflag:$0x3] =	sbarrier.arrive $0xFFFF;
	s2 =	simm.s32 @!p0 $0x1C0A  }
0x320: {  	[timem:s3], [sflag:s2] =	dma.local @!p0 [hbm:s0], s1  }
0x321: {  	s0 =	simm.s32 @!p0 $0xA  }
0x322: {  	_ =	swait.ge @!p0 [sflag:s0], s1  }
0x323: {  	s1 =	ssub.s32 @!p0 $0x0, s1;
	[sflag:s0] =	ssyncset.done @!p0 $0x0  }
0x324: {  	[sflag:s0] =	ssyncadd.s32 @!p0 s1  }
0x325: {  	[bflag:$0x3] =	sbarrier.arrive $0xFFFF  }
0x326: {  	_ =	shalt  }

// kernel: kernel.8.cloned.1.call-start
scs
__scs_entry_jumppad:
0x0: {  	(pc) =	sbr.rel $0x88, $3  }
0x1: {  	(tag) =	ssettag $0x0;
	lr =	simm.s32 $0x1  }
0x2: {  	[smem:$0x3F96] =	sst lr;
	_ =	strace $0xD0000000  }
0x3: {  	_ = 	snop  }
0x4: {  	_ = 	snop  }
0x5: {  	_ = 	snop  }
0x6: {  	_ = 	snop  }
0x7: {  	_ = 	snop  }
__scs_overlays_trampoline_lowered:
0x8: {  	[smem:$0x3FA5] =	sst s0  }
0x9: {  	[smem:$0x3FA6] =	sst s1  }
0xa: {  	[smem:$0x3FA7] =	sst s2  }
0xb: {  	[smem:$0x3FA8] =	sst s3  }
0xc: {  	[smem:$0x3FA9] =	sst s4  }
0xd: {  	[smem:$0x3FAA] =	sst s5  }
0xe: {  	[smem:$0x3FAB] =	sst s6  }
0xf: {  	[smem:$0x3FAC] =	sst s7  }
0x10: {  	[smem:$0x3FAD] =	sst s8  }
0x11: {  	[smem:$0x3FAE] =	sst s9;
	s0 =	simm.s32 @!p0 $0x0  }
0x12: {  	s1 =	sld [smem:$0x3F94];
	s0 =	simm.s32 @p0 $0x1  }
0x13: {  	[smem:$0x3FAF] =	sst s0;
	s0 =	simm.s32 @!p1 $0x0  }
0x14: {  	s2 =	sld [smem:$0x3F93];
	s0 =	simm.s32 @p1 $0x1  }
0x15: {  	[smem:$0x3FB0] =	sst s0;
	s0 =	simm.s32 @!p2 $0x0  }
0x16: {  	s3 =	sld [smem:$0x3FDB];
	s0 =	simm.s32 @p2 $0x1  }
0x17: {  	s4 =	simm.s32 $0x1BF5;
	[smem:$0x3FB2] =	sst s0  }
0x18: {  	s0 =	sld [smem:$0x3F95];
	_ =	swait.ge [sflag:s4], $0x0  }
0x19: {  	s7 =	sld [smem:$0x3F96]  }
0x1a: {  	s8 =	sadd.s32 $0xFFFFE003, lr  }
0x1b: {  	s9 =	sadd.s32 $0xFFFFFEF7, lr;
	s5 =	simm.s32 $0xFFFFFFFF;
	p2 =	slt.u32 s8, $0xFFFFF086  }
0x1c: {  	p1 =	slt.u32 s9, $0xF7A;
	s5 =	simm.s32 @!p2 $0x0  }
0x1d: {  	s5 =	simm.s32 @p1 $0x1;
	p0 =	seq.s32 s7, s2  }
0x1e: {  	s7 =	smul.u32 @!p0 $0xF7A, s2;
	p2 =	seq.s32 @!p0 s5, $0x0  }
0x1f: {  	s9 =	smul.u32 $0xF7A, s1;
	s8 =	simm.s32 @!p0 $0x1BF5;
	p2 =	por !p2, p0  }
0x20: {  	[sflag:s8] =	ssyncset.s32 @!p0 $0xFFFFF086;
	s6 =	sadd.s32 @!p0 s3, s7;
	s7 =	simm.s32 @!p0 $0x108  }
0x21: {  	s3 =	sadd.s32 s3, s9;
	s6 =	sadd.s32 @!p0 $0x88, s6;
	s7 =	simm.s32 @p2 $0x1082  }
0x22: {  	[simem:s7], [sflag:s8] =	dma.local @!p0 [hbm:s6], $0xF7A  }
0x23: {  	s9 =	sor.u32 $0xD0000000, s2;
	s6 =	simm.s32 $0x108;
	_ =	swait.ge @!p0 [sflag:s8], $0x0  }
0x24: {  	s3 =	sadd.s32 $0x88, s3;
	s6 =	simm.s32 @!p1 $0x1082;
	[sflag:s4] =	ssyncset.s32 $0xFFFFF086  }
0x25: {  	[simem:s6], [sflag:s4] =	dma.local [hbm:s3], $0xF7A  }
0x26: {  	[smem:$0x3F96] =	sst s1;
	(tag) =	ssettag s2;
	_ =	strace s9  }
0x27: {  	s1 =	sld [smem:$0x3FA6]  }
0x28: {  	s2 =	sld [smem:$0x3FA7]  }
0x29: {  	s4 =	sld [smem:$0x3FA9]  }
0x2a: {  	p0 =	seq.s32 s5, $0x0;
	s5 =	sld [smem:$0x3FAA]  }
0x2b: {  	s6 =	sld [smem:$0x3FAB]  }
0x2c: {  	s7 =	sld [smem:$0x3FAC]  }
0x2d: {  	s3 =	simm.s32 $0x108;
	s8 =	sld [smem:$0x3FAD]  }
0x2e: {  	s3 =	simm.s32 @!p0 $0x1082;
	s9 =	sld [smem:$0x3FAE]  }
0x2f: {  	lr =	sadd.s32 s0, s3;
	s0 =	sld [smem:$0x3FA5]  }
0x30: {  	s3 =	sld [smem:$0x3FA8]  }
0x31: {  	[smem:$0x3FB1] =	sst s10  }
0x32: {  	s10 =	sld [smem:$0x3FAF];
	_ =	sdelay $0x3  }
0x33: {  	p0 =	seq.s32 s10, $0x1;
	s10 =	sld [smem:$0x3FB1];
	_ =	sdelay $0x3  }
0x34: {  	[smem:$0x3FB1] =	sst s10  }
0x35: {  	s10 =	sld [smem:$0x3FB0];
	_ =	sdelay $0x3  }
0x36: {  	p1 =	seq.s32 s10, $0x1;
	s10 =	sld [smem:$0x3FB1];
	_ =	sdelay $0x3  }
0x37: {  	[smem:$0x3FB1] =	sst s10  }
0x38: {  	s10 =	sld [smem:$0x3FB2]  }
0x39: {  	_ = 	snop;
	(pc) =	sbr.ind lr, $3  }
0x3a: {  	_ = 	snop  }
0x3b: {  	_ = 	snop  }
0x3c: {  	p2 =	seq.s32 s10, $0x1;
	s10 =	sld [smem:$0x3FB1]  }
0x3d: {  	_ =	shalt  }
0x3e: {  	_ =	shalt  }
0x3f: {  	_ =	shalt  }
0x40: {  	_ =	shalt  }
0x41: {  	_ =	shalt  }
0x42: {  	_ =	shalt  }
0x43: {  	_ =	shalt  }
0x44: {  	_ =	shalt  }
0x45: {  	_ =	shalt  }
0x46: {  	_ =	shalt  }
0x47: {  	_ =	shalt  }
0x48: {  	_ =	shalt  }
0x49: {  	_ =	shalt  }
0x4a: {  	_ =	shalt  }
0x4b: {  	_ =	shalt  }
0x4c: {  	_ =	shalt  }
0x4d: {  	_ =	shalt  }
0x4e: {  	_ =	shalt  }
0x4f: {  	_ =	shalt  }
0x50: {  	_ =	shalt  }
0x51: {  	_ =	shalt  }
0x52: {  	_ =	shalt  }
0x53: {  	_ =	shalt  }
0x54: {  	_ =	shalt  }
0x55: {  	_ =	shalt  }
0x56: {  	_ =	shalt  }
0x57: {  	_ =	shalt  }
0x58: {  	_ =	shalt  }
0x59: {  	_ =	shalt  }
0x5a: {  	_ =	shalt  }
0x5b: {  	_ =	shalt  }
0x5c: {  	_ =	shalt  }
0x5d: {  	_ =	shalt  }
0x5e: {  	_ =	shalt  }
0x5f: {  	_ =	shalt  }
0x60: {  	_ =	shalt  }
0x61: {  	_ =	shalt  }
0x62: {  	_ =	shalt  }
0x63: {  	_ =	shalt  }
0x64: {  	_ =	shalt  }
0x65: {  	_ =	shalt  }
0x66: {  	_ =	shalt  }
0x67: {  	_ =	shalt  }
0x68: {  	_ =	shalt  }
0x69: {  	_ =	shalt  }
0x6a: {  	_ =	shalt  }
0x6b: {  	_ =	shalt  }
0x6c: {  	_ =	shalt  }
0x6d: {  	_ =	shalt  }
0x6e: {  	_ =	shalt  }
0x6f: {  	_ =	shalt  }
0x70: {  	_ =	shalt  }
0x71: {  	_ =	shalt  }
0x72: {  	_ =	shalt  }
0x73: {  	_ =	shalt  }
0x74: {  	_ =	shalt  }
0x75: {  	_ =	shalt  }
0x76: {  	_ =	shalt  }
0x77: {  	_ =	shalt  }
0x78: {  	_ =	shalt  }
0x79: {  	_ =	shalt  }
0x7a: {  	_ =	shalt  }
0x7b: {  	_ =	shalt  }
0x7c: {  	_ =	shalt  }
0x7d: {  	_ =	shalt  }
0x7e: {  	_ =	shalt  }
0x7f: {  	_ =	shalt  }
0x80: {  	_ =	shalt  }
0x81: {  	_ =	shalt  }
0x82: {  	_ =	shalt  }
0x83: {  	_ =	shalt  }
0x84: {  	_ =	shalt  }
0x85: {  	_ =	shalt  }
0x86: {  	_ =	shalt  }
0x87: {  	_ =	shalt  }
.Lfunc_end0:
.L_simem_size_0:
called_computation_lowered:
.L_overlay_start_0:
0x88: {  	s2 =	sld [smem:$0x3FD9]  }
0x89: {  	s3 =	sld [smem:$0x3FFE];
	_ =	sdelay $0x1  }
0x8a: {  	s1 =	srdreg.scid  }
0x8b: {  	s0 =	sand.u32 $0x1, s1  }
0x8c: {  	s17 =	sshll.u32 s0, $0xA;
	s2 =	sadd.s32 s3, s2  }
0x8d: {  	s2 =	sadd.s32 s2, s17  }
0x8e: {  	[smem:$0x3FBD] =	sst s2  }
0x8f: {  	_ = 	snop  }
0x90: {  	s2 =	sld [smem:$0x3FD0];
	(tm) =	ssettm $0x1  }
0x91: {  	s18 =	sld [smem:$0x3FFB];
	_ =	sdelay $0x3  }
0x92: {  	_ =	strace s18  }
0x93: {  	s3 =	sld [smem:$0x3FFC];
	_ =	sdelay $0x3  }
0x94: {  	_ =	strace s3  }
0x95: {  	s3 =	sld [smem:$0x3FFD];
	_ =	sdelay $0x3  }
0x96: {  	_ =	strace s3  }
0x97: {  	_ =	strace $0x8FFFFFFF  }
0x98: {  	s19 =	sld [smem:$0x3FDB];
	_ =	sdelay $0x1  }
0x99: {  	s4 =	simm.s32 $_scs_section_size  }
0x9a: {  	s5 =	simm.s32 $_size__tile_overlayer_lowered;
	s6 =	simm.s32 $_tile_overlayer_lowered  }
0x9b: {  	s22 =	simm.s32 $0x1BFF;
	s21 =	sshll.u32 s6, $0x1;
	s3 =	sadd.s32 s4, s19  }
0x9c: {  	s7 =	simm.s32 $0x0;
	s20 =	sshll.u32 s5, $0x1;
	s5 =	sadd.s32 s21, s3  }
0x9d: {  	[timem:s7], [sflag:s22] =	dma.local [hbm:s5], s20  }
0x9e: {  	_ =	swait.ge [sflag:s22], s20  }
0x9f: {  	s4 =	ssub.s32 $0x0, s20;
	[sflag:s22] =	ssyncset.done $0x0  }
0xa0: {  	[sflag:s22] =	ssyncadd.s32 s4;
	_ =	sdelay $0x1  }
0xa1: {  	s23 =	simm.s32 $0x1B8B  }
0xa2: {  	_ =	swait.ge [sflag:s23], $0x1  }
0xa3: {  	[sflag:s23] =	ssyncset.done $0x0  }
0xa4: {  	s25 =	simm.s32 $0x1B8E;
	s24 =	sld [smem:$0x3FFE];
	[sflag:s23] =	ssyncadd.s32 $0xFFFFFFFF  }
0xa5: {  	s26 =	simm.s32 $execute0_lowered;
	[smem:$0x3FD2] =	sst s25  }
0xa6: {  	s5 =	sshll.u32 s26, $0x1;
	_ =	strace $0x80000046;
	[dreg:$0x1] =	wrdreg $0xFFFFFFFF  }
0xa7: {  	s28 =	simm.s32 $_size_execute0_lowered;
	s3 =	sadd.s32 s3, s5;
	[dreg:$0x0] =	wrdreg $0x0  }
0xa8: {  	s5 =	sshll.u32 s28, $0x1;
	[dreg:$0x2] =	wrdreg s3  }
0xa9: {  	[dreg:$0x3] =	wrdreg s5  }
0xaa: {  	[dreg:$0x4] =	wrdreg $0xC0  }
0xab: {  	_ =	task [dreg:s7], $0x5FFFF  }
0xac: {  	[dreg:$0x1] =	wrdreg $0xFFFFFFFF  }
0xad: {  	[dreg:$0x0] =	wrdreg $0x60  }
0xae: {  	[dreg:$0x2] =	wrdreg s2  }
0xaf: {  	[dreg:$0x3] =	wrdreg s24  }
0xb0: {  	[dreg:$0x4] =	wrdreg $0x40800  }
0xb1: {  	[dreg:$0x5] =	wrdreg $0x9  }
0xb2: {  	_ =	task.clear_ibuf [dreg:s7], $0x6FFFF;
	_ =	strace $0x90000046  }
0xb3: {  	s29 =	simm.s32 $0x9;
	_ =	strace $0x80000048  }
0xb4: {  	_ =	swait.ge [sflag:s29], $0x1  }
0xb5: {  	[sflag:s29] =	ssyncadd.s32 $0xFFFFFFFF  }
0xb6: {  	_ =	strace $0x90000048  }
0xb7: {  	_ =	sfence  }
0xb8: {  	s30 =	sld [smem:$0x0];
	_ =	sdelay $0x2  }
0xb9: {  	s31 =	sshll.u32 s1, $0xD;
	s1 =	sshrl.u32 s1, $0x2  }
0xba: {  	s3 =	sand.u32 $0x4000, s31;
	s1 =	sadd.s32 s1, s30  }
0xbb: {  	s0 =	sor.u32 s3, s0;
	s1 =	sshll.u32 s1, $0x11  }
0xbc: {  	s0 =	sor.u32 s1, s0  }
0xbd: {  	s0 =	sadd.s32 $0x8F2B, s0  }
0xbe: {  	[sflag:s0] =	ssyncadd.remote.s32 $0x1  }
0xbf: {  	_ =	sfence.sel $0xFFFF  }
0xc0: {  	[dreg:$0x0] =	wrdreg $0xFFFFFFFF;
	(pc) =	sbr.abs _section_cstart, $3  }
0xc1: {  	[dreg:$0x1] =	wrdreg $0xFFFFFFFF  }
0xc2: {  	_ =	task.clear_ibuf [dreg:s7], $0x2FFFF;
	_ =	strace $0x9FFFFFFF  }
0xc3: {  	(tm) =	ssettm $0x7FFFFFFF  }
tec
execute0_lowered:
.L_overlay_start_1:
0x0: {  	(tag) =	ssettag $0x1  }
0x1: {  	s5 =	rddreg [dreg:$0x0]  }
0x2: {  	s6 =	rddreg [dreg:$0x1]  }
0x3: {  	s1 =	rddreg [dreg:$0x2]  }
0x4: {  	s0 =	rddreg [dreg:$0x3]  }
0x5: {  	s2 =	simm.s32 $0x0;
	s4 =	srdreg.scid;
	s9 =	stileid.u32  }
0x6: {  	s12 =	simm.s32 $0x1;
	s13 =	simm.s32 $0x2;
	s14 =	simm.s32 $0x3  }
0x7: {  	s15 =	simm.s32 $0x4;
	s16 =	simm.s32 $0x3E00;
	s17 =	simm.s32 $0x0  }
0x8: {  	[smem:$0x7FF] =	sst s2;
	s3 =	sadd.s32 $0x2E00, s6;
	s7 =	sand.u32 $0x1, s4  }
0x9: {  	s4 =	sadd.s32 $0x3000, s6;
	s10 =	sshll.u32 s9, $0xB;
	p0 =	sne.s32 s9, $0x0  }
0xa: {  	s9 =	simm.s32 $0x5;
	_ =	strace $0x80000047;
	s8 =	sshll.u32 s7, $0x4  }
0xb: {  	s31 =	ssub.s32 $0x2, s7;
	s7 =	sshll.u32 s7, $0xF;
	s5 =	sadd.s32 s5, s10  }
0xc: {  	s10 =	simm.s32 $0x4000;
	s6 =	sadd.s32 s8, s6;
	s11 =	sshrl.u32 s31, $0x1  }
0xd: {  	s5 =	sadd.s32 s7, s5;
	s8 =	ssub.s32 s31, s11;
	s6 =	sadd.s32 $0x3600, s6  }
0xe: {  	s11 =	simm.s32 $0x50;
	s7 =	smax.u32 s8, $0x1;
	s8 =	sshrl.u32 @!p0 s1, $0x3  }
.LBB2_1:
0xf: {  	s18 =	simm.s32 @!p0 $0x1C05  }
0x10: {  	[spmem:s8], [sflag:s18] =	dma.local @!p0 [hbm:s4], $0x4F0  }
0x11: {  	s18 =	simm.s32 @!p0 $0x5  }
0x12: {  	_ =	swait.ge @!p0 [sflag:s18], $0x4F0  }
0x13: {  	[sflag:s18] =	ssyncset.done @!p0 $0x0  }
0x14: {  	[sflag:s18] =	ssyncadd.s32 @!p0 $0xFFFFFB10  }
0x15: {  	[tilespmem:s2], [sflag:$0x5] =	stream.linear.gather [hbm4b:s5+s2], $0x3E80, $0x38;
	[tilespmem:$0x42F8] =	vst v63  }
0x16: {  	_ =	swait.ge [sflag:s9], $0x3E80  }
0x17: {  	[sflag:s9] =	ssyncset.done $0x0  }
0x18: {  	[sflag:s9] =	ssyncadd.s32 $0xFFFFC180  }
0x19: {  	[tilespmem:s10], [sflag:$0x5] =	stream.linear.gather [hbm4b:s3+s2], $0x80, $0x38;
	[tilespmem:$0x42F8] =	vst v63  }
0x1a: {  	_ =	swait.ge [sflag:s9], $0x80  }
0x1b: {  	[sflag:s9] =	ssyncset.done $0x0  }
0x1c: {  	[sflag:s9] =	ssyncadd.s32 $0xFFFFFF80  }
0x1d: {  	s28 =	simm.s32 $0x0;
	[bflag:$0x0] =	sbarrier.arrive $0xFFFF  }
0x1e: {  	[spmem:s1] =	stream.indirect.scatter.add.f32 [tilespmem:s10], [sflag:$0x1], $0x1, s28, s11, $0xb8;
	[tilespmem:$0x42F8] =	vst v63  }
0x1f: {  	s29 =	simm.s32 $0x80  }
0x20: {  	[spmem:s1] =	stream.indirect.scatter.add.f32 [tilespmem:s10], [sflag:$0x2], $0x1, s29, s11, $0xb8;
	[tilespmem:$0x42F8] =	vst v63  }
0x21: {  	s30 =	simm.s32 $0x100  }
0x22: {  	[spmem:s1] =	stream.indirect.scatter.add.f32 [tilespmem:s10], [sflag:$0x3], $0x1, s30, s11, $0xb8;
	[tilespmem:$0x42F8] =	vst v63  }
0x23: {  	s31 =	simm.s32 $0x180  }
0x24: {  	[spmem:s1] =	stream.indirect.scatter.add.f32 [tilespmem:s10], [sflag:$0x4], $0x1, s31, s11, $0xb8;
	[tilespmem:$0x42F8] =	vst v63  }
0x25: {  	_ =	swait.ge [sflag:s12], $0x50  }
0x26: {  	[sflag:s12] =	ssyncset.done $0x0  }
0x27: {  	[sflag:s12] =	ssyncadd.s32 $0xFFFFFFB0  }
0x28: {  	_ =	swait.ge [sflag:s13], $0x50  }
0x29: {  	[sflag:s13] =	ssyncset.done $0x0  }
0x2a: {  	[sflag:s13] =	ssyncadd.s32 $0xFFFFFFB0  }
0x2b: {  	_ =	swait.ge [sflag:s14], $0x50  }
0x2c: {  	[sflag:s14] =	ssyncset.done $0x0  }
0x2d: {  	[sflag:s14] =	ssyncadd.s32 $0xFFFFFFB0  }
0x2e: {  	_ =	swait.ge [sflag:s15], $0x50  }
0x2f: {  	s19 =	simm.s32 $0x1000;
	s18 =	simm.s32 $0x800;
	[sflag:s15] =	ssyncset.done $0x0  }
.LBB2_2:
0x30: {  	s20 =	sshra.s32 s18, $0x2  }
0x31: {  	[sflag:s15] =	ssyncadd.s32 $0xFFFFFFB0;
	s18 =	smov.u32 s19;
	s21 =	sadd.s32 $0x800, s19  }
0x32: {  	[spmem:s1] =	stream.indirect.scatter.add.f32 [tilespmem:s10], [sflag:$0x1], $0x1, s20, s11, $0xb8;
	[tilespmem:$0x42F8] =	vst v63  }
0x33: {  	p1 =	sne.s32 s19, $0xF000;
	s19 =	sadd.s32 $0x80, s20  }
0x34: {  	[spmem:s1] =	stream.indirect.scatter.add.f32 [tilespmem:s10], [sflag:$0x2], $0x1, s19, s11, $0xb8;
	[tilespmem:$0x42F8] =	vst v63  }
0x35: {  	s19 =	sadd.s32 $0x100, s20  }
0x36: {  	[spmem:s1] =	stream.indirect.scatter.add.f32 [tilespmem:s10], [sflag:$0x3], $0x1, s19, s11, $0xb8;
	[tilespmem:$0x42F8] =	vst v63  }
0x37: {  	s19 =	sadd.s32 $0x180, s20  }
0x38: {  	[spmem:s1] =	stream.indirect.scatter.add.f32 [tilespmem:s10], [sflag:$0x4], $0x1, s19, s11, $0xb8;
	[tilespmem:$0x42F8] =	vst v63  }
0x39: {  	_ =	swait.ge [sflag:s12], $0x50  }
0x3a: {  	[sflag:s12] =	ssyncset.done $0x0  }
0x3b: {  	[sflag:s12] =	ssyncadd.s32 $0xFFFFFFB0  }
0x3c: {  	_ =	swait.ge [sflag:s13], $0x50  }
0x3d: {  	[sflag:s13] =	ssyncset.done $0x0  }
0x3e: {  	[sflag:s13] =	ssyncadd.s32 $0xFFFFFFB0  }
.Ltmp0:
0x3f: {  	_ =	swait.ge [sflag:s14], $0x50;
	(pc) =	sbr.rel @p1 .LBB2_2-.Ltmp0, $4  }
0x40: {  	[sflag:s14] =	ssyncset.done $0x0  }
0x41: {  	[sflag:s14] =	ssyncadd.s32 $0xFFFFFFB0  }
0x42: {  	_ =	swait.ge [sflag:s15], $0x50  }
0x43: {  	s19 =	smov.u32 s21;
	[sflag:s15] =	ssyncset.done $0x0  }
0x44: {  	s18 =	sshra.s32 s18, $0x2;
	[sflag:s15] =	ssyncadd.s32 $0xFFFFFFB0  }
0x45: {  	[spmem:s1] =	stream.indirect.scatter.add.f32 [tilespmem:s10], [sflag:$0x1], $0x1, s18, s11, $0xb8;
	[tilespmem:$0x42F8] =	vst v63  }
0x46: {  	s19 =	sadd.s32 $0x80, s18  }
0x47: {  	[spmem:s1] =	stream.indirect.scatter.add.f32 [tilespmem:s10], [sflag:$0x2], $0x1, s19, s11, $0xb8;
	[tilespmem:$0x42F8] =	vst v63  }
0x48: {  	s31 =	sadd.s32 $0x100, s18  }
0x49: {  	[spmem:s1] =	stream.indirect.scatter.add.f32 [tilespmem:s10], [sflag:$0x3], $0x1, s31, s11, $0xb8;
	[tilespmem:$0x42F8] =	vst v63  }
0x4a: {  	s18 =	sadd.s32 $0x180, s18  }
0x4b: {  	[spmem:s1] =	stream.indirect.scatter.add.f32 [tilespmem:s10], [sflag:$0x4], $0x1, s18, s11, $0xb8;
	[tilespmem:$0x42F8] =	vst v63  }
0x4c: {  	_ =	swait.ge [sflag:s12], $0x50  }
0x4d: {  	[sflag:s12] =	ssyncset.done $0x0  }
0x4e: {  	[sflag:s12] =	ssyncadd.s32 $0xFFFFFFB0  }
0x4f: {  	_ =	swait.ge [sflag:s13], $0x50  }
0x50: {  	[sflag:s13] =	ssyncset.done $0x0  }
0x51: {  	[sflag:s13] =	ssyncadd.s32 $0xFFFFFFB0  }
0x52: {  	_ =	swait.ge [sflag:s14], $0x50  }
0x53: {  	[sflag:s14] =	ssyncset.done $0x0  }
0x54: {  	[sflag:s14] =	ssyncadd.s32 $0xFFFFFFB0  }
0x55: {  	_ =	swait.ge [sflag:s15], $0x50  }
0x56: {  	[sflag:s15] =	ssyncset.done $0x0  }
0x57: {  	[sflag:s15] =	ssyncadd.s32 $0xFFFFFFB0  }
0x58: {  	[spmem:s1] =	stream.indirect.scatter.add.f32 [tilespmem:s10], [sflag:$0x5], $0x1, s16, s11, $0xb8;
	[tilespmem:$0x42F8] =	vst v63  }
0x59: {  	_ =	swait.ge [sflag:s9], $0x50  }
0x5a: {  	s20 =	simm.s32 @!p0 $0x10;
	s17 =	sadd.s32 $0x1, s17;
	[sflag:s9] =	ssyncset.done $0x0  }
0x5b: {  	s21 =	simm.s32 @!p0 $0x1C05;
	p1 =	sne.s32 s17, s7;
	[sflag:s9] =	ssyncadd.s32 $0xFFFFFFB0  }
0x5c: {  	s19 =	simm.s32 @!p0 $0x20;
	s18 =	simm.s32 @!p0 $0x1;
	[bflag:$0x0] =	sbarrier.arrive $0xFFFF  }
0x5d: {  	[hbm:s6@s19], [sflag:s21] =	dma.strided @!p0 [spmem:s8@s20], $0x4F0, s18, $0x10   }
.Ltmp1:
0x5e: {  	_ = 	snop;
	(pc) =	sbr.rel @p1 .LBB2_1-.Ltmp1, $4  }
0x5f: {  	s18 =	simm.s32 @!p0 $0x5  }
0x60: {  	_ =	swait.ge @!p0 [sflag:s18], $0x4F0  }
0x61: {  	[sflag:s18] =	ssyncset.done @!p0 $0x0  }
0x62: {  	[sflag:s18] =	ssyncadd.s32 @!p0 $0xFFFFFB10  }
0x63: {  	_ =	sfence.sel $0x180000  }
0x64: {  	[bflag:$0x0] =	sbarrier.arrive $0xFFFF  }
0x65: {  	_ =	strace $0x90000047  }
0x66: {  	s0 =	sadd.s32 @!p0 $0x100000, s0;
	[bflag:$0x2] =	sbarrier.arrive $0xFFFF  }
0x67: {  	[sflag:s0] =	ssyncadd.tile.s32 @!p0 $0x1;
	_ =	shalt  }
.Lfunc_end2:
_tile_overlayer_lowered:
.L_overlay_start_2:
0x68: {  	(tag) =	ssettag $0x2  }
0x69: {  	s0 =	rddreg [dreg:$0x0];
	s2 =	stileid.u32  }
0x6a: {  	s1 =	rddreg [dreg:$0x1];
	p0 =	sne.s32 s2, $0x0  }
0x6b: {  	s3 =	rddreg [dreg:$0x2];
	[bflag:$0x3] =	sbarrier.arrive $0xFFFF;
	s2 =	simm.s32 @!p0 $0x1C05  }
0x6c: {  	[timem:s3], [sflag:s2] =	dma.local @!p0 [hbm:s0], s1  }
0x6d: {  	s0 =	simm.s32 @!p0 $0x5  }
0x6e: {  	_ =	swait.ge @!p0 [sflag:s0], s1  }
0x6f: {  	s1 =	ssub.s32 @!p0 $0x0, s1;
	[sflag:s0] =	ssyncset.done @!p0 $0x0  }
0x70: {  	[sflag:s0] =	ssyncadd.s32 @!p0 s1  }
0x71: {  	[bflag:$0x3] =	sbarrier.arrive $0xFFFF  }
0x72: {  	_ =	shalt  }

</sc_bundles>
